<compile_context>
chip_gen: v7x
topology: tpu7x:2x2x1
jax: 0.10.2.dev20260603
libtpu: 0.0.44.dev20260713+nightly
codegen_flags: <defaults>
</compile_context>

<pallas_src>
import functools
import math

import jax
import jax.numpy as jnp
from jax import lax
from jax.experimental import pallas as pl
from jax.experimental.pallas import tpu as pltpu
from jax.experimental.pallas import tpu_sc as plsc

N_NODES = 10000
FEAT = 128
HEADS = 8
HDIM = 16
QC_W = 2 * FEAT
KVC_W = 3 * FEAT
NC = 2
NS = 16
NW = NC * NS
CHUNK = 16


def _pre_body(f_ref, cpad_ref, wq_ref, bq_ref, wk_ref, bk_ref, wv_ref, bv_ref,
              qc_ref, kvc_ref):
    f = f_ref[...]
    n = f.shape[0]
    cpad = cpad_ref[...]
    hp = lax.Precision.HIGHEST
    q = jnp.dot(f, wq_ref[...], preferred_element_type=jnp.float32,
                precision=hp) + bq_ref[...]
    k = jnp.dot(f, wk_ref[...], preferred_element_type=jnp.float32,
                precision=hp) + bk_ref[...]
    v = jnp.dot(f, wv_ref[...], preferred_element_type=jnp.float32,
                precision=hp) + bv_ref[...]
    z112 = jnp.zeros((n, 112), jnp.float32)
    qc_ref[...] = jnp.concatenate([q, cpad, z112], axis=1)
    kvc_ref[...] = jnp.concatenate([k, v, cpad, z112], axis=1)


def _post_body(acc_ref, den_ref, w_ref, b_ref, o_ref):
    n = o_ref.shape[0]
    hp = lax.Precision.HIGHEST
    dsum = jnp.sum(den_ref[...], axis=0)
    lane = lax.iota(jnp.int32, FEAT)
    recip = jnp.where(lane < 8, 1.0 / jnp.maximum(dsum, 1e-30), 0.0)
    a_io = lax.broadcasted_iota(jnp.int32, (FEAT, FEAT), 0)
    b_io = lax.broadcasted_iota(jnp.int32, (FEAT, FEAT), 1)
    sel = (a_io == b_io // HDIM).astype(jnp.float32)
    scale = jnp.dot(recip.reshape(1, FEAT), sel,
                    preferred_element_type=jnp.float32, precision=hp)
    a = (acc_ref[0, :n] + acc_ref[1, :n]) * scale
    o_ref[...] = jnp.dot(a, w_ref[...], preferred_element_type=jnp.float32,
                         precision=hp) + b_ref[...]


def _exp_sw(x):
    log2e = jnp.float32(1.4426950408889634)
    ln2 = jnp.float32(0.6931471805599453)
    z = x * log2e
    zr = jnp.where(z >= 0.0, z + 0.5, z - 0.5)
    ni = zr.astype(jnp.int32)
    nf = ni.astype(jnp.float32)
    r = x - nf * ln2
    p = jnp.float32(1.0 / 120.0)
    p = p * r + jnp.float32(1.0 / 24.0)
    p = p * r + jnp.float32(1.0 / 6.0)
    p = p * r + jnp.float32(0.5)
    p = p * r + jnp.float32(1.0)
    p = p * r + jnp.float32(1.0)
    scale = plsc.bitcast(lax.shift_left(ni + 127, 23), jnp.float32)
    return p * scale


def _sc_body(row_hbm, col_hbm, qc_hbm, kvc_hbm, aww_hbm, awb_hbm,
             acc_hbm, den_hbm,
             ridx_all, cidx_all, qc_v, kvc_v, msg_v, sidx_v, e_v,
             aww_v, awb_v, acc_sh, gsem0, gsem1, ssem0, ssem1):
    cid = lax.axis_index("c")
    sid = lax.axis_index("s")
    wid = sid * NC + cid
    gsems = (gsem0, gsem1)
    ssems = (ssem0, ssem1)

    pltpu.sync_copy(aww_hbm, aww_v)
    pltpu.sync_copy(awb_hbm, awb_v)
    aww = aww_v[...]
    awb = awb_v[...]

    zero16 = jnp.zeros((16,), jnp.float32)
    lanei = lax.iota(jnp.int32, 16)
    maskv = jnp.where(lanei < 8, 1.0, 0.0)
    onehots = [(lanei == h).astype(jnp.float32) for h in range(HEADS)]

    for j in range(8):
        e_v[pl.ds(j * 16, 16)] = zero16

    def _zrow(i, x):
        for j in range(8):
            msg_v[i, pl.ds(j * 16, 16)] = zero16
        return x
    lax.fori_loop(0, 2 * CHUNK, _zrow, 0)
    rows_per_tile = acc_sh.shape[0] // NS
    zbase = sid * rows_per_tile
    off = 0
    while off < rows_per_tile:
        sz = min(2 * CHUNK, rows_per_tile - off)
        pltpu.sync_copy(msg_v.at[pl.ds(0, sz)],
                        acc_sh.at[pl.ds(zbase + off, sz)])
        off += sz
    plsc.subcore_barrier()

    e_per_tile = row_hbm.shape[0] // NW
    n_chunks = e_per_tile // CHUNK
    ebase = wid * e_per_tile
    pltpu.sync_copy(row_hbm.at[pl.ds(ebase, e_per_tile)], ridx_all)
    pltpu.sync_copy(col_hbm.at[pl.ds(ebase, e_per_tile)], cidx_all)

    def _issue_gathers(g, b):
        pltpu.async_copy(qc_hbm.at[ridx_all.at[pl.ds(g * CHUNK, CHUNK)]],
                         qc_v.at[pl.ds(b * CHUNK, CHUNK)], gsems[b])
        pltpu.async_copy(kvc_hbm.at[cidx_all.at[pl.ds(g * CHUNK, CHUNK)]],
                         kvc_v.at[pl.ds(b * CHUNK, CHUNK)], gsems[b])

    def _wait_gathers(g, b):
        pltpu.make_async_copy(qc_hbm.at[ridx_all.at[pl.ds(g * CHUNK, CHUNK)]],
                              qc_v.at[pl.ds(b * CHUNK, CHUNK)], gsems[b]).wait()
        pltpu.make_async_copy(kvc_hbm.at[cidx_all.at[pl.ds(g * CHUNK, CHUNK)]],
                              kvc_v.at[pl.ds(b * CHUNK, CHUNK)], gsems[b]).wait()

    def _issue_scatter(b):
        pltpu.async_copy(msg_v.at[pl.ds(b * CHUNK, CHUNK)],
                         acc_sh.at[sidx_v.at[b]], ssems[b], add=True)

    def _wait_scatter(b):
        pltpu.make_async_copy(msg_v.at[pl.ds(b * CHUNK, CHUNK)],
                              acc_sh.at[sidx_v.at[b]], ssems[b]).wait()

    def _compute(g, b, den):
        bo = b * CHUNK
        sidx_v[b, pl.ds(0, 16)] = ridx_all[pl.ds(g * CHUNK, 16)]

        def _edge(i, den_in):
            r = bo + i
            cr = qc_v[r, pl.ds(FEAT, 16)]
            cc = kvc_v[r, pl.ds(2 * FEAT, 16)]
            df = cr - cc
            d2s = jnp.sum(df * df) + 1e-12
            d2 = lax.broadcast(d2s, (16,))
            bi = plsc.bitcast(d2, jnp.int32)
            bi = jnp.int32(0x5F3759DF) - lax.shift_right_logical(bi, 1)
            y = plsc.bitcast(bi, jnp.float32)
            for _ in range(3):
                y = y * (1.5 - 0.5 * d2 * y * y)
            dv = d2 * y
            t = dv * aww + awb
            u = 1.0 + _exp_sw(-t)
            gb = plsc.bitcast(jnp.int32(0x7EF311C3) - plsc.bitcast(u, jnp.int32),
                              jnp.float32)
            for _ in range(3):
                gb = gb * (2.0 - u * gb)
            sv = zero16
            for h in range(HEADS):
                qh = qc_v[r, pl.ds(h * 16, 16)]
                kh = kvc_v[r, pl.ds(h * 16, 16)]
                s_h = jnp.sum(qh * kh)
                sv = jnp.where(lanei == h, lax.broadcast(s_h, (16,)), sv)
            ev = _exp_sw(sv * gb) * maskv
            for h in range(HEADS):
                e_h = jnp.sum(ev * onehots[h])
                msg_v[r, pl.ds(h * 16, 16)] = (
                    lax.broadcast(e_h, (16,)) * kvc_v[r, pl.ds(FEAT + h * 16, 16)])
            return den_in + ev

        return lax.fori_loop(0, CHUNK, _edge, den)

    _issue_gathers(0, 0)
    _wait_gathers(0, 0)
    _issue_gathers(1, 1)
    den = _compute(0, 0, jnp.zeros((16,), jnp.float32))
    _issue_scatter(0)

    def _pair(go, den):
        ga = 2 * go + 1
        _wait_gathers(ga, 1)
        _issue_gathers(ga + 1, 0)

        @pl.when(go > 0)
        def _():
            _wait_scatter(1)
        den = _compute(ga, 1, den)
        _issue_scatter(1)

        gb2 = 2 * go + 2
        _wait_gathers(gb2, 0)

        @pl.when(go < (n_chunks - 3) // 2)
        def _():
            _issue_gathers(gb2 + 1, 1)
        _wait_scatter(0)
        den = _compute(gb2, 0, den)
        _issue_scatter(0)
        return den

    den = lax.fori_loop(0, (n_chunks - 1) // 2, _pair, den)
    _wait_scatter(1)
    _wait_scatter(0)

    e_v[pl.ds(0, 16)] = den
    pltpu.sync_copy(e_v, den_hbm.at[wid])

    plsc.subcore_barrier()
    off = 0
    while off < rows_per_tile:
        sz = min(2 * CHUNK, rows_per_tile - off)
        pltpu.sync_copy(acc_sh.at[pl.ds(zbase + off, sz)], msg_v.at[pl.ds(0, sz)])
        pltpu.sync_copy(msg_v.at[pl.ds(0, sz)],
                        acc_hbm.at[cid, pl.ds(zbase + off, sz)])
        off += sz


def kernel(features, coords, edge_index, q_w, q_b, k_w, k_b, v_w, v_b,
           aw_w, aw_b, out_w, out_b):
    n = features.shape[0]
    scale = 1.0 / math.sqrt(HDIM)
    wq = q_w.T * scale
    bq = (q_b * scale).reshape(1, FEAT)
    wk = k_w.T
    bk = k_b.reshape(1, FEAT)
    wv = v_w.T
    bv = v_b.reshape(1, FEAT)
    cpad = jnp.pad(coords.astype(jnp.float32), ((0, 0), (0, 13)))

    rows_b = 1000
    qc, kvc = pl.pallas_call(
        _pre_body,
        grid=(n // rows_b,),
        in_specs=[
            pl.BlockSpec((rows_b, FEAT), lambda i: (i, 0)),
            pl.BlockSpec((rows_b, 16), lambda i: (i, 0)),
            pl.BlockSpec((FEAT, FEAT), lambda i: (0, 0)),
            pl.BlockSpec((1, FEAT), lambda i: (0, 0)),
            pl.BlockSpec((FEAT, FEAT), lambda i: (0, 0)),
            pl.BlockSpec((1, FEAT), lambda i: (0, 0)),
            pl.BlockSpec((FEAT, FEAT), lambda i: (0, 0)),
            pl.BlockSpec((1, FEAT), lambda i: (0, 0)),
        ],
        out_specs=[
            pl.BlockSpec((rows_b, QC_W), lambda i: (i, 0)),
            pl.BlockSpec((rows_b, KVC_W), lambda i: (i, 0)),
        ],
        out_shape=[
            jax.ShapeDtypeStruct((n, QC_W), jnp.float32),
            jax.ShapeDtypeStruct((n, KVC_W), jnp.float32),
        ],
    )(features, cpad, wq, bq, wk, bk, wv, bv)

    row = edge_index[0].astype(jnp.int32)
    col = edge_index[1].astype(jnp.int32)
    aww = jnp.pad(aw_w.reshape(-1).astype(jnp.float32), (0, 16 - HEADS))
    awb = jnp.pad(aw_b.astype(jnp.float32), (0, 16 - HEADS))

    npad = ((n + 127) // 128) * 128
    e_per_tile = edge_index.shape[1] // NW
    mesh = plsc.VectorSubcoreMesh(core_axis_name="c", subcore_axis_name="s")
    sc_fn = functools.partial(
        pl.kernel,
        out_type=[
            jax.ShapeDtypeStruct((NC, npad, FEAT), jnp.float32),
            jax.ShapeDtypeStruct((NW, FEAT), jnp.float32),
        ],
        mesh=mesh,
        scratch_types=[
            pltpu.VMEM((e_per_tile,), jnp.int32),
            pltpu.VMEM((e_per_tile,), jnp.int32),
            pltpu.VMEM((2 * CHUNK, QC_W), jnp.float32),
            pltpu.VMEM((2 * CHUNK, KVC_W), jnp.float32),
            pltpu.VMEM((2 * CHUNK, FEAT), jnp.float32),
            pltpu.VMEM((2, 16), jnp.int32),
            pltpu.VMEM((FEAT,), jnp.float32),
            pltpu.VMEM((16,), jnp.float32),
            pltpu.VMEM((16,), jnp.float32),
            pltpu.VMEM_SHARED((npad, FEAT), jnp.float32),
            pltpu.SemaphoreType.DMA,
            pltpu.SemaphoreType.DMA,
            pltpu.SemaphoreType.DMA,
            pltpu.SemaphoreType.DMA,
        ],
        compiler_params=pltpu.CompilerParams(use_tc_tiling_on_sc=False,
                                             needs_layout_passes=False),
    )(_sc_body)
    acc, dens = sc_fn(row, col, qc, kvc, aww, awb)

    out = pl.pallas_call(
        _post_body,
        out_shape=jax.ShapeDtypeStruct((n, FEAT), jnp.float32),
    )(acc, dens, out_w.T, out_b.reshape(1, FEAT))
    return out

# --- scband reference (transcript-rebuilt; emitter-appended) ---
"""Pipeline reference for scband-se3-transformer-83270825935545 (READ-ONLY COPY).

The authoritative reference and input builder live on the scoring server;
editing this copy changes nothing except your own understanding.
"""

import jax, jax.numpy as jnp
import numpy as np
import math

N_NODES = 10000
N_EDGES = 320000
FEATURE_DIM = 128
NUM_HEADS = 8
HEAD_DIM = FEATURE_DIM // NUM_HEADS


def setup_inputs(seed: int = 0) -> dict:
    key = jax.random.key(seed)
    ks = jax.random.split(key, 12)
    features = jax.random.normal(ks[0], (N_NODES, FEATURE_DIM), dtype=jnp.float32)
    coords = jax.random.normal(ks[1], (N_NODES, 3), dtype=jnp.float32)
    edge_index = jax.random.randint(ks[2], (2, N_EDGES), 0, N_NODES, dtype=jnp.int64 if jax.config.read('jax_enable_x64') else jnp.int32)
    s = 1.0 / math.sqrt(FEATURE_DIM)
    q_w = jax.random.uniform(ks[3], (FEATURE_DIM, FEATURE_DIM), minval=-s, maxval=s, dtype=jnp.float32)
    q_b = jax.random.uniform(ks[4], (FEATURE_DIM,), minval=-s, maxval=s, dtype=jnp.float32)
    k_w = jax.random.uniform(ks[5], (FEATURE_DIM, FEATURE_DIM), minval=-s, maxval=s, dtype=jnp.float32)
    k_b = jax.random.uniform(ks[6], (FEATURE_DIM,), minval=-s, maxval=s, dtype=jnp.float32)
    v_w = jax.random.uniform(ks[7], (FEATURE_DIM, FEATURE_DIM), minval=-s, maxval=s, dtype=jnp.float32)
    v_b = jax.random.uniform(ks[8], (FEATURE_DIM,), minval=-s, maxval=s, dtype=jnp.float32)
    aw_w = jax.random.uniform(ks[9], (NUM_HEADS, 1), minval=-1.0, maxval=1.0, dtype=jnp.float32)
    aw_b = jax.random.uniform(ks[10], (NUM_HEADS,), minval=-1.0, maxval=1.0, dtype=jnp.float32)
    out_w = jax.random.uniform(ks[11], (FEATURE_DIM, FEATURE_DIM), minval=-s, maxval=s, dtype=jnp.float32)
    out_b = jnp.zeros((FEATURE_DIM,), dtype=jnp.float32)
    return {
        'features': features, 'coords': coords, 'edge_index': edge_index,
        'q_w': q_w, 'q_b': q_b, 'k_w': k_w, 'k_b': k_b, 'v_w': v_w, 'v_b': v_b,
        'aw_w': aw_w, 'aw_b': aw_b, 'out_w': out_w, 'out_b': out_b,
    }


def reference(features, coords, edge_index, q_w, q_b, k_w, k_b, v_w, v_b, aw_w, aw_b, out_w, out_b):
    n_nodes = features.shape[0]
    row = edge_index[0]
    col = edge_index[1]
    q = (features @ q_w.T + q_b).reshape(n_nodes, NUM_HEADS, HEAD_DIM)
    k = (features @ k_w.T + k_b).reshape(n_nodes, NUM_HEADS, HEAD_DIM)
    v = (features @ v_w.T + v_b).reshape(n_nodes, NUM_HEADS, HEAD_DIM)
    attn = jnp.sum(q[row] * k[col], axis=-1) / math.sqrt(HEAD_DIM)  # [E, H]
    diff = coords[row] - coords[col]
    distances = jnp.sqrt(jnp.sum(diff * diff, axis=-1, keepdims=True) + 1e-12)  # [E, 1]
    geom_bias = jax.nn.sigmoid(distances @ aw_w.T + aw_b)  # [E, H]
    attn = attn * geom_bias
    attn = jax.nn.softmax(attn, axis=0)  # softmax over the edge dimension, as in the torch module
    msgs = attn[..., None] * v[col]  # [E, H, Dh]
    out = jnp.zeros((n_nodes, NUM_HEADS, HEAD_DIM), dtype=features.dtype).at[row].add(msgs)
    out = out.reshape(n_nodes, FEATURE_DIM)
    return out @ out_w.T + out_b

if __name__ == "__main__":
    import jax
    _d = setup_inputs()
    print(jax.jit(kernel)(*tuple(_d.values())))

</pallas_src>

<mosaic_0001>
#map = affine_map<(d0, d1) -> (0)>
#map1 = affine_map<(d0, d1) -> (0, 0)>
#map2 = affine_map<(d0, d1) -> (0, 0, 0)>
module attributes {stable_mosaic.version = 14 : i64} {
  func.func @_sc_body(%arg0: i32, %arg1: i32, %arg2: memref<320000xi32, #tpu.memory_space<hbm>>, %arg3: memref<320000xi32, #tpu.memory_space<hbm>>, %arg4: memref<10000x256xf32, #tpu.memory_space<hbm>>, %arg5: memref<10000x384xf32, #tpu.memory_space<hbm>>, %arg6: memref<16xf32, #tpu.memory_space<hbm>>, %arg7: memref<16xf32, #tpu.memory_space<hbm>>, %arg8: memref<2x10112x128xf32, #tpu.memory_space<hbm>>, %arg9: memref<32x128xf32, #tpu.memory_space<hbm>>, %arg10: memref<10000xi32, #tpu.memory_space<vmem>>, %arg11: memref<10000xi32, #tpu.memory_space<vmem>>, %arg12: memref<32x256xf32, #tpu.memory_space<vmem>>, %arg13: memref<32x384xf32, #tpu.memory_space<vmem>>, %arg14: memref<32x128xf32, #tpu.memory_space<vmem>>, %arg15: memref<2x16xi32, #tpu.memory_space<vmem>>, %arg16: memref<128xf32, #tpu.memory_space<vmem>>, %arg17: memref<16xf32, #tpu.memory_space<vmem>>, %arg18: memref<16xf32, #tpu.memory_space<vmem>>, %arg19: memref<10112x128xf32, #tpu.memory_space<vmem_shared>>, %arg20: memref<!tpu.dma_semaphore, #tpu.memory_space<semaphore_mem>>, %arg21: memref<!tpu.dma_semaphore, #tpu.memory_space<semaphore_mem>>, %arg22: memref<!tpu.dma_semaphore, #tpu.memory_space<semaphore_mem>>, %arg23: memref<!tpu.dma_semaphore, #tpu.memory_space<semaphore_mem>>) attributes {dimension_semantics = [#tpu.dimension_semantics<core_parallel>, #tpu.dimension_semantics<subcore_parallel>], iteration_bounds = array<i64: 2, 16>, scalar_prefetch = 0 : i64, scratch_operands = 14 : i64, tpu.core_type = #tpu.core_type<sc_vector_subcore>, window_params = [{transform_indices = #map}, {transform_indices = #map}, {transform_indices = #map1}, {transform_indices = #map1}, {transform_indices = #map}, {transform_indices = #map}, {transform_indices = #map2}, {transform_indices = #map1}]} {
    %mul3A = arith.constant 2 : i32
    %mul3A_0 = arith.muli %arg1, %mul3A : i32
    %add3A = arith.addi %mul3A_0, %arg0 : i32
    "tpu.region"() ({
      %run_scoped3A = tpu.sem_alloc : memref<!tpu.dma_semaphore, #tpu.memory_space<semaphore_mem>>
      tpu.enqueue_dma source(%arg6 : memref<16xf32, #tpu.memory_space<hbm>>) target(%arg17 : memref<16xf32, #tpu.memory_space<vmem>>) target_semaphore(%run_scoped3A : memref<!tpu.dma_semaphore, #tpu.memory_space<semaphore_mem>>)
      tpu.wait_dma2 semaphore(%run_scoped3A : memref<!tpu.dma_semaphore, #tpu.memory_space<semaphore_mem>>) src(%arg6 : memref<16xf32, #tpu.memory_space<hbm>>) dst(%arg17 : memref<16xf32, #tpu.memory_space<vmem>>)
      tpu.yield
    }) : () -> ()
    "tpu.region"() ({
      %run_scoped3A = tpu.sem_alloc : memref<!tpu.dma_semaphore, #tpu.memory_space<semaphore_mem>>
      tpu.enqueue_dma source(%arg7 : memref<16xf32, #tpu.memory_space<hbm>>) target(%arg18 : memref<16xf32, #tpu.memory_space<vmem>>) target_semaphore(%run_scoped3A : memref<!tpu.dma_semaphore, #tpu.memory_space<semaphore_mem>>)
      tpu.wait_dma2 semaphore(%run_scoped3A : memref<!tpu.dma_semaphore, #tpu.memory_space<semaphore_mem>>) src(%arg7 : memref<16xf32, #tpu.memory_space<hbm>>) dst(%arg18 : memref<16xf32, #tpu.memory_space<vmem>>)
      tpu.yield
    }) : () -> ()
    %get3A = arith.constant 0 : index
    %get3A_1 = tpu.vector_load %arg17[%get3A] {strides = array<i32>} : memref<16xf32, #tpu.memory_space<vmem>>, vector<16xf32>,
    %get3A_2 = arith.constant 0 : index
    %get3A_3 = tpu.vector_load %arg18[%get3A_2] {strides = array<i32>} : memref<16xf32, #tpu.memory_space<vmem>>, vector<16xf32>,
    %broadcast_in_dim3A = arith.constant 0.000000e+00 : f32
    %broadcast_in_dim3A_4 = vector.broadcast %broadcast_in_dim3A : f32 to vector<16xf32>
    %iota3A = tpu.iota {dimensions = array<i32: 0>} : vector<16xi32>
    %lt3A = arith.constant 8 : i32
    %lt3A_5 = vector.broadcast %lt3A : i32 to vector<16xi32>
    %lt3A_6 = arith.cmpi slt, %iota3A, %lt3A_5 : vector<16xi32>
    %jit3A = arith.constant 1.000000e+00 : f32
    %jit3A_7 = arith.constant 0.000000e+00 : f32
    %broadcast_in_dim3A_8 = vector.broadcast %jit3A : f32 to vector<16xf32>
    %broadcast_in_dim3A_9 = vector.broadcast %jit3A_7 : f32 to vector<16xf32>
    %select_n3A = arith.select %lt3A_6, %broadcast_in_dim3A_8, %broadcast_in_dim3A_9 : vector<16xi1>, vector<16xf32>
    %eq3A = arith.constant 0 : i32
    %eq3A_10 = vector.broadcast %eq3A : i32 to vector<16xi32>
    %eq3A_11 = arith.cmpi eq, %iota3A, %eq3A_10 : vector<16xi32>
    %convert_element_type3A = arith.extui %eq3A_11 : vector<16xi1> to vector<16xi32>
    %convert_element_type3A_12 = arith.sitofp %convert_element_type3A : vector<16xi32> to vector<16xf32>
    %eq3A_13 = arith.constant 1 : i32
    %eq3A_14 = vector.broadcast %eq3A_13 : i32 to vector<16xi32>
    %eq3A_15 = arith.cmpi eq, %iota3A, %eq3A_14 : vector<16xi32>
    %convert_element_type3A_16 = arith.extui %eq3A_15 : vector<16xi1> to vector<16xi32>
    %convert_element_type3A_17 = arith.sitofp %convert_element_type3A_16 : vector<16xi32> to vector<16xf32>
    %eq3A_18 = arith.constant 2 : i32
    %eq3A_19 = vector.broadcast %eq3A_18 : i32 to vector<16xi32>
    %eq3A_20 = arith.cmpi eq, %iota3A, %eq3A_19 : vector<16xi32>
    %convert_element_type3A_21 = arith.extui %eq3A_20 : vector<16xi1> to vector<16xi32>
    %convert_element_type3A_22 = arith.sitofp %convert_element_type3A_21 : vector<16xi32> to vector<16xf32>
    %eq3A_23 = arith.constant 3 : i32
    %eq3A_24 = vector.broadcast %eq3A_23 : i32 to vector<16xi32>
    %eq3A_25 = arith.cmpi eq, %iota3A, %eq3A_24 : vector<16xi32>
    %convert_element_type3A_26 = arith.extui %eq3A_25 : vector<16xi1> to vector<16xi32>
    %convert_element_type3A_27 = arith.sitofp %convert_element_type3A_26 : vector<16xi32> to vector<16xf32>
    %eq3A_28 = arith.constant 4 : i32
    %eq3A_29 = vector.broadcast %eq3A_28 : i32 to vector<16xi32>
    %eq3A_30 = arith.cmpi eq, %iota3A, %eq3A_29 : vector<16xi32>
    %convert_element_type3A_31 = arith.extui %eq3A_30 : vector<16xi1> to vector<16xi32>
    %convert_element_type3A_32 = arith.sitofp %convert_element_type3A_31 : vector<16xi32> to vector<16xf32>
    %eq3A_33 = arith.constant 5 : i32
    %eq3A_34 = vector.broadcast %eq3A_33 : i32 to vector<16xi32>
    %eq3A_35 = arith.cmpi eq, %iota3A, %eq3A_34 : vector<16xi32>
    %convert_element_type3A_36 = arith.extui %eq3A_35 : vector<16xi1> to vector<16xi32>
    %convert_element_type3A_37 = arith.sitofp %convert_element_type3A_36 : vector<16xi32> to vector<16xf32>
    %eq3A_38 = arith.constant 6 : i32
    %eq3A_39 = vector.broadcast %eq3A_38 : i32 to vector<16xi32>
    %eq3A_40 = arith.cmpi eq, %iota3A, %eq3A_39 : vector<16xi32>
    %convert_element_type3A_41 = arith.extui %eq3A_40 : vector<16xi1> to vector<16xi32>
    %convert_element_type3A_42 = arith.sitofp %convert_element_type3A_41 : vector<16xi32> to vector<16xf32>
    %eq3A_43 = arith.constant 7 : i32
    %eq3A_44 = vector.broadcast %eq3A_43 : i32 to vector<16xi32>
    %eq3A_45 = arith.cmpi eq, %iota3A, %eq3A_44 : vector<16xi32>
    %convert_element_type3A_46 = arith.extui %eq3A_45 : vector<16xi1> to vector<16xi32>
    %convert_element_type3A_47 = arith.sitofp %convert_element_type3A_46 : vector<16xi32> to vector<16xf32>
    %swap3A = arith.constant 0 : index
    %swap3A_48 = tpu.vector_load %arg16[%swap3A] {strides = array<i32>} : memref<128xf32, #tpu.memory_space<vmem>>, vector<16xf32>,
    tpu.vector_store %arg16[%swap3A], %broadcast_in_dim3A_4 {strides = array<i32>} : memref<128xf32, #tpu.memory_space<vmem>>, vector<16xf32>,
    %swap3A_49 = arith.constant 16 : index
    %swap3A_50 = tpu.vector_load %arg16[%swap3A_49] {strides = array<i32>} : memref<128xf32, #tpu.memory_space<vmem>>, vector<16xf32>,
    tpu.vector_store %arg16[%swap3A_49], %broadcast_in_dim3A_4 {strides = array<i32>} : memref<128xf32, #tpu.memory_space<vmem>>, vector<16xf32>,
    %swap3A_51 = arith.constant 32 : index
    %swap3A_52 = tpu.vector_load %arg16[%swap3A_51] {strides = array<i32>} : memref<128xf32, #tpu.memory_space<vmem>>, vector<16xf32>,
    tpu.vector_store %arg16[%swap3A_51], %broadcast_in_dim3A_4 {strides = array<i32>} : memref<128xf32, #tpu.memory_space<vmem>>, vector<16xf32>,
    %swap3A_53 = arith.constant 48 : index
    %swap3A_54 = tpu.vector_load %arg16[%swap3A_53] {strides = array<i32>} : memref<128xf32, #tpu.memory_space<vmem>>, vector<16xf32>,
    tpu.vector_store %arg16[%swap3A_53], %broadcast_in_dim3A_4 {strides = array<i32>} : memref<128xf32, #tpu.memory_space<vmem>>, vector<16xf32>,
    %swap3A_55 = arith.constant 64 : index
    %swap3A_56 = tpu.vector_load %arg16[%swap3A_55] {strides = array<i32>} : memref<128xf32, #tpu.memory_space<vmem>>, vector<16xf32>,
    tpu.vector_store %arg16[%swap3A_55], %broadcast_in_dim3A_4 {strides = array<i32>} : memref<128xf32, #tpu.memory_space<vmem>>, vector<16xf32>,
    %swap3A_57 = arith.constant 80 : index
    %swap3A_58 = tpu.vector_load %arg16[%swap3A_57] {strides = array<i32>} : memref<128xf32, #tpu.memory_space<vmem>>, vector<16xf32>,
    tpu.vector_store %arg16[%swap3A_57], %broadcast_in_dim3A_4 {strides = array<i32>} : memref<128xf32, #tpu.memory_space<vmem>>, vector<16xf32>,
    %swap3A_59 = arith.constant 96 : index
    %swap3A_60 = tpu.vector_load %arg16[%swap3A_59] {strides = array<i32>} : memref<128xf32, #tpu.memory_space<vmem>>, vector<16xf32>,
    tpu.vector_store %arg16[%swap3A_59], %broadcast_in_dim3A_4 {strides = array<i32>} : memref<128xf32, #tpu.memory_space<vmem>>, vector<16xf32>,
    %swap3A_61 = arith.constant 112 : index
    %swap3A_62 = tpu.vector_load %arg16[%swap3A_61] {strides = array<i32>} : memref<128xf32, #tpu.memory_space<vmem>>, vector<16xf32>,
    tpu.vector_store %arg16[%swap3A_61], %broadcast_in_dim3A_4 {strides = array<i32>} : memref<128xf32, #tpu.memory_space<vmem>>, vector<16xf32>,
    %scan3A = arith.constant 0 : i32
    %scan3A_63 = arith.constant 0 : i32
    %scan3A_64 = arith.constant 32 : i32
    %scan3A_65 = arith.addi %scan3A_63, %scan3A_64 : i32
    %scan3A_66 = arith.constant 1 : i32
    scf.for %scan3A_291 = %scan3A_63 to %scan3A_65 step %scan3A_66  : i32 {
      %swap3A_292 = arith.index_cast %scan3A_291 : i32 to index
      %swap3A_293 = arith.constant 0 : index
      %swap3A_294 = tpu.vector_load %arg14[%swap3A_292, %swap3A_293] {strides = array<i32>} : memref<32x128xf32, #tpu.memory_space<vmem>>, vector<16xf32>,
      tpu.vector_store %arg14[%swap3A_292, %swap3A_293], %broadcast_in_dim3A_4 {strides = array<i32>} : memref<32x128xf32, #tpu.memory_space<vmem>>, vector<16xf32>,
      %swap3A_295 = arith.index_cast %scan3A_291 : i32 to index
      %swap3A_296 = arith.constant 16 : index
      %swap3A_297 = tpu.vector_load %arg14[%swap3A_295, %swap3A_296] {strides = array<i32>} : memref<32x128xf32, #tpu.memory_space<vmem>>, vector<16xf32>,
      tpu.vector_store %arg14[%swap3A_295, %swap3A_296], %broadcast_in_dim3A_4 {strides = array<i32>} : memref<32x128xf32, #tpu.memory_space<vmem>>, vector<16xf32>,
      %swap3A_298 = arith.index_cast %scan3A_291 : i32 to index
      %swap3A_299 = arith.constant 32 : index
      %swap3A_300 = tpu.vector_load %arg14[%swap3A_298, %swap3A_299] {strides = array<i32>} : memref<32x128xf32, #tpu.memory_space<vmem>>, vector<16xf32>,
      tpu.vector_store %arg14[%swap3A_298, %swap3A_299], %broadcast_in_dim3A_4 {strides = array<i32>} : memref<32x128xf32, #tpu.memory_space<vmem>>, vector<16xf32>,
      %swap3A_301 = arith.index_cast %scan3A_291 : i32 to index
      %swap3A_302 = arith.constant 48 : index
      %swap3A_303 = tpu.vector_load %arg14[%swap3A_301, %swap3A_302] {strides = array<i32>} : memref<32x128xf32, #tpu.memory_space<vmem>>, vector<16xf32>,
      tpu.vector_store %arg14[%swap3A_301, %swap3A_302], %broadcast_in_dim3A_4 {strides = array<i32>} : memref<32x128xf32, #tpu.memory_space<vmem>>, vector<16xf32>,
      %swap3A_304 = arith.index_cast %scan3A_291 : i32 to index
      %swap3A_305 = arith.constant 64 : index
      %swap3A_306 = tpu.vector_load %arg14[%swap3A_304, %swap3A_305] {strides = array<i32>} : memref<32x128xf32, #tpu.memory_space<vmem>>, vector<16xf32>,
      tpu.vector_store %arg14[%swap3A_304, %swap3A_305], %broadcast_in_dim3A_4 {strides = array<i32>} : memref<32x128xf32, #tpu.memory_space<vmem>>, vector<16xf32>,
      %swap3A_307 = arith.index_cast %scan3A_291 : i32 to index
      %swap3A_308 = arith.constant 80 : index
      %swap3A_309 = tpu.vector_load %arg14[%swap3A_307, %swap3A_308] {strides = array<i32>} : memref<32x128xf32, #tpu.memory_space<vmem>>, vector<16xf32>,
      tpu.vector_store %arg14[%swap3A_307, %swap3A_308], %broadcast_in_dim3A_4 {strides = array<i32>} : memref<32x128xf32, #tpu.memory_space<vmem>>, vector<16xf32>,
      %swap3A_310 = arith.index_cast %scan3A_291 : i32 to index
      %swap3A_311 = arith.constant 96 : index
      %swap3A_312 = tpu.vector_load %arg14[%swap3A_310, %swap3A_311] {strides = array<i32>} : memref<32x128xf32, #tpu.memory_space<vmem>>, vector<16xf32>,
      tpu.vector_store %arg14[%swap3A_310, %swap3A_311], %broadcast_in_dim3A_4 {strides = array<i32>} : memref<32x128xf32, #tpu.memory_space<vmem>>, vector<16xf32>,
      %swap3A_313 = arith.index_cast %scan3A_291 : i32 to index
      %swap3A_314 = arith.constant 112 : index
      %swap3A_315 = tpu.vector_load %arg14[%swap3A_313, %swap3A_314] {strides = array<i32>} : memref<32x128xf32, #tpu.memory_space<vmem>>, vector<16xf32>,
      tpu.vector_store %arg14[%swap3A_313, %swap3A_314], %broadcast_in_dim3A_4 {strides = array<i32>} : memref<32x128xf32, #tpu.memory_space<vmem>>, vector<16xf32>,
    }
    %scan3A_67 = arith.constant 32 : i32
    %mul3A_68 = arith.constant 632 : i32
    %mul3A_69 = arith.muli %arg1, %mul3A_68 : i32
    %add3A_70 = arith.constant 0 : i32
    %add3A_71 = arith.addi %mul3A_69, %add3A_70 : i32
    "tpu.region"() ({
      %run_scoped3A = tpu.sem_alloc : memref<!tpu.dma_semaphore, #tpu.memory_space<semaphore_mem>>
      %dma_start3A_291 = arith.constant 0 : i32
      %dma_start3A_292 = arith.constant 0 : i32
      %dma_start3A_293 = tpu.memref_slice %arg14[%dma_start3A_291, %dma_start3A_292] : memref<32x128xf32, #tpu.memory_space<vmem>> -> memref<32x128xf32, #tpu.memory_space<vmem>>
      %dma_start3A_294 = arith.constant 0 : i32
      %dma_start3A_295 = tpu.memref_slice %arg19[%add3A_71, %dma_start3A_294] : memref<10112x128xf32, #tpu.memory_space<vmem_shared>> -> memref<32x128xf32, #tpu.memory_space<vmem_shared>>
      %dma_start3A_296 = arith.constant 0 : i32
      %dma_start3A_297 = tpu.memref_slice %arg19[%add3A_71, %dma_start3A_296] : memref<10112x128xf32, #tpu.memory_space<vmem_shared>> -> memref<32x128xf32, #tpu.memory_space<vmem_shared>>
      %dma_start3A_298 = arith.constant 0 : i32
      %dma_start3A_299 = arith.constant 0 : i32
      %dma_start3A_300 = tpu.memref_slice %arg14[%dma_start3A_298, %dma_start3A_299] : memref<32x128xf32, #tpu.memory_space<vmem>> -> memref<32x128xf32, #tpu.memory_space<vmem>>
      tpu.enqueue_dma source(%dma_start3A_300 : memref<32x128xf32, #tpu.memory_space<vmem>>) target(%dma_start3A_297 : memref<32x128xf32, #tpu.memory_space<vmem_shared>>) target_semaphore(%run_scoped3A : memref<!tpu.dma_semaphore, #tpu.memory_space<semaphore_mem>>)
      %dma_wait3A_301 = arith.constant 0 : i32
      %dma_wait3A_302 = arith.constant 0 : i32
      %dma_wait3A_303 = tpu.memref_slice %arg14[%dma_wait3A_301, %dma_wait3A_302] : memref<32x128xf32, #tpu.memory_space<vmem>> -> memref<32x128xf32, #tpu.memory_space<vmem>>
      %dma_wait3A_304 = arith.constant 0 : i32
      %dma_wait3A_305 = tpu.memref_slice %arg19[%add3A_71, %dma_wait3A_304] : memref<10112x128xf32, #tpu.memory_space<vmem_shared>> -> memref<32x128xf32, #tpu.memory_space<vmem_shared>>
      %dma_wait3A_306 = arith.constant 0 : i32
      %dma_wait3A_307 = tpu.memref_slice %arg19[%add3A_71, %dma_wait3A_306] : memref<10112x128xf32, #tpu.memory_space<vmem_shared>> -> memref<32x128xf32, #tpu.memory_space<vmem_shared>>
      %dma_wait3A_308 = arith.constant 0 : i32
      %dma_wait3A_309 = arith.constant 0 : i32
      %dma_wait3A_310 = tpu.memref_slice %arg14[%dma_wait3A_308, %dma_wait3A_309] : memref<32x128xf32, #tpu.memory_space<vmem>> -> memref<32x128xf32, #tpu.memory_space<vmem>>
      tpu.wait_dma2 semaphore(%run_scoped3A : memref<!tpu.dma_semaphore, #tpu.memory_space<semaphore_mem>>) src(%dma_wait3A_310 : memref<32x128xf32, #tpu.memory_space<vmem>>) dst(%dma_wait3A_307 : memref<32x128xf32, #tpu.memory_space<vmem_shared>>)
      tpu.yield
    }) : () -> ()
    %add3A_72 = arith.constant 32 : i32
    %add3A_73 = arith.addi %mul3A_69, %add3A_72 : i32
    "tpu.region"() ({
      %run_scoped3A = tpu.sem_alloc : memref<!tpu.dma_semaphore, #tpu.memory_space<semaphore_mem>>
      %dma_start3A_291 = arith.constant 0 : i32
      %dma_start3A_292 = arith.constant 0 : i32
      %dma_start3A_293 = tpu.memref_slice %arg14[%dma_start3A_291, %dma_start3A_292] : memref<32x128xf32, #tpu.memory_space<vmem>> -> memref<32x128xf32, #tpu.memory_space<vmem>>
      %dma_start3A_294 = arith.constant 0 : i32
      %dma_start3A_295 = tpu.memref_slice %arg19[%add3A_73, %dma_start3A_294] : memref<10112x128xf32, #tpu.memory_space<vmem_shared>> -> memref<32x128xf32, #tpu.memory_space<vmem_shared>>
      %dma_start3A_296 = arith.constant 0 : i32
      %dma_start3A_297 = tpu.memref_slice %arg19[%add3A_73, %dma_start3A_296] : memref<10112x128xf32, #tpu.memory_space<vmem_shared>> -> memref<32x128xf32, #tpu.memory_space<vmem_shared>>
      %dma_start3A_298 = arith.constant 0 : i32
      %dma_start3A_299 = arith.constant 0 : i32
      %dma_start3A_300 = tpu.memref_slice %arg14[%dma_start3A_298, %dma_start3A_299] : memref<32x128xf32, #tpu.memory_space<vmem>> -> memref<32x128xf32, #tpu.memory_space<vmem>>
      tpu.enqueue_dma source(%dma_start3A_300 : memref<32x128xf32, #tpu.memory_space<vmem>>) target(%dma_start3A_297 : memref<32x128xf32, #tpu.memory_space<vmem_shared>>) target_semaphore(%run_scoped3A : memref<!tpu.dma_semaphore, #tpu.memory_space<semaphore_mem>>)
      %dma_wait3A_301 = arith.constant 0 : i32
      %dma_wait3A_302 = arith.constant 0 : i32
      %dma_wait3A_303 = tpu.memref_slice %arg14[%dma_wait3A_301, %dma_wait3A_302] : memref<32x128xf32, #tpu.memory_space<vmem>> -> memref<32x128xf32, #tpu.memory_space<vmem>>
      %dma_wait3A_304 = arith.constant 0 : i32
      %dma_wait3A_305 = tpu.memref_slice %arg19[%add3A_73, %dma_wait3A_304] : memref<10112x128xf32, #tpu.memory_space<vmem_shared>> -> memref<32x128xf32, #tpu.memory_space<vmem_shared>>
      %dma_wait3A_306 = arith.constant 0 : i32
      %dma_wait3A_307 = tpu.memref_slice %arg19[%add3A_73, %dma_wait3A_306] : memref<10112x128xf32, #tpu.memory_space<vmem_shared>> -> memref<32x128xf32, #tpu.memory_space<vmem_shared>>
      %dma_wait3A_308 = arith.constant 0 : i32
      %dma_wait3A_309 = arith.constant 0 : i32
      %dma_wait3A_310 = tpu.memref_slice %arg14[%dma_wait3A_308, %dma_wait3A_309] : memref<32x128xf32, #tpu.memory_space<vmem>> -> memref<32x128xf32, #tpu.memory_space<vmem>>
      tpu.wait_dma2 semaphore(%run_scoped3A : memref<!tpu.dma_semaphore, #tpu.memory_space<semaphore_mem>>) src(%dma_wait3A_310 : memref<32x128xf32, #tpu.memory_space<vmem>>) dst(%dma_wait3A_307 : memref<32x128xf32, #tpu.memory_space<vmem_shared>>)
      tpu.yield
    }) : () -> ()
    %add3A_74 = arith.constant 64 : i32
    %add3A_75 = arith.addi %mul3A_69, %add3A_74 : i32
    "tpu.region"() ({
      %run_scoped3A = tpu.sem_alloc : memref<!tpu.dma_semaphore, #tpu.memory_space<semaphore_mem>>
      %dma_start3A_291 = arith.constant 0 : i32
      %dma_start3A_292 = arith.constant 0 : i32
      %dma_start3A_293 = tpu.memref_slice %arg14[%dma_start3A_291, %dma_start3A_292] : memref<32x128xf32, #tpu.memory_space<vmem>> -> memref<32x128xf32, #tpu.memory_space<vmem>>
      %dma_start3A_294 = arith.constant 0 : i32
      %dma_start3A_295 = tpu.memref_slice %arg19[%add3A_75, %dma_start3A_294] : memref<10112x128xf32, #tpu.memory_space<vmem_shared>> -> memref<32x128xf32, #tpu.memory_space<vmem_shared>>
      %dma_start3A_296 = arith.constant 0 : i32
      %dma_start3A_297 = tpu.memref_slice %arg19[%add3A_75, %dma_start3A_296] : memref<10112x128xf32, #tpu.memory_space<vmem_shared>> -> memref<32x128xf32, #tpu.memory_space<vmem_shared>>
      %dma_start3A_298 = arith.constant 0 : i32
      %dma_start3A_299 = arith.constant 0 : i32
      %dma_start3A_300 = tpu.memref_slice %arg14[%dma_start3A_298, %dma_start3A_299] : memref<32x128xf32, #tpu.memory_space<vmem>> -> memref<32x128xf32, #tpu.memory_space<vmem>>
      tpu.enqueue_dma source(%dma_start3A_300 : memref<32x128xf32, #tpu.memory_space<vmem>>) target(%dma_start3A_297 : memref<32x128xf32, #tpu.memory_space<vmem_shared>>) target_semaphore(%run_scoped3A : memref<!tpu.dma_semaphore, #tpu.memory_space<semaphore_mem>>)
      %dma_wait3A_301 = arith.constant 0 : i32
      %dma_wait3A_302 = arith.constant 0 : i32
      %dma_wait3A_303 = tpu.memref_slice %arg14[%dma_wait3A_301, %dma_wait3A_302] : memref<32x128xf32, #tpu.memory_space<vmem>> -> memref<32x128xf32, #tpu.memory_space<vmem>>
      %dma_wait3A_304 = arith.constant 0 : i32
      %dma_wait3A_305 = tpu.memref_slice %arg19[%add3A_75, %dma_wait3A_304] : memref<10112x128xf32, #tpu.memory_space<vmem_shared>> -> memref<32x128xf32, #tpu.memory_space<vmem_shared>>
      %dma_wait3A_306 = arith.constant 0 : i32
      %dma_wait3A_307 = tpu.memref_slice %arg19[%add3A_75, %dma_wait3A_306] : memref<10112x128xf32, #tpu.memory_space<vmem_shared>> -> memref<32x128xf32, #tpu.memory_space<vmem_shared>>
      %dma_wait3A_308 = arith.constant 0 : i32
      %dma_wait3A_309 = arith.constant 0 : i32
      %dma_wait3A_310 = tpu.memref_slice %arg14[%dma_wait3A_308, %dma_wait3A_309] : memref<32x128xf32, #tpu.memory_space<vmem>> -> memref<32x128xf32, #tpu.memory_space<vmem>>
      tpu.wait_dma2 semaphore(%run_scoped3A : memref<!tpu.dma_semaphore, #tpu.memory_space<semaphore_mem>>) src(%dma_wait3A_310 : memref<32x128xf32, #tpu.memory_space<vmem>>) dst(%dma_wait3A_307 : memref<32x128xf32, #tpu.memory_space<vmem_shared>>)
      tpu.yield
    }) : () -> ()
    %add3A_76 = arith.constant 96 : i32
    %add3A_77 = arith.addi %mul3A_69, %add3A_76 : i32
    "tpu.region"() ({
      %run_scoped3A = tpu.sem_alloc : memref<!tpu.dma_semaphore, #tpu.memory_space<semaphore_mem>>
      %dma_start3A_291 = arith.constant 0 : i32
      %dma_start3A_292 = arith.constant 0 : i32
      %dma_start3A_293 = tpu.memref_slice %arg14[%dma_start3A_291, %dma_start3A_292] : memref<32x128xf32, #tpu.memory_space<vmem>> -> memref<32x128xf32, #tpu.memory_space<vmem>>
      %dma_start3A_294 = arith.constant 0 : i32
      %dma_start3A_295 = tpu.memref_slice %arg19[%add3A_77, %dma_start3A_294] : memref<10112x128xf32, #tpu.memory_space<vmem_shared>> -> memref<32x128xf32, #tpu.memory_space<vmem_shared>>
      %dma_start3A_296 = arith.constant 0 : i32
      %dma_start3A_297 = tpu.memref_slice %arg19[%add3A_77, %dma_start3A_296] : memref<10112x128xf32, #tpu.memory_space<vmem_shared>> -> memref<32x128xf32, #tpu.memory_space<vmem_shared>>
      %dma_start3A_298 = arith.constant 0 : i32
      %dma_start3A_299 = arith.constant 0 : i32
      %dma_start3A_300 = tpu.memref_slice %arg14[%dma_start3A_298, %dma_start3A_299] : memref<32x128xf32, #tpu.memory_space<vmem>> -> memref<32x128xf32, #tpu.memory_space<vmem>>
      tpu.enqueue_dma source(%dma_start3A_300 : memref<32x128xf32, #tpu.memory_space<vmem>>) target(%dma_start3A_297 : memref<32x128xf32, #tpu.memory_space<vmem_shared>>) target_semaphore(%run_scoped3A : memref<!tpu.dma_semaphore, #tpu.memory_space<semaphore_mem>>)
      %dma_wait3A_301 = arith.constant 0 : i32
      %dma_wait3A_302 = arith.constant 0 : i32
      %dma_wait3A_303 = tpu.memref_slice %arg14[%dma_wait3A_301, %dma_wait3A_302] : memref<32x128xf32, #tpu.memory_space<vmem>> -> memref<32x128xf32, #tpu.memory_space<vmem>>
      %dma_wait3A_304 = arith.constant 0 : i32
      %dma_wait3A_305 = tpu.memref_slice %arg19[%add3A_77, %dma_wait3A_304] : memref<10112x128xf32, #tpu.memory_space<vmem_shared>> -> memref<32x128xf32, #tpu.memory_space<vmem_shared>>
      %dma_wait3A_306 = arith.constant 0 : i32
      %dma_wait3A_307 = tpu.memref_slice %arg19[%add3A_77, %dma_wait3A_306] : memref<10112x128xf32, #tpu.memory_space<vmem_shared>> -> memref<32x128xf32, #tpu.memory_space<vmem_shared>>
      %dma_wait3A_308 = arith.constant 0 : i32
      %dma_wait3A_309 = arith.constant 0 : i32
      %dma_wait3A_310 = tpu.memref_slice %arg14[%dma_wait3A_308, %dma_wait3A_309] : memref<32x128xf32, #tpu.memory_space<vmem>> -> memref<32x128xf32, #tpu.memory_space<vmem>>
      tpu.wait_dma2 semaphore(%run_scoped3A : memref<!tpu.dma_semaphore, #tpu.memory_space<semaphore_mem>>) src(%dma_wait3A_310 : memref<32x128xf32, #tpu.memory_space<vmem>>) dst(%dma_wait3A_307 : memref<32x128xf32, #tpu.memory_space<vmem_shared>>)
      tpu.yield
    }) : () -> ()
    %add3A_78 = arith.constant 128 : i32
    %add3A_79 = arith.addi %mul3A_69, %add3A_78 : i32
    "tpu.region"() ({
      %run_scoped3A = tpu.sem_alloc : memref<!tpu.dma_semaphore, #tpu.memory_space<semaphore_mem>>
      %dma_start3A_291 = arith.constant 0 : i32
      %dma_start3A_292 = arith.constant 0 : i32
      %dma_start3A_293 = tpu.memref_slice %arg14[%dma_start3A_291, %dma_start3A_292] : memref<32x128xf32, #tpu.memory_space<vmem>> -> memref<32x128xf32, #tpu.memory_space<vmem>>
      %dma_start3A_294 = arith.constant 0 : i32
      %dma_start3A_295 = tpu.memref_slice %arg19[%add3A_79, %dma_start3A_294] : memref<10112x128xf32, #tpu.memory_space<vmem_shared>> -> memref<32x128xf32, #tpu.memory_space<vmem_shared>>
      %dma_start3A_296 = arith.constant 0 : i32
      %dma_start3A_297 = tpu.memref_slice %arg19[%add3A_79, %dma_start3A_296] : memref<10112x128xf32, #tpu.memory_space<vmem_shared>> -> memref<32x128xf32, #tpu.memory_space<vmem_shared>>
      %dma_start3A_298 = arith.constant 0 : i32
      %dma_start3A_299 = arith.constant 0 : i32
      %dma_start3A_300 = tpu.memref_slice %arg14[%dma_start3A_298, %dma_start3A_299] : memref<32x128xf32, #tpu.memory_space<vmem>> -> memref<32x128xf32, #tpu.memory_space<vmem>>
      tpu.enqueue_dma source(%dma_start3A_300 : memref<32x128xf32, #tpu.memory_space<vmem>>) target(%dma_start3A_297 : memref<32x128xf32, #tpu.memory_space<vmem_shared>>) target_semaphore(%run_scoped3A : memref<!tpu.dma_semaphore, #tpu.memory_space<semaphore_mem>>)
      %dma_wait3A_301 = arith.constant 0 : i32
      %dma_wait3A_302 = arith.constant 0 : i32
      %dma_wait3A_303 = tpu.memref_slice %arg14[%dma_wait3A_301, %dma_wait3A_302] : memref<32x128xf32, #tpu.memory_space<vmem>> -> memref<32x128xf32, #tpu.memory_space<vmem>>
      %dma_wait3A_304 = arith.constant 0 : i32
      %dma_wait3A_305 = tpu.memref_slice %arg19[%add3A_79, %dma_wait3A_304] : memref<10112x128xf32, #tpu.memory_space<vmem_shared>> -> memref<32x128xf32, #tpu.memory_space<vmem_shared>>
      %dma_wait3A_306 = arith.constant 0 : i32
      %dma_wait3A_307 = tpu.memref_slice %arg19[%add3A_79, %dma_wait3A_306] : memref<10112x128xf32, #tpu.memory_space<vmem_shared>> -> memref<32x128xf32, #tpu.memory_space<vmem_shared>>
      %dma_wait3A_308 = arith.constant 0 : i32
      %dma_wait3A_309 = arith.constant 0 : i32
      %dma_wait3A_310 = tpu.memref_slice %arg14[%dma_wait3A_308, %dma_wait3A_309] : memref<32x128xf32, #tpu.memory_space<vmem>> -> memref<32x128xf32, #tpu.memory_space<vmem>>
      tpu.wait_dma2 semaphore(%run_scoped3A : memref<!tpu.dma_semaphore, #tpu.memory_space<semaphore_mem>>) src(%dma_wait3A_310 : memref<32x128xf32, #tpu.memory_space<vmem>>) dst(%dma_wait3A_307 : memref<32x128xf32, #tpu.memory_space<vmem_shared>>)
      tpu.yield
    }) : () -> ()
    %add3A_80 = arith.constant 160 : i32
    %add3A_81 = arith.addi %mul3A_69, %add3A_80 : i32
    "tpu.region"() ({
      %run_scoped3A = tpu.sem_alloc : memref<!tpu.dma_semaphore, #tpu.memory_space<semaphore_mem>>
      %dma_start3A_291 = arith.constant 0 : i32
      %dma_start3A_292 = arith.constant 0 : i32
      %dma_start3A_293 = tpu.memref_slice %arg14[%dma_start3A_291, %dma_start3A_292] : memref<32x128xf32, #tpu.memory_space<vmem>> -> memref<32x128xf32, #tpu.memory_space<vmem>>
      %dma_start3A_294 = arith.constant 0 : i32
      %dma_start3A_295 = tpu.memref_slice %arg19[%add3A_81, %dma_start3A_294] : memref<10112x128xf32, #tpu.memory_space<vmem_shared>> -> memref<32x128xf32, #tpu.memory_space<vmem_shared>>
      %dma_start3A_296 = arith.constant 0 : i32
      %dma_start3A_297 = tpu.memref_slice %arg19[%add3A_81, %dma_start3A_296] : memref<10112x128xf32, #tpu.memory_space<vmem_shared>> -> memref<32x128xf32, #tpu.memory_space<vmem_shared>>
      %dma_start3A_298 = arith.constant 0 : i32
      %dma_start3A_299 = arith.constant 0 : i32
      %dma_start3A_300 = tpu.memref_slice %arg14[%dma_start3A_298, %dma_start3A_299] : memref<32x128xf32, #tpu.memory_space<vmem>> -> memref<32x128xf32, #tpu.memory_space<vmem>>
      tpu.enqueue_dma source(%dma_start3A_300 : memref<32x128xf32, #tpu.memory_space<vmem>>) target(%dma_start3A_297 : memref<32x128xf32, #tpu.memory_space<vmem_shared>>) target_semaphore(%run_scoped3A : memref<!tpu.dma_semaphore, #tpu.memory_space<semaphore_mem>>)
      %dma_wait3A_301 = arith.constant 0 : i32
      %dma_wait3A_302 = arith.constant 0 : i32
      %dma_wait3A_303 = tpu.memref_slice %arg14[%dma_wait3A_301, %dma_wait3A_302] : memref<32x128xf32, #tpu.memory_space<vmem>> -> memref<32x128xf32, #tpu.memory_space<vmem>>
      %dma_wait3A_304 = arith.constant 0 : i32
      %dma_wait3A_305 = tpu.memref_slice %arg19[%add3A_81, %dma_wait3A_304] : memref<10112x128xf32, #tpu.memory_space<vmem_shared>> -> memref<32x128xf32, #tpu.memory_space<vmem_shared>>
      %dma_wait3A_306 = arith.constant 0 : i32
      %dma_wait3A_307 = tpu.memref_slice %arg19[%add3A_81, %dma_wait3A_306] : memref<10112x128xf32, #tpu.memory_space<vmem_shared>> -> memref<32x128xf32, #tpu.memory_space<vmem_shared>>
      %dma_wait3A_308 = arith.constant 0 : i32
      %dma_wait3A_309 = arith.constant 0 : i32
      %dma_wait3A_310 = tpu.memref_slice %arg14[%dma_wait3A_308, %dma_wait3A_309] : memref<32x128xf32, #tpu.memory_space<vmem>> -> memref<32x128xf32, #tpu.memory_space<vmem>>
      tpu.wait_dma2 semaphore(%run_scoped3A : memref<!tpu.dma_semaphore, #tpu.memory_space<semaphore_mem>>) src(%dma_wait3A_310 : memref<32x128xf32, #tpu.memory_space<vmem>>) dst(%dma_wait3A_307 : memref<32x128xf32, #tpu.memory_space<vmem_shared>>)
      tpu.yield
    }) : () -> ()
    %add3A_82 = arith.constant 192 : i32
    %add3A_83 = arith.addi %mul3A_69, %add3A_82 : i32
    "tpu.region"() ({
      %run_scoped3A = tpu.sem_alloc : memref<!tpu.dma_semaphore, #tpu.memory_space<semaphore_mem>>
      %dma_start3A_291 = arith.constant 0 : i32
      %dma_start3A_292 = arith.constant 0 : i32
      %dma_start3A_293 = tpu.memref_slice %arg14[%dma_start3A_291, %dma_start3A_292] : memref<32x128xf32, #tpu.memory_space<vmem>> -> memref<32x128xf32, #tpu.memory_space<vmem>>
      %dma_start3A_294 = arith.constant 0 : i32
      %dma_start3A_295 = tpu.memref_slice %arg19[%add3A_83, %dma_start3A_294] : memref<10112x128xf32, #tpu.memory_space<vmem_shared>> -> memref<32x128xf32, #tpu.memory_space<vmem_shared>>
      %dma_start3A_296 = arith.constant 0 : i32
      %dma_start3A_297 = tpu.memref_slice %arg19[%add3A_83, %dma_start3A_296] : memref<10112x128xf32, #tpu.memory_space<vmem_shared>> -> memref<32x128xf32, #tpu.memory_space<vmem_shared>>
      %dma_start3A_298 = arith.constant 0 : i32
      %dma_start3A_299 = arith.constant 0 : i32
      %dma_start3A_300 = tpu.memref_slice %arg14[%dma_start3A_298, %dma_start3A_299] : memref<32x128xf32, #tpu.memory_space<vmem>> -> memref<32x128xf32, #tpu.memory_space<vmem>>
      tpu.enqueue_dma source(%dma_start3A_300 : memref<32x128xf32, #tpu.memory_space<vmem>>) target(%dma_start3A_297 : memref<32x128xf32, #tpu.memory_space<vmem_shared>>) target_semaphore(%run_scoped3A : memref<!tpu.dma_semaphore, #tpu.memory_space<semaphore_mem>>)
      %dma_wait3A_301 = arith.constant 0 : i32
      %dma_wait3A_302 = arith.constant 0 : i32
      %dma_wait3A_303 = tpu.memref_slice %arg14[%dma_wait3A_301, %dma_wait3A_302] : memref<32x128xf32, #tpu.memory_space<vmem>> -> memref<32x128xf32, #tpu.memory_space<vmem>>
      %dma_wait3A_304 = arith.constant 0 : i32
      %dma_wait3A_305 = tpu.memref_slice %arg19[%add3A_83, %dma_wait3A_304] : memref<10112x128xf32, #tpu.memory_space<vmem_shared>> -> memref<32x128xf32, #tpu.memory_space<vmem_shared>>
      %dma_wait3A_306 = arith.constant 0 : i32
      %dma_wait3A_307 = tpu.memref_slice %arg19[%add3A_83, %dma_wait3A_306] : memref<10112x128xf32, #tpu.memory_space<vmem_shared>> -> memref<32x128xf32, #tpu.memory_space<vmem_shared>>
      %dma_wait3A_308 = arith.constant 0 : i32
      %dma_wait3A_309 = arith.constant 0 : i32
      %dma_wait3A_310 = tpu.memref_slice %arg14[%dma_wait3A_308, %dma_wait3A_309] : memref<32x128xf32, #tpu.memory_space<vmem>> -> memref<32x128xf32, #tpu.memory_space<vmem>>
      tpu.wait_dma2 semaphore(%run_scoped3A : memref<!tpu.dma_semaphore, #tpu.memory_space<semaphore_mem>>) src(%dma_wait3A_310 : memref<32x128xf32, #tpu.memory_space<vmem>>) dst(%dma_wait3A_307 : memref<32x128xf32, #tpu.memory_space<vmem_shared>>)
      tpu.yield
    }) : () -> ()
    %add3A_84 = arith.constant 224 : i32
    %add3A_85 = arith.addi %mul3A_69, %add3A_84 : i32
    "tpu.region"() ({
      %run_scoped3A = tpu.sem_alloc : memref<!tpu.dma_semaphore, #tpu.memory_space<semaphore_mem>>
      %dma_start3A_291 = arith.constant 0 : i32
      %dma_start3A_292 = arith.constant 0 : i32
      %dma_start3A_293 = tpu.memref_slice %arg14[%dma_start3A_291, %dma_start3A_292] : memref<32x128xf32, #tpu.memory_space<vmem>> -> memref<32x128xf32, #tpu.memory_space<vmem>>
      %dma_start3A_294 = arith.constant 0 : i32
      %dma_start3A_295 = tpu.memref_slice %arg19[%add3A_85, %dma_start3A_294] : memref<10112x128xf32, #tpu.memory_space<vmem_shared>> -> memref<32x128xf32, #tpu.memory_space<vmem_shared>>
      %dma_start3A_296 = arith.constant 0 : i32
      %dma_start3A_297 = tpu.memref_slice %arg19[%add3A_85, %dma_start3A_296] : memref<10112x128xf32, #tpu.memory_space<vmem_shared>> -> memref<32x128xf32, #tpu.memory_space<vmem_shared>>
      %dma_start3A_298 = arith.constant 0 : i32
      %dma_start3A_299 = arith.constant 0 : i32
      %dma_start3A_300 = tpu.memref_slice %arg14[%dma_start3A_298, %dma_start3A_299] : memref<32x128xf32, #tpu.memory_space<vmem>> -> memref<32x128xf32, #tpu.memory_space<vmem>>
      tpu.enqueue_dma source(%dma_start3A_300 : memref<32x128xf32, #tpu.memory_space<vmem>>) target(%dma_start3A_297 : memref<32x128xf32, #tpu.memory_space<vmem_shared>>) target_semaphore(%run_scoped3A : memref<!tpu.dma_semaphore, #tpu.memory_space<semaphore_mem>>)
      %dma_wait3A_301 = arith.constant 0 : i32
      %dma_wait3A_302 = arith.constant 0 : i32
      %dma_wait3A_303 = tpu.memref_slice %arg14[%dma_wait3A_301, %dma_wait3A_302] : memref<32x128xf32, #tpu.memory_space<vmem>> -> memref<32x128xf32, #tpu.memory_space<vmem>>
      %dma_wait3A_304 = arith.constant 0 : i32
      %dma_wait3A_305 = tpu.memref_slice %arg19[%add3A_85, %dma_wait3A_304] : memref<10112x128xf32, #tpu.memory_space<vmem_shared>> -> memref<32x128xf32, #tpu.memory_space<vmem_shared>>
      %dma_wait3A_306 = arith.constant 0 : i32
      %dma_wait3A_307 = tpu.memref_slice %arg19[%add3A_85, %dma_wait3A_306] : memref<10112x128xf32, #tpu.memory_space<vmem_shared>> -> memref<32x128xf32, #tpu.memory_space<vmem_shared>>
      %dma_wait3A_308 = arith.constant 0 : i32
      %dma_wait3A_309 = arith.constant 0 : i32
      %dma_wait3A_310 = tpu.memref_slice %arg14[%dma_wait3A_308, %dma_wait3A_309] : memref<32x128xf32, #tpu.memory_space<vmem>> -> memref<32x128xf32, #tpu.memory_space<vmem>>
      tpu.wait_dma2 semaphore(%run_scoped3A : memref<!tpu.dma_semaphore, #tpu.memory_space<semaphore_mem>>) src(%dma_wait3A_310 : memref<32x128xf32, #tpu.memory_space<vmem>>) dst(%dma_wait3A_307 : memref<32x128xf32, #tpu.memory_space<vmem_shared>>)
      tpu.yield
    }) : () -> ()
    %add3A_86 = arith.constant 256 : i32
    %add3A_87 = arith.addi %mul3A_69, %add3A_86 : i32
    "tpu.region"() ({
      %run_scoped3A = tpu.sem_alloc : memref<!tpu.dma_semaphore, #tpu.memory_space<semaphore_mem>>
      %dma_start3A_291 = arith.constant 0 : i32
      %dma_start3A_292 = arith.constant 0 : i32
      %dma_start3A_293 = tpu.memref_slice %arg14[%dma_start3A_291, %dma_start3A_292] : memref<32x128xf32, #tpu.memory_space<vmem>> -> memref<32x128xf32, #tpu.memory_space<vmem>>
      %dma_start3A_294 = arith.constant 0 : i32
      %dma_start3A_295 = tpu.memref_slice %arg19[%add3A_87, %dma_start3A_294] : memref<10112x128xf32, #tpu.memory_space<vmem_shared>> -> memref<32x128xf32, #tpu.memory_space<vmem_shared>>
      %dma_start3A_296 = arith.constant 0 : i32
      %dma_start3A_297 = tpu.memref_slice %arg19[%add3A_87, %dma_start3A_296] : memref<10112x128xf32, #tpu.memory_space<vmem_shared>> -> memref<32x128xf32, #tpu.memory_space<vmem_shared>>
      %dma_start3A_298 = arith.constant 0 : i32
      %dma_start3A_299 = arith.constant 0 : i32
      %dma_start3A_300 = tpu.memref_slice %arg14[%dma_start3A_298, %dma_start3A_299] : memref<32x128xf32, #tpu.memory_space<vmem>> -> memref<32x128xf32, #tpu.memory_space<vmem>>
      tpu.enqueue_dma source(%dma_start3A_300 : memref<32x128xf32, #tpu.memory_space<vmem>>) target(%dma_start3A_297 : memref<32x128xf32, #tpu.memory_space<vmem_shared>>) target_semaphore(%run_scoped3A : memref<!tpu.dma_semaphore, #tpu.memory_space<semaphore_mem>>)
      %dma_wait3A_301 = arith.constant 0 : i32
      %dma_wait3A_302 = arith.constant 0 : i32
      %dma_wait3A_303 = tpu.memref_slice %arg14[%dma_wait3A_301, %dma_wait3A_302] : memref<32x128xf32, #tpu.memory_space<vmem>> -> memref<32x128xf32, #tpu.memory_space<vmem>>
      %dma_wait3A_304 = arith.constant 0 : i32
      %dma_wait3A_305 = tpu.memref_slice %arg19[%add3A_87, %dma_wait3A_304] : memref<10112x128xf32, #tpu.memory_space<vmem_shared>> -> memref<32x128xf32, #tpu.memory_space<vmem_shared>>
      %dma_wait3A_306 = arith.constant 0 : i32
      %dma_wait3A_307 = tpu.memref_slice %arg19[%add3A_87, %dma_wait3A_306] : memref<10112x128xf32, #tpu.memory_space<vmem_shared>> -> memref<32x128xf32, #tpu.memory_space<vmem_shared>>
      %dma_wait3A_308 = arith.constant 0 : i32
      %dma_wait3A_309 = arith.constant 0 : i32
      %dma_wait3A_310 = tpu.memref_slice %arg14[%dma_wait3A_308, %dma_wait3A_309] : memref<32x128xf32, #tpu.memory_space<vmem>> -> memref<32x128xf32, #tpu.memory_space<vmem>>
      tpu.wait_dma2 semaphore(%run_scoped3A : memref<!tpu.dma_semaphore, #tpu.memory_space<semaphore_mem>>) src(%dma_wait3A_310 : memref<32x128xf32, #tpu.memory_space<vmem>>) dst(%dma_wait3A_307 : memref<32x128xf32, #tpu.memory_space<vmem_shared>>)
      tpu.yield
    }) : () -> ()
    %add3A_88 = arith.constant 288 : i32
    %add3A_89 = arith.addi %mul3A_69, %add3A_88 : i32
    "tpu.region"() ({
      %run_scoped3A = tpu.sem_alloc : memref<!tpu.dma_semaphore, #tpu.memory_space<semaphore_mem>>
      %dma_start3A_291 = arith.constant 0 : i32
      %dma_start3A_292 = arith.constant 0 : i32
      %dma_start3A_293 = tpu.memref_slice %arg14[%dma_start3A_291, %dma_start3A_292] : memref<32x128xf32, #tpu.memory_space<vmem>> -> memref<32x128xf32, #tpu.memory_space<vmem>>
      %dma_start3A_294 = arith.constant 0 : i32
      %dma_start3A_295 = tpu.memref_slice %arg19[%add3A_89, %dma_start3A_294] : memref<10112x128xf32, #tpu.memory_space<vmem_shared>> -> memref<32x128xf32, #tpu.memory_space<vmem_shared>>
      %dma_start3A_296 = arith.constant 0 : i32
      %dma_start3A_297 = tpu.memref_slice %arg19[%add3A_89, %dma_start3A_296] : memref<10112x128xf32, #tpu.memory_space<vmem_shared>> -> memref<32x128xf32, #tpu.memory_space<vmem_shared>>
      %dma_start3A_298 = arith.constant 0 : i32
      %dma_start3A_299 = arith.constant 0 : i32
      %dma_start3A_300 = tpu.memref_slice %arg14[%dma_start3A_298, %dma_start3A_299] : memref<32x128xf32, #tpu.memory_space<vmem>> -> memref<32x128xf32, #tpu.memory_space<vmem>>
      tpu.enqueue_dma source(%dma_start3A_300 : memref<32x128xf32, #tpu.memory_space<vmem>>) target(%dma_start3A_297 : memref<32x128xf32, #tpu.memory_space<vmem_shared>>) target_semaphore(%run_scoped3A : memref<!tpu.dma_semaphore, #tpu.memory_space<semaphore_mem>>)
      %dma_wait3A_301 = arith.constant 0 : i32
      %dma_wait3A_302 = arith.constant 0 : i32
      %dma_wait3A_303 = tpu.memref_slice %arg14[%dma_wait3A_301, %dma_wait3A_302] : memref<32x128xf32, #tpu.memory_space<vmem>> -> memref<32x128xf32, #tpu.memory_space<vmem>>
      %dma_wait3A_304 = arith.constant 0 : i32
      %dma_wait3A_305 = tpu.memref_slice %arg19[%add3A_89, %dma_wait3A_304] : memref<10112x128xf32, #tpu.memory_space<vmem_shared>> -> memref<32x128xf32, #tpu.memory_space<vmem_shared>>
      %dma_wait3A_306 = arith.constant 0 : i32
      %dma_wait3A_307 = tpu.memref_slice %arg19[%add3A_89, %dma_wait3A_306] : memref<10112x128xf32, #tpu.memory_space<vmem_shared>> -> memref<32x128xf32, #tpu.memory_space<vmem_shared>>
      %dma_wait3A_308 = arith.constant 0 : i32
      %dma_wait3A_309 = arith.constant 0 : i32
      %dma_wait3A_310 = tpu.memref_slice %arg14[%dma_wait3A_308, %dma_wait3A_309] : memref<32x128xf32, #tpu.memory_space<vmem>> -> memref<32x128xf32, #tpu.memory_space<vmem>>
      tpu.wait_dma2 semaphore(%run_scoped3A : memref<!tpu.dma_semaphore, #tpu.memory_space<semaphore_mem>>) src(%dma_wait3A_310 : memref<32x128xf32, #tpu.memory_space<vmem>>) dst(%dma_wait3A_307 : memref<32x128xf32, #tpu.memory_space<vmem_shared>>)
      tpu.yield
    }) : () -> ()
    %add3A_90 = arith.constant 320 : i32
    %add3A_91 = arith.addi %mul3A_69, %add3A_90 : i32
    "tpu.region"() ({
      %run_scoped3A = tpu.sem_alloc : memref<!tpu.dma_semaphore, #tpu.memory_space<semaphore_mem>>
      %dma_start3A_291 = arith.constant 0 : i32
      %dma_start3A_292 = arith.constant 0 : i32
      %dma_start3A_293 = tpu.memref_slice %arg14[%dma_start3A_291, %dma_start3A_292] : memref<32x128xf32, #tpu.memory_space<vmem>> -> memref<32x128xf32, #tpu.memory_space<vmem>>
      %dma_start3A_294 = arith.constant 0 : i32
      %dma_start3A_295 = tpu.memref_slice %arg19[%add3A_91, %dma_start3A_294] : memref<10112x128xf32, #tpu.memory_space<vmem_shared>> -> memref<32x128xf32, #tpu.memory_space<vmem_shared>>
      %dma_start3A_296 = arith.constant 0 : i32
      %dma_start3A_297 = tpu.memref_slice %arg19[%add3A_91, %dma_start3A_296] : memref<10112x128xf32, #tpu.memory_space<vmem_shared>> -> memref<32x128xf32, #tpu.memory_space<vmem_shared>>
      %dma_start3A_298 = arith.constant 0 : i32
      %dma_start3A_299 = arith.constant 0 : i32
      %dma_start3A_300 = tpu.memref_slice %arg14[%dma_start3A_298, %dma_start3A_299] : memref<32x128xf32, #tpu.memory_space<vmem>> -> memref<32x128xf32, #tpu.memory_space<vmem>>
      tpu.enqueue_dma source(%dma_start3A_300 : memref<32x128xf32, #tpu.memory_space<vmem>>) target(%dma_start3A_297 : memref<32x128xf32, #tpu.memory_space<vmem_shared>>) target_semaphore(%run_scoped3A : memref<!tpu.dma_semaphore, #tpu.memory_space<semaphore_mem>>)
      %dma_wait3A_301 = arith.constant 0 : i32
      %dma_wait3A_302 = arith.constant 0 : i32
      %dma_wait3A_303 = tpu.memref_slice %arg14[%dma_wait3A_301, %dma_wait3A_302] : memref<32x128xf32, #tpu.memory_space<vmem>> -> memref<32x128xf32, #tpu.memory_space<vmem>>
      %dma_wait3A_304 = arith.constant 0 : i32
      %dma_wait3A_305 = tpu.memref_slice %arg19[%add3A_91, %dma_wait3A_304] : memref<10112x128xf32, #tpu.memory_space<vmem_shared>> -> memref<32x128xf32, #tpu.memory_space<vmem_shared>>
      %dma_wait3A_306 = arith.constant 0 : i32
      %dma_wait3A_307 = tpu.memref_slice %arg19[%add3A_91, %dma_wait3A_306] : memref<10112x128xf32, #tpu.memory_space<vmem_shared>> -> memref<32x128xf32, #tpu.memory_space<vmem_shared>>
      %dma_wait3A_308 = arith.constant 0 : i32
      %dma_wait3A_309 = arith.constant 0 : i32
      %dma_wait3A_310 = tpu.memref_slice %arg14[%dma_wait3A_308, %dma_wait3A_309] : memref<32x128xf32, #tpu.memory_space<vmem>> -> memref<32x128xf32, #tpu.memory_space<vmem>>
      tpu.wait_dma2 semaphore(%run_scoped3A : memref<!tpu.dma_semaphore, #tpu.memory_space<semaphore_mem>>) src(%dma_wait3A_310 : memref<32x128xf32, #tpu.memory_space<vmem>>) dst(%dma_wait3A_307 : memref<32x128xf32, #tpu.memory_space<vmem_shared>>)
      tpu.yield
    }) : () -> ()
    %add3A_92 = arith.constant 352 : i32
    %add3A_93 = arith.addi %mul3A_69, %add3A_92 : i32
    "tpu.region"() ({
      %run_scoped3A = tpu.sem_alloc : memref<!tpu.dma_semaphore, #tpu.memory_space<semaphore_mem>>
      %dma_start3A_291 = arith.constant 0 : i32
      %dma_start3A_292 = arith.constant 0 : i32
      %dma_start3A_293 = tpu.memref_slice %arg14[%dma_start3A_291, %dma_start3A_292] : memref<32x128xf32, #tpu.memory_space<vmem>> -> memref<32x128xf32, #tpu.memory_space<vmem>>
      %dma_start3A_294 = arith.constant 0 : i32
      %dma_start3A_295 = tpu.memref_slice %arg19[%add3A_93, %dma_start3A_294] : memref<10112x128xf32, #tpu.memory_space<vmem_shared>> -> memref<32x128xf32, #tpu.memory_space<vmem_shared>>
      %dma_start3A_296 = arith.constant 0 : i32
      %dma_start3A_297 = tpu.memref_slice %arg19[%add3A_93, %dma_start3A_296] : memref<10112x128xf32, #tpu.memory_space<vmem_shared>> -> memref<32x128xf32, #tpu.memory_space<vmem_shared>>
      %dma_start3A_298 = arith.constant 0 : i32
      %dma_start3A_299 = arith.constant 0 : i32
      %dma_start3A_300 = tpu.memref_slice %arg14[%dma_start3A_298, %dma_start3A_299] : memref<32x128xf32, #tpu.memory_space<vmem>> -> memref<32x128xf32, #tpu.memory_space<vmem>>
      tpu.enqueue_dma source(%dma_start3A_300 : memref<32x128xf32, #tpu.memory_space<vmem>>) target(%dma_start3A_297 : memref<32x128xf32, #tpu.memory_space<vmem_shared>>) target_semaphore(%run_scoped3A : memref<!tpu.dma_semaphore, #tpu.memory_space<semaphore_mem>>)
      %dma_wait3A_301 = arith.constant 0 : i32
      %dma_wait3A_302 = arith.constant 0 : i32
      %dma_wait3A_303 = tpu.memref_slice %arg14[%dma_wait3A_301, %dma_wait3A_302] : memref<32x128xf32, #tpu.memory_space<vmem>> -> memref<32x128xf32, #tpu.memory_space<vmem>>
      %dma_wait3A_304 = arith.constant 0 : i32
      %dma_wait3A_305 = tpu.memref_slice %arg19[%add3A_93, %dma_wait3A_304] : memref<10112x128xf32, #tpu.memory_space<vmem_shared>> -> memref<32x128xf32, #tpu.memory_space<vmem_shared>>
      %dma_wait3A_306 = arith.constant 0 : i32
      %dma_wait3A_307 = tpu.memref_slice %arg19[%add3A_93, %dma_wait3A_306] : memref<10112x128xf32, #tpu.memory_space<vmem_shared>> -> memref<32x128xf32, #tpu.memory_space<vmem_shared>>
      %dma_wait3A_308 = arith.constant 0 : i32
      %dma_wait3A_309 = arith.constant 0 : i32
      %dma_wait3A_310 = tpu.memref_slice %arg14[%dma_wait3A_308, %dma_wait3A_309] : memref<32x128xf32, #tpu.memory_space<vmem>> -> memref<32x128xf32, #tpu.memory_space<vmem>>
      tpu.wait_dma2 semaphore(%run_scoped3A : memref<!tpu.dma_semaphore, #tpu.memory_space<semaphore_mem>>) src(%dma_wait3A_310 : memref<32x128xf32, #tpu.memory_space<vmem>>) dst(%dma_wait3A_307 : memref<32x128xf32, #tpu.memory_space<vmem_shared>>)
      tpu.yield
    }) : () -> ()
    %add3A_94 = arith.constant 384 : i32
    %add3A_95 = arith.addi %mul3A_69, %add3A_94 : i32
    "tpu.region"() ({
      %run_scoped3A = tpu.sem_alloc : memref<!tpu.dma_semaphore, #tpu.memory_space<semaphore_mem>>
      %dma_start3A_291 = arith.constant 0 : i32
      %dma_start3A_292 = arith.constant 0 : i32
      %dma_start3A_293 = tpu.memref_slice %arg14[%dma_start3A_291, %dma_start3A_292] : memref<32x128xf32, #tpu.memory_space<vmem>> -> memref<32x128xf32, #tpu.memory_space<vmem>>
      %dma_start3A_294 = arith.constant 0 : i32
      %dma_start3A_295 = tpu.memref_slice %arg19[%add3A_95, %dma_start3A_294] : memref<10112x128xf32, #tpu.memory_space<vmem_shared>> -> memref<32x128xf32, #tpu.memory_space<vmem_shared>>
      %dma_start3A_296 = arith.constant 0 : i32
      %dma_start3A_297 = tpu.memref_slice %arg19[%add3A_95, %dma_start3A_296] : memref<10112x128xf32, #tpu.memory_space<vmem_shared>> -> memref<32x128xf32, #tpu.memory_space<vmem_shared>>
      %dma_start3A_298 = arith.constant 0 : i32
      %dma_start3A_299 = arith.constant 0 : i32
      %dma_start3A_300 = tpu.memref_slice %arg14[%dma_start3A_298, %dma_start3A_299] : memref<32x128xf32, #tpu.memory_space<vmem>> -> memref<32x128xf32, #tpu.memory_space<vmem>>
      tpu.enqueue_dma source(%dma_start3A_300 : memref<32x128xf32, #tpu.memory_space<vmem>>) target(%dma_start3A_297 : memref<32x128xf32, #tpu.memory_space<vmem_shared>>) target_semaphore(%run_scoped3A : memref<!tpu.dma_semaphore, #tpu.memory_space<semaphore_mem>>)
      %dma_wait3A_301 = arith.constant 0 : i32
      %dma_wait3A_302 = arith.constant 0 : i32
      %dma_wait3A_303 = tpu.memref_slice %arg14[%dma_wait3A_301, %dma_wait3A_302] : memref<32x128xf32, #tpu.memory_space<vmem>> -> memref<32x128xf32, #tpu.memory_space<vmem>>
      %dma_wait3A_304 = arith.constant 0 : i32
      %dma_wait3A_305 = tpu.memref_slice %arg19[%add3A_95, %dma_wait3A_304] : memref<10112x128xf32, #tpu.memory_space<vmem_shared>> -> memref<32x128xf32, #tpu.memory_space<vmem_shared>>
      %dma_wait3A_306 = arith.constant 0 : i32
      %dma_wait3A_307 = tpu.memref_slice %arg19[%add3A_95, %dma_wait3A_306] : memref<10112x128xf32, #tpu.memory_space<vmem_shared>> -> memref<32x128xf32, #tpu.memory_space<vmem_shared>>
      %dma_wait3A_308 = arith.constant 0 : i32
      %dma_wait3A_309 = arith.constant 0 : i32
      %dma_wait3A_310 = tpu.memref_slice %arg14[%dma_wait3A_308, %dma_wait3A_309] : memref<32x128xf32, #tpu.memory_space<vmem>> -> memref<32x128xf32, #tpu.memory_space<vmem>>
      tpu.wait_dma2 semaphore(%run_scoped3A : memref<!tpu.dma_semaphore, #tpu.memory_space<semaphore_mem>>) src(%dma_wait3A_310 : memref<32x128xf32, #tpu.memory_space<vmem>>) dst(%dma_wait3A_307 : memref<32x128xf32, #tpu.memory_space<vmem_shared>>)
      tpu.yield
    }) : () -> ()
    %add3A_96 = arith.constant 416 : i32
    %add3A_97 = arith.addi %mul3A_69, %add3A_96 : i32
    "tpu.region"() ({
      %run_scoped3A = tpu.sem_alloc : memref<!tpu.dma_semaphore, #tpu.memory_space<semaphore_mem>>
      %dma_start3A_291 = arith.constant 0 : i32
      %dma_start3A_292 = arith.constant 0 : i32
      %dma_start3A_293 = tpu.memref_slice %arg14[%dma_start3A_291, %dma_start3A_292] : memref<32x128xf32, #tpu.memory_space<vmem>> -> memref<32x128xf32, #tpu.memory_space<vmem>>
      %dma_start3A_294 = arith.constant 0 : i32
      %dma_start3A_295 = tpu.memref_slice %arg19[%add3A_97, %dma_start3A_294] : memref<10112x128xf32, #tpu.memory_space<vmem_shared>> -> memref<32x128xf32, #tpu.memory_space<vmem_shared>>
      %dma_start3A_296 = arith.constant 0 : i32
      %dma_start3A_297 = tpu.memref_slice %arg19[%add3A_97, %dma_start3A_296] : memref<10112x128xf32, #tpu.memory_space<vmem_shared>> -> memref<32x128xf32, #tpu.memory_space<vmem_shared>>
      %dma_start3A_298 = arith.constant 0 : i32
      %dma_start3A_299 = arith.constant 0 : i32
      %dma_start3A_300 = tpu.memref_slice %arg14[%dma_start3A_298, %dma_start3A_299] : memref<32x128xf32, #tpu.memory_space<vmem>> -> memref<32x128xf32, #tpu.memory_space<vmem>>
      tpu.enqueue_dma source(%dma_start3A_300 : memref<32x128xf32, #tpu.memory_space<vmem>>) target(%dma_start3A_297 : memref<32x128xf32, #tpu.memory_space<vmem_shared>>) target_semaphore(%run_scoped3A : memref<!tpu.dma_semaphore, #tpu.memory_space<semaphore_mem>>)
      %dma_wait3A_301 = arith.constant 0 : i32
      %dma_wait3A_302 = arith.constant 0 : i32
      %dma_wait3A_303 = tpu.memref_slice %arg14[%dma_wait3A_301, %dma_wait3A_302] : memref<32x128xf32, #tpu.memory_space<vmem>> -> memref<32x128xf32, #tpu.memory_space<vmem>>
      %dma_wait3A_304 = arith.constant 0 : i32
      %dma_wait3A_305 = tpu.memref_slice %arg19[%add3A_97, %dma_wait3A_304] : memref<10112x128xf32, #tpu.memory_space<vmem_shared>> -> memref<32x128xf32, #tpu.memory_space<vmem_shared>>
      %dma_wait3A_306 = arith.constant 0 : i32
      %dma_wait3A_307 = tpu.memref_slice %arg19[%add3A_97, %dma_wait3A_306] : memref<10112x128xf32, #tpu.memory_space<vmem_shared>> -> memref<32x128xf32, #tpu.memory_space<vmem_shared>>
      %dma_wait3A_308 = arith.constant 0 : i32
      %dma_wait3A_309 = arith.constant 0 : i32
      %dma_wait3A_310 = tpu.memref_slice %arg14[%dma_wait3A_308, %dma_wait3A_309] : memref<32x128xf32, #tpu.memory_space<vmem>> -> memref<32x128xf32, #tpu.memory_space<vmem>>
      tpu.wait_dma2 semaphore(%run_scoped3A : memref<!tpu.dma_semaphore, #tpu.memory_space<semaphore_mem>>) src(%dma_wait3A_310 : memref<32x128xf32, #tpu.memory_space<vmem>>) dst(%dma_wait3A_307 : memref<32x128xf32, #tpu.memory_space<vmem_shared>>)
      tpu.yield
    }) : () -> ()
    %add3A_98 = arith.constant 448 : i32
    %add3A_99 = arith.addi %mul3A_69, %add3A_98 : i32
    "tpu.region"() ({
      %run_scoped3A = tpu.sem_alloc : memref<!tpu.dma_semaphore, #tpu.memory_space<semaphore_mem>>
      %dma_start3A_291 = arith.constant 0 : i32
      %dma_start3A_292 = arith.constant 0 : i32
      %dma_start3A_293 = tpu.memref_slice %arg14[%dma_start3A_291, %dma_start3A_292] : memref<32x128xf32, #tpu.memory_space<vmem>> -> memref<32x128xf32, #tpu.memory_space<vmem>>
      %dma_start3A_294 = arith.constant 0 : i32
      %dma_start3A_295 = tpu.memref_slice %arg19[%add3A_99, %dma_start3A_294] : memref<10112x128xf32, #tpu.memory_space<vmem_shared>> -> memref<32x128xf32, #tpu.memory_space<vmem_shared>>
      %dma_start3A_296 = arith.constant 0 : i32
      %dma_start3A_297 = tpu.memref_slice %arg19[%add3A_99, %dma_start3A_296] : memref<10112x128xf32, #tpu.memory_space<vmem_shared>> -> memref<32x128xf32, #tpu.memory_space<vmem_shared>>
      %dma_start3A_298 = arith.constant 0 : i32
      %dma_start3A_299 = arith.constant 0 : i32
      %dma_start3A_300 = tpu.memref_slice %arg14[%dma_start3A_298, %dma_start3A_299] : memref<32x128xf32, #tpu.memory_space<vmem>> -> memref<32x128xf32, #tpu.memory_space<vmem>>
      tpu.enqueue_dma source(%dma_start3A_300 : memref<32x128xf32, #tpu.memory_space<vmem>>) target(%dma_start3A_297 : memref<32x128xf32, #tpu.memory_space<vmem_shared>>) target_semaphore(%run_scoped3A : memref<!tpu.dma_semaphore, #tpu.memory_space<semaphore_mem>>)
      %dma_wait3A_301 = arith.constant 0 : i32
      %dma_wait3A_302 = arith.constant 0 : i32
      %dma_wait3A_303 = tpu.memref_slice %arg14[%dma_wait3A_301, %dma_wait3A_302] : memref<32x128xf32, #tpu.memory_space<vmem>> -> memref<32x128xf32, #tpu.memory_space<vmem>>
      %dma_wait3A_304 = arith.constant 0 : i32
      %dma_wait3A_305 = tpu.memref_slice %arg19[%add3A_99, %dma_wait3A_304] : memref<10112x128xf32, #tpu.memory_space<vmem_shared>> -> memref<32x128xf32, #tpu.memory_space<vmem_shared>>
      %dma_wait3A_306 = arith.constant 0 : i32
      %dma_wait3A_307 = tpu.memref_slice %arg19[%add3A_99, %dma_wait3A_306] : memref<10112x128xf32, #tpu.memory_space<vmem_shared>> -> memref<32x128xf32, #tpu.memory_space<vmem_shared>>
      %dma_wait3A_308 = arith.constant 0 : i32
      %dma_wait3A_309 = arith.constant 0 : i32
      %dma_wait3A_310 = tpu.memref_slice %arg14[%dma_wait3A_308, %dma_wait3A_309] : memref<32x128xf32, #tpu.memory_space<vmem>> -> memref<32x128xf32, #tpu.memory_space<vmem>>
      tpu.wait_dma2 semaphore(%run_scoped3A : memref<!tpu.dma_semaphore, #tpu.memory_space<semaphore_mem>>) src(%dma_wait3A_310 : memref<32x128xf32, #tpu.memory_space<vmem>>) dst(%dma_wait3A_307 : memref<32x128xf32, #tpu.memory_space<vmem_shared>>)
      tpu.yield
    }) : () -> ()
    %add3A_100 = arith.constant 480 : i32
    %add3A_101 = arith.addi %mul3A_69, %add3A_100 : i32
    "tpu.region"() ({
      %run_scoped3A = tpu.sem_alloc : memref<!tpu.dma_semaphore, #tpu.memory_space<semaphore_mem>>
      %dma_start3A_291 = arith.constant 0 : i32
      %dma_start3A_292 = arith.constant 0 : i32
      %dma_start3A_293 = tpu.memref_slice %arg14[%dma_start3A_291, %dma_start3A_292] : memref<32x128xf32, #tpu.memory_space<vmem>> -> memref<32x128xf32, #tpu.memory_space<vmem>>
      %dma_start3A_294 = arith.constant 0 : i32
      %dma_start3A_295 = tpu.memref_slice %arg19[%add3A_101, %dma_start3A_294] : memref<10112x128xf32, #tpu.memory_space<vmem_shared>> -> memref<32x128xf32, #tpu.memory_space<vmem_shared>>
      %dma_start3A_296 = arith.constant 0 : i32
      %dma_start3A_297 = tpu.memref_slice %arg19[%add3A_101, %dma_start3A_296] : memref<10112x128xf32, #tpu.memory_space<vmem_shared>> -> memref<32x128xf32, #tpu.memory_space<vmem_shared>>
      %dma_start3A_298 = arith.constant 0 : i32
      %dma_start3A_299 = arith.constant 0 : i32
      %dma_start3A_300 = tpu.memref_slice %arg14[%dma_start3A_298, %dma_start3A_299] : memref<32x128xf32, #tpu.memory_space<vmem>> -> memref<32x128xf32, #tpu.memory_space<vmem>>
      tpu.enqueue_dma source(%dma_start3A_300 : memref<32x128xf32, #tpu.memory_space<vmem>>) target(%dma_start3A_297 : memref<32x128xf32, #tpu.memory_space<vmem_shared>>) target_semaphore(%run_scoped3A : memref<!tpu.dma_semaphore, #tpu.memory_space<semaphore_mem>>)
      %dma_wait3A_301 = arith.constant 0 : i32
      %dma_wait3A_302 = arith.constant 0 : i32
      %dma_wait3A_303 = tpu.memref_slice %arg14[%dma_wait3A_301, %dma_wait3A_302] : memref<32x128xf32, #tpu.memory_space<vmem>> -> memref<32x128xf32, #tpu.memory_space<vmem>>
      %dma_wait3A_304 = arith.constant 0 : i32
      %dma_wait3A_305 = tpu.memref_slice %arg19[%add3A_101, %dma_wait3A_304] : memref<10112x128xf32, #tpu.memory_space<vmem_shared>> -> memref<32x128xf32, #tpu.memory_space<vmem_shared>>
      %dma_wait3A_306 = arith.constant 0 : i32
      %dma_wait3A_307 = tpu.memref_slice %arg19[%add3A_101, %dma_wait3A_306] : memref<10112x128xf32, #tpu.memory_space<vmem_shared>> -> memref<32x128xf32, #tpu.memory_space<vmem_shared>>
      %dma_wait3A_308 = arith.constant 0 : i32
      %dma_wait3A_309 = arith.constant 0 : i32
      %dma_wait3A_310 = tpu.memref_slice %arg14[%dma_wait3A_308, %dma_wait3A_309] : memref<32x128xf32, #tpu.memory_space<vmem>> -> memref<32x128xf32, #tpu.memory_space<vmem>>
      tpu.wait_dma2 semaphore(%run_scoped3A : memref<!tpu.dma_semaphore, #tpu.memory_space<semaphore_mem>>) src(%dma_wait3A_310 : memref<32x128xf32, #tpu.memory_space<vmem>>) dst(%dma_wait3A_307 : memref<32x128xf32, #tpu.memory_space<vmem_shared>>)
      tpu.yield
    }) : () -> ()
    %add3A_102 = arith.constant 512 : i32
    %add3A_103 = arith.addi %mul3A_69, %add3A_102 : i32
    "tpu.region"() ({
      %run_scoped3A = tpu.sem_alloc : memref<!tpu.dma_semaphore, #tpu.memory_space<semaphore_mem>>
      %dma_start3A_291 = arith.constant 0 : i32
      %dma_start3A_292 = arith.constant 0 : i32
      %dma_start3A_293 = tpu.memref_slice %arg14[%dma_start3A_291, %dma_start3A_292] : memref<32x128xf32, #tpu.memory_space<vmem>> -> memref<32x128xf32, #tpu.memory_space<vmem>>
      %dma_start3A_294 = arith.constant 0 : i32
      %dma_start3A_295 = tpu.memref_slice %arg19[%add3A_103, %dma_start3A_294] : memref<10112x128xf32, #tpu.memory_space<vmem_shared>> -> memref<32x128xf32, #tpu.memory_space<vmem_shared>>
      %dma_start3A_296 = arith.constant 0 : i32
      %dma_start3A_297 = tpu.memref_slice %arg19[%add3A_103, %dma_start3A_296] : memref<10112x128xf32, #tpu.memory_space<vmem_shared>> -> memref<32x128xf32, #tpu.memory_space<vmem_shared>>
      %dma_start3A_298 = arith.constant 0 : i32
      %dma_start3A_299 = arith.constant 0 : i32
      %dma_start3A_300 = tpu.memref_slice %arg14[%dma_start3A_298, %dma_start3A_299] : memref<32x128xf32, #tpu.memory_space<vmem>> -> memref<32x128xf32, #tpu.memory_space<vmem>>
      tpu.enqueue_dma source(%dma_start3A_300 : memref<32x128xf32, #tpu.memory_space<vmem>>) target(%dma_start3A_297 : memref<32x128xf32, #tpu.memory_space<vmem_shared>>) target_semaphore(%run_scoped3A : memref<!tpu.dma_semaphore, #tpu.memory_space<semaphore_mem>>)
      %dma_wait3A_301 = arith.constant 0 : i32
      %dma_wait3A_302 = arith.constant 0 : i32
      %dma_wait3A_303 = tpu.memref_slice %arg14[%dma_wait3A_301, %dma_wait3A_302] : memref<32x128xf32, #tpu.memory_space<vmem>> -> memref<32x128xf32, #tpu.memory_space<vmem>>
      %dma_wait3A_304 = arith.constant 0 : i32
      %dma_wait3A_305 = tpu.memref_slice %arg19[%add3A_103, %dma_wait3A_304] : memref<10112x128xf32, #tpu.memory_space<vmem_shared>> -> memref<32x128xf32, #tpu.memory_space<vmem_shared>>
      %dma_wait3A_306 = arith.constant 0 : i32
      %dma_wait3A_307 = tpu.memref_slice %arg19[%add3A_103, %dma_wait3A_306] : memref<10112x128xf32, #tpu.memory_space<vmem_shared>> -> memref<32x128xf32, #tpu.memory_space<vmem_shared>>
      %dma_wait3A_308 = arith.constant 0 : i32
      %dma_wait3A_309 = arith.constant 0 : i32
      %dma_wait3A_310 = tpu.memref_slice %arg14[%dma_wait3A_308, %dma_wait3A_309] : memref<32x128xf32, #tpu.memory_space<vmem>> -> memref<32x128xf32, #tpu.memory_space<vmem>>
      tpu.wait_dma2 semaphore(%run_scoped3A : memref<!tpu.dma_semaphore, #tpu.memory_space<semaphore_mem>>) src(%dma_wait3A_310 : memref<32x128xf32, #tpu.memory_space<vmem>>) dst(%dma_wait3A_307 : memref<32x128xf32, #tpu.memory_space<vmem_shared>>)
      tpu.yield
    }) : () -> ()
    %add3A_104 = arith.constant 544 : i32
    %add3A_105 = arith.addi %mul3A_69, %add3A_104 : i32
    "tpu.region"() ({
      %run_scoped3A = tpu.sem_alloc : memref<!tpu.dma_semaphore, #tpu.memory_space<semaphore_mem>>
      %dma_start3A_291 = arith.constant 0 : i32
      %dma_start3A_292 = arith.constant 0 : i32
      %dma_start3A_293 = tpu.memref_slice %arg14[%dma_start3A_291, %dma_start3A_292] : memref<32x128xf32, #tpu.memory_space<vmem>> -> memref<32x128xf32, #tpu.memory_space<vmem>>
      %dma_start3A_294 = arith.constant 0 : i32
      %dma_start3A_295 = tpu.memref_slice %arg19[%add3A_105, %dma_start3A_294] : memref<10112x128xf32, #tpu.memory_space<vmem_shared>> -> memref<32x128xf32, #tpu.memory_space<vmem_shared>>
      %dma_start3A_296 = arith.constant 0 : i32
      %dma_start3A_297 = tpu.memref_slice %arg19[%add3A_105, %dma_start3A_296] : memref<10112x128xf32, #tpu.memory_space<vmem_shared>> -> memref<32x128xf32, #tpu.memory_space<vmem_shared>>
      %dma_start3A_298 = arith.constant 0 : i32
      %dma_start3A_299 = arith.constant 0 : i32
      %dma_start3A_300 = tpu.memref_slice %arg14[%dma_start3A_298, %dma_start3A_299] : memref<32x128xf32, #tpu.memory_space<vmem>> -> memref<32x128xf32, #tpu.memory_space<vmem>>
      tpu.enqueue_dma source(%dma_start3A_300 : memref<32x128xf32, #tpu.memory_space<vmem>>) target(%dma_start3A_297 : memref<32x128xf32, #tpu.memory_space<vmem_shared>>) target_semaphore(%run_scoped3A : memref<!tpu.dma_semaphore, #tpu.memory_space<semaphore_mem>>)
      %dma_wait3A_301 = arith.constant 0 : i32
      %dma_wait3A_302 = arith.constant 0 : i32
      %dma_wait3A_303 = tpu.memref_slice %arg14[%dma_wait3A_301, %dma_wait3A_302] : memref<32x128xf32, #tpu.memory_space<vmem>> -> memref<32x128xf32, #tpu.memory_space<vmem>>
      %dma_wait3A_304 = arith.constant 0 : i32
      %dma_wait3A_305 = tpu.memref_slice %arg19[%add3A_105, %dma_wait3A_304] : memref<10112x128xf32, #tpu.memory_space<vmem_shared>> -> memref<32x128xf32, #tpu.memory_space<vmem_shared>>
      %dma_wait3A_306 = arith.constant 0 : i32
      %dma_wait3A_307 = tpu.memref_slice %arg19[%add3A_105, %dma_wait3A_306] : memref<10112x128xf32, #tpu.memory_space<vmem_shared>> -> memref<32x128xf32, #tpu.memory_space<vmem_shared>>
      %dma_wait3A_308 = arith.constant 0 : i32
      %dma_wait3A_309 = arith.constant 0 : i32
      %dma_wait3A_310 = tpu.memref_slice %arg14[%dma_wait3A_308, %dma_wait3A_309] : memref<32x128xf32, #tpu.memory_space<vmem>> -> memref<32x128xf32, #tpu.memory_space<vmem>>
      tpu.wait_dma2 semaphore(%run_scoped3A : memref<!tpu.dma_semaphore, #tpu.memory_space<semaphore_mem>>) src(%dma_wait3A_310 : memref<32x128xf32, #tpu.memory_space<vmem>>) dst(%dma_wait3A_307 : memref<32x128xf32, #tpu.memory_space<vmem_shared>>)
      tpu.yield
    }) : () -> ()
    %add3A_106 = arith.constant 576 : i32
    %add3A_107 = arith.addi %mul3A_69, %add3A_106 : i32
    "tpu.region"() ({
      %run_scoped3A = tpu.sem_alloc : memref<!tpu.dma_semaphore, #tpu.memory_space<semaphore_mem>>
      %dma_start3A_291 = arith.constant 0 : i32
      %dma_start3A_292 = arith.constant 0 : i32
      %dma_start3A_293 = tpu.memref_slice %arg14[%dma_start3A_291, %dma_start3A_292] : memref<32x128xf32, #tpu.memory_space<vmem>> -> memref<32x128xf32, #tpu.memory_space<vmem>>
      %dma_start3A_294 = arith.constant 0 : i32
      %dma_start3A_295 = tpu.memref_slice %arg19[%add3A_107, %dma_start3A_294] : memref<10112x128xf32, #tpu.memory_space<vmem_shared>> -> memref<32x128xf32, #tpu.memory_space<vmem_shared>>
      %dma_start3A_296 = arith.constant 0 : i32
      %dma_start3A_297 = tpu.memref_slice %arg19[%add3A_107, %dma_start3A_296] : memref<10112x128xf32, #tpu.memory_space<vmem_shared>> -> memref<32x128xf32, #tpu.memory_space<vmem_shared>>
      %dma_start3A_298 = arith.constant 0 : i32
      %dma_start3A_299 = arith.constant 0 : i32
      %dma_start3A_300 = tpu.memref_slice %arg14[%dma_start3A_298, %dma_start3A_299] : memref<32x128xf32, #tpu.memory_space<vmem>> -> memref<32x128xf32, #tpu.memory_space<vmem>>
      tpu.enqueue_dma source(%dma_start3A_300 : memref<32x128xf32, #tpu.memory_space<vmem>>) target(%dma_start3A_297 : memref<32x128xf32, #tpu.memory_space<vmem_shared>>) target_semaphore(%run_scoped3A : memref<!tpu.dma_semaphore, #tpu.memory_space<semaphore_mem>>)
      %dma_wait3A_301 = arith.constant 0 : i32
      %dma_wait3A_302 = arith.constant 0 : i32
      %dma_wait3A_303 = tpu.memref_slice %arg14[%dma_wait3A_301, %dma_wait3A_302] : memref<32x128xf32, #tpu.memory_space<vmem>> -> memref<32x128xf32, #tpu.memory_space<vmem>>
      %dma_wait3A_304 = arith.constant 0 : i32
      %dma_wait3A_305 = tpu.memref_slice %arg19[%add3A_107, %dma_wait3A_304] : memref<10112x128xf32, #tpu.memory_space<vmem_shared>> -> memref<32x128xf32, #tpu.memory_space<vmem_shared>>
      %dma_wait3A_306 = arith.constant 0 : i32
      %dma_wait3A_307 = tpu.memref_slice %arg19[%add3A_107, %dma_wait3A_306] : memref<10112x128xf32, #tpu.memory_space<vmem_shared>> -> memref<32x128xf32, #tpu.memory_space<vmem_shared>>
      %dma_wait3A_308 = arith.constant 0 : i32
      %dma_wait3A_309 = arith.constant 0 : i32
      %dma_wait3A_310 = tpu.memref_slice %arg14[%dma_wait3A_308, %dma_wait3A_309] : memref<32x128xf32, #tpu.memory_space<vmem>> -> memref<32x128xf32, #tpu.memory_space<vmem>>
      tpu.wait_dma2 semaphore(%run_scoped3A : memref<!tpu.dma_semaphore, #tpu.memory_space<semaphore_mem>>) src(%dma_wait3A_310 : memref<32x128xf32, #tpu.memory_space<vmem>>) dst(%dma_wait3A_307 : memref<32x128xf32, #tpu.memory_space<vmem_shared>>)
      tpu.yield
    }) : () -> ()
    %add3A_108 = arith.constant 608 : i32
    %add3A_109 = arith.addi %mul3A_69, %add3A_108 : i32
    "tpu.region"() ({
      %run_scoped3A = tpu.sem_alloc : memref<!tpu.dma_semaphore, #tpu.memory_space<semaphore_mem>>
      %dma_start3A_291 = arith.constant 0 : i32
      %dma_start3A_292 = arith.constant 0 : i32
      %dma_start3A_293 = tpu.memref_slice %arg14[%dma_start3A_291, %dma_start3A_292] : memref<32x128xf32, #tpu.memory_space<vmem>> -> memref<24x128xf32, #tpu.memory_space<vmem>>
      %dma_start3A_294 = arith.constant 0 : i32
      %dma_start3A_295 = tpu.memref_slice %arg19[%add3A_109, %dma_start3A_294] : memref<10112x128xf32, #tpu.memory_space<vmem_shared>> -> memref<24x128xf32, #tpu.memory_space<vmem_shared>>
      %dma_start3A_296 = arith.constant 0 : i32
      %dma_start3A_297 = tpu.memref_slice %arg19[%add3A_109, %dma_start3A_296] : memref<10112x128xf32, #tpu.memory_space<vmem_shared>> -> memref<24x128xf32, #tpu.memory_space<vmem_shared>>
      %dma_start3A_298 = arith.constant 0 : i32
      %dma_start3A_299 = arith.constant 0 : i32
      %dma_start3A_300 = tpu.memref_slice %arg14[%dma_start3A_298, %dma_start3A_299] : memref<32x128xf32, #tpu.memory_space<vmem>> -> memref<24x128xf32, #tpu.memory_space<vmem>>
      tpu.enqueue_dma source(%dma_start3A_300 : memref<24x128xf32, #tpu.memory_space<vmem>>) target(%dma_start3A_297 : memref<24x128xf32, #tpu.memory_space<vmem_shared>>) target_semaphore(%run_scoped3A : memref<!tpu.dma_semaphore, #tpu.memory_space<semaphore_mem>>)
      %dma_wait3A_301 = arith.constant 0 : i32
      %dma_wait3A_302 = arith.constant 0 : i32
      %dma_wait3A_303 = tpu.memref_slice %arg14[%dma_wait3A_301, %dma_wait3A_302] : memref<32x128xf32, #tpu.memory_space<vmem>> -> memref<24x128xf32, #tpu.memory_space<vmem>>
      %dma_wait3A_304 = arith.constant 0 : i32
      %dma_wait3A_305 = tpu.memref_slice %arg19[%add3A_109, %dma_wait3A_304] : memref<10112x128xf32, #tpu.memory_space<vmem_shared>> -> memref<24x128xf32, #tpu.memory_space<vmem_shared>>
      %dma_wait3A_306 = arith.constant 0 : i32
      %dma_wait3A_307 = tpu.memref_slice %arg19[%add3A_109, %dma_wait3A_306] : memref<10112x128xf32, #tpu.memory_space<vmem_shared>> -> memref<24x128xf32, #tpu.memory_space<vmem_shared>>
      %dma_wait3A_308 = arith.constant 0 : i32
      %dma_wait3A_309 = arith.constant 0 : i32
      %dma_wait3A_310 = tpu.memref_slice %arg14[%dma_wait3A_308, %dma_wait3A_309] : memref<32x128xf32, #tpu.memory_space<vmem>> -> memref<24x128xf32, #tpu.memory_space<vmem>>
      tpu.wait_dma2 semaphore(%run_scoped3A : memref<!tpu.dma_semaphore, #tpu.memory_space<semaphore_mem>>) src(%dma_wait3A_310 : memref<24x128xf32, #tpu.memory_space<vmem>>) dst(%dma_wait3A_307 : memref<24x128xf32, #tpu.memory_space<vmem_shared>>)
      tpu.yield
    }) : () -> ()
    %barrier3A = arith.constant 0 : index
    tpu.barrier barrier_id(%barrier3A)
    %mul3A_110 = arith.constant 10000 : i32
    %mul3A_111 = arith.muli %add3A, %mul3A_110 : i32
    "tpu.region"() ({
      %run_scoped3A = tpu.sem_alloc : memref<!tpu.dma_semaphore, #tpu.memory_space<semaphore_mem>>
      %dma_start3A_291 = tpu.memref_slice %arg2[%mul3A_111] : memref<320000xi32, #tpu.memory_space<hbm>> -> memref<10000xi32, #tpu.memory_space<hbm>>
      %dma_start3A_292 = tpu.memref_slice %arg2[%mul3A_111] : memref<320000xi32, #tpu.memory_space<hbm>> -> memref<10000xi32, #tpu.memory_space<hbm>>
      tpu.enqueue_dma source(%dma_start3A_292 : memref<10000xi32, #tpu.memory_space<hbm>>) target(%arg10 : memref<10000xi32, #tpu.memory_space<vmem>>) target_semaphore(%run_scoped3A : memref<!tpu.dma_semaphore, #tpu.memory_space<semaphore_mem>>)
      %dma_wait3A_293 = tpu.memref_slice %arg2[%mul3A_111] : memref<320000xi32, #tpu.memory_space<hbm>> -> memref<10000xi32, #tpu.memory_space<hbm>>
      %dma_wait3A_294 = tpu.memref_slice %arg2[%mul3A_111] : memref<320000xi32, #tpu.memory_space<hbm>> -> memref<10000xi32, #tpu.memory_space<hbm>>
      tpu.wait_dma2 semaphore(%run_scoped3A : memref<!tpu.dma_semaphore, #tpu.memory_space<semaphore_mem>>) src(%dma_wait3A_294 : memref<10000xi32, #tpu.memory_space<hbm>>) dst(%arg10 : memref<10000xi32, #tpu.memory_space<vmem>>)
      tpu.yield
    }) : () -> ()
    "tpu.region"() ({
      %run_scoped3A = tpu.sem_alloc : memref<!tpu.dma_semaphore, #tpu.memory_space<semaphore_mem>>
      %dma_start3A_291 = tpu.memref_slice %arg3[%mul3A_111] : memref<320000xi32, #tpu.memory_space<hbm>> -> memref<10000xi32, #tpu.memory_space<hbm>>
      %dma_start3A_292 = tpu.memref_slice %arg3[%mul3A_111] : memref<320000xi32, #tpu.memory_space<hbm>> -> memref<10000xi32, #tpu.memory_space<hbm>>
      tpu.enqueue_dma source(%dma_start3A_292 : memref<10000xi32, #tpu.memory_space<hbm>>) target(%arg11 : memref<10000xi32, #tpu.memory_space<vmem>>) target_semaphore(%run_scoped3A : memref<!tpu.dma_semaphore, #tpu.memory_space<semaphore_mem>>)
      %dma_wait3A_293 = tpu.memref_slice %arg3[%mul3A_111] : memref<320000xi32, #tpu.memory_space<hbm>> -> memref<10000xi32, #tpu.memory_space<hbm>>
      %dma_wait3A_294 = tpu.memref_slice %arg3[%mul3A_111] : memref<320000xi32, #tpu.memory_space<hbm>> -> memref<10000xi32, #tpu.memory_space<hbm>>
      tpu.wait_dma2 semaphore(%run_scoped3A : memref<!tpu.dma_semaphore, #tpu.memory_space<semaphore_mem>>) src(%dma_wait3A_294 : memref<10000xi32, #tpu.memory_space<hbm>>) dst(%arg11 : memref<10000xi32, #tpu.memory_space<vmem>>)
      tpu.yield
    }) : () -> ()
    %dma_start3A = arith.constant 0 : i32
    %dma_start3A_112 = arith.constant 0 : i32
    %dma_start3A_113 = tpu.memref_slice %arg12[%dma_start3A, %dma_start3A_112] : memref<32x256xf32, #tpu.memory_space<vmem>> -> memref<16x256xf32, #tpu.memory_space<vmem>>
    %dma_start3A_114 = arith.constant 0 : i32
    %dma_start3A_115 = tpu.memref_slice %arg10[%dma_start3A_114] : memref<10000xi32, #tpu.memory_space<vmem>> -> memref<16xi32, #tpu.memory_space<vmem>>
    %dma_start3A_116 = arith.constant 0 : i32
    %dma_start3A_117 = arith.constant 0 : i32
    %dma_start3A_118 = tpu.memref_slice %arg4[%dma_start3A_116, %dma_start3A_117] : memref<10000x256xf32, #tpu.memory_space<hbm>> -> memref<10000x256xf32, #tpu.memory_space<hbm>>
    tpu.enqueue_indirect_dma source(%dma_start3A_118 : memref<10000x256xf32, #tpu.memory_space<hbm>>) target(%dma_start3A_113 : memref<16x256xf32, #tpu.memory_space<vmem>>) offsets(%dma_start3A_115 : memref<16xi32, #tpu.memory_space<vmem>>) semaphore(%arg20 : memref<!tpu.dma_semaphore, #tpu.memory_space<semaphore_mem>>)
    %dma_start3A_119 = arith.constant 0 : i32
    %dma_start3A_120 = arith.constant 0 : i32
    %dma_start3A_121 = tpu.memref_slice %arg13[%dma_start3A_119, %dma_start3A_120] : memref<32x384xf32, #tpu.memory_space<vmem>> -> memref<16x384xf32, #tpu.memory_space<vmem>>
    %dma_start3A_122 = arith.constant 0 : i32
    %dma_start3A_123 = tpu.memref_slice %arg11[%dma_start3A_122] : memref<10000xi32, #tpu.memory_space<vmem>> -> memref<16xi32, #tpu.memory_space<vmem>>
    %dma_start3A_124 = arith.constant 0 : i32
    %dma_start3A_125 = arith.constant 0 : i32
    %dma_start3A_126 = tpu.memref_slice %arg5[%dma_start3A_124, %dma_start3A_125] : memref<10000x384xf32, #tpu.memory_space<hbm>> -> memref<10000x384xf32, #tpu.memory_space<hbm>>
    tpu.enqueue_indirect_dma source(%dma_start3A_126 : memref<10000x384xf32, #tpu.memory_space<hbm>>) target(%dma_start3A_121 : memref<16x384xf32, #tpu.memory_space<vmem>>) offsets(%dma_start3A_123 : memref<16xi32, #tpu.memory_space<vmem>>) semaphore(%arg20 : memref<!tpu.dma_semaphore, #tpu.memory_space<semaphore_mem>>)
    %dma_wait3A = arith.constant 0 : i32
    %dma_wait3A_127 = arith.constant 0 : i32
    %dma_wait3A_128 = tpu.memref_slice %arg12[%dma_wait3A, %dma_wait3A_127] : memref<32x256xf32, #tpu.memory_space<vmem>> -> memref<16x256xf32, #tpu.memory_space<vmem>>
    %dma_wait3A_129 = arith.constant 0 : i32
    %dma_wait3A_130 = tpu.memref_slice %arg10[%dma_wait3A_129] : memref<10000xi32, #tpu.memory_space<vmem>> -> memref<16xi32, #tpu.memory_space<vmem>>
    %dma_wait3A_131 = arith.constant 0 : i32
    %dma_wait3A_132 = arith.constant 0 : i32
    %dma_wait3A_133 = tpu.memref_slice %arg4[%dma_wait3A_131, %dma_wait3A_132] : memref<10000x256xf32, #tpu.memory_space<hbm>> -> memref<10000x256xf32, #tpu.memory_space<hbm>>
    tpu.wait_indirect_dma semaphore(%arg20 : memref<!tpu.dma_semaphore, #tpu.memory_space<semaphore_mem>>) src(%dma_wait3A_133 : memref<10000x256xf32, #tpu.memory_space<hbm>>) dst(%dma_wait3A_128 : memref<16x256xf32, #tpu.memory_space<vmem>>)
    %dma_wait3A_134 = arith.constant 0 : i32
    %dma_wait3A_135 = arith.constant 0 : i32
    %dma_wait3A_136 = tpu.memref_slice %arg13[%dma_wait3A_134, %dma_wait3A_135] : memref<32x384xf32, #tpu.memory_space<vmem>> -> memref<16x384xf32, #tpu.memory_space<vmem>>
    %dma_wait3A_137 = arith.constant 0 : i32
    %dma_wait3A_138 = tpu.memref_slice %arg11[%dma_wait3A_137] : memref<10000xi32, #tpu.memory_space<vmem>> -> memref<16xi32, #tpu.memory_space<vmem>>
    %dma_wait3A_139 = arith.constant 0 : i32
    %dma_wait3A_140 = arith.constant 0 : i32
    %dma_wait3A_141 = tpu.memref_slice %arg5[%dma_wait3A_139, %dma_wait3A_140] : memref<10000x384xf32, #tpu.memory_space<hbm>> -> memref<10000x384xf32, #tpu.memory_space<hbm>>
    tpu.wait_indirect_dma semaphore(%arg20 : memref<!tpu.dma_semaphore, #tpu.memory_space<semaphore_mem>>) src(%dma_wait3A_141 : memref<10000x384xf32, #tpu.memory_space<hbm>>) dst(%dma_wait3A_136 : memref<16x384xf32, #tpu.memory_space<vmem>>)
    %dma_start3A_142 = arith.constant 16 : i32
    %dma_start3A_143 = arith.constant 0 : i32
    %dma_start3A_144 = tpu.memref_slice %arg12[%dma_start3A_142, %dma_start3A_143] : memref<32x256xf32, #tpu.memory_space<vmem>> -> memref<16x256xf32, #tpu.memory_space<vmem>>
    %dma_start3A_145 = arith.constant 16 : i32
    %dma_start3A_146 = tpu.memref_slice %arg10[%dma_start3A_145] : memref<10000xi32, #tpu.memory_space<vmem>> -> memref<16xi32, #tpu.memory_space<vmem>>
    %dma_start3A_147 = arith.constant 0 : i32
    %dma_start3A_148 = arith.constant 0 : i32
    %dma_start3A_149 = tpu.memref_slice %arg4[%dma_start3A_147, %dma_start3A_148] : memref<10000x256xf32, #tpu.memory_space<hbm>> -> memref<10000x256xf32, #tpu.memory_space<hbm>>
    tpu.enqueue_indirect_dma source(%dma_start3A_149 : memref<10000x256xf32, #tpu.memory_space<hbm>>) target(%dma_start3A_144 : memref<16x256xf32, #tpu.memory_space<vmem>>) offsets(%dma_start3A_146 : memref<16xi32, #tpu.memory_space<vmem>>) semaphore(%arg21 : memref<!tpu.dma_semaphore, #tpu.memory_space<semaphore_mem>>)
    %dma_start3A_150 = arith.constant 16 : i32
    %dma_start3A_151 = arith.constant 0 : i32
    %dma_start3A_152 = tpu.memref_slice %arg13[%dma_start3A_150, %dma_start3A_151] : memref<32x384xf32, #tpu.memory_space<vmem>> -> memref<16x384xf32, #tpu.memory_space<vmem>>
    %dma_start3A_153 = arith.constant 16 : i32
    %dma_start3A_154 = tpu.memref_slice %arg11[%dma_start3A_153] : memref<10000xi32, #tpu.memory_space<vmem>> -> memref<16xi32, #tpu.memory_space<vmem>>
    %dma_start3A_155 = arith.constant 0 : i32
    %dma_start3A_156 = arith.constant 0 : i32
    %dma_start3A_157 = tpu.memref_slice %arg5[%dma_start3A_155, %dma_start3A_156] : memref<10000x384xf32, #tpu.memory_space<hbm>> -> memref<10000x384xf32, #tpu.memory_space<hbm>>
    tpu.enqueue_indirect_dma source(%dma_start3A_157 : memref<10000x384xf32, #tpu.memory_space<hbm>>) target(%dma_start3A_152 : memref<16x384xf32, #tpu.memory_space<vmem>>) offsets(%dma_start3A_154 : memref<16xi32, #tpu.memory_space<vmem>>) semaphore(%arg21 : memref<!tpu.dma_semaphore, #tpu.memory_space<semaphore_mem>>)
    %broadcast_in_dim3A_158 = arith.constant 0.000000e+00 : f32
    %broadcast_in_dim3A_159 = vector.broadcast %broadcast_in_dim3A_158 : f32 to vector<16xf32>
    %get3A_160 = arith.constant 0 : index
    %get3A_161 = tpu.vector_load %arg10[%get3A_160] {strides = array<i32>} : memref<10000xi32, #tpu.memory_space<vmem>>, vector<16xi32>,
    %swap3A_162 = arith.constant 0 : i32
    %swap3A_163 = arith.index_cast %swap3A_162 : i32 to index
    %swap3A_164 = arith.constant 0 : index
    %swap3A_165 = tpu.vector_load %arg15[%swap3A_163, %swap3A_164] {strides = array<i32>} : memref<2x16xi32, #tpu.memory_space<vmem>>, vector<16xi32>,
    tpu.vector_store %arg15[%swap3A_163, %swap3A_164], %get3A_161 {strides = array<i32>} : memref<2x16xi32, #tpu.memory_space<vmem>>, vector<16xi32>,
    %scan3A_166 = arith.constant 0 : i32
    %scan3A_167 = arith.constant 16 : i32
    %scan3A_168 = arith.addi %scan3A_166, %scan3A_167 : i32
    %scan3A_169 = arith.constant 1 : i32
    %scan3A_170 = scf.for %scan3A_291 = %scan3A_166 to %scan3A_168 step %scan3A_169 iter_args(%scan3A_292 = %broadcast_in_dim3A_159) -> (vector<16xf32>)  : i32 {
      %add3A_293 = arith.constant 0 : i32
      %add3A_294 = arith.addi %add3A_293, %scan3A_291 : i32
      %get3A_295 = arith.index_cast %add3A_294 : i32 to index
      %get3A_296 = arith.constant 128 : index
      %get3A_297 = tpu.vector_load %arg12[%get3A_295, %get3A_296] {strides = array<i32>} : memref<32x256xf32, #tpu.memory_space<vmem>>, vector<16xf32>,
      %get3A_298 = arith.index_cast %add3A_294 : i32 to index
      %get3A_299 = arith.constant 256 : index
      %get3A_300 = tpu.vector_load %arg13[%get3A_298, %get3A_299] {strides = array<i32>} : memref<32x384xf32, #tpu.memory_space<vmem>>, vector<16xf32>,
      %sub3A = arith.subf %get3A_297, %get3A_300 : vector<16xf32>
      %mul3A_301 = arith.mulf %sub3A, %sub3A : vector<16xf32>
      %reduce_sum3A = arith.constant true
      %reduce_sum3A_302 = vector.broadcast %reduce_sum3A : i1 to vector<16xi1>
      %reduce_sum3A_303 = tpu.scan <sum>, %mul3A_301 masked %reduce_sum3A_302 : vector<16xf32>, vector<16xi1> -> vector<16xf32>
      %reduce_sum3A_304 = vector.extract %reduce_sum3A_303[15] : f32 from vector<16xf32>
      %add3A_305 = arith.constant 9.99999996E-13 : f32
      %add3A_306 = arith.addf %reduce_sum3A_304, %add3A_305 : f32
      %broadcast_in_dim3A_307 = vector.broadcast %add3A_306 : f32 to vector<16xf32>
      %bitcast3A = vector.bitcast %broadcast_in_dim3A_307 : vector<16xf32> to vector<16xi32>
      %shift_right_logical3A = arith.constant 1 : i32
      %shift_right_logical3A_308 = vector.broadcast %shift_right_logical3A : i32 to vector<16xi32>
      %shift_right_logical3A_309 = arith.shrui %bitcast3A, %shift_right_logical3A_308 : vector<16xi32>
      %sub3A_310 = arith.constant 1597463007 : i32
      %sub3A_311 = vector.broadcast %sub3A_310 : i32 to vector<16xi32>
      %sub3A_312 = arith.subi %sub3A_311, %shift_right_logical3A_309 : vector<16xi32>
      %bitcast3A_313 = vector.bitcast %sub3A_312 : vector<16xi32> to vector<16xf32>
      %mul3A_314 = arith.constant 5.000000e-01 : f32
      %mul3A_315 = vector.broadcast %mul3A_314 : f32 to vector<16xf32>
      %mul3A_316 = arith.mulf %mul3A_315, %broadcast_in_dim3A_307 : vector<16xf32>
      %mul3A_317 = arith.mulf %mul3A_316, %bitcast3A_313 : vector<16xf32>
      %mul3A_318 = arith.mulf %mul3A_317, %bitcast3A_313 : vector<16xf32>
      %sub3A_319 = arith.constant 1.500000e+00 : f32
      %sub3A_320 = vector.broadcast %sub3A_319 : f32 to vector<16xf32>
      %sub3A_321 = arith.subf %sub3A_320, %mul3A_318 : vector<16xf32>
      %mul3A_322 = arith.mulf %bitcast3A_313, %sub3A_321 : vector<16xf32>
      %mul3A_323 = arith.constant 5.000000e-01 : f32
      %mul3A_324 = vector.broadcast %mul3A_323 : f32 to vector<16xf32>
      %mul3A_325 = arith.mulf %mul3A_324, %broadcast_in_dim3A_307 : vector<16xf32>
      %mul3A_326 = arith.mulf %mul3A_325, %mul3A_322 : vector<16xf32>
      %mul3A_327 = arith.mulf %mul3A_326, %mul3A_322 : vector<16xf32>
      %sub3A_328 = arith.constant 1.500000e+00 : f32
      %sub3A_329 = vector.broadcast %sub3A_328 : f32 to vector<16xf32>
      %sub3A_330 = arith.subf %sub3A_329, %mul3A_327 : vector<16xf32>
      %mul3A_331 = arith.mulf %mul3A_322, %sub3A_330 : vector<16xf32>
      %mul3A_332 = arith.constant 5.000000e-01 : f32
      %mul3A_333 = vector.broadcast %mul3A_332 : f32 to vector<16xf32>
      %mul3A_334 = arith.mulf %mul3A_333, %broadcast_in_dim3A_307 : vector<16xf32>
      %mul3A_335 = arith.mulf %mul3A_334, %mul3A_331 : vector<16xf32>
      %mul3A_336 = arith.mulf %mul3A_335, %mul3A_331 : vector<16xf32>
      %sub3A_337 = arith.constant 1.500000e+00 : f32
      %sub3A_338 = vector.broadcast %sub3A_337 : f32 to vector<16xf32>
      %sub3A_339 = arith.subf %sub3A_338, %mul3A_336 : vector<16xf32>
      %mul3A_340 = arith.mulf %mul3A_331, %sub3A_339 : vector<16xf32>
      %mul3A_341 = arith.mulf %broadcast_in_dim3A_307, %mul3A_340 : vector<16xf32>
      %mul3A_342 = arith.mulf %mul3A_341, %get3A_1 : vector<16xf32>
      %add3A_343 = arith.addf %mul3A_342, %get3A_3 : vector<16xf32>
      %neg3A = arith.constant 0.000000e+00 : f32
      %neg3A_344 = vector.broadcast %neg3A : f32 to vector<16xf32>
      %neg3A_345 = arith.subf %neg3A_344, %add3A_343 : vector<16xf32>
      %mul3A_346 = arith.constant 1.44269502 : f32
      %mul3A_347 = vector.broadcast %mul3A_346 : f32 to vector<16xf32>
      %mul3A_348 = arith.mulf %neg3A_345, %mul3A_347 : vector<16xf32>
      %ge3A = arith.constant 0.000000e+00 : f32
      %ge3A_349 = vector.broadcast %ge3A : f32 to vector<16xf32>
      %ge3A_350 = arith.cmpf oge, %mul3A_348, %ge3A_349 : vector<16xf32>
      %add3A_351 = arith.constant 5.000000e-01 : f32
      %add3A_352 = vector.broadcast %add3A_351 : f32 to vector<16xf32>
      %add3A_353 = arith.addf %mul3A_348, %add3A_352 : vector<16xf32>
      %sub3A_354 = arith.constant 5.000000e-01 : f32
      %sub3A_355 = vector.broadcast %sub3A_354 : f32 to vector<16xf32>
      %sub3A_356 = arith.subf %mul3A_348, %sub3A_355 : vector<16xf32>
      %select_n3A_357 = arith.select %ge3A_350, %add3A_353, %sub3A_356 : vector<16xi1>, vector<16xf32>
      %convert_element_type3A_358 = arith.fptosi %select_n3A_357 : vector<16xf32> to vector<16xi32>
      %convert_element_type3A_359 = arith.sitofp %convert_element_type3A_358 : vector<16xi32> to vector<16xf32>
      %mul3A_360 = arith.constant 0.693147182 : f32
      %mul3A_361 = vector.broadcast %mul3A_360 : f32 to vector<16xf32>
      %mul3A_362 = arith.mulf %convert_element_type3A_359, %mul3A_361 : vector<16xf32>
      %sub3A_363 = arith.subf %neg3A_345, %mul3A_362 : vector<16xf32>
      %mul3A_364 = arith.constant 0.00833333377 : f32
      %mul3A_365 = vector.broadcast %mul3A_364 : f32 to vector<16xf32>
      %mul3A_366 = arith.mulf %mul3A_365, %sub3A_363 : vector<16xf32>
      %add3A_367 = arith.constant 0.0416666679 : f32
      %add3A_368 = vector.broadcast %add3A_367 : f32 to vector<16xf32>
      %add3A_369 = arith.addf %mul3A_366, %add3A_368 : vector<16xf32>
      %mul3A_370 = arith.mulf %add3A_369, %sub3A_363 : vector<16xf32>
      %add3A_371 = arith.constant 0.166666672 : f32
      %add3A_372 = vector.broadcast %add3A_371 : f32 to vector<16xf32>
      %add3A_373 = arith.addf %mul3A_370, %add3A_372 : vector<16xf32>
      %mul3A_374 = arith.mulf %add3A_373, %sub3A_363 : vector<16xf32>
      %add3A_375 = arith.constant 5.000000e-01 : f32
      %add3A_376 = vector.broadcast %add3A_375 : f32 to vector<16xf32>
      %add3A_377 = arith.addf %mul3A_374, %add3A_376 : vector<16xf32>
      %mul3A_378 = arith.mulf %add3A_377, %sub3A_363 : vector<16xf32>
      %add3A_379 = arith.constant 1.000000e+00 : f32
      %add3A_380 = vector.broadcast %add3A_379 : f32 to vector<16xf32>
      %add3A_381 = arith.addf %mul3A_378, %add3A_380 : vector<16xf32>
      %mul3A_382 = arith.mulf %add3A_381, %sub3A_363 : vector<16xf32>
      %add3A_383 = arith.constant 1.000000e+00 : f32
      %add3A_384 = vector.broadcast %add3A_383 : f32 to vector<16xf32>
      %add3A_385 = arith.addf %mul3A_382, %add3A_384 : vector<16xf32>
      %add3A_386 = arith.constant 127 : i32
      %add3A_387 = vector.broadcast %add3A_386 : i32 to vector<16xi32>
      %add3A_388 = arith.addi %convert_element_type3A_358, %add3A_387 : vector<16xi32>
      %shift_left3A = arith.constant 23 : i32
      %shift_left3A_389 = vector.broadcast %shift_left3A : i32 to vector<16xi32>
      %shift_left3A_390 = arith.shli %add3A_388, %shift_left3A_389 : vector<16xi32>
      %bitcast3A_391 = vector.bitcast %shift_left3A_390 : vector<16xi32> to vector<16xf32>
      %mul3A_392 = arith.mulf %add3A_385, %bitcast3A_391 : vector<16xf32>
      %add3A_393 = arith.constant 1.000000e+00 : f32
      %add3A_394 = vector.broadcast %add3A_393 : f32 to vector<16xf32>
      %add3A_395 = arith.addf %add3A_394, %mul3A_392 : vector<16xf32>
      %bitcast3A_396 = vector.bitcast %add3A_395 : vector<16xf32> to vector<16xi32>
      %sub3A_397 = arith.constant 2129859011 : i32
      %sub3A_398 = vector.broadcast %sub3A_397 : i32 to vector<16xi32>
      %sub3A_399 = arith.subi %sub3A_398, %bitcast3A_396 : vector<16xi32>
      %bitcast3A_400 = vector.bitcast %sub3A_399 : vector<16xi32> to vector<16xf32>
      %mul3A_401 = arith.mulf %add3A_395, %bitcast3A_400 : vector<16xf32>
      %sub3A_402 = arith.constant 2.000000e+00 : f32
      %sub3A_403 = vector.broadcast %sub3A_402 : f32 to vector<16xf32>
      %sub3A_404 = arith.subf %sub3A_403, %mul3A_401 : vector<16xf32>
      %mul3A_405 = arith.mulf %bitcast3A_400, %sub3A_404 : vector<16xf32>
      %mul3A_406 = arith.mulf %add3A_395, %mul3A_405 : vector<16xf32>
      %sub3A_407 = arith.constant 2.000000e+00 : f32
      %sub3A_408 = vector.broadcast %sub3A_407 : f32 to vector<16xf32>
      %sub3A_409 = arith.subf %sub3A_408, %mul3A_406 : vector<16xf32>
      %mul3A_410 = arith.mulf %mul3A_405, %sub3A_409 : vector<16xf32>
      %mul3A_411 = arith.mulf %add3A_395, %mul3A_410 : vector<16xf32>
      %sub3A_412 = arith.constant 2.000000e+00 : f32
      %sub3A_413 = vector.broadcast %sub3A_412 : f32 to vector<16xf32>
      %sub3A_414 = arith.subf %sub3A_413, %mul3A_411 : vector<16xf32>
      %mul3A_415 = arith.mulf %mul3A_410, %sub3A_414 : vector<16xf32>
      %get3A_416 = arith.index_cast %add3A_294 : i32 to index
      %get3A_417 = arith.constant 0 : index
      %get3A_418 = tpu.vector_load %arg12[%get3A_416, %get3A_417] {strides = array<i32>} : memref<32x256xf32, #tpu.memory_space<vmem>>, vector<16xf32>,
      %get3A_419 = arith.index_cast %add3A_294 : i32 to index
      %get3A_420 = arith.constant 0 : index
      %get3A_421 = tpu.vector_load %arg13[%get3A_419, %get3A_420] {strides = array<i32>} : memref<32x384xf32, #tpu.memory_space<vmem>>, vector<16xf32>,
      %mul3A_422 = arith.mulf %get3A_418, %get3A_421 : vector<16xf32>
      %reduce_sum3A_423 = arith.constant true
      %reduce_sum3A_424 = vector.broadcast %reduce_sum3A_423 : i1 to vector<16xi1>
      %reduce_sum3A_425 = tpu.scan <sum>, %mul3A_422 masked %reduce_sum3A_424 : vector<16xf32>, vector<16xi1> -> vector<16xf32>
      %reduce_sum3A_426 = vector.extract %reduce_sum3A_425[15] : f32 from vector<16xf32>
      %eq3A_427 = arith.constant 0 : i32
      %eq3A_428 = vector.broadcast %eq3A_427 : i32 to vector<16xi32>
      %eq3A_429 = arith.cmpi eq, %iota3A, %eq3A_428 : vector<16xi32>
      %broadcast_in_dim3A_430 = vector.broadcast %reduce_sum3A_426 : f32 to vector<16xf32>
      %select_n3A_431 = arith.select %eq3A_429, %broadcast_in_dim3A_430, %broadcast_in_dim3A_4 : vector<16xi1>, vector<16xf32>
      %get3A_432 = arith.index_cast %add3A_294 : i32 to index
      %get3A_433 = arith.constant 16 : index
      %get3A_434 = tpu.vector_load %arg12[%get3A_432, %get3A_433] {strides = array<i32>} : memref<32x256xf32, #tpu.memory_space<vmem>>, vector<16xf32>,
      %get3A_435 = arith.index_cast %add3A_294 : i32 to index
      %get3A_436 = arith.constant 16 : index
      %get3A_437 = tpu.vector_load %arg13[%get3A_435, %get3A_436] {strides = array<i32>} : memref<32x384xf32, #tpu.memory_space<vmem>>, vector<16xf32>,
      %mul3A_438 = arith.mulf %get3A_434, %get3A_437 : vector<16xf32>
      %reduce_sum3A_439 = arith.constant true
      %reduce_sum3A_440 = vector.broadcast %reduce_sum3A_439 : i1 to vector<16xi1>
      %reduce_sum3A_441 = tpu.scan <sum>, %mul3A_438 masked %reduce_sum3A_440 : vector<16xf32>, vector<16xi1> -> vector<16xf32>
      %reduce_sum3A_442 = vector.extract %reduce_sum3A_441[15] : f32 from vector<16xf32>
      %eq3A_443 = arith.constant 1 : i32
      %eq3A_444 = vector.broadcast %eq3A_443 : i32 to vector<16xi32>
      %eq3A_445 = arith.cmpi eq, %iota3A, %eq3A_444 : vector<16xi32>
      %broadcast_in_dim3A_446 = vector.broadcast %reduce_sum3A_442 : f32 to vector<16xf32>
      %select_n3A_447 = arith.select %eq3A_445, %broadcast_in_dim3A_446, %select_n3A_431 : vector<16xi1>, vector<16xf32>
      %get3A_448 = arith.index_cast %add3A_294 : i32 to index
      %get3A_449 = arith.constant 32 : index
      %get3A_450 = tpu.vector_load %arg12[%get3A_448, %get3A_449] {strides = array<i32>} : memref<32x256xf32, #tpu.memory_space<vmem>>, vector<16xf32>,
      %get3A_451 = arith.index_cast %add3A_294 : i32 to index
      %get3A_452 = arith.constant 32 : index
      %get3A_453 = tpu.vector_load %arg13[%get3A_451, %get3A_452] {strides = array<i32>} : memref<32x384xf32, #tpu.memory_space<vmem>>, vector<16xf32>,
      %mul3A_454 = arith.mulf %get3A_450, %get3A_453 : vector<16xf32>
      %reduce_sum3A_455 = arith.constant true
      %reduce_sum3A_456 = vector.broadcast %reduce_sum3A_455 : i1 to vector<16xi1>
      %reduce_sum3A_457 = tpu.scan <sum>, %mul3A_454 masked %reduce_sum3A_456 : vector<16xf32>, vector<16xi1> -> vector<16xf32>
      %reduce_sum3A_458 = vector.extract %reduce_sum3A_457[15] : f32 from vector<16xf32>
      %eq3A_459 = arith.constant 2 : i32
      %eq3A_460 = vector.broadcast %eq3A_459 : i32 to vector<16xi32>
      %eq3A_461 = arith.cmpi eq, %iota3A, %eq3A_460 : vector<16xi32>
      %broadcast_in_dim3A_462 = vector.broadcast %reduce_sum3A_458 : f32 to vector<16xf32>
      %select_n3A_463 = arith.select %eq3A_461, %broadcast_in_dim3A_462, %select_n3A_447 : vector<16xi1>, vector<16xf32>
      %get3A_464 = arith.index_cast %add3A_294 : i32 to index
      %get3A_465 = arith.constant 48 : index
      %get3A_466 = tpu.vector_load %arg12[%get3A_464, %get3A_465] {strides = array<i32>} : memref<32x256xf32, #tpu.memory_space<vmem>>, vector<16xf32>,
      %get3A_467 = arith.index_cast %add3A_294 : i32 to index
      %get3A_468 = arith.constant 48 : index
      %get3A_469 = tpu.vector_load %arg13[%get3A_467, %get3A_468] {strides = array<i32>} : memref<32x384xf32, #tpu.memory_space<vmem>>, vector<16xf32>,
      %mul3A_470 = arith.mulf %get3A_466, %get3A_469 : vector<16xf32>
      %reduce_sum3A_471 = arith.constant true
      %reduce_sum3A_472 = vector.broadcast %reduce_sum3A_471 : i1 to vector<16xi1>
      %reduce_sum3A_473 = tpu.scan <sum>, %mul3A_470 masked %reduce_sum3A_472 : vector<16xf32>, vector<16xi1> -> vector<16xf32>
      %reduce_sum3A_474 = vector.extract %reduce_sum3A_473[15] : f32 from vector<16xf32>
      %eq3A_475 = arith.constant 3 : i32
      %eq3A_476 = vector.broadcast %eq3A_475 : i32 to vector<16xi32>
      %eq3A_477 = arith.cmpi eq, %iota3A, %eq3A_476 : vector<16xi32>
      %broadcast_in_dim3A_478 = vector.broadcast %reduce_sum3A_474 : f32 to vector<16xf32>
      %select_n3A_479 = arith.select %eq3A_477, %broadcast_in_dim3A_478, %select_n3A_463 : vector<16xi1>, vector<16xf32>
      %get3A_480 = arith.index_cast %add3A_294 : i32 to index
      %get3A_481 = arith.constant 64 : index
      %get3A_482 = tpu.vector_load %arg12[%get3A_480, %get3A_481] {strides = array<i32>} : memref<32x256xf32, #tpu.memory_space<vmem>>, vector<16xf32>,
      %get3A_483 = arith.index_cast %add3A_294 : i32 to index
      %get3A_484 = arith.constant 64 : index
      %get3A_485 = tpu.vector_load %arg13[%get3A_483, %get3A_484] {strides = array<i32>} : memref<32x384xf32, #tpu.memory_space<vmem>>, vector<16xf32>,
      %mul3A_486 = arith.mulf %get3A_482, %get3A_485 : vector<16xf32>
      %reduce_sum3A_487 = arith.constant true
      %reduce_sum3A_488 = vector.broadcast %reduce_sum3A_487 : i1 to vector<16xi1>
      %reduce_sum3A_489 = tpu.scan <sum>, %mul3A_486 masked %reduce_sum3A_488 : vector<16xf32>, vector<16xi1> -> vector<16xf32>
      %reduce_sum3A_490 = vector.extract %reduce_sum3A_489[15] : f32 from vector<16xf32>
      %eq3A_491 = arith.constant 4 : i32
      %eq3A_492 = vector.broadcast %eq3A_491 : i32 to vector<16xi32>
      %eq3A_493 = arith.cmpi eq, %iota3A, %eq3A_492 : vector<16xi32>
      %broadcast_in_dim3A_494 = vector.broadcast %reduce_sum3A_490 : f32 to vector<16xf32>
      %select_n3A_495 = arith.select %eq3A_493, %broadcast_in_dim3A_494, %select_n3A_479 : vector<16xi1>, vector<16xf32>
      %get3A_496 = arith.index_cast %add3A_294 : i32 to index
      %get3A_497 = arith.constant 80 : index
      %get3A_498 = tpu.vector_load %arg12[%get3A_496, %get3A_497] {strides = array<i32>} : memref<32x256xf32, #tpu.memory_space<vmem>>, vector<16xf32>,
      %get3A_499 = arith.index_cast %add3A_294 : i32 to index
      %get3A_500 = arith.constant 80 : index
      %get3A_501 = tpu.vector_load %arg13[%get3A_499, %get3A_500] {strides = array<i32>} : memref<32x384xf32, #tpu.memory_space<vmem>>, vector<16xf32>,
      %mul3A_502 = arith.mulf %get3A_498, %get3A_501 : vector<16xf32>
      %reduce_sum3A_503 = arith.constant true
      %reduce_sum3A_504 = vector.broadcast %reduce_sum3A_503 : i1 to vector<16xi1>
      %reduce_sum3A_505 = tpu.scan <sum>, %mul3A_502 masked %reduce_sum3A_504 : vector<16xf32>, vector<16xi1> -> vector<16xf32>
      %reduce_sum3A_506 = vector.extract %reduce_sum3A_505[15] : f32 from vector<16xf32>
      %eq3A_507 = arith.constant 5 : i32
      %eq3A_508 = vector.broadcast %eq3A_507 : i32 to vector<16xi32>
      %eq3A_509 = arith.cmpi eq, %iota3A, %eq3A_508 : vector<16xi32>
      %broadcast_in_dim3A_510 = vector.broadcast %reduce_sum3A_506 : f32 to vector<16xf32>
      %select_n3A_511 = arith.select %eq3A_509, %broadcast_in_dim3A_510, %select_n3A_495 : vector<16xi1>, vector<16xf32>
      %get3A_512 = arith.index_cast %add3A_294 : i32 to index
      %get3A_513 = arith.constant 96 : index
      %get3A_514 = tpu.vector_load %arg12[%get3A_512, %get3A_513] {strides = array<i32>} : memref<32x256xf32, #tpu.memory_space<vmem>>, vector<16xf32>,
      %get3A_515 = arith.index_cast %add3A_294 : i32 to index
      %get3A_516 = arith.constant 96 : index
      %get3A_517 = tpu.vector_load %arg13[%get3A_515, %get3A_516] {strides = array<i32>} : memref<32x384xf32, #tpu.memory_space<vmem>>, vector<16xf32>,
      %mul3A_518 = arith.mulf %get3A_514, %get3A_517 : vector<16xf32>
      %reduce_sum3A_519 = arith.constant true
      %reduce_sum3A_520 = vector.broadcast %reduce_sum3A_519 : i1 to vector<16xi1>
      %reduce_sum3A_521 = tpu.scan <sum>, %mul3A_518 masked %reduce_sum3A_520 : vector<16xf32>, vector<16xi1> -> vector<16xf32>
      %reduce_sum3A_522 = vector.extract %reduce_sum3A_521[15] : f32 from vector<16xf32>
      %eq3A_523 = arith.constant 6 : i32
      %eq3A_524 = vector.broadcast %eq3A_523 : i32 to vector<16xi32>
      %eq3A_525 = arith.cmpi eq, %iota3A, %eq3A_524 : vector<16xi32>
      %broadcast_in_dim3A_526 = vector.broadcast %reduce_sum3A_522 : f32 to vector<16xf32>
      %select_n3A_527 = arith.select %eq3A_525, %broadcast_in_dim3A_526, %select_n3A_511 : vector<16xi1>, vector<16xf32>
      %get3A_528 = arith.index_cast %add3A_294 : i32 to index
      %get3A_529 = arith.constant 112 : index
      %get3A_530 = tpu.vector_load %arg12[%get3A_528, %get3A_529] {strides = array<i32>} : memref<32x256xf32, #tpu.memory_space<vmem>>, vector<16xf32>,
      %get3A_531 = arith.index_cast %add3A_294 : i32 to index
      %get3A_532 = arith.constant 112 : index
      %get3A_533 = tpu.vector_load %arg13[%get3A_531, %get3A_532] {strides = array<i32>} : memref<32x384xf32, #tpu.memory_space<vmem>>, vector<16xf32>,
      %mul3A_534 = arith.mulf %get3A_530, %get3A_533 : vector<16xf32>
      %reduce_sum3A_535 = arith.constant true
      %reduce_sum3A_536 = vector.broadcast %reduce_sum3A_535 : i1 to vector<16xi1>
      %reduce_sum3A_537 = tpu.scan <sum>, %mul3A_534 masked %reduce_sum3A_536 : vector<16xf32>, vector<16xi1> -> vector<16xf32>
      %reduce_sum3A_538 = vector.extract %reduce_sum3A_537[15] : f32 from vector<16xf32>
      %eq3A_539 = arith.constant 7 : i32
      %eq3A_540 = vector.broadcast %eq3A_539 : i32 to vector<16xi32>
      %eq3A_541 = arith.cmpi eq, %iota3A, %eq3A_540 : vector<16xi32>
      %broadcast_in_dim3A_542 = vector.broadcast %reduce_sum3A_538 : f32 to vector<16xf32>
      %select_n3A_543 = arith.select %eq3A_541, %broadcast_in_dim3A_542, %select_n3A_527 : vector<16xi1>, vector<16xf32>
      %mul3A_544 = arith.mulf %select_n3A_543, %mul3A_415 : vector<16xf32>
      %mul3A_545 = arith.constant 1.44269502 : f32
      %mul3A_546 = vector.broadcast %mul3A_545 : f32 to vector<16xf32>
      %mul3A_547 = arith.mulf %mul3A_544, %mul3A_546 : vector<16xf32>
      %ge3A_548 = arith.constant 0.000000e+00 : f32
      %ge3A_549 = vector.broadcast %ge3A_548 : f32 to vector<16xf32>
      %ge3A_550 = arith.cmpf oge, %mul3A_547, %ge3A_549 : vector<16xf32>
      %add3A_551 = arith.constant 5.000000e-01 : f32
      %add3A_552 = vector.broadcast %add3A_551 : f32 to vector<16xf32>
      %add3A_553 = arith.addf %mul3A_547, %add3A_552 : vector<16xf32>
      %sub3A_554 = arith.constant 5.000000e-01 : f32
      %sub3A_555 = vector.broadcast %sub3A_554 : f32 to vector<16xf32>
      %sub3A_556 = arith.subf %mul3A_547, %sub3A_555 : vector<16xf32>
      %select_n3A_557 = arith.select %ge3A_550, %add3A_553, %sub3A_556 : vector<16xi1>, vector<16xf32>
      %convert_element_type3A_558 = arith.fptosi %select_n3A_557 : vector<16xf32> to vector<16xi32>
      %convert_element_type3A_559 = arith.sitofp %convert_element_type3A_558 : vector<16xi32> to vector<16xf32>
      %mul3A_560 = arith.constant 0.693147182 : f32
      %mul3A_561 = vector.broadcast %mul3A_560 : f32 to vector<16xf32>
      %mul3A_562 = arith.mulf %convert_element_type3A_559, %mul3A_561 : vector<16xf32>
      %sub3A_563 = arith.subf %mul3A_544, %mul3A_562 : vector<16xf32>
      %mul3A_564 = arith.constant 0.00833333377 : f32
      %mul3A_565 = vector.broadcast %mul3A_564 : f32 to vector<16xf32>
      %mul3A_566 = arith.mulf %mul3A_565, %sub3A_563 : vector<16xf32>
      %add3A_567 = arith.constant 0.0416666679 : f32
      %add3A_568 = vector.broadcast %add3A_567 : f32 to vector<16xf32>
      %add3A_569 = arith.addf %mul3A_566, %add3A_568 : vector<16xf32>
      %mul3A_570 = arith.mulf %add3A_569, %sub3A_563 : vector<16xf32>
      %add3A_571 = arith.constant 0.166666672 : f32
      %add3A_572 = vector.broadcast %add3A_571 : f32 to vector<16xf32>
      %add3A_573 = arith.addf %mul3A_570, %add3A_572 : vector<16xf32>
      %mul3A_574 = arith.mulf %add3A_573, %sub3A_563 : vector<16xf32>
      %add3A_575 = arith.constant 5.000000e-01 : f32
      %add3A_576 = vector.broadcast %add3A_575 : f32 to vector<16xf32>
      %add3A_577 = arith.addf %mul3A_574, %add3A_576 : vector<16xf32>
      %mul3A_578 = arith.mulf %add3A_577, %sub3A_563 : vector<16xf32>
      %add3A_579 = arith.constant 1.000000e+00 : f32
      %add3A_580 = vector.broadcast %add3A_579 : f32 to vector<16xf32>
      %add3A_581 = arith.addf %mul3A_578, %add3A_580 : vector<16xf32>
      %mul3A_582 = arith.mulf %add3A_581, %sub3A_563 : vector<16xf32>
      %add3A_583 = arith.constant 1.000000e+00 : f32
      %add3A_584 = vector.broadcast %add3A_583 : f32 to vector<16xf32>
      %add3A_585 = arith.addf %mul3A_582, %add3A_584 : vector<16xf32>
      %add3A_586 = arith.constant 127 : i32
      %add3A_587 = vector.broadcast %add3A_586 : i32 to vector<16xi32>
      %add3A_588 = arith.addi %convert_element_type3A_558, %add3A_587 : vector<16xi32>
      %shift_left3A_589 = arith.constant 23 : i32
      %shift_left3A_590 = vector.broadcast %shift_left3A_589 : i32 to vector<16xi32>
      %shift_left3A_591 = arith.shli %add3A_588, %shift_left3A_590 : vector<16xi32>
      %bitcast3A_592 = vector.bitcast %shift_left3A_591 : vector<16xi32> to vector<16xf32>
      %mul3A_593 = arith.mulf %add3A_585, %bitcast3A_592 : vector<16xf32>
      %mul3A_594 = arith.mulf %mul3A_593, %select_n3A : vector<16xf32>
      %mul3A_595 = arith.mulf %mul3A_594, %convert_element_type3A_12 : vector<16xf32>
      %reduce_sum3A_596 = arith.constant true
      %reduce_sum3A_597 = vector.broadcast %reduce_sum3A_596 : i1 to vector<16xi1>
      %reduce_sum3A_598 = tpu.scan <sum>, %mul3A_595 masked %reduce_sum3A_597 : vector<16xf32>, vector<16xi1> -> vector<16xf32>
      %reduce_sum3A_599 = vector.extract %reduce_sum3A_598[15] : f32 from vector<16xf32>
      %broadcast_in_dim3A_600 = vector.broadcast %reduce_sum3A_599 : f32 to vector<16xf32>
      %get3A_601 = arith.index_cast %add3A_294 : i32 to index
      %get3A_602 = arith.constant 128 : index
      %get3A_603 = tpu.vector_load %arg13[%get3A_601, %get3A_602] {strides = array<i32>} : memref<32x384xf32, #tpu.memory_space<vmem>>, vector<16xf32>,
      %mul3A_604 = arith.mulf %broadcast_in_dim3A_600, %get3A_603 : vector<16xf32>
      %swap3A_605 = arith.index_cast %add3A_294 : i32 to index
      %swap3A_606 = arith.constant 0 : index
      %swap3A_607 = tpu.vector_load %arg14[%swap3A_605, %swap3A_606] {strides = array<i32>} : memref<32x128xf32, #tpu.memory_space<vmem>>, vector<16xf32>,
      tpu.vector_store %arg14[%swap3A_605, %swap3A_606], %mul3A_604 {strides = array<i32>} : memref<32x128xf32, #tpu.memory_space<vmem>>, vector<16xf32>,
      %mul3A_608 = arith.mulf %mul3A_594, %convert_element_type3A_17 : vector<16xf32>
      %reduce_sum3A_609 = arith.constant true
      %reduce_sum3A_610 = vector.broadcast %reduce_sum3A_609 : i1 to vector<16xi1>
      %reduce_sum3A_611 = tpu.scan <sum>, %mul3A_608 masked %reduce_sum3A_610 : vector<16xf32>, vector<16xi1> -> vector<16xf32>
      %reduce_sum3A_612 = vector.extract %reduce_sum3A_611[15] : f32 from vector<16xf32>
      %broadcast_in_dim3A_613 = vector.broadcast %reduce_sum3A_612 : f32 to vector<16xf32>
      %get3A_614 = arith.index_cast %add3A_294 : i32 to index
      %get3A_615 = arith.constant 144 : index
      %get3A_616 = tpu.vector_load %arg13[%get3A_614, %get3A_615] {strides = array<i32>} : memref<32x384xf32, #tpu.memory_space<vmem>>, vector<16xf32>,
      %mul3A_617 = arith.mulf %broadcast_in_dim3A_613, %get3A_616 : vector<16xf32>
      %swap3A_618 = arith.index_cast %add3A_294 : i32 to index
      %swap3A_619 = arith.constant 16 : index
      %swap3A_620 = tpu.vector_load %arg14[%swap3A_618, %swap3A_619] {strides = array<i32>} : memref<32x128xf32, #tpu.memory_space<vmem>>, vector<16xf32>,
      tpu.vector_store %arg14[%swap3A_618, %swap3A_619], %mul3A_617 {strides = array<i32>} : memref<32x128xf32, #tpu.memory_space<vmem>>, vector<16xf32>,
      %mul3A_621 = arith.mulf %mul3A_594, %convert_element_type3A_22 : vector<16xf32>
      %reduce_sum3A_622 = arith.constant true
      %reduce_sum3A_623 = vector.broadcast %reduce_sum3A_622 : i1 to vector<16xi1>
      %reduce_sum3A_624 = tpu.scan <sum>, %mul3A_621 masked %reduce_sum3A_623 : vector<16xf32>, vector<16xi1> -> vector<16xf32>
      %reduce_sum3A_625 = vector.extract %reduce_sum3A_624[15] : f32 from vector<16xf32>
      %broadcast_in_dim3A_626 = vector.broadcast %reduce_sum3A_625 : f32 to vector<16xf32>
      %get3A_627 = arith.index_cast %add3A_294 : i32 to index
      %get3A_628 = arith.constant 160 : index
      %get3A_629 = tpu.vector_load %arg13[%get3A_627, %get3A_628] {strides = array<i32>} : memref<32x384xf32, #tpu.memory_space<vmem>>, vector<16xf32>,
      %mul3A_630 = arith.mulf %broadcast_in_dim3A_626, %get3A_629 : vector<16xf32>
      %swap3A_631 = arith.index_cast %add3A_294 : i32 to index
      %swap3A_632 = arith.constant 32 : index
      %swap3A_633 = tpu.vector_load %arg14[%swap3A_631, %swap3A_632] {strides = array<i32>} : memref<32x128xf32, #tpu.memory_space<vmem>>, vector<16xf32>,
      tpu.vector_store %arg14[%swap3A_631, %swap3A_632], %mul3A_630 {strides = array<i32>} : memref<32x128xf32, #tpu.memory_space<vmem>>, vector<16xf32>,
      %mul3A_634 = arith.mulf %mul3A_594, %convert_element_type3A_27 : vector<16xf32>
      %reduce_sum3A_635 = arith.constant true
      %reduce_sum3A_636 = vector.broadcast %reduce_sum3A_635 : i1 to vector<16xi1>
      %reduce_sum3A_637 = tpu.scan <sum>, %mul3A_634 masked %reduce_sum3A_636 : vector<16xf32>, vector<16xi1> -> vector<16xf32>
      %reduce_sum3A_638 = vector.extract %reduce_sum3A_637[15] : f32 from vector<16xf32>
      %broadcast_in_dim3A_639 = vector.broadcast %reduce_sum3A_638 : f32 to vector<16xf32>
      %get3A_640 = arith.index_cast %add3A_294 : i32 to index
      %get3A_641 = arith.constant 176 : index
      %get3A_642 = tpu.vector_load %arg13[%get3A_640, %get3A_641] {strides = array<i32>} : memref<32x384xf32, #tpu.memory_space<vmem>>, vector<16xf32>,
      %mul3A_643 = arith.mulf %broadcast_in_dim3A_639, %get3A_642 : vector<16xf32>
      %swap3A_644 = arith.index_cast %add3A_294 : i32 to index
      %swap3A_645 = arith.constant 48 : index
      %swap3A_646 = tpu.vector_load %arg14[%swap3A_644, %swap3A_645] {strides = array<i32>} : memref<32x128xf32, #tpu.memory_space<vmem>>, vector<16xf32>,
      tpu.vector_store %arg14[%swap3A_644, %swap3A_645], %mul3A_643 {strides = array<i32>} : memref<32x128xf32, #tpu.memory_space<vmem>>, vector<16xf32>,
      %mul3A_647 = arith.mulf %mul3A_594, %convert_element_type3A_32 : vector<16xf32>
      %reduce_sum3A_648 = arith.constant true
      %reduce_sum3A_649 = vector.broadcast %reduce_sum3A_648 : i1 to vector<16xi1>
      %reduce_sum3A_650 = tpu.scan <sum>, %mul3A_647 masked %reduce_sum3A_649 : vector<16xf32>, vector<16xi1> -> vector<16xf32>
      %reduce_sum3A_651 = vector.extract %reduce_sum3A_650[15] : f32 from vector<16xf32>
      %broadcast_in_dim3A_652 = vector.broadcast %reduce_sum3A_651 : f32 to vector<16xf32>
      %get3A_653 = arith.index_cast %add3A_294 : i32 to index
      %get3A_654 = arith.constant 192 : index
      %get3A_655 = tpu.vector_load %arg13[%get3A_653, %get3A_654] {strides = array<i32>} : memref<32x384xf32, #tpu.memory_space<vmem>>, vector<16xf32>,
      %mul3A_656 = arith.mulf %broadcast_in_dim3A_652, %get3A_655 : vector<16xf32>
      %swap3A_657 = arith.index_cast %add3A_294 : i32 to index
      %swap3A_658 = arith.constant 64 : index
      %swap3A_659 = tpu.vector_load %arg14[%swap3A_657, %swap3A_658] {strides = array<i32>} : memref<32x128xf32, #tpu.memory_space<vmem>>, vector<16xf32>,
      tpu.vector_store %arg14[%swap3A_657, %swap3A_658], %mul3A_656 {strides = array<i32>} : memref<32x128xf32, #tpu.memory_space<vmem>>, vector<16xf32>,
      %mul3A_660 = arith.mulf %mul3A_594, %convert_element_type3A_37 : vector<16xf32>
      %reduce_sum3A_661 = arith.constant true
      %reduce_sum3A_662 = vector.broadcast %reduce_sum3A_661 : i1 to vector<16xi1>
      %reduce_sum3A_663 = tpu.scan <sum>, %mul3A_660 masked %reduce_sum3A_662 : vector<16xf32>, vector<16xi1> -> vector<16xf32>
      %reduce_sum3A_664 = vector.extract %reduce_sum3A_663[15] : f32 from vector<16xf32>
      %broadcast_in_dim3A_665 = vector.broadcast %reduce_sum3A_664 : f32 to vector<16xf32>
      %get3A_666 = arith.index_cast %add3A_294 : i32 to index
      %get3A_667 = arith.constant 208 : index
      %get3A_668 = tpu.vector_load %arg13[%get3A_666, %get3A_667] {strides = array<i32>} : memref<32x384xf32, #tpu.memory_space<vmem>>, vector<16xf32>,
      %mul3A_669 = arith.mulf %broadcast_in_dim3A_665, %get3A_668 : vector<16xf32>
      %swap3A_670 = arith.index_cast %add3A_294 : i32 to index
      %swap3A_671 = arith.constant 80 : index
      %swap3A_672 = tpu.vector_load %arg14[%swap3A_670, %swap3A_671] {strides = array<i32>} : memref<32x128xf32, #tpu.memory_space<vmem>>, vector<16xf32>,
      tpu.vector_store %arg14[%swap3A_670, %swap3A_671], %mul3A_669 {strides = array<i32>} : memref<32x128xf32, #tpu.memory_space<vmem>>, vector<16xf32>,
      %mul3A_673 = arith.mulf %mul3A_594, %convert_element_type3A_42 : vector<16xf32>
      %reduce_sum3A_674 = arith.constant true
      %reduce_sum3A_675 = vector.broadcast %reduce_sum3A_674 : i1 to vector<16xi1>
      %reduce_sum3A_676 = tpu.scan <sum>, %mul3A_673 masked %reduce_sum3A_675 : vector<16xf32>, vector<16xi1> -> vector<16xf32>
      %reduce_sum3A_677 = vector.extract %reduce_sum3A_676[15] : f32 from vector<16xf32>
      %broadcast_in_dim3A_678 = vector.broadcast %reduce_sum3A_677 : f32 to vector<16xf32>
      %get3A_679 = arith.index_cast %add3A_294 : i32 to index
      %get3A_680 = arith.constant 224 : index
      %get3A_681 = tpu.vector_load %arg13[%get3A_679, %get3A_680] {strides = array<i32>} : memref<32x384xf32, #tpu.memory_space<vmem>>, vector<16xf32>,
      %mul3A_682 = arith.mulf %broadcast_in_dim3A_678, %get3A_681 : vector<16xf32>
      %swap3A_683 = arith.index_cast %add3A_294 : i32 to index
      %swap3A_684 = arith.constant 96 : index
      %swap3A_685 = tpu.vector_load %arg14[%swap3A_683, %swap3A_684] {strides = array<i32>} : memref<32x128xf32, #tpu.memory_space<vmem>>, vector<16xf32>,
      tpu.vector_store %arg14[%swap3A_683, %swap3A_684], %mul3A_682 {strides = array<i32>} : memref<32x128xf32, #tpu.memory_space<vmem>>, vector<16xf32>,
      %mul3A_686 = arith.mulf %mul3A_594, %convert_element_type3A_47 : vector<16xf32>
      %reduce_sum3A_687 = arith.constant true
      %reduce_sum3A_688 = vector.broadcast %reduce_sum3A_687 : i1 to vector<16xi1>
      %reduce_sum3A_689 = tpu.scan <sum>, %mul3A_686 masked %reduce_sum3A_688 : vector<16xf32>, vector<16xi1> -> vector<16xf32>
      %reduce_sum3A_690 = vector.extract %reduce_sum3A_689[15] : f32 from vector<16xf32>
      %broadcast_in_dim3A_691 = vector.broadcast %reduce_sum3A_690 : f32 to vector<16xf32>
      %get3A_692 = arith.index_cast %add3A_294 : i32 to index
      %get3A_693 = arith.constant 240 : index
      %get3A_694 = tpu.vector_load %arg13[%get3A_692, %get3A_693] {strides = array<i32>} : memref<32x384xf32, #tpu.memory_space<vmem>>, vector<16xf32>,
      %mul3A_695 = arith.mulf %broadcast_in_dim3A_691, %get3A_694 : vector<16xf32>
      %swap3A_696 = arith.index_cast %add3A_294 : i32 to index
      %swap3A_697 = arith.constant 112 : index
      %swap3A_698 = tpu.vector_load %arg14[%swap3A_696, %swap3A_697] {strides = array<i32>} : memref<32x128xf32, #tpu.memory_space<vmem>>, vector<16xf32>,
      tpu.vector_store %arg14[%swap3A_696, %swap3A_697], %mul3A_695 {strides = array<i32>} : memref<32x128xf32, #tpu.memory_space<vmem>>, vector<16xf32>,
      %add3A_699 = arith.addf %scan3A_292, %mul3A_594 : vector<16xf32>
      scf.yield %add3A_699 : vector<16xf32>
    }
    %scan3A_171 = arith.constant 16 : i32
    %dma_start3A_172 = arith.constant 0 : i32
    %dma_start3A_173 = arith.constant 0 : i32
    %dma_start3A_174 = arith.constant 0 : i32
    %dma_start3A_175 = tpu.memref_slice %arg14[%dma_start3A_173, %dma_start3A_174] : memref<32x128xf32, #tpu.memory_space<vmem>> -> memref<16x128xf32, #tpu.memory_space<vmem>>
    %dma_start3A_176 = arith.constant 0 : i32
    %dma_start3A_177 = tpu.memref_slice %arg15[%dma_start3A_172, %dma_start3A_176] : memref<2x16xi32, #tpu.memory_space<vmem>> -> memref<1x16xi32, #tpu.memory_space<vmem>>
    %dma_start3A_178 = tpu.memref_squeeze %dma_start3A_177 : memref<1x16xi32, #tpu.memory_space<vmem>> -> memref<16xi32, #tpu.memory_space<vmem>>
    %dma_start3A_179 = arith.constant 0 : i32
    %dma_start3A_180 = arith.constant 0 : i32
    %dma_start3A_181 = tpu.memref_slice %arg19[%dma_start3A_179, %dma_start3A_180] : memref<10112x128xf32, #tpu.memory_space<vmem_shared>> -> memref<10112x128xf32, #tpu.memory_space<vmem_shared>>
    tpu.enqueue_indirect_dma source(%dma_start3A_175 : memref<16x128xf32, #tpu.memory_space<vmem>>) target(%dma_start3A_181 : memref<10112x128xf32, #tpu.memory_space<vmem_shared>>) offsets(%dma_start3A_178 : memref<16xi32, #tpu.memory_space<vmem>>) semaphore(%arg22 : memref<!tpu.dma_semaphore, #tpu.memory_space<semaphore_mem>>) {add = true}
    %scan3A_182 = arith.constant 0 : i32
    %scan3A_183 = arith.constant 312 : i32
    %scan3A_184 = arith.addi %scan3A_182, %scan3A_183 : i32
    %scan3A_185 = arith.constant 1 : i32
    %scan3A_186 = scf.for %scan3A_291 = %scan3A_182 to %scan3A_184 step %scan3A_185 iter_args(%scan3A_292 = %scan3A_170) -> (vector<16xf32>)  : i32 {
      %mul3A_293 = arith.constant 2 : i32
      %mul3A_294 = arith.muli %mul3A_293, %scan3A_291 : i32
      %add3A_295 = arith.constant 1 : i32
      %add3A_296 = arith.addi %mul3A_294, %add3A_295 : i32
      %mul3A_297 = arith.constant 16 : i32
      %mul3A_298 = arith.muli %add3A_296, %mul3A_297 : i32
      %dma_wait3A_299 = arith.constant 16 : i32
      %dma_wait3A_300 = arith.constant 0 : i32
      %dma_wait3A_301 = tpu.memref_slice %arg12[%dma_wait3A_299, %dma_wait3A_300] : memref<32x256xf32, #tpu.memory_space<vmem>> -> memref<16x256xf32, #tpu.memory_space<vmem>>
      %dma_wait3A_302 = tpu.memref_slice %arg10[%mul3A_298] : memref<10000xi32, #tpu.memory_space<vmem>> -> memref<16xi32, #tpu.memory_space<vmem>>
      %dma_wait3A_303 = arith.constant 0 : i32
      %dma_wait3A_304 = arith.constant 0 : i32
      %dma_wait3A_305 = tpu.memref_slice %arg4[%dma_wait3A_303, %dma_wait3A_304] : memref<10000x256xf32, #tpu.memory_space<hbm>> -> memref<10000x256xf32, #tpu.memory_space<hbm>>
      tpu.wait_indirect_dma semaphore(%arg21 : memref<!tpu.dma_semaphore, #tpu.memory_space<semaphore_mem>>) src(%dma_wait3A_305 : memref<10000x256xf32, #tpu.memory_space<hbm>>) dst(%dma_wait3A_301 : memref<16x256xf32, #tpu.memory_space<vmem>>)
      %mul3A_306 = arith.constant 16 : i32
      %mul3A_307 = arith.muli %add3A_296, %mul3A_306 : i32
      %dma_wait3A_308 = arith.constant 16 : i32
      %dma_wait3A_309 = arith.constant 0 : i32
      %dma_wait3A_310 = tpu.memref_slice %arg13[%dma_wait3A_308, %dma_wait3A_309] : memref<32x384xf32, #tpu.memory_space<vmem>> -> memref<16x384xf32, #tpu.memory_space<vmem>>
      %dma_wait3A_311 = tpu.memref_slice %arg11[%mul3A_307] : memref<10000xi32, #tpu.memory_space<vmem>> -> memref<16xi32, #tpu.memory_space<vmem>>
      %dma_wait3A_312 = arith.constant 0 : i32
      %dma_wait3A_313 = arith.constant 0 : i32
      %dma_wait3A_314 = tpu.memref_slice %arg5[%dma_wait3A_312, %dma_wait3A_313] : memref<10000x384xf32, #tpu.memory_space<hbm>> -> memref<10000x384xf32, #tpu.memory_space<hbm>>
      tpu.wait_indirect_dma semaphore(%arg21 : memref<!tpu.dma_semaphore, #tpu.memory_space<semaphore_mem>>) src(%dma_wait3A_314 : memref<10000x384xf32, #tpu.memory_space<hbm>>) dst(%dma_wait3A_310 : memref<16x384xf32, #tpu.memory_space<vmem>>)
      %add3A_315 = arith.constant 1 : i32
      %add3A_316 = arith.addi %add3A_296, %add3A_315 : i32
      %mul3A_317 = arith.constant 16 : i32
      %mul3A_318 = arith.muli %add3A_316, %mul3A_317 : i32
      %dma_start3A_319 = arith.constant 0 : i32
      %dma_start3A_320 = arith.constant 0 : i32
      %dma_start3A_321 = tpu.memref_slice %arg12[%dma_start3A_319, %dma_start3A_320] : memref<32x256xf32, #tpu.memory_space<vmem>> -> memref<16x256xf32, #tpu.memory_space<vmem>>
      %dma_start3A_322 = tpu.memref_slice %arg10[%mul3A_318] : memref<10000xi32, #tpu.memory_space<vmem>> -> memref<16xi32, #tpu.memory_space<vmem>>
      %dma_start3A_323 = arith.constant 0 : i32
      %dma_start3A_324 = arith.constant 0 : i32
      %dma_start3A_325 = tpu.memref_slice %arg4[%dma_start3A_323, %dma_start3A_324] : memref<10000x256xf32, #tpu.memory_space<hbm>> -> memref<10000x256xf32, #tpu.memory_space<hbm>>
      tpu.enqueue_indirect_dma source(%dma_start3A_325 : memref<10000x256xf32, #tpu.memory_space<hbm>>) target(%dma_start3A_321 : memref<16x256xf32, #tpu.memory_space<vmem>>) offsets(%dma_start3A_322 : memref<16xi32, #tpu.memory_space<vmem>>) semaphore(%arg20 : memref<!tpu.dma_semaphore, #tpu.memory_space<semaphore_mem>>)
      %mul3A_326 = arith.constant 16 : i32
      %mul3A_327 = arith.muli %add3A_316, %mul3A_326 : i32
      %dma_start3A_328 = arith.constant 0 : i32
      %dma_start3A_329 = arith.constant 0 : i32
      %dma_start3A_330 = tpu.memref_slice %arg13[%dma_start3A_328, %dma_start3A_329] : memref<32x384xf32, #tpu.memory_space<vmem>> -> memref<16x384xf32, #tpu.memory_space<vmem>>
      %dma_start3A_331 = tpu.memref_slice %arg11[%mul3A_327] : memref<10000xi32, #tpu.memory_space<vmem>> -> memref<16xi32, #tpu.memory_space<vmem>>
      %dma_start3A_332 = arith.constant 0 : i32
      %dma_start3A_333 = arith.constant 0 : i32
      %dma_start3A_334 = tpu.memref_slice %arg5[%dma_start3A_332, %dma_start3A_333] : memref<10000x384xf32, #tpu.memory_space<hbm>> -> memref<10000x384xf32, #tpu.memory_space<hbm>>
      tpu.enqueue_indirect_dma source(%dma_start3A_334 : memref<10000x384xf32, #tpu.memory_space<hbm>>) target(%dma_start3A_330 : memref<16x384xf32, #tpu.memory_space<vmem>>) offsets(%dma_start3A_331 : memref<16xi32, #tpu.memory_space<vmem>>) semaphore(%arg20 : memref<!tpu.dma_semaphore, #tpu.memory_space<semaphore_mem>>)
      %gt3A = arith.constant 0 : i32
      %gt3A_335 = arith.cmpi sgt, %scan3A_291, %gt3A : i32
      %convert_element_type3A_336 = arith.extui %gt3A_335 : i1 to i32
      %cond3A = arith.constant 0 : i32
      %cond3A_337 = arith.cmpi ne, %convert_element_type3A_336, %cond3A : i32
      scf.if %cond3A_337 {
        %dma_wait3A_423 = arith.constant 1 : i32
        %dma_wait3A_424 = arith.constant 16 : i32
        %dma_wait3A_425 = arith.constant 0 : i32
        %dma_wait3A_426 = tpu.memref_slice %arg14[%dma_wait3A_424, %dma_wait3A_425] : memref<32x128xf32, #tpu.memory_space<vmem>> -> memref<16x128xf32, #tpu.memory_space<vmem>>
        %dma_wait3A_427 = arith.constant 0 : i32
        %dma_wait3A_428 = tpu.memref_slice %arg15[%dma_wait3A_423, %dma_wait3A_427] : memref<2x16xi32, #tpu.memory_space<vmem>> -> memref<1x16xi32, #tpu.memory_space<vmem>>
        %dma_wait3A_429 = tpu.memref_squeeze %dma_wait3A_428 : memref<1x16xi32, #tpu.memory_space<vmem>> -> memref<16xi32, #tpu.memory_space<vmem>>
        %dma_wait3A_430 = arith.constant 0 : i32
        %dma_wait3A_431 = arith.constant 0 : i32
        %dma_wait3A_432 = tpu.memref_slice %arg19[%dma_wait3A_430, %dma_wait3A_431] : memref<10112x128xf32, #tpu.memory_space<vmem_shared>> -> memref<10112x128xf32, #tpu.memory_space<vmem_shared>>
        tpu.wait_indirect_dma semaphore(%arg23 : memref<!tpu.dma_semaphore, #tpu.memory_space<semaphore_mem>>) src(%dma_wait3A_426 : memref<16x128xf32, #tpu.memory_space<vmem>>) dst(%dma_wait3A_432 : memref<10112x128xf32, #tpu.memory_space<vmem_shared>>)
      } else {
      }
      %mul3A_338 = arith.constant 16 : i32
      %mul3A_339 = arith.muli %add3A_296, %mul3A_338 : i32
      %get3A_340 = arith.index_cast %mul3A_339 : i32 to index
      %get3A_341 = tpu.vector_load %arg10[%get3A_340] {strides = array<i32>} : memref<10000xi32, #tpu.memory_space<vmem>>, vector<16xi32>,
      %swap3A_342 = arith.constant 1 : i32
      %swap3A_343 = arith.index_cast %swap3A_342 : i32 to index
      %swap3A_344 = arith.constant 0 : index
      %swap3A_345 = tpu.vector_load %arg15[%swap3A_343, %swap3A_344] {strides = array<i32>} : memref<2x16xi32, #tpu.memory_space<vmem>>, vector<16xi32>,
      tpu.vector_store %arg15[%swap3A_343, %swap3A_344], %get3A_341 {strides = array<i32>} : memref<2x16xi32, #tpu.memory_space<vmem>>, vector<16xi32>,
      %scan3A_346 = arith.constant 0 : i32
      %scan3A_347 = arith.constant 16 : i32
      %scan3A_348 = arith.addi %scan3A_346, %scan3A_347 : i32
      %scan3A_349 = arith.constant 1 : i32
      %scan3A_350 = scf.for %scan3A_423 = %scan3A_346 to %scan3A_348 step %scan3A_349 iter_args(%scan3A_424 = %scan3A_292) -> (vector<16xf32>)  : i32 {
        %add3A_425 = arith.constant 16 : i32
        %add3A_426 = arith.addi %add3A_425, %scan3A_423 : i32
        %get3A_427 = arith.index_cast %add3A_426 : i32 to index
        %get3A_428 = arith.constant 128 : index
        %get3A_429 = tpu.vector_load %arg12[%get3A_427, %get3A_428] {strides = array<i32>} : memref<32x256xf32, #tpu.memory_space<vmem>>, vector<16xf32>,
        %get3A_430 = arith.index_cast %add3A_426 : i32 to index
        %get3A_431 = arith.constant 256 : index
        %get3A_432 = tpu.vector_load %arg13[%get3A_430, %get3A_431] {strides = array<i32>} : memref<32x384xf32, #tpu.memory_space<vmem>>, vector<16xf32>,
        %sub3A = arith.subf %get3A_429, %get3A_432 : vector<16xf32>
        %mul3A_433 = arith.mulf %sub3A, %sub3A : vector<16xf32>
        %reduce_sum3A = arith.constant true
        %reduce_sum3A_434 = vector.broadcast %reduce_sum3A : i1 to vector<16xi1>
        %reduce_sum3A_435 = tpu.scan <sum>, %mul3A_433 masked %reduce_sum3A_434 : vector<16xf32>, vector<16xi1> -> vector<16xf32>
        %reduce_sum3A_436 = vector.extract %reduce_sum3A_435[15] : f32 from vector<16xf32>
        %add3A_437 = arith.constant 9.99999996E-13 : f32
        %add3A_438 = arith.addf %reduce_sum3A_436, %add3A_437 : f32
        %broadcast_in_dim3A_439 = vector.broadcast %add3A_438 : f32 to vector<16xf32>
        %bitcast3A = vector.bitcast %broadcast_in_dim3A_439 : vector<16xf32> to vector<16xi32>
        %shift_right_logical3A = arith.constant 1 : i32
        %shift_right_logical3A_440 = vector.broadcast %shift_right_logical3A : i32 to vector<16xi32>
        %shift_right_logical3A_441 = arith.shrui %bitcast3A, %shift_right_logical3A_440 : vector<16xi32>
        %sub3A_442 = arith.constant 1597463007 : i32
        %sub3A_443 = vector.broadcast %sub3A_442 : i32 to vector<16xi32>
        %sub3A_444 = arith.subi %sub3A_443, %shift_right_logical3A_441 : vector<16xi32>
        %bitcast3A_445 = vector.bitcast %sub3A_444 : vector<16xi32> to vector<16xf32>
        %mul3A_446 = arith.constant 5.000000e-01 : f32
        %mul3A_447 = vector.broadcast %mul3A_446 : f32 to vector<16xf32>
        %mul3A_448 = arith.mulf %mul3A_447, %broadcast_in_dim3A_439 : vector<16xf32>
        %mul3A_449 = arith.mulf %mul3A_448, %bitcast3A_445 : vector<16xf32>
        %mul3A_450 = arith.mulf %mul3A_449, %bitcast3A_445 : vector<16xf32>
        %sub3A_451 = arith.constant 1.500000e+00 : f32
        %sub3A_452 = vector.broadcast %sub3A_451 : f32 to vector<16xf32>
        %sub3A_453 = arith.subf %sub3A_452, %mul3A_450 : vector<16xf32>
        %mul3A_454 = arith.mulf %bitcast3A_445, %sub3A_453 : vector<16xf32>
        %mul3A_455 = arith.constant 5.000000e-01 : f32
        %mul3A_456 = vector.broadcast %mul3A_455 : f32 to vector<16xf32>
        %mul3A_457 = arith.mulf %mul3A_456, %broadcast_in_dim3A_439 : vector<16xf32>
        %mul3A_458 = arith.mulf %mul3A_457, %mul3A_454 : vector<16xf32>
        %mul3A_459 = arith.mulf %mul3A_458, %mul3A_454 : vector<16xf32>
        %sub3A_460 = arith.constant 1.500000e+00 : f32
        %sub3A_461 = vector.broadcast %sub3A_460 : f32 to vector<16xf32>
        %sub3A_462 = arith.subf %sub3A_461, %mul3A_459 : vector<16xf32>
        %mul3A_463 = arith.mulf %mul3A_454, %sub3A_462 : vector<16xf32>
        %mul3A_464 = arith.constant 5.000000e-01 : f32
        %mul3A_465 = vector.broadcast %mul3A_464 : f32 to vector<16xf32>
        %mul3A_466 = arith.mulf %mul3A_465, %broadcast_in_dim3A_439 : vector<16xf32>
        %mul3A_467 = arith.mulf %mul3A_466, %mul3A_463 : vector<16xf32>
        %mul3A_468 = arith.mulf %mul3A_467, %mul3A_463 : vector<16xf32>
        %sub3A_469 = arith.constant 1.500000e+00 : f32
        %sub3A_470 = vector.broadcast %sub3A_469 : f32 to vector<16xf32>
        %sub3A_471 = arith.subf %sub3A_470, %mul3A_468 : vector<16xf32>
        %mul3A_472 = arith.mulf %mul3A_463, %sub3A_471 : vector<16xf32>
        %mul3A_473 = arith.mulf %broadcast_in_dim3A_439, %mul3A_472 : vector<16xf32>
        %mul3A_474 = arith.mulf %mul3A_473, %get3A_1 : vector<16xf32>
        %add3A_475 = arith.addf %mul3A_474, %get3A_3 : vector<16xf32>
        %neg3A = arith.constant 0.000000e+00 : f32
        %neg3A_476 = vector.broadcast %neg3A : f32 to vector<16xf32>
        %neg3A_477 = arith.subf %neg3A_476, %add3A_475 : vector<16xf32>
        %mul3A_478 = arith.constant 1.44269502 : f32
        %mul3A_479 = vector.broadcast %mul3A_478 : f32 to vector<16xf32>
        %mul3A_480 = arith.mulf %neg3A_477, %mul3A_479 : vector<16xf32>
        %ge3A = arith.constant 0.000000e+00 : f32
        %ge3A_481 = vector.broadcast %ge3A : f32 to vector<16xf32>
        %ge3A_482 = arith.cmpf oge, %mul3A_480, %ge3A_481 : vector<16xf32>
        %add3A_483 = arith.constant 5.000000e-01 : f32
        %add3A_484 = vector.broadcast %add3A_483 : f32 to vector<16xf32>
        %add3A_485 = arith.addf %mul3A_480, %add3A_484 : vector<16xf32>
        %sub3A_486 = arith.constant 5.000000e-01 : f32
        %sub3A_487 = vector.broadcast %sub3A_486 : f32 to vector<16xf32>
        %sub3A_488 = arith.subf %mul3A_480, %sub3A_487 : vector<16xf32>
        %select_n3A_489 = arith.select %ge3A_482, %add3A_485, %sub3A_488 : vector<16xi1>, vector<16xf32>
        %convert_element_type3A_490 = arith.fptosi %select_n3A_489 : vector<16xf32> to vector<16xi32>
        %convert_element_type3A_491 = arith.sitofp %convert_element_type3A_490 : vector<16xi32> to vector<16xf32>
        %mul3A_492 = arith.constant 0.693147182 : f32
        %mul3A_493 = vector.broadcast %mul3A_492 : f32 to vector<16xf32>
        %mul3A_494 = arith.mulf %convert_element_type3A_491, %mul3A_493 : vector<16xf32>
        %sub3A_495 = arith.subf %neg3A_477, %mul3A_494 : vector<16xf32>
        %mul3A_496 = arith.constant 0.00833333377 : f32
        %mul3A_497 = vector.broadcast %mul3A_496 : f32 to vector<16xf32>
        %mul3A_498 = arith.mulf %mul3A_497, %sub3A_495 : vector<16xf32>
        %add3A_499 = arith.constant 0.0416666679 : f32
        %add3A_500 = vector.broadcast %add3A_499 : f32 to vector<16xf32>
        %add3A_501 = arith.addf %mul3A_498, %add3A_500 : vector<16xf32>
        %mul3A_502 = arith.mulf %add3A_501, %sub3A_495 : vector<16xf32>
        %add3A_503 = arith.constant 0.166666672 : f32
        %add3A_504 = vector.broadcast %add3A_503 : f32 to vector<16xf32>
        %add3A_505 = arith.addf %mul3A_502, %add3A_504 : vector<16xf32>
        %mul3A_506 = arith.mulf %add3A_505, %sub3A_495 : vector<16xf32>
        %add3A_507 = arith.constant 5.000000e-01 : f32
        %add3A_508 = vector.broadcast %add3A_507 : f32 to vector<16xf32>
        %add3A_509 = arith.addf %mul3A_506, %add3A_508 : vector<16xf32>
        %mul3A_510 = arith.mulf %add3A_509, %sub3A_495 : vector<16xf32>
        %add3A_511 = arith.constant 1.000000e+00 : f32
        %add3A_512 = vector.broadcast %add3A_511 : f32 to vector<16xf32>
        %add3A_513 = arith.addf %mul3A_510, %add3A_512 : vector<16xf32>
        %mul3A_514 = arith.mulf %add3A_513, %sub3A_495 : vector<16xf32>
        %add3A_515 = arith.constant 1.000000e+00 : f32
        %add3A_516 = vector.broadcast %add3A_515 : f32 to vector<16xf32>
        %add3A_517 = arith.addf %mul3A_514, %add3A_516 : vector<16xf32>
        %add3A_518 = arith.constant 127 : i32
        %add3A_519 = vector.broadcast %add3A_518 : i32 to vector<16xi32>
        %add3A_520 = arith.addi %convert_element_type3A_490, %add3A_519 : vector<16xi32>
        %shift_left3A = arith.constant 23 : i32
        %shift_left3A_521 = vector.broadcast %shift_left3A : i32 to vector<16xi32>
        %shift_left3A_522 = arith.shli %add3A_520, %shift_left3A_521 : vector<16xi32>
        %bitcast3A_523 = vector.bitcast %shift_left3A_522 : vector<16xi32> to vector<16xf32>
        %mul3A_524 = arith.mulf %add3A_517, %bitcast3A_523 : vector<16xf32>
        %add3A_525 = arith.constant 1.000000e+00 : f32
        %add3A_526 = vector.broadcast %add3A_525 : f32 to vector<16xf32>
        %add3A_527 = arith.addf %add3A_526, %mul3A_524 : vector<16xf32>
        %bitcast3A_528 = vector.bitcast %add3A_527 : vector<16xf32> to vector<16xi32>
        %sub3A_529 = arith.constant 2129859011 : i32
        %sub3A_530 = vector.broadcast %sub3A_529 : i32 to vector<16xi32>
        %sub3A_531 = arith.subi %sub3A_530, %bitcast3A_528 : vector<16xi32>
        %bitcast3A_532 = vector.bitcast %sub3A_531 : vector<16xi32> to vector<16xf32>
        %mul3A_533 = arith.mulf %add3A_527, %bitcast3A_532 : vector<16xf32>
        %sub3A_534 = arith.constant 2.000000e+00 : f32
        %sub3A_535 = vector.broadcast %sub3A_534 : f32 to vector<16xf32>
        %sub3A_536 = arith.subf %sub3A_535, %mul3A_533 : vector<16xf32>
        %mul3A_537 = arith.mulf %bitcast3A_532, %sub3A_536 : vector<16xf32>
        %mul3A_538 = arith.mulf %add3A_527, %mul3A_537 : vector<16xf32>
        %sub3A_539 = arith.constant 2.000000e+00 : f32
        %sub3A_540 = vector.broadcast %sub3A_539 : f32 to vector<16xf32>
        %sub3A_541 = arith.subf %sub3A_540, %mul3A_538 : vector<16xf32>
        %mul3A_542 = arith.mulf %mul3A_537, %sub3A_541 : vector<16xf32>
        %mul3A_543 = arith.mulf %add3A_527, %mul3A_542 : vector<16xf32>
        %sub3A_544 = arith.constant 2.000000e+00 : f32
        %sub3A_545 = vector.broadcast %sub3A_544 : f32 to vector<16xf32>
        %sub3A_546 = arith.subf %sub3A_545, %mul3A_543 : vector<16xf32>
        %mul3A_547 = arith.mulf %mul3A_542, %sub3A_546 : vector<16xf32>
        %get3A_548 = arith.index_cast %add3A_426 : i32 to index
        %get3A_549 = arith.constant 0 : index
        %get3A_550 = tpu.vector_load %arg12[%get3A_548, %get3A_549] {strides = array<i32>} : memref<32x256xf32, #tpu.memory_space<vmem>>, vector<16xf32>,
        %get3A_551 = arith.index_cast %add3A_426 : i32 to index
        %get3A_552 = arith.constant 0 : index
        %get3A_553 = tpu.vector_load %arg13[%get3A_551, %get3A_552] {strides = array<i32>} : memref<32x384xf32, #tpu.memory_space<vmem>>, vector<16xf32>,
        %mul3A_554 = arith.mulf %get3A_550, %get3A_553 : vector<16xf32>
        %reduce_sum3A_555 = arith.constant true
        %reduce_sum3A_556 = vector.broadcast %reduce_sum3A_555 : i1 to vector<16xi1>
        %reduce_sum3A_557 = tpu.scan <sum>, %mul3A_554 masked %reduce_sum3A_556 : vector<16xf32>, vector<16xi1> -> vector<16xf32>
        %reduce_sum3A_558 = vector.extract %reduce_sum3A_557[15] : f32 from vector<16xf32>
        %eq3A_559 = arith.constant 0 : i32
        %eq3A_560 = vector.broadcast %eq3A_559 : i32 to vector<16xi32>
        %eq3A_561 = arith.cmpi eq, %iota3A, %eq3A_560 : vector<16xi32>
        %broadcast_in_dim3A_562 = vector.broadcast %reduce_sum3A_558 : f32 to vector<16xf32>
        %select_n3A_563 = arith.select %eq3A_561, %broadcast_in_dim3A_562, %broadcast_in_dim3A_4 : vector<16xi1>, vector<16xf32>
        %get3A_564 = arith.index_cast %add3A_426 : i32 to index
        %get3A_565 = arith.constant 16 : index
        %get3A_566 = tpu.vector_load %arg12[%get3A_564, %get3A_565] {strides = array<i32>} : memref<32x256xf32, #tpu.memory_space<vmem>>, vector<16xf32>,
        %get3A_567 = arith.index_cast %add3A_426 : i32 to index
        %get3A_568 = arith.constant 16 : index
        %get3A_569 = tpu.vector_load %arg13[%get3A_567, %get3A_568] {strides = array<i32>} : memref<32x384xf32, #tpu.memory_space<vmem>>, vector<16xf32>,
        %mul3A_570 = arith.mulf %get3A_566, %get3A_569 : vector<16xf32>
        %reduce_sum3A_571 = arith.constant true
        %reduce_sum3A_572 = vector.broadcast %reduce_sum3A_571 : i1 to vector<16xi1>
        %reduce_sum3A_573 = tpu.scan <sum>, %mul3A_570 masked %reduce_sum3A_572 : vector<16xf32>, vector<16xi1> -> vector<16xf32>
        %reduce_sum3A_574 = vector.extract %reduce_sum3A_573[15] : f32 from vector<16xf32>
        %eq3A_575 = arith.constant 1 : i32
        %eq3A_576 = vector.broadcast %eq3A_575 : i32 to vector<16xi32>
        %eq3A_577 = arith.cmpi eq, %iota3A, %eq3A_576 : vector<16xi32>
        %broadcast_in_dim3A_578 = vector.broadcast %reduce_sum3A_574 : f32 to vector<16xf32>
        %select_n3A_579 = arith.select %eq3A_577, %broadcast_in_dim3A_578, %select_n3A_563 : vector<16xi1>, vector<16xf32>
        %get3A_580 = arith.index_cast %add3A_426 : i32 to index
        %get3A_581 = arith.constant 32 : index
        %get3A_582 = tpu.vector_load %arg12[%get3A_580, %get3A_581] {strides = array<i32>} : memref<32x256xf32, #tpu.memory_space<vmem>>, vector<16xf32>,
        %get3A_583 = arith.index_cast %add3A_426 : i32 to index
        %get3A_584 = arith.constant 32 : index
        %get3A_585 = tpu.vector_load %arg13[%get3A_583, %get3A_584] {strides = array<i32>} : memref<32x384xf32, #tpu.memory_space<vmem>>, vector<16xf32>,
        %mul3A_586 = arith.mulf %get3A_582, %get3A_585 : vector<16xf32>
        %reduce_sum3A_587 = arith.constant true
        %reduce_sum3A_588 = vector.broadcast %reduce_sum3A_587 : i1 to vector<16xi1>
        %reduce_sum3A_589 = tpu.scan <sum>, %mul3A_586 masked %reduce_sum3A_588 : vector<16xf32>, vector<16xi1> -> vector<16xf32>
        %reduce_sum3A_590 = vector.extract %reduce_sum3A_589[15] : f32 from vector<16xf32>
        %eq3A_591 = arith.constant 2 : i32
        %eq3A_592 = vector.broadcast %eq3A_591 : i32 to vector<16xi32>
        %eq3A_593 = arith.cmpi eq, %iota3A, %eq3A_592 : vector<16xi32>
        %broadcast_in_dim3A_594 = vector.broadcast %reduce_sum3A_590 : f32 to vector<16xf32>
        %select_n3A_595 = arith.select %eq3A_593, %broadcast_in_dim3A_594, %select_n3A_579 : vector<16xi1>, vector<16xf32>
        %get3A_596 = arith.index_cast %add3A_426 : i32 to index
        %get3A_597 = arith.constant 48 : index
        %get3A_598 = tpu.vector_load %arg12[%get3A_596, %get3A_597] {strides = array<i32>} : memref<32x256xf32, #tpu.memory_space<vmem>>, vector<16xf32>,
        %get3A_599 = arith.index_cast %add3A_426 : i32 to index
        %get3A_600 = arith.constant 48 : index
        %get3A_601 = tpu.vector_load %arg13[%get3A_599, %get3A_600] {strides = array<i32>} : memref<32x384xf32, #tpu.memory_space<vmem>>, vector<16xf32>,
        %mul3A_602 = arith.mulf %get3A_598, %get3A_601 : vector<16xf32>
        %reduce_sum3A_603 = arith.constant true
        %reduce_sum3A_604 = vector.broadcast %reduce_sum3A_603 : i1 to vector<16xi1>
        %reduce_sum3A_605 = tpu.scan <sum>, %mul3A_602 masked %reduce_sum3A_604 : vector<16xf32>, vector<16xi1> -> vector<16xf32>
        %reduce_sum3A_606 = vector.extract %reduce_sum3A_605[15] : f32 from vector<16xf32>
        %eq3A_607 = arith.constant 3 : i32
        %eq3A_608 = vector.broadcast %eq3A_607 : i32 to vector<16xi32>
        %eq3A_609 = arith.cmpi eq, %iota3A, %eq3A_608 : vector<16xi32>
        %broadcast_in_dim3A_610 = vector.broadcast %reduce_sum3A_606 : f32 to vector<16xf32>
        %select_n3A_611 = arith.select %eq3A_609, %broadcast_in_dim3A_610, %select_n3A_595 : vector<16xi1>, vector<16xf32>
        %get3A_612 = arith.index_cast %add3A_426 : i32 to index
        %get3A_613 = arith.constant 64 : index
        %get3A_614 = tpu.vector_load %arg12[%get3A_612, %get3A_613] {strides = array<i32>} : memref<32x256xf32, #tpu.memory_space<vmem>>, vector<16xf32>,
        %get3A_615 = arith.index_cast %add3A_426 : i32 to index
        %get3A_616 = arith.constant 64 : index
        %get3A_617 = tpu.vector_load %arg13[%get3A_615, %get3A_616] {strides = array<i32>} : memref<32x384xf32, #tpu.memory_space<vmem>>, vector<16xf32>,
        %mul3A_618 = arith.mulf %get3A_614, %get3A_617 : vector<16xf32>
        %reduce_sum3A_619 = arith.constant true
        %reduce_sum3A_620 = vector.broadcast %reduce_sum3A_619 : i1 to vector<16xi1>
        %reduce_sum3A_621 = tpu.scan <sum>, %mul3A_618 masked %reduce_sum3A_620 : vector<16xf32>, vector<16xi1> -> vector<16xf32>
        %reduce_sum3A_622 = vector.extract %reduce_sum3A_621[15] : f32 from vector<16xf32>
        %eq3A_623 = arith.constant 4 : i32
        %eq3A_624 = vector.broadcast %eq3A_623 : i32 to vector<16xi32>
        %eq3A_625 = arith.cmpi eq, %iota3A, %eq3A_624 : vector<16xi32>
        %broadcast_in_dim3A_626 = vector.broadcast %reduce_sum3A_622 : f32 to vector<16xf32>
        %select_n3A_627 = arith.select %eq3A_625, %broadcast_in_dim3A_626, %select_n3A_611 : vector<16xi1>, vector<16xf32>
        %get3A_628 = arith.index_cast %add3A_426 : i32 to index
        %get3A_629 = arith.constant 80 : index
        %get3A_630 = tpu.vector_load %arg12[%get3A_628, %get3A_629] {strides = array<i32>} : memref<32x256xf32, #tpu.memory_space<vmem>>, vector<16xf32>,
        %get3A_631 = arith.index_cast %add3A_426 : i32 to index
        %get3A_632 = arith.constant 80 : index
        %get3A_633 = tpu.vector_load %arg13[%get3A_631, %get3A_632] {strides = array<i32>} : memref<32x384xf32, #tpu.memory_space<vmem>>, vector<16xf32>,
        %mul3A_634 = arith.mulf %get3A_630, %get3A_633 : vector<16xf32>
        %reduce_sum3A_635 = arith.constant true
        %reduce_sum3A_636 = vector.broadcast %reduce_sum3A_635 : i1 to vector<16xi1>
        %reduce_sum3A_637 = tpu.scan <sum>, %mul3A_634 masked %reduce_sum3A_636 : vector<16xf32>, vector<16xi1> -> vector<16xf32>
        %reduce_sum3A_638 = vector.extract %reduce_sum3A_637[15] : f32 from vector<16xf32>
        %eq3A_639 = arith.constant 5 : i32
        %eq3A_640 = vector.broadcast %eq3A_639 : i32 to vector<16xi32>
        %eq3A_641 = arith.cmpi eq, %iota3A, %eq3A_640 : vector<16xi32>
        %broadcast_in_dim3A_642 = vector.broadcast %reduce_sum3A_638 : f32 to vector<16xf32>
        %select_n3A_643 = arith.select %eq3A_641, %broadcast_in_dim3A_642, %select_n3A_627 : vector<16xi1>, vector<16xf32>
        %get3A_644 = arith.index_cast %add3A_426 : i32 to index
        %get3A_645 = arith.constant 96 : index
        %get3A_646 = tpu.vector_load %arg12[%get3A_644, %get3A_645] {strides = array<i32>} : memref<32x256xf32, #tpu.memory_space<vmem>>, vector<16xf32>,
        %get3A_647 = arith.index_cast %add3A_426 : i32 to index
        %get3A_648 = arith.constant 96 : index
        %get3A_649 = tpu.vector_load %arg13[%get3A_647, %get3A_648] {strides = array<i32>} : memref<32x384xf32, #tpu.memory_space<vmem>>, vector<16xf32>,
        %mul3A_650 = arith.mulf %get3A_646, %get3A_649 : vector<16xf32>
        %reduce_sum3A_651 = arith.constant true
        %reduce_sum3A_652 = vector.broadcast %reduce_sum3A_651 : i1 to vector<16xi1>
        %reduce_sum3A_653 = tpu.scan <sum>, %mul3A_650 masked %reduce_sum3A_652 : vector<16xf32>, vector<16xi1> -> vector<16xf32>
        %reduce_sum3A_654 = vector.extract %reduce_sum3A_653[15] : f32 from vector<16xf32>
        %eq3A_655 = arith.constant 6 : i32
        %eq3A_656 = vector.broadcast %eq3A_655 : i32 to vector<16xi32>
        %eq3A_657 = arith.cmpi eq, %iota3A, %eq3A_656 : vector<16xi32>
        %broadcast_in_dim3A_658 = vector.broadcast %reduce_sum3A_654 : f32 to vector<16xf32>
        %select_n3A_659 = arith.select %eq3A_657, %broadcast_in_dim3A_658, %select_n3A_643 : vector<16xi1>, vector<16xf32>
        %get3A_660 = arith.index_cast %add3A_426 : i32 to index
        %get3A_661 = arith.constant 112 : index
        %get3A_662 = tpu.vector_load %arg12[%get3A_660, %get3A_661] {strides = array<i32>} : memref<32x256xf32, #tpu.memory_space<vmem>>, vector<16xf32>,
        %get3A_663 = arith.index_cast %add3A_426 : i32 to index
        %get3A_664 = arith.constant 112 : index
        %get3A_665 = tpu.vector_load %arg13[%get3A_663, %get3A_664] {strides = array<i32>} : memref<32x384xf32, #tpu.memory_space<vmem>>, vector<16xf32>,
        %mul3A_666 = arith.mulf %get3A_662, %get3A_665 : vector<16xf32>
        %reduce_sum3A_667 = arith.constant true
        %reduce_sum3A_668 = vector.broadcast %reduce_sum3A_667 : i1 to vector<16xi1>
        %reduce_sum3A_669 = tpu.scan <sum>, %mul3A_666 masked %reduce_sum3A_668 : vector<16xf32>, vector<16xi1> -> vector<16xf32>
        %reduce_sum3A_670 = vector.extract %reduce_sum3A_669[15] : f32 from vector<16xf32>
        %eq3A_671 = arith.constant 7 : i32
        %eq3A_672 = vector.broadcast %eq3A_671 : i32 to vector<16xi32>
        %eq3A_673 = arith.cmpi eq, %iota3A, %eq3A_672 : vector<16xi32>
        %broadcast_in_dim3A_674 = vector.broadcast %reduce_sum3A_670 : f32 to vector<16xf32>
        %select_n3A_675 = arith.select %eq3A_673, %broadcast_in_dim3A_674, %select_n3A_659 : vector<16xi1>, vector<16xf32>
        %mul3A_676 = arith.mulf %select_n3A_675, %mul3A_547 : vector<16xf32>
        %mul3A_677 = arith.constant 1.44269502 : f32
        %mul3A_678 = vector.broadcast %mul3A_677 : f32 to vector<16xf32>
        %mul3A_679 = arith.mulf %mul3A_676, %mul3A_678 : vector<16xf32>
        %ge3A_680 = arith.constant 0.000000e+00 : f32
        %ge3A_681 = vector.broadcast %ge3A_680 : f32 to vector<16xf32>
        %ge3A_682 = arith.cmpf oge, %mul3A_679, %ge3A_681 : vector<16xf32>
        %add3A_683 = arith.constant 5.000000e-01 : f32
        %add3A_684 = vector.broadcast %add3A_683 : f32 to vector<16xf32>
        %add3A_685 = arith.addf %mul3A_679, %add3A_684 : vector<16xf32>
        %sub3A_686 = arith.constant 5.000000e-01 : f32
        %sub3A_687 = vector.broadcast %sub3A_686 : f32 to vector<16xf32>
        %sub3A_688 = arith.subf %mul3A_679, %sub3A_687 : vector<16xf32>
        %select_n3A_689 = arith.select %ge3A_682, %add3A_685, %sub3A_688 : vector<16xi1>, vector<16xf32>
        %convert_element_type3A_690 = arith.fptosi %select_n3A_689 : vector<16xf32> to vector<16xi32>
        %convert_element_type3A_691 = arith.sitofp %convert_element_type3A_690 : vector<16xi32> to vector<16xf32>
        %mul3A_692 = arith.constant 0.693147182 : f32
        %mul3A_693 = vector.broadcast %mul3A_692 : f32 to vector<16xf32>
        %mul3A_694 = arith.mulf %convert_element_type3A_691, %mul3A_693 : vector<16xf32>
        %sub3A_695 = arith.subf %mul3A_676, %mul3A_694 : vector<16xf32>
        %mul3A_696 = arith.constant 0.00833333377 : f32
        %mul3A_697 = vector.broadcast %mul3A_696 : f32 to vector<16xf32>
        %mul3A_698 = arith.mulf %mul3A_697, %sub3A_695 : vector<16xf32>
        %add3A_699 = arith.constant 0.0416666679 : f32
        %add3A_700 = vector.broadcast %add3A_699 : f32 to vector<16xf32>
        %add3A_701 = arith.addf %mul3A_698, %add3A_700 : vector<16xf32>
        %mul3A_702 = arith.mulf %add3A_701, %sub3A_695 : vector<16xf32>
        %add3A_703 = arith.constant 0.166666672 : f32
        %add3A_704 = vector.broadcast %add3A_703 : f32 to vector<16xf32>
        %add3A_705 = arith.addf %mul3A_702, %add3A_704 : vector<16xf32>
        %mul3A_706 = arith.mulf %add3A_705, %sub3A_695 : vector<16xf32>
        %add3A_707 = arith.constant 5.000000e-01 : f32
        %add3A_708 = vector.broadcast %add3A_707 : f32 to vector<16xf32>
        %add3A_709 = arith.addf %mul3A_706, %add3A_708 : vector<16xf32>
        %mul3A_710 = arith.mulf %add3A_709, %sub3A_695 : vector<16xf32>
        %add3A_711 = arith.constant 1.000000e+00 : f32
        %add3A_712 = vector.broadcast %add3A_711 : f32 to vector<16xf32>
        %add3A_713 = arith.addf %mul3A_710, %add3A_712 : vector<16xf32>
        %mul3A_714 = arith.mulf %add3A_713, %sub3A_695 : vector<16xf32>
        %add3A_715 = arith.constant 1.000000e+00 : f32
        %add3A_716 = vector.broadcast %add3A_715 : f32 to vector<16xf32>
        %add3A_717 = arith.addf %mul3A_714, %add3A_716 : vector<16xf32>
        %add3A_718 = arith.constant 127 : i32
        %add3A_719 = vector.broadcast %add3A_718 : i32 to vector<16xi32>
        %add3A_720 = arith.addi %convert_element_type3A_690, %add3A_719 : vector<16xi32>
        %shift_left3A_721 = arith.constant 23 : i32
        %shift_left3A_722 = vector.broadcast %shift_left3A_721 : i32 to vector<16xi32>
        %shift_left3A_723 = arith.shli %add3A_720, %shift_left3A_722 : vector<16xi32>
        %bitcast3A_724 = vector.bitcast %shift_left3A_723 : vector<16xi32> to vector<16xf32>
        %mul3A_725 = arith.mulf %add3A_717, %bitcast3A_724 : vector<16xf32>
        %mul3A_726 = arith.mulf %mul3A_725, %select_n3A : vector<16xf32>
        %mul3A_727 = arith.mulf %mul3A_726, %convert_element_type3A_12 : vector<16xf32>
        %reduce_sum3A_728 = arith.constant true
        %reduce_sum3A_729 = vector.broadcast %reduce_sum3A_728 : i1 to vector<16xi1>
        %reduce_sum3A_730 = tpu.scan <sum>, %mul3A_727 masked %reduce_sum3A_729 : vector<16xf32>, vector<16xi1> -> vector<16xf32>
        %reduce_sum3A_731 = vector.extract %reduce_sum3A_730[15] : f32 from vector<16xf32>
        %broadcast_in_dim3A_732 = vector.broadcast %reduce_sum3A_731 : f32 to vector<16xf32>
        %get3A_733 = arith.index_cast %add3A_426 : i32 to index
        %get3A_734 = arith.constant 128 : index
        %get3A_735 = tpu.vector_load %arg13[%get3A_733, %get3A_734] {strides = array<i32>} : memref<32x384xf32, #tpu.memory_space<vmem>>, vector<16xf32>,
        %mul3A_736 = arith.mulf %broadcast_in_dim3A_732, %get3A_735 : vector<16xf32>
        %swap3A_737 = arith.index_cast %add3A_426 : i32 to index
        %swap3A_738 = arith.constant 0 : index
        %swap3A_739 = tpu.vector_load %arg14[%swap3A_737, %swap3A_738] {strides = array<i32>} : memref<32x128xf32, #tpu.memory_space<vmem>>, vector<16xf32>,
        tpu.vector_store %arg14[%swap3A_737, %swap3A_738], %mul3A_736 {strides = array<i32>} : memref<32x128xf32, #tpu.memory_space<vmem>>, vector<16xf32>,
        %mul3A_740 = arith.mulf %mul3A_726, %convert_element_type3A_17 : vector<16xf32>
        %reduce_sum3A_741 = arith.constant true
        %reduce_sum3A_742 = vector.broadcast %reduce_sum3A_741 : i1 to vector<16xi1>
        %reduce_sum3A_743 = tpu.scan <sum>, %mul3A_740 masked %reduce_sum3A_742 : vector<16xf32>, vector<16xi1> -> vector<16xf32>
        %reduce_sum3A_744 = vector.extract %reduce_sum3A_743[15] : f32 from vector<16xf32>
        %broadcast_in_dim3A_745 = vector.broadcast %reduce_sum3A_744 : f32 to vector<16xf32>
        %get3A_746 = arith.index_cast %add3A_426 : i32 to index
        %get3A_747 = arith.constant 144 : index
        %get3A_748 = tpu.vector_load %arg13[%get3A_746, %get3A_747] {strides = array<i32>} : memref<32x384xf32, #tpu.memory_space<vmem>>, vector<16xf32>,
        %mul3A_749 = arith.mulf %broadcast_in_dim3A_745, %get3A_748 : vector<16xf32>
        %swap3A_750 = arith.index_cast %add3A_426 : i32 to index
        %swap3A_751 = arith.constant 16 : index
        %swap3A_752 = tpu.vector_load %arg14[%swap3A_750, %swap3A_751] {strides = array<i32>} : memref<32x128xf32, #tpu.memory_space<vmem>>, vector<16xf32>,
        tpu.vector_store %arg14[%swap3A_750, %swap3A_751], %mul3A_749 {strides = array<i32>} : memref<32x128xf32, #tpu.memory_space<vmem>>, vector<16xf32>,
        %mul3A_753 = arith.mulf %mul3A_726, %convert_element_type3A_22 : vector<16xf32>
        %reduce_sum3A_754 = arith.constant true
        %reduce_sum3A_755 = vector.broadcast %reduce_sum3A_754 : i1 to vector<16xi1>
        %reduce_sum3A_756 = tpu.scan <sum>, %mul3A_753 masked %reduce_sum3A_755 : vector<16xf32>, vector<16xi1> -> vector<16xf32>
        %reduce_sum3A_757 = vector.extract %reduce_sum3A_756[15] : f32 from vector<16xf32>
        %broadcast_in_dim3A_758 = vector.broadcast %reduce_sum3A_757 : f32 to vector<16xf32>
        %get3A_759 = arith.index_cast %add3A_426 : i32 to index
        %get3A_760 = arith.constant 160 : index
        %get3A_761 = tpu.vector_load %arg13[%get3A_759, %get3A_760] {strides = array<i32>} : memref<32x384xf32, #tpu.memory_space<vmem>>, vector<16xf32>,
        %mul3A_762 = arith.mulf %broadcast_in_dim3A_758, %get3A_761 : vector<16xf32>
        %swap3A_763 = arith.index_cast %add3A_426 : i32 to index
        %swap3A_764 = arith.constant 32 : index
        %swap3A_765 = tpu.vector_load %arg14[%swap3A_763, %swap3A_764] {strides = array<i32>} : memref<32x128xf32, #tpu.memory_space<vmem>>, vector<16xf32>,
        tpu.vector_store %arg14[%swap3A_763, %swap3A_764], %mul3A_762 {strides = array<i32>} : memref<32x128xf32, #tpu.memory_space<vmem>>, vector<16xf32>,
        %mul3A_766 = arith.mulf %mul3A_726, %convert_element_type3A_27 : vector<16xf32>
        %reduce_sum3A_767 = arith.constant true
        %reduce_sum3A_768 = vector.broadcast %reduce_sum3A_767 : i1 to vector<16xi1>
        %reduce_sum3A_769 = tpu.scan <sum>, %mul3A_766 masked %reduce_sum3A_768 : vector<16xf32>, vector<16xi1> -> vector<16xf32>
        %reduce_sum3A_770 = vector.extract %reduce_sum3A_769[15] : f32 from vector<16xf32>
        %broadcast_in_dim3A_771 = vector.broadcast %reduce_sum3A_770 : f32 to vector<16xf32>
        %get3A_772 = arith.index_cast %add3A_426 : i32 to index
        %get3A_773 = arith.constant 176 : index
        %get3A_774 = tpu.vector_load %arg13[%get3A_772, %get3A_773] {strides = array<i32>} : memref<32x384xf32, #tpu.memory_space<vmem>>, vector<16xf32>,
        %mul3A_775 = arith.mulf %broadcast_in_dim3A_771, %get3A_774 : vector<16xf32>
        %swap3A_776 = arith.index_cast %add3A_426 : i32 to index
        %swap3A_777 = arith.constant 48 : index
        %swap3A_778 = tpu.vector_load %arg14[%swap3A_776, %swap3A_777] {strides = array<i32>} : memref<32x128xf32, #tpu.memory_space<vmem>>, vector<16xf32>,
        tpu.vector_store %arg14[%swap3A_776, %swap3A_777], %mul3A_775 {strides = array<i32>} : memref<32x128xf32, #tpu.memory_space<vmem>>, vector<16xf32>,
        %mul3A_779 = arith.mulf %mul3A_726, %convert_element_type3A_32 : vector<16xf32>
        %reduce_sum3A_780 = arith.constant true
        %reduce_sum3A_781 = vector.broadcast %reduce_sum3A_780 : i1 to vector<16xi1>
        %reduce_sum3A_782 = tpu.scan <sum>, %mul3A_779 masked %reduce_sum3A_781 : vector<16xf32>, vector<16xi1> -> vector<16xf32>
        %reduce_sum3A_783 = vector.extract %reduce_sum3A_782[15] : f32 from vector<16xf32>
        %broadcast_in_dim3A_784 = vector.broadcast %reduce_sum3A_783 : f32 to vector<16xf32>
        %get3A_785 = arith.index_cast %add3A_426 : i32 to index
        %get3A_786 = arith.constant 192 : index
        %get3A_787 = tpu.vector_load %arg13[%get3A_785, %get3A_786] {strides = array<i32>} : memref<32x384xf32, #tpu.memory_space<vmem>>, vector<16xf32>,
        %mul3A_788 = arith.mulf %broadcast_in_dim3A_784, %get3A_787 : vector<16xf32>
        %swap3A_789 = arith.index_cast %add3A_426 : i32 to index
        %swap3A_790 = arith.constant 64 : index
        %swap3A_791 = tpu.vector_load %arg14[%swap3A_789, %swap3A_790] {strides = array<i32>} : memref<32x128xf32, #tpu.memory_space<vmem>>, vector<16xf32>,
        tpu.vector_store %arg14[%swap3A_789, %swap3A_790], %mul3A_788 {strides = array<i32>} : memref<32x128xf32, #tpu.memory_space<vmem>>, vector<16xf32>,
        %mul3A_792 = arith.mulf %mul3A_726, %convert_element_type3A_37 : vector<16xf32>
        %reduce_sum3A_793 = arith.constant true
        %reduce_sum3A_794 = vector.broadcast %reduce_sum3A_793 : i1 to vector<16xi1>
        %reduce_sum3A_795 = tpu.scan <sum>, %mul3A_792 masked %reduce_sum3A_794 : vector<16xf32>, vector<16xi1> -> vector<16xf32>
        %reduce_sum3A_796 = vector.extract %reduce_sum3A_795[15] : f32 from vector<16xf32>
        %broadcast_in_dim3A_797 = vector.broadcast %reduce_sum3A_796 : f32 to vector<16xf32>
        %get3A_798 = arith.index_cast %add3A_426 : i32 to index
        %get3A_799 = arith.constant 208 : index
        %get3A_800 = tpu.vector_load %arg13[%get3A_798, %get3A_799] {strides = array<i32>} : memref<32x384xf32, #tpu.memory_space<vmem>>, vector<16xf32>,
        %mul3A_801 = arith.mulf %broadcast_in_dim3A_797, %get3A_800 : vector<16xf32>
        %swap3A_802 = arith.index_cast %add3A_426 : i32 to index
        %swap3A_803 = arith.constant 80 : index
        %swap3A_804 = tpu.vector_load %arg14[%swap3A_802, %swap3A_803] {strides = array<i32>} : memref<32x128xf32, #tpu.memory_space<vmem>>, vector<16xf32>,
        tpu.vector_store %arg14[%swap3A_802, %swap3A_803], %mul3A_801 {strides = array<i32>} : memref<32x128xf32, #tpu.memory_space<vmem>>, vector<16xf32>,
        %mul3A_805 = arith.mulf %mul3A_726, %convert_element_type3A_42 : vector<16xf32>
        %reduce_sum3A_806 = arith.constant true
        %reduce_sum3A_807 = vector.broadcast %reduce_sum3A_806 : i1 to vector<16xi1>
        %reduce_sum3A_808 = tpu.scan <sum>, %mul3A_805 masked %reduce_sum3A_807 : vector<16xf32>, vector<16xi1> -> vector<16xf32>
        %reduce_sum3A_809 = vector.extract %reduce_sum3A_808[15] : f32 from vector<16xf32>
        %broadcast_in_dim3A_810 = vector.broadcast %reduce_sum3A_809 : f32 to vector<16xf32>
        %get3A_811 = arith.index_cast %add3A_426 : i32 to index
        %get3A_812 = arith.constant 224 : index
        %get3A_813 = tpu.vector_load %arg13[%get3A_811, %get3A_812] {strides = array<i32>} : memref<32x384xf32, #tpu.memory_space<vmem>>, vector<16xf32>,
        %mul3A_814 = arith.mulf %broadcast_in_dim3A_810, %get3A_813 : vector<16xf32>
        %swap3A_815 = arith.index_cast %add3A_426 : i32 to index
        %swap3A_816 = arith.constant 96 : index
        %swap3A_817 = tpu.vector_load %arg14[%swap3A_815, %swap3A_816] {strides = array<i32>} : memref<32x128xf32, #tpu.memory_space<vmem>>, vector<16xf32>,
        tpu.vector_store %arg14[%swap3A_815, %swap3A_816], %mul3A_814 {strides = array<i32>} : memref<32x128xf32, #tpu.memory_space<vmem>>, vector<16xf32>,
        %mul3A_818 = arith.mulf %mul3A_726, %convert_element_type3A_47 : vector<16xf32>
        %reduce_sum3A_819 = arith.constant true
        %reduce_sum3A_820 = vector.broadcast %reduce_sum3A_819 : i1 to vector<16xi1>
        %reduce_sum3A_821 = tpu.scan <sum>, %mul3A_818 masked %reduce_sum3A_820 : vector<16xf32>, vector<16xi1> -> vector<16xf32>
        %reduce_sum3A_822 = vector.extract %reduce_sum3A_821[15] : f32 from vector<16xf32>
        %broadcast_in_dim3A_823 = vector.broadcast %reduce_sum3A_822 : f32 to vector<16xf32>
        %get3A_824 = arith.index_cast %add3A_426 : i32 to index
        %get3A_825 = arith.constant 240 : index
        %get3A_826 = tpu.vector_load %arg13[%get3A_824, %get3A_825] {strides = array<i32>} : memref<32x384xf32, #tpu.memory_space<vmem>>, vector<16xf32>,
        %mul3A_827 = arith.mulf %broadcast_in_dim3A_823, %get3A_826 : vector<16xf32>
        %swap3A_828 = arith.index_cast %add3A_426 : i32 to index
        %swap3A_829 = arith.constant 112 : index
        %swap3A_830 = tpu.vector_load %arg14[%swap3A_828, %swap3A_829] {strides = array<i32>} : memref<32x128xf32, #tpu.memory_space<vmem>>, vector<16xf32>,
        tpu.vector_store %arg14[%swap3A_828, %swap3A_829], %mul3A_827 {strides = array<i32>} : memref<32x128xf32, #tpu.memory_space<vmem>>, vector<16xf32>,
        %add3A_831 = arith.addf %scan3A_424, %mul3A_726 : vector<16xf32>
        scf.yield %add3A_831 : vector<16xf32>
      }
      %scan3A_351 = arith.constant 16 : i32
      %dma_start3A_352 = arith.constant 1 : i32
      %dma_start3A_353 = arith.constant 16 : i32
      %dma_start3A_354 = arith.constant 0 : i32
      %dma_start3A_355 = tpu.memref_slice %arg14[%dma_start3A_353, %dma_start3A_354] : memref<32x128xf32, #tpu.memory_space<vmem>> -> memref<16x128xf32, #tpu.memory_space<vmem>>
      %dma_start3A_356 = arith.constant 0 : i32
      %dma_start3A_357 = tpu.memref_slice %arg15[%dma_start3A_352, %dma_start3A_356] : memref<2x16xi32, #tpu.memory_space<vmem>> -> memref<1x16xi32, #tpu.memory_space<vmem>>
      %dma_start3A_358 = tpu.memref_squeeze %dma_start3A_357 : memref<1x16xi32, #tpu.memory_space<vmem>> -> memref<16xi32, #tpu.memory_space<vmem>>
      %dma_start3A_359 = arith.constant 0 : i32
      %dma_start3A_360 = arith.constant 0 : i32
      %dma_start3A_361 = tpu.memref_slice %arg19[%dma_start3A_359, %dma_start3A_360] : memref<10112x128xf32, #tpu.memory_space<vmem_shared>> -> memref<10112x128xf32, #tpu.memory_space<vmem_shared>>
      tpu.enqueue_indirect_dma source(%dma_start3A_355 : memref<16x128xf32, #tpu.memory_space<vmem>>) target(%dma_start3A_361 : memref<10112x128xf32, #tpu.memory_space<vmem_shared>>) offsets(%dma_start3A_358 : memref<16xi32, #tpu.memory_space<vmem>>) semaphore(%arg23 : memref<!tpu.dma_semaphore, #tpu.memory_space<semaphore_mem>>) {add = true}
      %mul3A_362 = arith.constant 2 : i32
      %mul3A_363 = arith.muli %mul3A_362, %scan3A_291 : i32
      %add3A_364 = arith.constant 2 : i32
      %add3A_365 = arith.addi %mul3A_363, %add3A_364 : i32
      %mul3A_366 = arith.constant 16 : i32
      %mul3A_367 = arith.muli %add3A_365, %mul3A_366 : i32
      %dma_wait3A_368 = arith.constant 0 : i32
      %dma_wait3A_369 = arith.constant 0 : i32
      %dma_wait3A_370 = tpu.memref_slice %arg12[%dma_wait3A_368, %dma_wait3A_369] : memref<32x256xf32, #tpu.memory_space<vmem>> -> memref<16x256xf32, #tpu.memory_space<vmem>>
      %dma_wait3A_371 = tpu.memref_slice %arg10[%mul3A_367] : memref<10000xi32, #tpu.memory_space<vmem>> -> memref<16xi32, #tpu.memory_space<vmem>>
      %dma_wait3A_372 = arith.constant 0 : i32
      %dma_wait3A_373 = arith.constant 0 : i32
      %dma_wait3A_374 = tpu.memref_slice %arg4[%dma_wait3A_372, %dma_wait3A_373] : memref<10000x256xf32, #tpu.memory_space<hbm>> -> memref<10000x256xf32, #tpu.memory_space<hbm>>
      tpu.wait_indirect_dma semaphore(%arg20 : memref<!tpu.dma_semaphore, #tpu.memory_space<semaphore_mem>>) src(%dma_wait3A_374 : memref<10000x256xf32, #tpu.memory_space<hbm>>) dst(%dma_wait3A_370 : memref<16x256xf32, #tpu.memory_space<vmem>>)
      %mul3A_375 = arith.constant 16 : i32
      %mul3A_376 = arith.muli %add3A_365, %mul3A_375 : i32
      %dma_wait3A_377 = arith.constant 0 : i32
      %dma_wait3A_378 = arith.constant 0 : i32
      %dma_wait3A_379 = tpu.memref_slice %arg13[%dma_wait3A_377, %dma_wait3A_378] : memref<32x384xf32, #tpu.memory_space<vmem>> -> memref<16x384xf32, #tpu.memory_space<vmem>>
      %dma_wait3A_380 = tpu.memref_slice %arg11[%mul3A_376] : memref<10000xi32, #tpu.memory_space<vmem>> -> memref<16xi32, #tpu.memory_space<vmem>>
      %dma_wait3A_381 = arith.constant 0 : i32
      %dma_wait3A_382 = arith.constant 0 : i32
      %dma_wait3A_383 = tpu.memref_slice %arg5[%dma_wait3A_381, %dma_wait3A_382] : memref<10000x384xf32, #tpu.memory_space<hbm>> -> memref<10000x384xf32, #tpu.memory_space<hbm>>
      tpu.wait_indirect_dma semaphore(%arg20 : memref<!tpu.dma_semaphore, #tpu.memory_space<semaphore_mem>>) src(%dma_wait3A_383 : memref<10000x384xf32, #tpu.memory_space<hbm>>) dst(%dma_wait3A_379 : memref<16x384xf32, #tpu.memory_space<vmem>>)
      %lt3A_384 = arith.constant 311 : i32
      %lt3A_385 = arith.cmpi slt, %scan3A_291, %lt3A_384 : i32
      %convert_element_type3A_386 = arith.extui %lt3A_385 : i1 to i32
      %cond3A_387 = arith.constant 0 : i32
      %cond3A_388 = arith.cmpi ne, %convert_element_type3A_386, %cond3A_387 : i32
      scf.if %cond3A_388 {
        %add3A_423 = arith.constant 1 : i32
        %add3A_424 = arith.addi %add3A_365, %add3A_423 : i32
        %mul3A_425 = arith.constant 16 : i32
        %mul3A_426 = arith.muli %add3A_424, %mul3A_425 : i32
        %dma_start3A_427 = arith.constant 16 : i32
        %dma_start3A_428 = arith.constant 0 : i32
        %dma_start3A_429 = tpu.memref_slice %arg12[%dma_start3A_427, %dma_start3A_428] : memref<32x256xf32, #tpu.memory_space<vmem>> -> memref<16x256xf32, #tpu.memory_space<vmem>>
        %dma_start3A_430 = tpu.memref_slice %arg10[%mul3A_426] : memref<10000xi32, #tpu.memory_space<vmem>> -> memref<16xi32, #tpu.memory_space<vmem>>
        %dma_start3A_431 = arith.constant 0 : i32
        %dma_start3A_432 = arith.constant 0 : i32
        %dma_start3A_433 = tpu.memref_slice %arg4[%dma_start3A_431, %dma_start3A_432] : memref<10000x256xf32, #tpu.memory_space<hbm>> -> memref<10000x256xf32, #tpu.memory_space<hbm>>
        tpu.enqueue_indirect_dma source(%dma_start3A_433 : memref<10000x256xf32, #tpu.memory_space<hbm>>) target(%dma_start3A_429 : memref<16x256xf32, #tpu.memory_space<vmem>>) offsets(%dma_start3A_430 : memref<16xi32, #tpu.memory_space<vmem>>) semaphore(%arg21 : memref<!tpu.dma_semaphore, #tpu.memory_space<semaphore_mem>>)
        %mul3A_434 = arith.constant 16 : i32
        %mul3A_435 = arith.muli %add3A_424, %mul3A_434 : i32
        %dma_start3A_436 = arith.constant 16 : i32
        %dma_start3A_437 = arith.constant 0 : i32
        %dma_start3A_438 = tpu.memref_slice %arg13[%dma_start3A_436, %dma_start3A_437] : memref<32x384xf32, #tpu.memory_space<vmem>> -> memref<16x384xf32, #tpu.memory_space<vmem>>
        %dma_start3A_439 = tpu.memref_slice %arg11[%mul3A_435] : memref<10000xi32, #tpu.memory_space<vmem>> -> memref<16xi32, #tpu.memory_space<vmem>>
        %dma_start3A_440 = arith.constant 0 : i32
        %dma_start3A_441 = arith.constant 0 : i32
        %dma_start3A_442 = tpu.memref_slice %arg5[%dma_start3A_440, %dma_start3A_441] : memref<10000x384xf32, #tpu.memory_space<hbm>> -> memref<10000x384xf32, #tpu.memory_space<hbm>>
        tpu.enqueue_indirect_dma source(%dma_start3A_442 : memref<10000x384xf32, #tpu.memory_space<hbm>>) target(%dma_start3A_438 : memref<16x384xf32, #tpu.memory_space<vmem>>) offsets(%dma_start3A_439 : memref<16xi32, #tpu.memory_space<vmem>>) semaphore(%arg21 : memref<!tpu.dma_semaphore, #tpu.memory_space<semaphore_mem>>)
      } else {
      }
      %dma_wait3A_389 = arith.constant 0 : i32
      %dma_wait3A_390 = arith.constant 0 : i32
      %dma_wait3A_391 = arith.constant 0 : i32
      %dma_wait3A_392 = tpu.memref_slice %arg14[%dma_wait3A_390, %dma_wait3A_391] : memref<32x128xf32, #tpu.memory_space<vmem>> -> memref<16x128xf32, #tpu.memory_space<vmem>>
      %dma_wait3A_393 = arith.constant 0 : i32
      %dma_wait3A_394 = tpu.memref_slice %arg15[%dma_wait3A_389, %dma_wait3A_393] : memref<2x16xi32, #tpu.memory_space<vmem>> -> memref<1x16xi32, #tpu.memory_space<vmem>>
      %dma_wait3A_395 = tpu.memref_squeeze %dma_wait3A_394 : memref<1x16xi32, #tpu.memory_space<vmem>> -> memref<16xi32, #tpu.memory_space<vmem>>
      %dma_wait3A_396 = arith.constant 0 : i32
      %dma_wait3A_397 = arith.constant 0 : i32
      %dma_wait3A_398 = tpu.memref_slice %arg19[%dma_wait3A_396, %dma_wait3A_397] : memref<10112x128xf32, #tpu.memory_space<vmem_shared>> -> memref<10112x128xf32, #tpu.memory_space<vmem_shared>>
      tpu.wait_indirect_dma semaphore(%arg22 : memref<!tpu.dma_semaphore, #tpu.memory_space<semaphore_mem>>) src(%dma_wait3A_392 : memref<16x128xf32, #tpu.memory_space<vmem>>) dst(%dma_wait3A_398 : memref<10112x128xf32, #tpu.memory_space<vmem_shared>>)
      %mul3A_399 = arith.constant 16 : i32
      %mul3A_400 = arith.muli %add3A_365, %mul3A_399 : i32
      %get3A_401 = arith.index_cast %mul3A_400 : i32 to index
      %get3A_402 = tpu.vector_load %arg10[%get3A_401] {strides = array<i32>} : memref<10000xi32, #tpu.memory_space<vmem>>, vector<16xi32>,
      %swap3A_403 = arith.constant 0 : i32
      %swap3A_404 = arith.index_cast %swap3A_403 : i32 to index
      %swap3A_405 = arith.constant 0 : index
      %swap3A_406 = tpu.vector_load %arg15[%swap3A_404, %swap3A_405] {strides = array<i32>} : memref<2x16xi32, #tpu.memory_space<vmem>>, vector<16xi32>,
      tpu.vector_store %arg15[%swap3A_404, %swap3A_405], %get3A_402 {strides = array<i32>} : memref<2x16xi32, #tpu.memory_space<vmem>>, vector<16xi32>,
      %scan3A_407 = arith.constant 0 : i32
      %scan3A_408 = arith.constant 16 : i32
      %scan3A_409 = arith.addi %scan3A_407, %scan3A_408 : i32
      %scan3A_410 = arith.constant 1 : i32
      %scan3A_411 = scf.for %scan3A_423 = %scan3A_407 to %scan3A_409 step %scan3A_410 iter_args(%scan3A_424 = %scan3A_350) -> (vector<16xf32>)  : i32 {
        %add3A_425 = arith.constant 0 : i32
        %add3A_426 = arith.addi %add3A_425, %scan3A_423 : i32
        %get3A_427 = arith.index_cast %add3A_426 : i32 to index
        %get3A_428 = arith.constant 128 : index
        %get3A_429 = tpu.vector_load %arg12[%get3A_427, %get3A_428] {strides = array<i32>} : memref<32x256xf32, #tpu.memory_space<vmem>>, vector<16xf32>,
        %get3A_430 = arith.index_cast %add3A_426 : i32 to index
        %get3A_431 = arith.constant 256 : index
        %get3A_432 = tpu.vector_load %arg13[%get3A_430, %get3A_431] {strides = array<i32>} : memref<32x384xf32, #tpu.memory_space<vmem>>, vector<16xf32>,
        %sub3A = arith.subf %get3A_429, %get3A_432 : vector<16xf32>
        %mul3A_433 = arith.mulf %sub3A, %sub3A : vector<16xf32>
        %reduce_sum3A = arith.constant true
        %reduce_sum3A_434 = vector.broadcast %reduce_sum3A : i1 to vector<16xi1>
        %reduce_sum3A_435 = tpu.scan <sum>, %mul3A_433 masked %reduce_sum3A_434 : vector<16xf32>, vector<16xi1> -> vector<16xf32>
        %reduce_sum3A_436 = vector.extract %reduce_sum3A_435[15] : f32 from vector<16xf32>
        %add3A_437 = arith.constant 9.99999996E-13 : f32
        %add3A_438 = arith.addf %reduce_sum3A_436, %add3A_437 : f32
        %broadcast_in_dim3A_439 = vector.broadcast %add3A_438 : f32 to vector<16xf32>
        %bitcast3A = vector.bitcast %broadcast_in_dim3A_439 : vector<16xf32> to vector<16xi32>
        %shift_right_logical3A = arith.constant 1 : i32
        %shift_right_logical3A_440 = vector.broadcast %shift_right_logical3A : i32 to vector<16xi32>
        %shift_right_logical3A_441 = arith.shrui %bitcast3A, %shift_right_logical3A_440 : vector<16xi32>
        %sub3A_442 = arith.constant 1597463007 : i32
        %sub3A_443 = vector.broadcast %sub3A_442 : i32 to vector<16xi32>
        %sub3A_444 = arith.subi %sub3A_443, %shift_right_logical3A_441 : vector<16xi32>
        %bitcast3A_445 = vector.bitcast %sub3A_444 : vector<16xi32> to vector<16xf32>
        %mul3A_446 = arith.constant 5.000000e-01 : f32
        %mul3A_447 = vector.broadcast %mul3A_446 : f32 to vector<16xf32>
        %mul3A_448 = arith.mulf %mul3A_447, %broadcast_in_dim3A_439 : vector<16xf32>
        %mul3A_449 = arith.mulf %mul3A_448, %bitcast3A_445 : vector<16xf32>
        %mul3A_450 = arith.mulf %mul3A_449, %bitcast3A_445 : vector<16xf32>
        %sub3A_451 = arith.constant 1.500000e+00 : f32
        %sub3A_452 = vector.broadcast %sub3A_451 : f32 to vector<16xf32>
        %sub3A_453 = arith.subf %sub3A_452, %mul3A_450 : vector<16xf32>
        %mul3A_454 = arith.mulf %bitcast3A_445, %sub3A_453 : vector<16xf32>
        %mul3A_455 = arith.constant 5.000000e-01 : f32
        %mul3A_456 = vector.broadcast %mul3A_455 : f32 to vector<16xf32>
        %mul3A_457 = arith.mulf %mul3A_456, %broadcast_in_dim3A_439 : vector<16xf32>
        %mul3A_458 = arith.mulf %mul3A_457, %mul3A_454 : vector<16xf32>
        %mul3A_459 = arith.mulf %mul3A_458, %mul3A_454 : vector<16xf32>
        %sub3A_460 = arith.constant 1.500000e+00 : f32
        %sub3A_461 = vector.broadcast %sub3A_460 : f32 to vector<16xf32>
        %sub3A_462 = arith.subf %sub3A_461, %mul3A_459 : vector<16xf32>
        %mul3A_463 = arith.mulf %mul3A_454, %sub3A_462 : vector<16xf32>
        %mul3A_464 = arith.constant 5.000000e-01 : f32
        %mul3A_465 = vector.broadcast %mul3A_464 : f32 to vector<16xf32>
        %mul3A_466 = arith.mulf %mul3A_465, %broadcast_in_dim3A_439 : vector<16xf32>
        %mul3A_467 = arith.mulf %mul3A_466, %mul3A_463 : vector<16xf32>
        %mul3A_468 = arith.mulf %mul3A_467, %mul3A_463 : vector<16xf32>
        %sub3A_469 = arith.constant 1.500000e+00 : f32
        %sub3A_470 = vector.broadcast %sub3A_469 : f32 to vector<16xf32>
        %sub3A_471 = arith.subf %sub3A_470, %mul3A_468 : vector<16xf32>
        %mul3A_472 = arith.mulf %mul3A_463, %sub3A_471 : vector<16xf32>
        %mul3A_473 = arith.mulf %broadcast_in_dim3A_439, %mul3A_472 : vector<16xf32>
        %mul3A_474 = arith.mulf %mul3A_473, %get3A_1 : vector<16xf32>
        %add3A_475 = arith.addf %mul3A_474, %get3A_3 : vector<16xf32>
        %neg3A = arith.constant 0.000000e+00 : f32
        %neg3A_476 = vector.broadcast %neg3A : f32 to vector<16xf32>
        %neg3A_477 = arith.subf %neg3A_476, %add3A_475 : vector<16xf32>
        %mul3A_478 = arith.constant 1.44269502 : f32
        %mul3A_479 = vector.broadcast %mul3A_478 : f32 to vector<16xf32>
        %mul3A_480 = arith.mulf %neg3A_477, %mul3A_479 : vector<16xf32>
        %ge3A = arith.constant 0.000000e+00 : f32
        %ge3A_481 = vector.broadcast %ge3A : f32 to vector<16xf32>
        %ge3A_482 = arith.cmpf oge, %mul3A_480, %ge3A_481 : vector<16xf32>
        %add3A_483 = arith.constant 5.000000e-01 : f32
        %add3A_484 = vector.broadcast %add3A_483 : f32 to vector<16xf32>
        %add3A_485 = arith.addf %mul3A_480, %add3A_484 : vector<16xf32>
        %sub3A_486 = arith.constant 5.000000e-01 : f32
        %sub3A_487 = vector.broadcast %sub3A_486 : f32 to vector<16xf32>
        %sub3A_488 = arith.subf %mul3A_480, %sub3A_487 : vector<16xf32>
        %select_n3A_489 = arith.select %ge3A_482, %add3A_485, %sub3A_488 : vector<16xi1>, vector<16xf32>
        %convert_element_type3A_490 = arith.fptosi %select_n3A_489 : vector<16xf32> to vector<16xi32>
        %convert_element_type3A_491 = arith.sitofp %convert_element_type3A_490 : vector<16xi32> to vector<16xf32>
        %mul3A_492 = arith.constant 0.693147182 : f32
        %mul3A_493 = vector.broadcast %mul3A_492 : f32 to vector<16xf32>
        %mul3A_494 = arith.mulf %convert_element_type3A_491, %mul3A_493 : vector<16xf32>
        %sub3A_495 = arith.subf %neg3A_477, %mul3A_494 : vector<16xf32>
        %mul3A_496 = arith.constant 0.00833333377 : f32
        %mul3A_497 = vector.broadcast %mul3A_496 : f32 to vector<16xf32>
        %mul3A_498 = arith.mulf %mul3A_497, %sub3A_495 : vector<16xf32>
        %add3A_499 = arith.constant 0.0416666679 : f32
        %add3A_500 = vector.broadcast %add3A_499 : f32 to vector<16xf32>
        %add3A_501 = arith.addf %mul3A_498, %add3A_500 : vector<16xf32>
        %mul3A_502 = arith.mulf %add3A_501, %sub3A_495 : vector<16xf32>
        %add3A_503 = arith.constant 0.166666672 : f32
        %add3A_504 = vector.broadcast %add3A_503 : f32 to vector<16xf32>
        %add3A_505 = arith.addf %mul3A_502, %add3A_504 : vector<16xf32>
        %mul3A_506 = arith.mulf %add3A_505, %sub3A_495 : vector<16xf32>
        %add3A_507 = arith.constant 5.000000e-01 : f32
        %add3A_508 = vector.broadcast %add3A_507 : f32 to vector<16xf32>
        %add3A_509 = arith.addf %mul3A_506, %add3A_508 : vector<16xf32>
        %mul3A_510 = arith.mulf %add3A_509, %sub3A_495 : vector<16xf32>
        %add3A_511 = arith.constant 1.000000e+00 : f32
        %add3A_512 = vector.broadcast %add3A_511 : f32 to vector<16xf32>
        %add3A_513 = arith.addf %mul3A_510, %add3A_512 : vector<16xf32>
        %mul3A_514 = arith.mulf %add3A_513, %sub3A_495 : vector<16xf32>
        %add3A_515 = arith.constant 1.000000e+00 : f32
        %add3A_516 = vector.broadcast %add3A_515 : f32 to vector<16xf32>
        %add3A_517 = arith.addf %mul3A_514, %add3A_516 : vector<16xf32>
        %add3A_518 = arith.constant 127 : i32
        %add3A_519 = vector.broadcast %add3A_518 : i32 to vector<16xi32>
        %add3A_520 = arith.addi %convert_element_type3A_490, %add3A_519 : vector<16xi32>
        %shift_left3A = arith.constant 23 : i32
        %shift_left3A_521 = vector.broadcast %shift_left3A : i32 to vector<16xi32>
        %shift_left3A_522 = arith.shli %add3A_520, %shift_left3A_521 : vector<16xi32>
        %bitcast3A_523 = vector.bitcast %shift_left3A_522 : vector<16xi32> to vector<16xf32>
        %mul3A_524 = arith.mulf %add3A_517, %bitcast3A_523 : vector<16xf32>
        %add3A_525 = arith.constant 1.000000e+00 : f32
        %add3A_526 = vector.broadcast %add3A_525 : f32 to vector<16xf32>
        %add3A_527 = arith.addf %add3A_526, %mul3A_524 : vector<16xf32>
        %bitcast3A_528 = vector.bitcast %add3A_527 : vector<16xf32> to vector<16xi32>
        %sub3A_529 = arith.constant 2129859011 : i32
        %sub3A_530 = vector.broadcast %sub3A_529 : i32 to vector<16xi32>
        %sub3A_531 = arith.subi %sub3A_530, %bitcast3A_528 : vector<16xi32>
        %bitcast3A_532 = vector.bitcast %sub3A_531 : vector<16xi32> to vector<16xf32>
        %mul3A_533 = arith.mulf %add3A_527, %bitcast3A_532 : vector<16xf32>
        %sub3A_534 = arith.constant 2.000000e+00 : f32
        %sub3A_535 = vector.broadcast %sub3A_534 : f32 to vector<16xf32>
        %sub3A_536 = arith.subf %sub3A_535, %mul3A_533 : vector<16xf32>
        %mul3A_537 = arith.mulf %bitcast3A_532, %sub3A_536 : vector<16xf32>
        %mul3A_538 = arith.mulf %add3A_527, %mul3A_537 : vector<16xf32>
        %sub3A_539 = arith.constant 2.000000e+00 : f32
        %sub3A_540 = vector.broadcast %sub3A_539 : f32 to vector<16xf32>
        %sub3A_541 = arith.subf %sub3A_540, %mul3A_538 : vector<16xf32>
        %mul3A_542 = arith.mulf %mul3A_537, %sub3A_541 : vector<16xf32>
        %mul3A_543 = arith.mulf %add3A_527, %mul3A_542 : vector<16xf32>
        %sub3A_544 = arith.constant 2.000000e+00 : f32
        %sub3A_545 = vector.broadcast %sub3A_544 : f32 to vector<16xf32>
        %sub3A_546 = arith.subf %sub3A_545, %mul3A_543 : vector<16xf32>
        %mul3A_547 = arith.mulf %mul3A_542, %sub3A_546 : vector<16xf32>
        %get3A_548 = arith.index_cast %add3A_426 : i32 to index
        %get3A_549 = arith.constant 0 : index
        %get3A_550 = tpu.vector_load %arg12[%get3A_548, %get3A_549] {strides = array<i32>} : memref<32x256xf32, #tpu.memory_space<vmem>>, vector<16xf32>,
        %get3A_551 = arith.index_cast %add3A_426 : i32 to index
        %get3A_552 = arith.constant 0 : index
        %get3A_553 = tpu.vector_load %arg13[%get3A_551, %get3A_552] {strides = array<i32>} : memref<32x384xf32, #tpu.memory_space<vmem>>, vector<16xf32>,
        %mul3A_554 = arith.mulf %get3A_550, %get3A_553 : vector<16xf32>
        %reduce_sum3A_555 = arith.constant true
        %reduce_sum3A_556 = vector.broadcast %reduce_sum3A_555 : i1 to vector<16xi1>
        %reduce_sum3A_557 = tpu.scan <sum>, %mul3A_554 masked %reduce_sum3A_556 : vector<16xf32>, vector<16xi1> -> vector<16xf32>
        %reduce_sum3A_558 = vector.extract %reduce_sum3A_557[15] : f32 from vector<16xf32>
        %eq3A_559 = arith.constant 0 : i32
        %eq3A_560 = vector.broadcast %eq3A_559 : i32 to vector<16xi32>
        %eq3A_561 = arith.cmpi eq, %iota3A, %eq3A_560 : vector<16xi32>
        %broadcast_in_dim3A_562 = vector.broadcast %reduce_sum3A_558 : f32 to vector<16xf32>
        %select_n3A_563 = arith.select %eq3A_561, %broadcast_in_dim3A_562, %broadcast_in_dim3A_4 : vector<16xi1>, vector<16xf32>
        %get3A_564 = arith.index_cast %add3A_426 : i32 to index
        %get3A_565 = arith.constant 16 : index
        %get3A_566 = tpu.vector_load %arg12[%get3A_564, %get3A_565] {strides = array<i32>} : memref<32x256xf32, #tpu.memory_space<vmem>>, vector<16xf32>,
        %get3A_567 = arith.index_cast %add3A_426 : i32 to index
        %get3A_568 = arith.constant 16 : index
        %get3A_569 = tpu.vector_load %arg13[%get3A_567, %get3A_568] {strides = array<i32>} : memref<32x384xf32, #tpu.memory_space<vmem>>, vector<16xf32>,
        %mul3A_570 = arith.mulf %get3A_566, %get3A_569 : vector<16xf32>
        %reduce_sum3A_571 = arith.constant true
        %reduce_sum3A_572 = vector.broadcast %reduce_sum3A_571 : i1 to vector<16xi1>
        %reduce_sum3A_573 = tpu.scan <sum>, %mul3A_570 masked %reduce_sum3A_572 : vector<16xf32>, vector<16xi1> -> vector<16xf32>
        %reduce_sum3A_574 = vector.extract %reduce_sum3A_573[15] : f32 from vector<16xf32>
        %eq3A_575 = arith.constant 1 : i32
        %eq3A_576 = vector.broadcast %eq3A_575 : i32 to vector<16xi32>
        %eq3A_577 = arith.cmpi eq, %iota3A, %eq3A_576 : vector<16xi32>
        %broadcast_in_dim3A_578 = vector.broadcast %reduce_sum3A_574 : f32 to vector<16xf32>
        %select_n3A_579 = arith.select %eq3A_577, %broadcast_in_dim3A_578, %select_n3A_563 : vector<16xi1>, vector<16xf32>
        %get3A_580 = arith.index_cast %add3A_426 : i32 to index
        %get3A_581 = arith.constant 32 : index
        %get3A_582 = tpu.vector_load %arg12[%get3A_580, %get3A_581] {strides = array<i32>} : memref<32x256xf32, #tpu.memory_space<vmem>>, vector<16xf32>,
        %get3A_583 = arith.index_cast %add3A_426 : i32 to index
        %get3A_584 = arith.constant 32 : index
        %get3A_585 = tpu.vector_load %arg13[%get3A_583, %get3A_584] {strides = array<i32>} : memref<32x384xf32, #tpu.memory_space<vmem>>, vector<16xf32>,
        %mul3A_586 = arith.mulf %get3A_582, %get3A_585 : vector<16xf32>
        %reduce_sum3A_587 = arith.constant true
        %reduce_sum3A_588 = vector.broadcast %reduce_sum3A_587 : i1 to vector<16xi1>
        %reduce_sum3A_589 = tpu.scan <sum>, %mul3A_586 masked %reduce_sum3A_588 : vector<16xf32>, vector<16xi1> -> vector<16xf32>
        %reduce_sum3A_590 = vector.extract %reduce_sum3A_589[15] : f32 from vector<16xf32>
        %eq3A_591 = arith.constant 2 : i32
        %eq3A_592 = vector.broadcast %eq3A_591 : i32 to vector<16xi32>
        %eq3A_593 = arith.cmpi eq, %iota3A, %eq3A_592 : vector<16xi32>
        %broadcast_in_dim3A_594 = vector.broadcast %reduce_sum3A_590 : f32 to vector<16xf32>
        %select_n3A_595 = arith.select %eq3A_593, %broadcast_in_dim3A_594, %select_n3A_579 : vector<16xi1>, vector<16xf32>
        %get3A_596 = arith.index_cast %add3A_426 : i32 to index
        %get3A_597 = arith.constant 48 : index
        %get3A_598 = tpu.vector_load %arg12[%get3A_596, %get3A_597] {strides = array<i32>} : memref<32x256xf32, #tpu.memory_space<vmem>>, vector<16xf32>,
        %get3A_599 = arith.index_cast %add3A_426 : i32 to index
        %get3A_600 = arith.constant 48 : index
        %get3A_601 = tpu.vector_load %arg13[%get3A_599, %get3A_600] {strides = array<i32>} : memref<32x384xf32, #tpu.memory_space<vmem>>, vector<16xf32>,
        %mul3A_602 = arith.mulf %get3A_598, %get3A_601 : vector<16xf32>
        %reduce_sum3A_603 = arith.constant true
        %reduce_sum3A_604 = vector.broadcast %reduce_sum3A_603 : i1 to vector<16xi1>
        %reduce_sum3A_605 = tpu.scan <sum>, %mul3A_602 masked %reduce_sum3A_604 : vector<16xf32>, vector<16xi1> -> vector<16xf32>
        %reduce_sum3A_606 = vector.extract %reduce_sum3A_605[15] : f32 from vector<16xf32>
        %eq3A_607 = arith.constant 3 : i32
        %eq3A_608 = vector.broadcast %eq3A_607 : i32 to vector<16xi32>
        %eq3A_609 = arith.cmpi eq, %iota3A, %eq3A_608 : vector<16xi32>
        %broadcast_in_dim3A_610 = vector.broadcast %reduce_sum3A_606 : f32 to vector<16xf32>
        %select_n3A_611 = arith.select %eq3A_609, %broadcast_in_dim3A_610, %select_n3A_595 : vector<16xi1>, vector<16xf32>
        %get3A_612 = arith.index_cast %add3A_426 : i32 to index
        %get3A_613 = arith.constant 64 : index
        %get3A_614 = tpu.vector_load %arg12[%get3A_612, %get3A_613] {strides = array<i32>} : memref<32x256xf32, #tpu.memory_space<vmem>>, vector<16xf32>,
        %get3A_615 = arith.index_cast %add3A_426 : i32 to index
        %get3A_616 = arith.constant 64 : index
        %get3A_617 = tpu.vector_load %arg13[%get3A_615, %get3A_616] {strides = array<i32>} : memref<32x384xf32, #tpu.memory_space<vmem>>, vector<16xf32>,
        %mul3A_618 = arith.mulf %get3A_614, %get3A_617 : vector<16xf32>
        %reduce_sum3A_619 = arith.constant true
        %reduce_sum3A_620 = vector.broadcast %reduce_sum3A_619 : i1 to vector<16xi1>
        %reduce_sum3A_621 = tpu.scan <sum>, %mul3A_618 masked %reduce_sum3A_620 : vector<16xf32>, vector<16xi1> -> vector<16xf32>
        %reduce_sum3A_622 = vector.extract %reduce_sum3A_621[15] : f32 from vector<16xf32>
        %eq3A_623 = arith.constant 4 : i32
        %eq3A_624 = vector.broadcast %eq3A_623 : i32 to vector<16xi32>
        %eq3A_625 = arith.cmpi eq, %iota3A, %eq3A_624 : vector<16xi32>
        %broadcast_in_dim3A_626 = vector.broadcast %reduce_sum3A_622 : f32 to vector<16xf32>
        %select_n3A_627 = arith.select %eq3A_625, %broadcast_in_dim3A_626, %select_n3A_611 : vector<16xi1>, vector<16xf32>
        %get3A_628 = arith.index_cast %add3A_426 : i32 to index
        %get3A_629 = arith.constant 80 : index
        %get3A_630 = tpu.vector_load %arg12[%get3A_628, %get3A_629] {strides = array<i32>} : memref<32x256xf32, #tpu.memory_space<vmem>>, vector<16xf32>,
        %get3A_631 = arith.index_cast %add3A_426 : i32 to index
        %get3A_632 = arith.constant 80 : index
        %get3A_633 = tpu.vector_load %arg13[%get3A_631, %get3A_632] {strides = array<i32>} : memref<32x384xf32, #tpu.memory_space<vmem>>, vector<16xf32>,
        %mul3A_634 = arith.mulf %get3A_630, %get3A_633 : vector<16xf32>
        %reduce_sum3A_635 = arith.constant true
        %reduce_sum3A_636 = vector.broadcast %reduce_sum3A_635 : i1 to vector<16xi1>
        %reduce_sum3A_637 = tpu.scan <sum>, %mul3A_634 masked %reduce_sum3A_636 : vector<16xf32>, vector<16xi1> -> vector<16xf32>
        %reduce_sum3A_638 = vector.extract %reduce_sum3A_637[15] : f32 from vector<16xf32>
        %eq3A_639 = arith.constant 5 : i32
        %eq3A_640 = vector.broadcast %eq3A_639 : i32 to vector<16xi32>
        %eq3A_641 = arith.cmpi eq, %iota3A, %eq3A_640 : vector<16xi32>
        %broadcast_in_dim3A_642 = vector.broadcast %reduce_sum3A_638 : f32 to vector<16xf32>
        %select_n3A_643 = arith.select %eq3A_641, %broadcast_in_dim3A_642, %select_n3A_627 : vector<16xi1>, vector<16xf32>
        %get3A_644 = arith.index_cast %add3A_426 : i32 to index
        %get3A_645 = arith.constant 96 : index
        %get3A_646 = tpu.vector_load %arg12[%get3A_644, %get3A_645] {strides = array<i32>} : memref<32x256xf32, #tpu.memory_space<vmem>>, vector<16xf32>,
        %get3A_647 = arith.index_cast %add3A_426 : i32 to index
        %get3A_648 = arith.constant 96 : index
        %get3A_649 = tpu.vector_load %arg13[%get3A_647, %get3A_648] {strides = array<i32>} : memref<32x384xf32, #tpu.memory_space<vmem>>, vector<16xf32>,
        %mul3A_650 = arith.mulf %get3A_646, %get3A_649 : vector<16xf32>
        %reduce_sum3A_651 = arith.constant true
        %reduce_sum3A_652 = vector.broadcast %reduce_sum3A_651 : i1 to vector<16xi1>
        %reduce_sum3A_653 = tpu.scan <sum>, %mul3A_650 masked %reduce_sum3A_652 : vector<16xf32>, vector<16xi1> -> vector<16xf32>
        %reduce_sum3A_654 = vector.extract %reduce_sum3A_653[15] : f32 from vector<16xf32>
        %eq3A_655 = arith.constant 6 : i32
        %eq3A_656 = vector.broadcast %eq3A_655 : i32 to vector<16xi32>
        %eq3A_657 = arith.cmpi eq, %iota3A, %eq3A_656 : vector<16xi32>
        %broadcast_in_dim3A_658 = vector.broadcast %reduce_sum3A_654 : f32 to vector<16xf32>
        %select_n3A_659 = arith.select %eq3A_657, %broadcast_in_dim3A_658, %select_n3A_643 : vector<16xi1>, vector<16xf32>
        %get3A_660 = arith.index_cast %add3A_426 : i32 to index
        %get3A_661 = arith.constant 112 : index
        %get3A_662 = tpu.vector_load %arg12[%get3A_660, %get3A_661] {strides = array<i32>} : memref<32x256xf32, #tpu.memory_space<vmem>>, vector<16xf32>,
        %get3A_663 = arith.index_cast %add3A_426 : i32 to index
        %get3A_664 = arith.constant 112 : index
        %get3A_665 = tpu.vector_load %arg13[%get3A_663, %get3A_664] {strides = array<i32>} : memref<32x384xf32, #tpu.memory_space<vmem>>, vector<16xf32>,
        %mul3A_666 = arith.mulf %get3A_662, %get3A_665 : vector<16xf32>
        %reduce_sum3A_667 = arith.constant true
        %reduce_sum3A_668 = vector.broadcast %reduce_sum3A_667 : i1 to vector<16xi1>
        %reduce_sum3A_669 = tpu.scan <sum>, %mul3A_666 masked %reduce_sum3A_668 : vector<16xf32>, vector<16xi1> -> vector<16xf32>
        %reduce_sum3A_670 = vector.extract %reduce_sum3A_669[15] : f32 from vector<16xf32>
        %eq3A_671 = arith.constant 7 : i32
        %eq3A_672 = vector.broadcast %eq3A_671 : i32 to vector<16xi32>
        %eq3A_673 = arith.cmpi eq, %iota3A, %eq3A_672 : vector<16xi32>
        %broadcast_in_dim3A_674 = vector.broadcast %reduce_sum3A_670 : f32 to vector<16xf32>
        %select_n3A_675 = arith.select %eq3A_673, %broadcast_in_dim3A_674, %select_n3A_659 : vector<16xi1>, vector<16xf32>
        %mul3A_676 = arith.mulf %select_n3A_675, %mul3A_547 : vector<16xf32>
        %mul3A_677 = arith.constant 1.44269502 : f32
        %mul3A_678 = vector.broadcast %mul3A_677 : f32 to vector<16xf32>
        %mul3A_679 = arith.mulf %mul3A_676, %mul3A_678 : vector<16xf32>
        %ge3A_680 = arith.constant 0.000000e+00 : f32
        %ge3A_681 = vector.broadcast %ge3A_680 : f32 to vector<16xf32>
        %ge3A_682 = arith.cmpf oge, %mul3A_679, %ge3A_681 : vector<16xf32>
        %add3A_683 = arith.constant 5.000000e-01 : f32
        %add3A_684 = vector.broadcast %add3A_683 : f32 to vector<16xf32>
        %add3A_685 = arith.addf %mul3A_679, %add3A_684 : vector<16xf32>
        %sub3A_686 = arith.constant 5.000000e-01 : f32
        %sub3A_687 = vector.broadcast %sub3A_686 : f32 to vector<16xf32>
        %sub3A_688 = arith.subf %mul3A_679, %sub3A_687 : vector<16xf32>
        %select_n3A_689 = arith.select %ge3A_682, %add3A_685, %sub3A_688 : vector<16xi1>, vector<16xf32>
        %convert_element_type3A_690 = arith.fptosi %select_n3A_689 : vector<16xf32> to vector<16xi32>
        %convert_element_type3A_691 = arith.sitofp %convert_element_type3A_690 : vector<16xi32> to vector<16xf32>
        %mul3A_692 = arith.constant 0.693147182 : f32
        %mul3A_693 = vector.broadcast %mul3A_692 : f32 to vector<16xf32>
        %mul3A_694 = arith.mulf %convert_element_type3A_691, %mul3A_693 : vector<16xf32>
        %sub3A_695 = arith.subf %mul3A_676, %mul3A_694 : vector<16xf32>
        %mul3A_696 = arith.constant 0.00833333377 : f32
        %mul3A_697 = vector.broadcast %mul3A_696 : f32 to vector<16xf32>
        %mul3A_698 = arith.mulf %mul3A_697, %sub3A_695 : vector<16xf32>
        %add3A_699 = arith.constant 0.0416666679 : f32
        %add3A_700 = vector.broadcast %add3A_699 : f32 to vector<16xf32>
        %add3A_701 = arith.addf %mul3A_698, %add3A_700 : vector<16xf32>
        %mul3A_702 = arith.mulf %add3A_701, %sub3A_695 : vector<16xf32>
        %add3A_703 = arith.constant 0.166666672 : f32
        %add3A_704 = vector.broadcast %add3A_703 : f32 to vector<16xf32>
        %add3A_705 = arith.addf %mul3A_702, %add3A_704 : vector<16xf32>
        %mul3A_706 = arith.mulf %add3A_705, %sub3A_695 : vector<16xf32>
        %add3A_707 = arith.constant 5.000000e-01 : f32
        %add3A_708 = vector.broadcast %add3A_707 : f32 to vector<16xf32>
        %add3A_709 = arith.addf %mul3A_706, %add3A_708 : vector<16xf32>
        %mul3A_710 = arith.mulf %add3A_709, %sub3A_695 : vector<16xf32>
        %add3A_711 = arith.constant 1.000000e+00 : f32
        %add3A_712 = vector.broadcast %add3A_711 : f32 to vector<16xf32>
        %add3A_713 = arith.addf %mul3A_710, %add3A_712 : vector<16xf32>
        %mul3A_714 = arith.mulf %add3A_713, %sub3A_695 : vector<16xf32>
        %add3A_715 = arith.constant 1.000000e+00 : f32
        %add3A_716 = vector.broadcast %add3A_715 : f32 to vector<16xf32>
        %add3A_717 = arith.addf %mul3A_714, %add3A_716 : vector<16xf32>
        %add3A_718 = arith.constant 127 : i32
        %add3A_719 = vector.broadcast %add3A_718 : i32 to vector<16xi32>
        %add3A_720 = arith.addi %convert_element_type3A_690, %add3A_719 : vector<16xi32>
        %shift_left3A_721 = arith.constant 23 : i32
        %shift_left3A_722 = vector.broadcast %shift_left3A_721 : i32 to vector<16xi32>
        %shift_left3A_723 = arith.shli %add3A_720, %shift_left3A_722 : vector<16xi32>
        %bitcast3A_724 = vector.bitcast %shift_left3A_723 : vector<16xi32> to vector<16xf32>
        %mul3A_725 = arith.mulf %add3A_717, %bitcast3A_724 : vector<16xf32>
        %mul3A_726 = arith.mulf %mul3A_725, %select_n3A : vector<16xf32>
        %mul3A_727 = arith.mulf %mul3A_726, %convert_element_type3A_12 : vector<16xf32>
        %reduce_sum3A_728 = arith.constant true
        %reduce_sum3A_729 = vector.broadcast %reduce_sum3A_728 : i1 to vector<16xi1>
        %reduce_sum3A_730 = tpu.scan <sum>, %mul3A_727 masked %reduce_sum3A_729 : vector<16xf32>, vector<16xi1> -> vector<16xf32>
        %reduce_sum3A_731 = vector.extract %reduce_sum3A_730[15] : f32 from vector<16xf32>
        %broadcast_in_dim3A_732 = vector.broadcast %reduce_sum3A_731 : f32 to vector<16xf32>
        %get3A_733 = arith.index_cast %add3A_426 : i32 to index
        %get3A_734 = arith.constant 128 : index
        %get3A_735 = tpu.vector_load %arg13[%get3A_733, %get3A_734] {strides = array<i32>} : memref<32x384xf32, #tpu.memory_space<vmem>>, vector<16xf32>,
        %mul3A_736 = arith.mulf %broadcast_in_dim3A_732, %get3A_735 : vector<16xf32>
        %swap3A_737 = arith.index_cast %add3A_426 : i32 to index
        %swap3A_738 = arith.constant 0 : index
        %swap3A_739 = tpu.vector_load %arg14[%swap3A_737, %swap3A_738] {strides = array<i32>} : memref<32x128xf32, #tpu.memory_space<vmem>>, vector<16xf32>,
        tpu.vector_store %arg14[%swap3A_737, %swap3A_738], %mul3A_736 {strides = array<i32>} : memref<32x128xf32, #tpu.memory_space<vmem>>, vector<16xf32>,
        %mul3A_740 = arith.mulf %mul3A_726, %convert_element_type3A_17 : vector<16xf32>
        %reduce_sum3A_741 = arith.constant true
        %reduce_sum3A_742 = vector.broadcast %reduce_sum3A_741 : i1 to vector<16xi1>
        %reduce_sum3A_743 = tpu.scan <sum>, %mul3A_740 masked %reduce_sum3A_742 : vector<16xf32>, vector<16xi1> -> vector<16xf32>
        %reduce_sum3A_744 = vector.extract %reduce_sum3A_743[15] : f32 from vector<16xf32>
        %broadcast_in_dim3A_745 = vector.broadcast %reduce_sum3A_744 : f32 to vector<16xf32>
        %get3A_746 = arith.index_cast %add3A_426 : i32 to index
        %get3A_747 = arith.constant 144 : index
        %get3A_748 = tpu.vector_load %arg13[%get3A_746, %get3A_747] {strides = array<i32>} : memref<32x384xf32, #tpu.memory_space<vmem>>, vector<16xf32>,
        %mul3A_749 = arith.mulf %broadcast_in_dim3A_745, %get3A_748 : vector<16xf32>
        %swap3A_750 = arith.index_cast %add3A_426 : i32 to index
        %swap3A_751 = arith.constant 16 : index
        %swap3A_752 = tpu.vector_load %arg14[%swap3A_750, %swap3A_751] {strides = array<i32>} : memref<32x128xf32, #tpu.memory_space<vmem>>, vector<16xf32>,
        tpu.vector_store %arg14[%swap3A_750, %swap3A_751], %mul3A_749 {strides = array<i32>} : memref<32x128xf32, #tpu.memory_space<vmem>>, vector<16xf32>,
        %mul3A_753 = arith.mulf %mul3A_726, %convert_element_type3A_22 : vector<16xf32>
        %reduce_sum3A_754 = arith.constant true
        %reduce_sum3A_755 = vector.broadcast %reduce_sum3A_754 : i1 to vector<16xi1>
        %reduce_sum3A_756 = tpu.scan <sum>, %mul3A_753 masked %reduce_sum3A_755 : vector<16xf32>, vector<16xi1> -> vector<16xf32>
        %reduce_sum3A_757 = vector.extract %reduce_sum3A_756[15] : f32 from vector<16xf32>
        %broadcast_in_dim3A_758 = vector.broadcast %reduce_sum3A_757 : f32 to vector<16xf32>
        %get3A_759 = arith.index_cast %add3A_426 : i32 to index
        %get3A_760 = arith.constant 160 : index
        %get3A_761 = tpu.vector_load %arg13[%get3A_759, %get3A_760] {strides = array<i32>} : memref<32x384xf32, #tpu.memory_space<vmem>>, vector<16xf32>,
        %mul3A_762 = arith.mulf %broadcast_in_dim3A_758, %get3A_761 : vector<16xf32>
        %swap3A_763 = arith.index_cast %add3A_426 : i32 to index
        %swap3A_764 = arith.constant 32 : index
        %swap3A_765 = tpu.vector_load %arg14[%swap3A_763, %swap3A_764] {strides = array<i32>} : memref<32x128xf32, #tpu.memory_space<vmem>>, vector<16xf32>,
        tpu.vector_store %arg14[%swap3A_763, %swap3A_764], %mul3A_762 {strides = array<i32>} : memref<32x128xf32, #tpu.memory_space<vmem>>, vector<16xf32>,
        %mul3A_766 = arith.mulf %mul3A_726, %convert_element_type3A_27 : vector<16xf32>
        %reduce_sum3A_767 = arith.constant true
        %reduce_sum3A_768 = vector.broadcast %reduce_sum3A_767 : i1 to vector<16xi1>
        %reduce_sum3A_769 = tpu.scan <sum>, %mul3A_766 masked %reduce_sum3A_768 : vector<16xf32>, vector<16xi1> -> vector<16xf32>
        %reduce_sum3A_770 = vector.extract %reduce_sum3A_769[15] : f32 from vector<16xf32>
        %broadcast_in_dim3A_771 = vector.broadcast %reduce_sum3A_770 : f32 to vector<16xf32>
        %get3A_772 = arith.index_cast %add3A_426 : i32 to index
        %get3A_773 = arith.constant 176 : index
        %get3A_774 = tpu.vector_load %arg13[%get3A_772, %get3A_773] {strides = array<i32>} : memref<32x384xf32, #tpu.memory_space<vmem>>, vector<16xf32>,
        %mul3A_775 = arith.mulf %broadcast_in_dim3A_771, %get3A_774 : vector<16xf32>
        %swap3A_776 = arith.index_cast %add3A_426 : i32 to index
        %swap3A_777 = arith.constant 48 : index
        %swap3A_778 = tpu.vector_load %arg14[%swap3A_776, %swap3A_777] {strides = array<i32>} : memref<32x128xf32, #tpu.memory_space<vmem>>, vector<16xf32>,
        tpu.vector_store %arg14[%swap3A_776, %swap3A_777], %mul3A_775 {strides = array<i32>} : memref<32x128xf32, #tpu.memory_space<vmem>>, vector<16xf32>,
        %mul3A_779 = arith.mulf %mul3A_726, %convert_element_type3A_32 : vector<16xf32>
        %reduce_sum3A_780 = arith.constant true
        %reduce_sum3A_781 = vector.broadcast %reduce_sum3A_780 : i1 to vector<16xi1>
        %reduce_sum3A_782 = tpu.scan <sum>, %mul3A_779 masked %reduce_sum3A_781 : vector<16xf32>, vector<16xi1> -> vector<16xf32>
        %reduce_sum3A_783 = vector.extract %reduce_sum3A_782[15] : f32 from vector<16xf32>
        %broadcast_in_dim3A_784 = vector.broadcast %reduce_sum3A_783 : f32 to vector<16xf32>
        %get3A_785 = arith.index_cast %add3A_426 : i32 to index
        %get3A_786 = arith.constant 192 : index
        %get3A_787 = tpu.vector_load %arg13[%get3A_785, %get3A_786] {strides = array<i32>} : memref<32x384xf32, #tpu.memory_space<vmem>>, vector<16xf32>,
        %mul3A_788 = arith.mulf %broadcast_in_dim3A_784, %get3A_787 : vector<16xf32>
        %swap3A_789 = arith.index_cast %add3A_426 : i32 to index
        %swap3A_790 = arith.constant 64 : index
        %swap3A_791 = tpu.vector_load %arg14[%swap3A_789, %swap3A_790] {strides = array<i32>} : memref<32x128xf32, #tpu.memory_space<vmem>>, vector<16xf32>,
        tpu.vector_store %arg14[%swap3A_789, %swap3A_790], %mul3A_788 {strides = array<i32>} : memref<32x128xf32, #tpu.memory_space<vmem>>, vector<16xf32>,
        %mul3A_792 = arith.mulf %mul3A_726, %convert_element_type3A_37 : vector<16xf32>
        %reduce_sum3A_793 = arith.constant true
        %reduce_sum3A_794 = vector.broadcast %reduce_sum3A_793 : i1 to vector<16xi1>
        %reduce_sum3A_795 = tpu.scan <sum>, %mul3A_792 masked %reduce_sum3A_794 : vector<16xf32>, vector<16xi1> -> vector<16xf32>
        %reduce_sum3A_796 = vector.extract %reduce_sum3A_795[15] : f32 from vector<16xf32>
        %broadcast_in_dim3A_797 = vector.broadcast %reduce_sum3A_796 : f32 to vector<16xf32>
        %get3A_798 = arith.index_cast %add3A_426 : i32 to index
        %get3A_799 = arith.constant 208 : index
        %get3A_800 = tpu.vector_load %arg13[%get3A_798, %get3A_799] {strides = array<i32>} : memref<32x384xf32, #tpu.memory_space<vmem>>, vector<16xf32>,
        %mul3A_801 = arith.mulf %broadcast_in_dim3A_797, %get3A_800 : vector<16xf32>
        %swap3A_802 = arith.index_cast %add3A_426 : i32 to index
        %swap3A_803 = arith.constant 80 : index
        %swap3A_804 = tpu.vector_load %arg14[%swap3A_802, %swap3A_803] {strides = array<i32>} : memref<32x128xf32, #tpu.memory_space<vmem>>, vector<16xf32>,
        tpu.vector_store %arg14[%swap3A_802, %swap3A_803], %mul3A_801 {strides = array<i32>} : memref<32x128xf32, #tpu.memory_space<vmem>>, vector<16xf32>,
        %mul3A_805 = arith.mulf %mul3A_726, %convert_element_type3A_42 : vector<16xf32>
        %reduce_sum3A_806 = arith.constant true
        %reduce_sum3A_807 = vector.broadcast %reduce_sum3A_806 : i1 to vector<16xi1>
        %reduce_sum3A_808 = tpu.scan <sum>, %mul3A_805 masked %reduce_sum3A_807 : vector<16xf32>, vector<16xi1> -> vector<16xf32>
        %reduce_sum3A_809 = vector.extract %reduce_sum3A_808[15] : f32 from vector<16xf32>
        %broadcast_in_dim3A_810 = vector.broadcast %reduce_sum3A_809 : f32 to vector<16xf32>
        %get3A_811 = arith.index_cast %add3A_426 : i32 to index
        %get3A_812 = arith.constant 224 : index
        %get3A_813 = tpu.vector_load %arg13[%get3A_811, %get3A_812] {strides = array<i32>} : memref<32x384xf32, #tpu.memory_space<vmem>>, vector<16xf32>,
        %mul3A_814 = arith.mulf %broadcast_in_dim3A_810, %get3A_813 : vector<16xf32>
        %swap3A_815 = arith.index_cast %add3A_426 : i32 to index
        %swap3A_816 = arith.constant 96 : index
        %swap3A_817 = tpu.vector_load %arg14[%swap3A_815, %swap3A_816] {strides = array<i32>} : memref<32x128xf32, #tpu.memory_space<vmem>>, vector<16xf32>,
        tpu.vector_store %arg14[%swap3A_815, %swap3A_816], %mul3A_814 {strides = array<i32>} : memref<32x128xf32, #tpu.memory_space<vmem>>, vector<16xf32>,
        %mul3A_818 = arith.mulf %mul3A_726, %convert_element_type3A_47 : vector<16xf32>
        %reduce_sum3A_819 = arith.constant true
        %reduce_sum3A_820 = vector.broadcast %reduce_sum3A_819 : i1 to vector<16xi1>
        %reduce_sum3A_821 = tpu.scan <sum>, %mul3A_818 masked %reduce_sum3A_820 : vector<16xf32>, vector<16xi1> -> vector<16xf32>
        %reduce_sum3A_822 = vector.extract %reduce_sum3A_821[15] : f32 from vector<16xf32>
        %broadcast_in_dim3A_823 = vector.broadcast %reduce_sum3A_822 : f32 to vector<16xf32>
        %get3A_824 = arith.index_cast %add3A_426 : i32 to index
        %get3A_825 = arith.constant 240 : index
        %get3A_826 = tpu.vector_load %arg13[%get3A_824, %get3A_825] {strides = array<i32>} : memref<32x384xf32, #tpu.memory_space<vmem>>, vector<16xf32>,
        %mul3A_827 = arith.mulf %broadcast_in_dim3A_823, %get3A_826 : vector<16xf32>
        %swap3A_828 = arith.index_cast %add3A_426 : i32 to index
        %swap3A_829 = arith.constant 112 : index
        %swap3A_830 = tpu.vector_load %arg14[%swap3A_828, %swap3A_829] {strides = array<i32>} : memref<32x128xf32, #tpu.memory_space<vmem>>, vector<16xf32>,
        tpu.vector_store %arg14[%swap3A_828, %swap3A_829], %mul3A_827 {strides = array<i32>} : memref<32x128xf32, #tpu.memory_space<vmem>>, vector<16xf32>,
        %add3A_831 = arith.addf %scan3A_424, %mul3A_726 : vector<16xf32>
        scf.yield %add3A_831 : vector<16xf32>
      }
      %scan3A_412 = arith.constant 16 : i32
      %dma_start3A_413 = arith.constant 0 : i32
      %dma_start3A_414 = arith.constant 0 : i32
      %dma_start3A_415 = arith.constant 0 : i32
      %dma_start3A_416 = tpu.memref_slice %arg14[%dma_start3A_414, %dma_start3A_415] : memref<32x128xf32, #tpu.memory_space<vmem>> -> memref<16x128xf32, #tpu.memory_space<vmem>>
      %dma_start3A_417 = arith.constant 0 : i32
      %dma_start3A_418 = tpu.memref_slice %arg15[%dma_start3A_413, %dma_start3A_417] : memref<2x16xi32, #tpu.memory_space<vmem>> -> memref<1x16xi32, #tpu.memory_space<vmem>>
      %dma_start3A_419 = tpu.memref_squeeze %dma_start3A_418 : memref<1x16xi32, #tpu.memory_space<vmem>> -> memref<16xi32, #tpu.memory_space<vmem>>
      %dma_start3A_420 = arith.constant 0 : i32
      %dma_start3A_421 = arith.constant 0 : i32
      %dma_start3A_422 = tpu.memref_slice %arg19[%dma_start3A_420, %dma_start3A_421] : memref<10112x128xf32, #tpu.memory_space<vmem_shared>> -> memref<10112x128xf32, #tpu.memory_space<vmem_shared>>
      tpu.enqueue_indirect_dma source(%dma_start3A_416 : memref<16x128xf32, #tpu.memory_space<vmem>>) target(%dma_start3A_422 : memref<10112x128xf32, #tpu.memory_space<vmem_shared>>) offsets(%dma_start3A_419 : memref<16xi32, #tpu.memory_space<vmem>>) semaphore(%arg22 : memref<!tpu.dma_semaphore, #tpu.memory_space<semaphore_mem>>) {add = true}
      scf.yield %scan3A_411 : vector<16xf32>
    }
    %scan3A_187 = arith.constant 312 : i32
    %dma_wait3A_188 = arith.constant 1 : i32
    %dma_wait3A_189 = arith.constant 16 : i32
    %dma_wait3A_190 = arith.constant 0 : i32
    %dma_wait3A_191 = tpu.memref_slice %arg14[%dma_wait3A_189, %dma_wait3A_190] : memref<32x128xf32, #tpu.memory_space<vmem>> -> memref<16x128xf32, #tpu.memory_space<vmem>>
    %dma_wait3A_192 = arith.constant 0 : i32
    %dma_wait3A_193 = tpu.memref_slice %arg15[%dma_wait3A_188, %dma_wait3A_192] : memref<2x16xi32, #tpu.memory_space<vmem>> -> memref<1x16xi32, #tpu.memory_space<vmem>>
    %dma_wait3A_194 = tpu.memref_squeeze %dma_wait3A_193 : memref<1x16xi32, #tpu.memory_space<vmem>> -> memref<16xi32, #tpu.memory_space<vmem>>
    %dma_wait3A_195 = arith.constant 0 : i32
    %dma_wait3A_196 = arith.constant 0 : i32
    %dma_wait3A_197 = tpu.memref_slice %arg19[%dma_wait3A_195, %dma_wait3A_196] : memref<10112x128xf32, #tpu.memory_space<vmem_shared>> -> memref<10112x128xf32, #tpu.memory_space<vmem_shared>>
    tpu.wait_indirect_dma semaphore(%arg23 : memref<!tpu.dma_semaphore, #tpu.memory_space<semaphore_mem>>) src(%dma_wait3A_191 : memref<16x128xf32, #tpu.memory_space<vmem>>) dst(%dma_wait3A_197 : memref<10112x128xf32, #tpu.memory_space<vmem_shared>>)
    %dma_wait3A_198 = arith.constant 0 : i32
    %dma_wait3A_199 = arith.constant 0 : i32
    %dma_wait3A_200 = arith.constant 0 : i32
    %dma_wait3A_201 = tpu.memref_slice %arg14[%dma_wait3A_199, %dma_wait3A_200] : memref<32x128xf32, #tpu.memory_space<vmem>> -> memref<16x128xf32, #tpu.memory_space<vmem>>
    %dma_wait3A_202 = arith.constant 0 : i32
    %dma_wait3A_203 = tpu.memref_slice %arg15[%dma_wait3A_198, %dma_wait3A_202] : memref<2x16xi32, #tpu.memory_space<vmem>> -> memref<1x16xi32, #tpu.memory_space<vmem>>
    %dma_wait3A_204 = tpu.memref_squeeze %dma_wait3A_203 : memref<1x16xi32, #tpu.memory_space<vmem>> -> memref<16xi32, #tpu.memory_space<vmem>>
    %dma_wait3A_205 = arith.constant 0 : i32
    %dma_wait3A_206 = arith.constant 0 : i32
    %dma_wait3A_207 = tpu.memref_slice %arg19[%dma_wait3A_205, %dma_wait3A_206] : memref<10112x128xf32, #tpu.memory_space<vmem_shared>> -> memref<10112x128xf32, #tpu.memory_space<vmem_shared>>
    tpu.wait_indirect_dma semaphore(%arg22 : memref<!tpu.dma_semaphore, #tpu.memory_space<semaphore_mem>>) src(%dma_wait3A_201 : memref<16x128xf32, #tpu.memory_space<vmem>>) dst(%dma_wait3A_207 : memref<10112x128xf32, #tpu.memory_space<vmem_shared>>)
    %swap3A_208 = arith.constant 0 : index
    %swap3A_209 = tpu.vector_load %arg16[%swap3A_208] {strides = array<i32>} : memref<128xf32, #tpu.memory_space<vmem>>, vector<16xf32>,
    tpu.vector_store %arg16[%swap3A_208], %scan3A_186 {strides = array<i32>} : memref<128xf32, #tpu.memory_space<vmem>>, vector<16xf32>,
    "tpu.region"() ({
      %run_scoped3A = tpu.sem_alloc : memref<!tpu.dma_semaphore, #tpu.memory_space<semaphore_mem>>
      %dma_start3A_291 = arith.constant 0 : i32
      %dma_start3A_292 = tpu.memref_slice %arg9[%add3A, %dma_start3A_291] : memref<32x128xf32, #tpu.memory_space<hbm>> -> memref<1x128xf32, #tpu.memory_space<hbm>>
      %dma_start3A_293 = tpu.memref_squeeze %dma_start3A_292 : memref<1x128xf32, #tpu.memory_space<hbm>> -> memref<128xf32, #tpu.memory_space<hbm>>
      %dma_start3A_294 = arith.constant 0 : i32
      %dma_start3A_295 = tpu.memref_slice %arg9[%add3A, %dma_start3A_294] : memref<32x128xf32, #tpu.memory_space<hbm>> -> memref<1x128xf32, #tpu.memory_space<hbm>>
      %dma_start3A_296 = tpu.memref_squeeze %dma_start3A_295 : memref<1x128xf32, #tpu.memory_space<hbm>> -> memref<128xf32, #tpu.memory_space<hbm>>
      tpu.enqueue_dma source(%arg16 : memref<128xf32, #tpu.memory_space<vmem>>) target(%dma_start3A_296 : memref<128xf32, #tpu.memory_space<hbm>>) target_semaphore(%run_scoped3A : memref<!tpu.dma_semaphore, #tpu.memory_space<semaphore_mem>>)
      %dma_wait3A_297 = arith.constant 0 : i32
      %dma_wait3A_298 = tpu.memref_slice %arg9[%add3A, %dma_wait3A_297] : memref<32x128xf32, #tpu.memory_space<hbm>> -> memref<1x128xf32, #tpu.memory_space<hbm>>
      %dma_wait3A_299 = tpu.memref_squeeze %dma_wait3A_298 : memref<1x128xf32, #tpu.memory_space<hbm>> -> memref<128xf32, #tpu.memory_space<hbm>>
      %dma_wait3A_300 = arith.constant 0 : i32
      %dma_wait3A_301 = tpu.memref_slice %arg9[%add3A, %dma_wait3A_300] : memref<32x128xf32, #tpu.memory_space<hbm>> -> memref<1x128xf32, #tpu.memory_space<hbm>>
      %dma_wait3A_302 = tpu.memref_squeeze %dma_wait3A_301 : memref<1x128xf32, #tpu.memory_space<hbm>> -> memref<128xf32, #tpu.memory_space<hbm>>
      tpu.wait_dma2 semaphore(%run_scoped3A : memref<!tpu.dma_semaphore, #tpu.memory_space<semaphore_mem>>) src(%arg16 : memref<128xf32, #tpu.memory_space<vmem>>) dst(%dma_wait3A_302 : memref<128xf32, #tpu.memory_space<hbm>>)
      tpu.yield
    }) : () -> ()
    %barrier3A_210 = arith.constant 0 : index
    tpu.barrier barrier_id(%barrier3A_210)
    %add3A_211 = arith.constant 0 : i32
    %add3A_212 = arith.addi %mul3A_69, %add3A_211 : i32
    "tpu.region"() ({
      %run_scoped3A = tpu.sem_alloc : memref<!tpu.dma_semaphore, #tpu.memory_space<semaphore_mem>>
      %dma_start3A_291 = arith.constant 0 : i32
      %dma_start3A_292 = arith.constant 0 : i32
      %dma_start3A_293 = tpu.memref_slice %arg14[%dma_start3A_291, %dma_start3A_292] : memref<32x128xf32, #tpu.memory_space<vmem>> -> memref<32x128xf32, #tpu.memory_space<vmem>>
      %dma_start3A_294 = arith.constant 0 : i32
      %dma_start3A_295 = tpu.memref_slice %arg19[%add3A_212, %dma_start3A_294] : memref<10112x128xf32, #tpu.memory_space<vmem_shared>> -> memref<32x128xf32, #tpu.memory_space<vmem_shared>>
      %dma_start3A_296 = arith.constant 0 : i32
      %dma_start3A_297 = arith.constant 0 : i32
      %dma_start3A_298 = tpu.memref_slice %arg14[%dma_start3A_296, %dma_start3A_297] : memref<32x128xf32, #tpu.memory_space<vmem>> -> memref<32x128xf32, #tpu.memory_space<vmem>>
      %dma_start3A_299 = arith.constant 0 : i32
      %dma_start3A_300 = tpu.memref_slice %arg19[%add3A_212, %dma_start3A_299] : memref<10112x128xf32, #tpu.memory_space<vmem_shared>> -> memref<32x128xf32, #tpu.memory_space<vmem_shared>>
      tpu.enqueue_dma source(%dma_start3A_300 : memref<32x128xf32, #tpu.memory_space<vmem_shared>>) target(%dma_start3A_298 : memref<32x128xf32, #tpu.memory_space<vmem>>) target_semaphore(%run_scoped3A : memref<!tpu.dma_semaphore, #tpu.memory_space<semaphore_mem>>)
      %dma_wait3A_301 = arith.constant 0 : i32
      %dma_wait3A_302 = arith.constant 0 : i32
      %dma_wait3A_303 = tpu.memref_slice %arg14[%dma_wait3A_301, %dma_wait3A_302] : memref<32x128xf32, #tpu.memory_space<vmem>> -> memref<32x128xf32, #tpu.memory_space<vmem>>
      %dma_wait3A_304 = arith.constant 0 : i32
      %dma_wait3A_305 = tpu.memref_slice %arg19[%add3A_212, %dma_wait3A_304] : memref<10112x128xf32, #tpu.memory_space<vmem_shared>> -> memref<32x128xf32, #tpu.memory_space<vmem_shared>>
      %dma_wait3A_306 = arith.constant 0 : i32
      %dma_wait3A_307 = arith.constant 0 : i32
      %dma_wait3A_308 = tpu.memref_slice %arg14[%dma_wait3A_306, %dma_wait3A_307] : memref<32x128xf32, #tpu.memory_space<vmem>> -> memref<32x128xf32, #tpu.memory_space<vmem>>
      %dma_wait3A_309 = arith.constant 0 : i32
      %dma_wait3A_310 = tpu.memref_slice %arg19[%add3A_212, %dma_wait3A_309] : memref<10112x128xf32, #tpu.memory_space<vmem_shared>> -> memref<32x128xf32, #tpu.memory_space<vmem_shared>>
      tpu.wait_dma2 semaphore(%run_scoped3A : memref<!tpu.dma_semaphore, #tpu.memory_space<semaphore_mem>>) src(%dma_wait3A_310 : memref<32x128xf32, #tpu.memory_space<vmem_shared>>) dst(%dma_wait3A_308 : memref<32x128xf32, #tpu.memory_space<vmem>>)
      tpu.yield
    }) : () -> ()
    %add3A_213 = arith.constant 0 : i32
    %add3A_214 = arith.addi %mul3A_69, %add3A_213 : i32
    "tpu.region"() ({
      %run_scoped3A = tpu.sem_alloc : memref<!tpu.dma_semaphore, #tpu.memory_space<semaphore_mem>>
      %dma_start3A_291 = arith.constant 0 : i32
      %dma_start3A_292 = arith.constant 0 : i32
      %dma_start3A_293 = tpu.memref_slice %arg14[%dma_start3A_291, %dma_start3A_292] : memref<32x128xf32, #tpu.memory_space<vmem>> -> memref<32x128xf32, #tpu.memory_space<vmem>>
      %dma_start3A_294 = arith.constant 0 : i32
      %dma_start3A_295 = tpu.memref_slice %arg8[%arg0, %add3A_214, %dma_start3A_294] : memref<2x10112x128xf32, #tpu.memory_space<hbm>> -> memref<1x32x128xf32, #tpu.memory_space<hbm>>
      %dma_start3A_296 = tpu.memref_squeeze %dma_start3A_295 : memref<1x32x128xf32, #tpu.memory_space<hbm>> -> memref<32x128xf32, #tpu.memory_space<hbm>>
      %dma_start3A_297 = arith.constant 0 : i32
      %dma_start3A_298 = tpu.memref_slice %arg8[%arg0, %add3A_214, %dma_start3A_297] : memref<2x10112x128xf32, #tpu.memory_space<hbm>> -> memref<1x32x128xf32, #tpu.memory_space<hbm>>
      %dma_start3A_299 = tpu.memref_squeeze %dma_start3A_298 : memref<1x32x128xf32, #tpu.memory_space<hbm>> -> memref<32x128xf32, #tpu.memory_space<hbm>>
      %dma_start3A_300 = arith.constant 0 : i32
      %dma_start3A_301 = arith.constant 0 : i32
      %dma_start3A_302 = tpu.memref_slice %arg14[%dma_start3A_300, %dma_start3A_301] : memref<32x128xf32, #tpu.memory_space<vmem>> -> memref<32x128xf32, #tpu.memory_space<vmem>>
      tpu.enqueue_dma source(%dma_start3A_302 : memref<32x128xf32, #tpu.memory_space<vmem>>) target(%dma_start3A_299 : memref<32x128xf32, #tpu.memory_space<hbm>>) target_semaphore(%run_scoped3A : memref<!tpu.dma_semaphore, #tpu.memory_space<semaphore_mem>>)
      %dma_wait3A_303 = arith.constant 0 : i32
      %dma_wait3A_304 = arith.constant 0 : i32
      %dma_wait3A_305 = tpu.memref_slice %arg14[%dma_wait3A_303, %dma_wait3A_304] : memref<32x128xf32, #tpu.memory_space<vmem>> -> memref<32x128xf32, #tpu.memory_space<vmem>>
      %dma_wait3A_306 = arith.constant 0 : i32
      %dma_wait3A_307 = tpu.memref_slice %arg8[%arg0, %add3A_214, %dma_wait3A_306] : memref<2x10112x128xf32, #tpu.memory_space<hbm>> -> memref<1x32x128xf32, #tpu.memory_space<hbm>>
      %dma_wait3A_308 = tpu.memref_squeeze %dma_wait3A_307 : memref<1x32x128xf32, #tpu.memory_space<hbm>> -> memref<32x128xf32, #tpu.memory_space<hbm>>
      %dma_wait3A_309 = arith.constant 0 : i32
      %dma_wait3A_310 = tpu.memref_slice %arg8[%arg0, %add3A_214, %dma_wait3A_309] : memref<2x10112x128xf32, #tpu.memory_space<hbm>> -> memref<1x32x128xf32, #tpu.memory_space<hbm>>
      %dma_wait3A_311 = tpu.memref_squeeze %dma_wait3A_310 : memref<1x32x128xf32, #tpu.memory_space<hbm>> -> memref<32x128xf32, #tpu.memory_space<hbm>>
      %dma_wait3A_312 = arith.constant 0 : i32
      %dma_wait3A_313 = arith.constant 0 : i32
      %dma_wait3A_314 = tpu.memref_slice %arg14[%dma_wait3A_312, %dma_wait3A_313] : memref<32x128xf32, #tpu.memory_space<vmem>> -> memref<32x128xf32, #tpu.memory_space<vmem>>
      tpu.wait_dma2 semaphore(%run_scoped3A : memref<!tpu.dma_semaphore, #tpu.memory_space<semaphore_mem>>) src(%dma_wait3A_314 : memref<32x128xf32, #tpu.memory_space<vmem>>) dst(%dma_wait3A_311 : memref<32x128xf32, #tpu.memory_space<hbm>>)
      tpu.yield
    }) : () -> ()
    %add3A_215 = arith.constant 32 : i32
    %add3A_216 = arith.addi %mul3A_69, %add3A_215 : i32
    "tpu.region"() ({
      %run_scoped3A = tpu.sem_alloc : memref<!tpu.dma_semaphore, #tpu.memory_space<semaphore_mem>>
      %dma_start3A_291 = arith.constant 0 : i32
      %dma_start3A_292 = arith.constant 0 : i32
      %dma_start3A_293 = tpu.memref_slice %arg14[%dma_start3A_291, %dma_start3A_292] : memref<32x128xf32, #tpu.memory_space<vmem>> -> memref<32x128xf32, #tpu.memory_space<vmem>>
      %dma_start3A_294 = arith.constant 0 : i32
      %dma_start3A_295 = tpu.memref_slice %arg19[%add3A_216, %dma_start3A_294] : memref<10112x128xf32, #tpu.memory_space<vmem_shared>> -> memref<32x128xf32, #tpu.memory_space<vmem_shared>>
      %dma_start3A_296 = arith.constant 0 : i32
      %dma_start3A_297 = arith.constant 0 : i32
      %dma_start3A_298 = tpu.memref_slice %arg14[%dma_start3A_296, %dma_start3A_297] : memref<32x128xf32, #tpu.memory_space<vmem>> -> memref<32x128xf32, #tpu.memory_space<vmem>>
      %dma_start3A_299 = arith.constant 0 : i32
      %dma_start3A_300 = tpu.memref_slice %arg19[%add3A_216, %dma_start3A_299] : memref<10112x128xf32, #tpu.memory_space<vmem_shared>> -> memref<32x128xf32, #tpu.memory_space<vmem_shared>>
      tpu.enqueue_dma source(%dma_start3A_300 : memref<32x128xf32, #tpu.memory_space<vmem_shared>>) target(%dma_start3A_298 : memref<32x128xf32, #tpu.memory_space<vmem>>) target_semaphore(%run_scoped3A : memref<!tpu.dma_semaphore, #tpu.memory_space<semaphore_mem>>)
      %dma_wait3A_301 = arith.constant 0 : i32
      %dma_wait3A_302 = arith.constant 0 : i32
      %dma_wait3A_303 = tpu.memref_slice %arg14[%dma_wait3A_301, %dma_wait3A_302] : memref<32x128xf32, #tpu.memory_space<vmem>> -> memref<32x128xf32, #tpu.memory_space<vmem>>
      %dma_wait3A_304 = arith.constant 0 : i32
      %dma_wait3A_305 = tpu.memref_slice %arg19[%add3A_216, %dma_wait3A_304] : memref<10112x128xf32, #tpu.memory_space<vmem_shared>> -> memref<32x128xf32, #tpu.memory_space<vmem_shared>>
      %dma_wait3A_306 = arith.constant 0 : i32
      %dma_wait3A_307 = arith.constant 0 : i32
      %dma_wait3A_308 = tpu.memref_slice %arg14[%dma_wait3A_306, %dma_wait3A_307] : memref<32x128xf32, #tpu.memory_space<vmem>> -> memref<32x128xf32, #tpu.memory_space<vmem>>
      %dma_wait3A_309 = arith.constant 0 : i32
      %dma_wait3A_310 = tpu.memref_slice %arg19[%add3A_216, %dma_wait3A_309] : memref<10112x128xf32, #tpu.memory_space<vmem_shared>> -> memref<32x128xf32, #tpu.memory_space<vmem_shared>>
      tpu.wait_dma2 semaphore(%run_scoped3A : memref<!tpu.dma_semaphore, #tpu.memory_space<semaphore_mem>>) src(%dma_wait3A_310 : memref<32x128xf32, #tpu.memory_space<vmem_shared>>) dst(%dma_wait3A_308 : memref<32x128xf32, #tpu.memory_space<vmem>>)
      tpu.yield
    }) : () -> ()
    %add3A_217 = arith.constant 32 : i32
    %add3A_218 = arith.addi %mul3A_69, %add3A_217 : i32
    "tpu.region"() ({
      %run_scoped3A = tpu.sem_alloc : memref<!tpu.dma_semaphore, #tpu.memory_space<semaphore_mem>>
      %dma_start3A_291 = arith.constant 0 : i32
      %dma_start3A_292 = arith.constant 0 : i32
      %dma_start3A_293 = tpu.memref_slice %arg14[%dma_start3A_291, %dma_start3A_292] : memref<32x128xf32, #tpu.memory_space<vmem>> -> memref<32x128xf32, #tpu.memory_space<vmem>>
      %dma_start3A_294 = arith.constant 0 : i32
      %dma_start3A_295 = tpu.memref_slice %arg8[%arg0, %add3A_218, %dma_start3A_294] : memref<2x10112x128xf32, #tpu.memory_space<hbm>> -> memref<1x32x128xf32, #tpu.memory_space<hbm>>
      %dma_start3A_296 = tpu.memref_squeeze %dma_start3A_295 : memref<1x32x128xf32, #tpu.memory_space<hbm>> -> memref<32x128xf32, #tpu.memory_space<hbm>>
      %dma_start3A_297 = arith.constant 0 : i32
      %dma_start3A_298 = tpu.memref_slice %arg8[%arg0, %add3A_218, %dma_start3A_297] : memref<2x10112x128xf32, #tpu.memory_space<hbm>> -> memref<1x32x128xf32, #tpu.memory_space<hbm>>
      %dma_start3A_299 = tpu.memref_squeeze %dma_start3A_298 : memref<1x32x128xf32, #tpu.memory_space<hbm>> -> memref<32x128xf32, #tpu.memory_space<hbm>>
      %dma_start3A_300 = arith.constant 0 : i32
      %dma_start3A_301 = arith.constant 0 : i32
      %dma_start3A_302 = tpu.memref_slice %arg14[%dma_start3A_300, %dma_start3A_301] : memref<32x128xf32, #tpu.memory_space<vmem>> -> memref<32x128xf32, #tpu.memory_space<vmem>>
      tpu.enqueue_dma source(%dma_start3A_302 : memref<32x128xf32, #tpu.memory_space<vmem>>) target(%dma_start3A_299 : memref<32x128xf32, #tpu.memory_space<hbm>>) target_semaphore(%run_scoped3A : memref<!tpu.dma_semaphore, #tpu.memory_space<semaphore_mem>>)
      %dma_wait3A_303 = arith.constant 0 : i32
      %dma_wait3A_304 = arith.constant 0 : i32
      %dma_wait3A_305 = tpu.memref_slice %arg14[%dma_wait3A_303, %dma_wait3A_304] : memref<32x128xf32, #tpu.memory_space<vmem>> -> memref<32x128xf32, #tpu.memory_space<vmem>>
      %dma_wait3A_306 = arith.constant 0 : i32
      %dma_wait3A_307 = tpu.memref_slice %arg8[%arg0, %add3A_218, %dma_wait3A_306] : memref<2x10112x128xf32, #tpu.memory_space<hbm>> -> memref<1x32x128xf32, #tpu.memory_space<hbm>>
      %dma_wait3A_308 = tpu.memref_squeeze %dma_wait3A_307 : memref<1x32x128xf32, #tpu.memory_space<hbm>> -> memref<32x128xf32, #tpu.memory_space<hbm>>
      %dma_wait3A_309 = arith.constant 0 : i32
      %dma_wait3A_310 = tpu.memref_slice %arg8[%arg0, %add3A_218, %dma_wait3A_309] : memref<2x10112x128xf32, #tpu.memory_space<hbm>> -> memref<1x32x128xf32, #tpu.memory_space<hbm>>
      %dma_wait3A_311 = tpu.memref_squeeze %dma_wait3A_310 : memref<1x32x128xf32, #tpu.memory_space<hbm>> -> memref<32x128xf32, #tpu.memory_space<hbm>>
      %dma_wait3A_312 = arith.constant 0 : i32
      %dma_wait3A_313 = arith.constant 0 : i32
      %dma_wait3A_314 = tpu.memref_slice %arg14[%dma_wait3A_312, %dma_wait3A_313] : memref<32x128xf32, #tpu.memory_space<vmem>> -> memref<32x128xf32, #tpu.memory_space<vmem>>
      tpu.wait_dma2 semaphore(%run_scoped3A : memref<!tpu.dma_semaphore, #tpu.memory_space<semaphore_mem>>) src(%dma_wait3A_314 : memref<32x128xf32, #tpu.memory_space<vmem>>) dst(%dma_wait3A_311 : memref<32x128xf32, #tpu.memory_space<hbm>>)
      tpu.yield
    }) : () -> ()
    %add3A_219 = arith.constant 64 : i32
    %add3A_220 = arith.addi %mul3A_69, %add3A_219 : i32
    "tpu.region"() ({
      %run_scoped3A = tpu.sem_alloc : memref<!tpu.dma_semaphore, #tpu.memory_space<semaphore_mem>>
      %dma_start3A_291 = arith.constant 0 : i32
      %dma_start3A_292 = arith.constant 0 : i32
      %dma_start3A_293 = tpu.memref_slice %arg14[%dma_start3A_291, %dma_start3A_292] : memref<32x128xf32, #tpu.memory_space<vmem>> -> memref<32x128xf32, #tpu.memory_space<vmem>>
      %dma_start3A_294 = arith.constant 0 : i32
      %dma_start3A_295 = tpu.memref_slice %arg19[%add3A_220, %dma_start3A_294] : memref<10112x128xf32, #tpu.memory_space<vmem_shared>> -> memref<32x128xf32, #tpu.memory_space<vmem_shared>>
      %dma_start3A_296 = arith.constant 0 : i32
      %dma_start3A_297 = arith.constant 0 : i32
      %dma_start3A_298 = tpu.memref_slice %arg14[%dma_start3A_296, %dma_start3A_297] : memref<32x128xf32, #tpu.memory_space<vmem>> -> memref<32x128xf32, #tpu.memory_space<vmem>>
      %dma_start3A_299 = arith.constant 0 : i32
      %dma_start3A_300 = tpu.memref_slice %arg19[%add3A_220, %dma_start3A_299] : memref<10112x128xf32, #tpu.memory_space<vmem_shared>> -> memref<32x128xf32, #tpu.memory_space<vmem_shared>>
      tpu.enqueue_dma source(%dma_start3A_300 : memref<32x128xf32, #tpu.memory_space<vmem_shared>>) target(%dma_start3A_298 : memref<32x128xf32, #tpu.memory_space<vmem>>) target_semaphore(%run_scoped3A : memref<!tpu.dma_semaphore, #tpu.memory_space<semaphore_mem>>)
      %dma_wait3A_301 = arith.constant 0 : i32
      %dma_wait3A_302 = arith.constant 0 : i32
      %dma_wait3A_303 = tpu.memref_slice %arg14[%dma_wait3A_301, %dma_wait3A_302] : memref<32x128xf32, #tpu.memory_space<vmem>> -> memref<32x128xf32, #tpu.memory_space<vmem>>
      %dma_wait3A_304 = arith.constant 0 : i32
      %dma_wait3A_305 = tpu.memref_slice %arg19[%add3A_220, %dma_wait3A_304] : memref<10112x128xf32, #tpu.memory_space<vmem_shared>> -> memref<32x128xf32, #tpu.memory_space<vmem_shared>>
      %dma_wait3A_306 = arith.constant 0 : i32
      %dma_wait3A_307 = arith.constant 0 : i32
      %dma_wait3A_308 = tpu.memref_slice %arg14[%dma_wait3A_306, %dma_wait3A_307] : memref<32x128xf32, #tpu.memory_space<vmem>> -> memref<32x128xf32, #tpu.memory_space<vmem>>
      %dma_wait3A_309 = arith.constant 0 : i32
      %dma_wait3A_310 = tpu.memref_slice %arg19[%add3A_220, %dma_wait3A_309] : memref<10112x128xf32, #tpu.memory_space<vmem_shared>> -> memref<32x128xf32, #tpu.memory_space<vmem_shared>>
      tpu.wait_dma2 semaphore(%run_scoped3A : memref<!tpu.dma_semaphore, #tpu.memory_space<semaphore_mem>>) src(%dma_wait3A_310 : memref<32x128xf32, #tpu.memory_space<vmem_shared>>) dst(%dma_wait3A_308 : memref<32x128xf32, #tpu.memory_space<vmem>>)
      tpu.yield
    }) : () -> ()
    %add3A_221 = arith.constant 64 : i32
    %add3A_222 = arith.addi %mul3A_69, %add3A_221 : i32
    "tpu.region"() ({
      %run_scoped3A = tpu.sem_alloc : memref<!tpu.dma_semaphore, #tpu.memory_space<semaphore_mem>>
      %dma_start3A_291 = arith.constant 0 : i32
      %dma_start3A_292 = arith.constant 0 : i32
      %dma_start3A_293 = tpu.memref_slice %arg14[%dma_start3A_291, %dma_start3A_292] : memref<32x128xf32, #tpu.memory_space<vmem>> -> memref<32x128xf32, #tpu.memory_space<vmem>>
      %dma_start3A_294 = arith.constant 0 : i32
      %dma_start3A_295 = tpu.memref_slice %arg8[%arg0, %add3A_222, %dma_start3A_294] : memref<2x10112x128xf32, #tpu.memory_space<hbm>> -> memref<1x32x128xf32, #tpu.memory_space<hbm>>
      %dma_start3A_296 = tpu.memref_squeeze %dma_start3A_295 : memref<1x32x128xf32, #tpu.memory_space<hbm>> -> memref<32x128xf32, #tpu.memory_space<hbm>>
      %dma_start3A_297 = arith.constant 0 : i32
      %dma_start3A_298 = tpu.memref_slice %arg8[%arg0, %add3A_222, %dma_start3A_297] : memref<2x10112x128xf32, #tpu.memory_space<hbm>> -> memref<1x32x128xf32, #tpu.memory_space<hbm>>
      %dma_start3A_299 = tpu.memref_squeeze %dma_start3A_298 : memref<1x32x128xf32, #tpu.memory_space<hbm>> -> memref<32x128xf32, #tpu.memory_space<hbm>>
      %dma_start3A_300 = arith.constant 0 : i32
      %dma_start3A_301 = arith.constant 0 : i32
      %dma_start3A_302 = tpu.memref_slice %arg14[%dma_start3A_300, %dma_start3A_301] : memref<32x128xf32, #tpu.memory_space<vmem>> -> memref<32x128xf32, #tpu.memory_space<vmem>>
      tpu.enqueue_dma source(%dma_start3A_302 : memref<32x128xf32, #tpu.memory_space<vmem>>) target(%dma_start3A_299 : memref<32x128xf32, #tpu.memory_space<hbm>>) target_semaphore(%run_scoped3A : memref<!tpu.dma_semaphore, #tpu.memory_space<semaphore_mem>>)
      %dma_wait3A_303 = arith.constant 0 : i32
      %dma_wait3A_304 = arith.constant 0 : i32
      %dma_wait3A_305 = tpu.memref_slice %arg14[%dma_wait3A_303, %dma_wait3A_304] : memref<32x128xf32, #tpu.memory_space<vmem>> -> memref<32x128xf32, #tpu.memory_space<vmem>>
      %dma_wait3A_306 = arith.constant 0 : i32
      %dma_wait3A_307 = tpu.memref_slice %arg8[%arg0, %add3A_222, %dma_wait3A_306] : memref<2x10112x128xf32, #tpu.memory_space<hbm>> -> memref<1x32x128xf32, #tpu.memory_space<hbm>>
      %dma_wait3A_308 = tpu.memref_squeeze %dma_wait3A_307 : memref<1x32x128xf32, #tpu.memory_space<hbm>> -> memref<32x128xf32, #tpu.memory_space<hbm>>
      %dma_wait3A_309 = arith.constant 0 : i32
      %dma_wait3A_310 = tpu.memref_slice %arg8[%arg0, %add3A_222, %dma_wait3A_309] : memref<2x10112x128xf32, #tpu.memory_space<hbm>> -> memref<1x32x128xf32, #tpu.memory_space<hbm>>
      %dma_wait3A_311 = tpu.memref_squeeze %dma_wait3A_310 : memref<1x32x128xf32, #tpu.memory_space<hbm>> -> memref<32x128xf32, #tpu.memory_space<hbm>>
      %dma_wait3A_312 = arith.constant 0 : i32
      %dma_wait3A_313 = arith.constant 0 : i32
      %dma_wait3A_314 = tpu.memref_slice %arg14[%dma_wait3A_312, %dma_wait3A_313] : memref<32x128xf32, #tpu.memory_space<vmem>> -> memref<32x128xf32, #tpu.memory_space<vmem>>
      tpu.wait_dma2 semaphore(%run_scoped3A : memref<!tpu.dma_semaphore, #tpu.memory_space<semaphore_mem>>) src(%dma_wait3A_314 : memref<32x128xf32, #tpu.memory_space<vmem>>) dst(%dma_wait3A_311 : memref<32x128xf32, #tpu.memory_space<hbm>>)
      tpu.yield
    }) : () -> ()
    %add3A_223 = arith.constant 96 : i32
    %add3A_224 = arith.addi %mul3A_69, %add3A_223 : i32
    "tpu.region"() ({
      %run_scoped3A = tpu.sem_alloc : memref<!tpu.dma_semaphore, #tpu.memory_space<semaphore_mem>>
      %dma_start3A_291 = arith.constant 0 : i32
      %dma_start3A_292 = arith.constant 0 : i32
      %dma_start3A_293 = tpu.memref_slice %arg14[%dma_start3A_291, %dma_start3A_292] : memref<32x128xf32, #tpu.memory_space<vmem>> -> memref<32x128xf32, #tpu.memory_space<vmem>>
      %dma_start3A_294 = arith.constant 0 : i32
      %dma_start3A_295 = tpu.memref_slice %arg19[%add3A_224, %dma_start3A_294] : memref<10112x128xf32, #tpu.memory_space<vmem_shared>> -> memref<32x128xf32, #tpu.memory_space<vmem_shared>>
      %dma_start3A_296 = arith.constant 0 : i32
      %dma_start3A_297 = arith.constant 0 : i32
      %dma_start3A_298 = tpu.memref_slice %arg14[%dma_start3A_296, %dma_start3A_297] : memref<32x128xf32, #tpu.memory_space<vmem>> -> memref<32x128xf32, #tpu.memory_space<vmem>>
      %dma_start3A_299 = arith.constant 0 : i32
      %dma_start3A_300 = tpu.memref_slice %arg19[%add3A_224, %dma_start3A_299] : memref<10112x128xf32, #tpu.memory_space<vmem_shared>> -> memref<32x128xf32, #tpu.memory_space<vmem_shared>>
      tpu.enqueue_dma source(%dma_start3A_300 : memref<32x128xf32, #tpu.memory_space<vmem_shared>>) target(%dma_start3A_298 : memref<32x128xf32, #tpu.memory_space<vmem>>) target_semaphore(%run_scoped3A : memref<!tpu.dma_semaphore, #tpu.memory_space<semaphore_mem>>)
      %dma_wait3A_301 = arith.constant 0 : i32
      %dma_wait3A_302 = arith.constant 0 : i32
      %dma_wait3A_303 = tpu.memref_slice %arg14[%dma_wait3A_301, %dma_wait3A_302] : memref<32x128xf32, #tpu.memory_space<vmem>> -> memref<32x128xf32, #tpu.memory_space<vmem>>
      %dma_wait3A_304 = arith.constant 0 : i32
      %dma_wait3A_305 = tpu.memref_slice %arg19[%add3A_224, %dma_wait3A_304] : memref<10112x128xf32, #tpu.memory_space<vmem_shared>> -> memref<32x128xf32, #tpu.memory_space<vmem_shared>>
      %dma_wait3A_306 = arith.constant 0 : i32
      %dma_wait3A_307 = arith.constant 0 : i32
      %dma_wait3A_308 = tpu.memref_slice %arg14[%dma_wait3A_306, %dma_wait3A_307] : memref<32x128xf32, #tpu.memory_space<vmem>> -> memref<32x128xf32, #tpu.memory_space<vmem>>
      %dma_wait3A_309 = arith.constant 0 : i32
      %dma_wait3A_310 = tpu.memref_slice %arg19[%add3A_224, %dma_wait3A_309] : memref<10112x128xf32, #tpu.memory_space<vmem_shared>> -> memref<32x128xf32, #tpu.memory_space<vmem_shared>>
      tpu.wait_dma2 semaphore(%run_scoped3A : memref<!tpu.dma_semaphore, #tpu.memory_space<semaphore_mem>>) src(%dma_wait3A_310 : memref<32x128xf32, #tpu.memory_space<vmem_shared>>) dst(%dma_wait3A_308 : memref<32x128xf32, #tpu.memory_space<vmem>>)
      tpu.yield
    }) : () -> ()
    %add3A_225 = arith.constant 96 : i32
    %add3A_226 = arith.addi %mul3A_69, %add3A_225 : i32
    "tpu.region"() ({
      %run_scoped3A = tpu.sem_alloc : memref<!tpu.dma_semaphore, #tpu.memory_space<semaphore_mem>>
      %dma_start3A_291 = arith.constant 0 : i32
      %dma_start3A_292 = arith.constant 0 : i32
      %dma_start3A_293 = tpu.memref_slice %arg14[%dma_start3A_291, %dma_start3A_292] : memref<32x128xf32, #tpu.memory_space<vmem>> -> memref<32x128xf32, #tpu.memory_space<vmem>>
      %dma_start3A_294 = arith.constant 0 : i32
      %dma_start3A_295 = tpu.memref_slice %arg8[%arg0, %add3A_226, %dma_start3A_294] : memref<2x10112x128xf32, #tpu.memory_space<hbm>> -> memref<1x32x128xf32, #tpu.memory_space<hbm>>
      %dma_start3A_296 = tpu.memref_squeeze %dma_start3A_295 : memref<1x32x128xf32, #tpu.memory_space<hbm>> -> memref<32x128xf32, #tpu.memory_space<hbm>>
      %dma_start3A_297 = arith.constant 0 : i32
      %dma_start3A_298 = tpu.memref_slice %arg8[%arg0, %add3A_226, %dma_start3A_297] : memref<2x10112x128xf32, #tpu.memory_space<hbm>> -> memref<1x32x128xf32, #tpu.memory_space<hbm>>
      %dma_start3A_299 = tpu.memref_squeeze %dma_start3A_298 : memref<1x32x128xf32, #tpu.memory_space<hbm>> -> memref<32x128xf32, #tpu.memory_space<hbm>>
      %dma_start3A_300 = arith.constant 0 : i32
      %dma_start3A_301 = arith.constant 0 : i32
      %dma_start3A_302 = tpu.memref_slice %arg14[%dma_start3A_300, %dma_start3A_301] : memref<32x128xf32, #tpu.memory_space<vmem>> -> memref<32x128xf32, #tpu.memory_space<vmem>>
      tpu.enqueue_dma source(%dma_start3A_302 : memref<32x128xf32, #tpu.memory_space<vmem>>) target(%dma_start3A_299 : memref<32x128xf32, #tpu.memory_space<hbm>>) target_semaphore(%run_scoped3A : memref<!tpu.dma_semaphore, #tpu.memory_space<semaphore_mem>>)
      %dma_wait3A_303 = arith.constant 0 : i32
      %dma_wait3A_304 = arith.constant 0 : i32
      %dma_wait3A_305 = tpu.memref_slice %arg14[%dma_wait3A_303, %dma_wait3A_304] : memref<32x128xf32, #tpu.memory_space<vmem>> -> memref<32x128xf32, #tpu.memory_space<vmem>>
      %dma_wait3A_306 = arith.constant 0 : i32
      %dma_wait3A_307 = tpu.memref_slice %arg8[%arg0, %add3A_226, %dma_wait3A_306] : memref<2x10112x128xf32, #tpu.memory_space<hbm>> -> memref<1x32x128xf32, #tpu.memory_space<hbm>>
      %dma_wait3A_308 = tpu.memref_squeeze %dma_wait3A_307 : memref<1x32x128xf32, #tpu.memory_space<hbm>> -> memref<32x128xf32, #tpu.memory_space<hbm>>
      %dma_wait3A_309 = arith.constant 0 : i32
      %dma_wait3A_310 = tpu.memref_slice %arg8[%arg0, %add3A_226, %dma_wait3A_309] : memref<2x10112x128xf32, #tpu.memory_space<hbm>> -> memref<1x32x128xf32, #tpu.memory_space<hbm>>
      %dma_wait3A_311 = tpu.memref_squeeze %dma_wait3A_310 : memref<1x32x128xf32, #tpu.memory_space<hbm>> -> memref<32x128xf32, #tpu.memory_space<hbm>>
      %dma_wait3A_312 = arith.constant 0 : i32
      %dma_wait3A_313 = arith.constant 0 : i32
      %dma_wait3A_314 = tpu.memref_slice %arg14[%dma_wait3A_312, %dma_wait3A_313] : memref<32x128xf32, #tpu.memory_space<vmem>> -> memref<32x128xf32, #tpu.memory_space<vmem>>
      tpu.wait_dma2 semaphore(%run_scoped3A : memref<!tpu.dma_semaphore, #tpu.memory_space<semaphore_mem>>) src(%dma_wait3A_314 : memref<32x128xf32, #tpu.memory_space<vmem>>) dst(%dma_wait3A_311 : memref<32x128xf32, #tpu.memory_space<hbm>>)
      tpu.yield
    }) : () -> ()
    %add3A_227 = arith.constant 128 : i32
    %add3A_228 = arith.addi %mul3A_69, %add3A_227 : i32
    "tpu.region"() ({
      %run_scoped3A = tpu.sem_alloc : memref<!tpu.dma_semaphore, #tpu.memory_space<semaphore_mem>>
      %dma_start3A_291 = arith.constant 0 : i32
      %dma_start3A_292 = arith.constant 0 : i32
      %dma_start3A_293 = tpu.memref_slice %arg14[%dma_start3A_291, %dma_start3A_292] : memref<32x128xf32, #tpu.memory_space<vmem>> -> memref<32x128xf32, #tpu.memory_space<vmem>>
      %dma_start3A_294 = arith.constant 0 : i32
      %dma_start3A_295 = tpu.memref_slice %arg19[%add3A_228, %dma_start3A_294] : memref<10112x128xf32, #tpu.memory_space<vmem_shared>> -> memref<32x128xf32, #tpu.memory_space<vmem_shared>>
      %dma_start3A_296 = arith.constant 0 : i32
      %dma_start3A_297 = arith.constant 0 : i32
      %dma_start3A_298 = tpu.memref_slice %arg14[%dma_start3A_296, %dma_start3A_297] : memref<32x128xf32, #tpu.memory_space<vmem>> -> memref<32x128xf32, #tpu.memory_space<vmem>>
      %dma_start3A_299 = arith.constant 0 : i32
      %dma_start3A_300 = tpu.memref_slice %arg19[%add3A_228, %dma_start3A_299] : memref<10112x128xf32, #tpu.memory_space<vmem_shared>> -> memref<32x128xf32, #tpu.memory_space<vmem_shared>>
      tpu.enqueue_dma source(%dma_start3A_300 : memref<32x128xf32, #tpu.memory_space<vmem_shared>>) target(%dma_start3A_298 : memref<32x128xf32, #tpu.memory_space<vmem>>) target_semaphore(%run_scoped3A : memref<!tpu.dma_semaphore, #tpu.memory_space<semaphore_mem>>)
      %dma_wait3A_301 = arith.constant 0 : i32
      %dma_wait3A_302 = arith.constant 0 : i32
      %dma_wait3A_303 = tpu.memref_slice %arg14[%dma_wait3A_301, %dma_wait3A_302] : memref<32x128xf32, #tpu.memory_space<vmem>> -> memref<32x128xf32, #tpu.memory_space<vmem>>
      %dma_wait3A_304 = arith.constant 0 : i32
      %dma_wait3A_305 = tpu.memref_slice %arg19[%add3A_228, %dma_wait3A_304] : memref<10112x128xf32, #tpu.memory_space<vmem_shared>> -> memref<32x128xf32, #tpu.memory_space<vmem_shared>>
      %dma_wait3A_306 = arith.constant 0 : i32
      %dma_wait3A_307 = arith.constant 0 : i32
      %dma_wait3A_308 = tpu.memref_slice %arg14[%dma_wait3A_306, %dma_wait3A_307] : memref<32x128xf32, #tpu.memory_space<vmem>> -> memref<32x128xf32, #tpu.memory_space<vmem>>
      %dma_wait3A_309 = arith.constant 0 : i32
      %dma_wait3A_310 = tpu.memref_slice %arg19[%add3A_228, %dma_wait3A_309] : memref<10112x128xf32, #tpu.memory_space<vmem_shared>> -> memref<32x128xf32, #tpu.memory_space<vmem_shared>>
      tpu.wait_dma2 semaphore(%run_scoped3A : memref<!tpu.dma_semaphore, #tpu.memory_space<semaphore_mem>>) src(%dma_wait3A_310 : memref<32x128xf32, #tpu.memory_space<vmem_shared>>) dst(%dma_wait3A_308 : memref<32x128xf32, #tpu.memory_space<vmem>>)
      tpu.yield
    }) : () -> ()
    %add3A_229 = arith.constant 128 : i32
    %add3A_230 = arith.addi %mul3A_69, %add3A_229 : i32
    "tpu.region"() ({
      %run_scoped3A = tpu.sem_alloc : memref<!tpu.dma_semaphore, #tpu.memory_space<semaphore_mem>>
      %dma_start3A_291 = arith.constant 0 : i32
      %dma_start3A_292 = arith.constant 0 : i32
      %dma_start3A_293 = tpu.memref_slice %arg14[%dma_start3A_291, %dma_start3A_292] : memref<32x128xf32, #tpu.memory_space<vmem>> -> memref<32x128xf32, #tpu.memory_space<vmem>>
      %dma_start3A_294 = arith.constant 0 : i32
      %dma_start3A_295 = tpu.memref_slice %arg8[%arg0, %add3A_230, %dma_start3A_294] : memref<2x10112x128xf32, #tpu.memory_space<hbm>> -> memref<1x32x128xf32, #tpu.memory_space<hbm>>
      %dma_start3A_296 = tpu.memref_squeeze %dma_start3A_295 : memref<1x32x128xf32, #tpu.memory_space<hbm>> -> memref<32x128xf32, #tpu.memory_space<hbm>>
      %dma_start3A_297 = arith.constant 0 : i32
      %dma_start3A_298 = tpu.memref_slice %arg8[%arg0, %add3A_230, %dma_start3A_297] : memref<2x10112x128xf32, #tpu.memory_space<hbm>> -> memref<1x32x128xf32, #tpu.memory_space<hbm>>
      %dma_start3A_299 = tpu.memref_squeeze %dma_start3A_298 : memref<1x32x128xf32, #tpu.memory_space<hbm>> -> memref<32x128xf32, #tpu.memory_space<hbm>>
      %dma_start3A_300 = arith.constant 0 : i32
      %dma_start3A_301 = arith.constant 0 : i32
      %dma_start3A_302 = tpu.memref_slice %arg14[%dma_start3A_300, %dma_start3A_301] : memref<32x128xf32, #tpu.memory_space<vmem>> -> memref<32x128xf32, #tpu.memory_space<vmem>>
      tpu.enqueue_dma source(%dma_start3A_302 : memref<32x128xf32, #tpu.memory_space<vmem>>) target(%dma_start3A_299 : memref<32x128xf32, #tpu.memory_space<hbm>>) target_semaphore(%run_scoped3A : memref<!tpu.dma_semaphore, #tpu.memory_space<semaphore_mem>>)
      %dma_wait3A_303 = arith.constant 0 : i32
      %dma_wait3A_304 = arith.constant 0 : i32
      %dma_wait3A_305 = tpu.memref_slice %arg14[%dma_wait3A_303, %dma_wait3A_304] : memref<32x128xf32, #tpu.memory_space<vmem>> -> memref<32x128xf32, #tpu.memory_space<vmem>>
      %dma_wait3A_306 = arith.constant 0 : i32
      %dma_wait3A_307 = tpu.memref_slice %arg8[%arg0, %add3A_230, %dma_wait3A_306] : memref<2x10112x128xf32, #tpu.memory_space<hbm>> -> memref<1x32x128xf32, #tpu.memory_space<hbm>>
      %dma_wait3A_308 = tpu.memref_squeeze %dma_wait3A_307 : memref<1x32x128xf32, #tpu.memory_space<hbm>> -> memref<32x128xf32, #tpu.memory_space<hbm>>
      %dma_wait3A_309 = arith.constant 0 : i32
      %dma_wait3A_310 = tpu.memref_slice %arg8[%arg0, %add3A_230, %dma_wait3A_309] : memref<2x10112x128xf32, #tpu.memory_space<hbm>> -> memref<1x32x128xf32, #tpu.memory_space<hbm>>
      %dma_wait3A_311 = tpu.memref_squeeze %dma_wait3A_310 : memref<1x32x128xf32, #tpu.memory_space<hbm>> -> memref<32x128xf32, #tpu.memory_space<hbm>>
      %dma_wait3A_312 = arith.constant 0 : i32
      %dma_wait3A_313 = arith.constant 0 : i32
      %dma_wait3A_314 = tpu.memref_slice %arg14[%dma_wait3A_312, %dma_wait3A_313] : memref<32x128xf32, #tpu.memory_space<vmem>> -> memref<32x128xf32, #tpu.memory_space<vmem>>
      tpu.wait_dma2 semaphore(%run_scoped3A : memref<!tpu.dma_semaphore, #tpu.memory_space<semaphore_mem>>) src(%dma_wait3A_314 : memref<32x128xf32, #tpu.memory_space<vmem>>) dst(%dma_wait3A_311 : memref<32x128xf32, #tpu.memory_space<hbm>>)
      tpu.yield
    }) : () -> ()
    %add3A_231 = arith.constant 160 : i32
    %add3A_232 = arith.addi %mul3A_69, %add3A_231 : i32
    "tpu.region"() ({
      %run_scoped3A = tpu.sem_alloc : memref<!tpu.dma_semaphore, #tpu.memory_space<semaphore_mem>>
      %dma_start3A_291 = arith.constant 0 : i32
      %dma_start3A_292 = arith.constant 0 : i32
      %dma_start3A_293 = tpu.memref_slice %arg14[%dma_start3A_291, %dma_start3A_292] : memref<32x128xf32, #tpu.memory_space<vmem>> -> memref<32x128xf32, #tpu.memory_space<vmem>>
      %dma_start3A_294 = arith.constant 0 : i32
      %dma_start3A_295 = tpu.memref_slice %arg19[%add3A_232, %dma_start3A_294] : memref<10112x128xf32, #tpu.memory_space<vmem_shared>> -> memref<32x128xf32, #tpu.memory_space<vmem_shared>>
      %dma_start3A_296 = arith.constant 0 : i32
      %dma_start3A_297 = arith.constant 0 : i32
      %dma_start3A_298 = tpu.memref_slice %arg14[%dma_start3A_296, %dma_start3A_297] : memref<32x128xf32, #tpu.memory_space<vmem>> -> memref<32x128xf32, #tpu.memory_space<vmem>>
      %dma_start3A_299 = arith.constant 0 : i32
      %dma_start3A_300 = tpu.memref_slice %arg19[%add3A_232, %dma_start3A_299] : memref<10112x128xf32, #tpu.memory_space<vmem_shared>> -> memref<32x128xf32, #tpu.memory_space<vmem_shared>>
      tpu.enqueue_dma source(%dma_start3A_300 : memref<32x128xf32, #tpu.memory_space<vmem_shared>>) target(%dma_start3A_298 : memref<32x128xf32, #tpu.memory_space<vmem>>) target_semaphore(%run_scoped3A : memref<!tpu.dma_semaphore, #tpu.memory_space<semaphore_mem>>)
      %dma_wait3A_301 = arith.constant 0 : i32
      %dma_wait3A_302 = arith.constant 0 : i32
      %dma_wait3A_303 = tpu.memref_slice %arg14[%dma_wait3A_301, %dma_wait3A_302] : memref<32x128xf32, #tpu.memory_space<vmem>> -> memref<32x128xf32, #tpu.memory_space<vmem>>
      %dma_wait3A_304 = arith.constant 0 : i32
      %dma_wait3A_305 = tpu.memref_slice %arg19[%add3A_232, %dma_wait3A_304] : memref<10112x128xf32, #tpu.memory_space<vmem_shared>> -> memref<32x128xf32, #tpu.memory_space<vmem_shared>>
      %dma_wait3A_306 = arith.constant 0 : i32
      %dma_wait3A_307 = arith.constant 0 : i32
      %dma_wait3A_308 = tpu.memref_slice %arg14[%dma_wait3A_306, %dma_wait3A_307] : memref<32x128xf32, #tpu.memory_space<vmem>> -> memref<32x128xf32, #tpu.memory_space<vmem>>
      %dma_wait3A_309 = arith.constant 0 : i32
      %dma_wait3A_310 = tpu.memref_slice %arg19[%add3A_232, %dma_wait3A_309] : memref<10112x128xf32, #tpu.memory_space<vmem_shared>> -> memref<32x128xf32, #tpu.memory_space<vmem_shared>>
      tpu.wait_dma2 semaphore(%run_scoped3A : memref<!tpu.dma_semaphore, #tpu.memory_space<semaphore_mem>>) src(%dma_wait3A_310 : memref<32x128xf32, #tpu.memory_space<vmem_shared>>) dst(%dma_wait3A_308 : memref<32x128xf32, #tpu.memory_space<vmem>>)
      tpu.yield
    }) : () -> ()
    %add3A_233 = arith.constant 160 : i32
    %add3A_234 = arith.addi %mul3A_69, %add3A_233 : i32
    "tpu.region"() ({
      %run_scoped3A = tpu.sem_alloc : memref<!tpu.dma_semaphore, #tpu.memory_space<semaphore_mem>>
      %dma_start3A_291 = arith.constant 0 : i32
      %dma_start3A_292 = arith.constant 0 : i32
      %dma_start3A_293 = tpu.memref_slice %arg14[%dma_start3A_291, %dma_start3A_292] : memref<32x128xf32, #tpu.memory_space<vmem>> -> memref<32x128xf32, #tpu.memory_space<vmem>>
      %dma_start3A_294 = arith.constant 0 : i32
      %dma_start3A_295 = tpu.memref_slice %arg8[%arg0, %add3A_234, %dma_start3A_294] : memref<2x10112x128xf32, #tpu.memory_space<hbm>> -> memref<1x32x128xf32, #tpu.memory_space<hbm>>
      %dma_start3A_296 = tpu.memref_squeeze %dma_start3A_295 : memref<1x32x128xf32, #tpu.memory_space<hbm>> -> memref<32x128xf32, #tpu.memory_space<hbm>>
      %dma_start3A_297 = arith.constant 0 : i32
      %dma_start3A_298 = tpu.memref_slice %arg8[%arg0, %add3A_234, %dma_start3A_297] : memref<2x10112x128xf32, #tpu.memory_space<hbm>> -> memref<1x32x128xf32, #tpu.memory_space<hbm>>
      %dma_start3A_299 = tpu.memref_squeeze %dma_start3A_298 : memref<1x32x128xf32, #tpu.memory_space<hbm>> -> memref<32x128xf32, #tpu.memory_space<hbm>>
      %dma_start3A_300 = arith.constant 0 : i32
      %dma_start3A_301 = arith.constant 0 : i32
      %dma_start3A_302 = tpu.memref_slice %arg14[%dma_start3A_300, %dma_start3A_301] : memref<32x128xf32, #tpu.memory_space<vmem>> -> memref<32x128xf32, #tpu.memory_space<vmem>>
      tpu.enqueue_dma source(%dma_start3A_302 : memref<32x128xf32, #tpu.memory_space<vmem>>) target(%dma_start3A_299 : memref<32x128xf32, #tpu.memory_space<hbm>>) target_semaphore(%run_scoped3A : memref<!tpu.dma_semaphore, #tpu.memory_space<semaphore_mem>>)
      %dma_wait3A_303 = arith.constant 0 : i32
      %dma_wait3A_304 = arith.constant 0 : i32
      %dma_wait3A_305 = tpu.memref_slice %arg14[%dma_wait3A_303, %dma_wait3A_304] : memref<32x128xf32, #tpu.memory_space<vmem>> -> memref<32x128xf32, #tpu.memory_space<vmem>>
      %dma_wait3A_306 = arith.constant 0 : i32
      %dma_wait3A_307 = tpu.memref_slice %arg8[%arg0, %add3A_234, %dma_wait3A_306] : memref<2x10112x128xf32, #tpu.memory_space<hbm>> -> memref<1x32x128xf32, #tpu.memory_space<hbm>>
      %dma_wait3A_308 = tpu.memref_squeeze %dma_wait3A_307 : memref<1x32x128xf32, #tpu.memory_space<hbm>> -> memref<32x128xf32, #tpu.memory_space<hbm>>
      %dma_wait3A_309 = arith.constant 0 : i32
      %dma_wait3A_310 = tpu.memref_slice %arg8[%arg0, %add3A_234, %dma_wait3A_309] : memref<2x10112x128xf32, #tpu.memory_space<hbm>> -> memref<1x32x128xf32, #tpu.memory_space<hbm>>
      %dma_wait3A_311 = tpu.memref_squeeze %dma_wait3A_310 : memref<1x32x128xf32, #tpu.memory_space<hbm>> -> memref<32x128xf32, #tpu.memory_space<hbm>>
      %dma_wait3A_312 = arith.constant 0 : i32
      %dma_wait3A_313 = arith.constant 0 : i32
      %dma_wait3A_314 = tpu.memref_slice %arg14[%dma_wait3A_312, %dma_wait3A_313] : memref<32x128xf32, #tpu.memory_space<vmem>> -> memref<32x128xf32, #tpu.memory_space<vmem>>
      tpu.wait_dma2 semaphore(%run_scoped3A : memref<!tpu.dma_semaphore, #tpu.memory_space<semaphore_mem>>) src(%dma_wait3A_314 : memref<32x128xf32, #tpu.memory_space<vmem>>) dst(%dma_wait3A_311 : memref<32x128xf32, #tpu.memory_space<hbm>>)
      tpu.yield
    }) : () -> ()
    %add3A_235 = arith.constant 192 : i32
    %add3A_236 = arith.addi %mul3A_69, %add3A_235 : i32
    "tpu.region"() ({
      %run_scoped3A = tpu.sem_alloc : memref<!tpu.dma_semaphore, #tpu.memory_space<semaphore_mem>>
      %dma_start3A_291 = arith.constant 0 : i32
      %dma_start3A_292 = arith.constant 0 : i32
      %dma_start3A_293 = tpu.memref_slice %arg14[%dma_start3A_291, %dma_start3A_292] : memref<32x128xf32, #tpu.memory_space<vmem>> -> memref<32x128xf32, #tpu.memory_space<vmem>>
      %dma_start3A_294 = arith.constant 0 : i32
      %dma_start3A_295 = tpu.memref_slice %arg19[%add3A_236, %dma_start3A_294] : memref<10112x128xf32, #tpu.memory_space<vmem_shared>> -> memref<32x128xf32, #tpu.memory_space<vmem_shared>>
      %dma_start3A_296 = arith.constant 0 : i32
      %dma_start3A_297 = arith.constant 0 : i32
      %dma_start3A_298 = tpu.memref_slice %arg14[%dma_start3A_296, %dma_start3A_297] : memref<32x128xf32, #tpu.memory_space<vmem>> -> memref<32x128xf32, #tpu.memory_space<vmem>>
      %dma_start3A_299 = arith.constant 0 : i32
      %dma_start3A_300 = tpu.memref_slice %arg19[%add3A_236, %dma_start3A_299] : memref<10112x128xf32, #tpu.memory_space<vmem_shared>> -> memref<32x128xf32, #tpu.memory_space<vmem_shared>>
      tpu.enqueue_dma source(%dma_start3A_300 : memref<32x128xf32, #tpu.memory_space<vmem_shared>>) target(%dma_start3A_298 : memref<32x128xf32, #tpu.memory_space<vmem>>) target_semaphore(%run_scoped3A : memref<!tpu.dma_semaphore, #tpu.memory_space<semaphore_mem>>)
      %dma_wait3A_301 = arith.constant 0 : i32
      %dma_wait3A_302 = arith.constant 0 : i32
      %dma_wait3A_303 = tpu.memref_slice %arg14[%dma_wait3A_301, %dma_wait3A_302] : memref<32x128xf32, #tpu.memory_space<vmem>> -> memref<32x128xf32, #tpu.memory_space<vmem>>
      %dma_wait3A_304 = arith.constant 0 : i32
      %dma_wait3A_305 = tpu.memref_slice %arg19[%add3A_236, %dma_wait3A_304] : memref<10112x128xf32, #tpu.memory_space<vmem_shared>> -> memref<32x128xf32, #tpu.memory_space<vmem_shared>>
      %dma_wait3A_306 = arith.constant 0 : i32
      %dma_wait3A_307 = arith.constant 0 : i32
      %dma_wait3A_308 = tpu.memref_slice %arg14[%dma_wait3A_306, %dma_wait3A_307] : memref<32x128xf32, #tpu.memory_space<vmem>> -> memref<32x128xf32, #tpu.memory_space<vmem>>
      %dma_wait3A_309 = arith.constant 0 : i32
      %dma_wait3A_310 = tpu.memref_slice %arg19[%add3A_236, %dma_wait3A_309] : memref<10112x128xf32, #tpu.memory_space<vmem_shared>> -> memref<32x128xf32, #tpu.memory_space<vmem_shared>>
      tpu.wait_dma2 semaphore(%run_scoped3A : memref<!tpu.dma_semaphore, #tpu.memory_space<semaphore_mem>>) src(%dma_wait3A_310 : memref<32x128xf32, #tpu.memory_space<vmem_shared>>) dst(%dma_wait3A_308 : memref<32x128xf32, #tpu.memory_space<vmem>>)
      tpu.yield
    }) : () -> ()
    %add3A_237 = arith.constant 192 : i32
    %add3A_238 = arith.addi %mul3A_69, %add3A_237 : i32
    "tpu.region"() ({
      %run_scoped3A = tpu.sem_alloc : memref<!tpu.dma_semaphore, #tpu.memory_space<semaphore_mem>>
      %dma_start3A_291 = arith.constant 0 : i32
      %dma_start3A_292 = arith.constant 0 : i32
      %dma_start3A_293 = tpu.memref_slice %arg14[%dma_start3A_291, %dma_start3A_292] : memref<32x128xf32, #tpu.memory_space<vmem>> -> memref<32x128xf32, #tpu.memory_space<vmem>>
      %dma_start3A_294 = arith.constant 0 : i32
      %dma_start3A_295 = tpu.memref_slice %arg8[%arg0, %add3A_238, %dma_start3A_294] : memref<2x10112x128xf32, #tpu.memory_space<hbm>> -> memref<1x32x128xf32, #tpu.memory_space<hbm>>
      %dma_start3A_296 = tpu.memref_squeeze %dma_start3A_295 : memref<1x32x128xf32, #tpu.memory_space<hbm>> -> memref<32x128xf32, #tpu.memory_space<hbm>>
      %dma_start3A_297 = arith.constant 0 : i32
      %dma_start3A_298 = tpu.memref_slice %arg8[%arg0, %add3A_238, %dma_start3A_297] : memref<2x10112x128xf32, #tpu.memory_space<hbm>> -> memref<1x32x128xf32, #tpu.memory_space<hbm>>
      %dma_start3A_299 = tpu.memref_squeeze %dma_start3A_298 : memref<1x32x128xf32, #tpu.memory_space<hbm>> -> memref<32x128xf32, #tpu.memory_space<hbm>>
      %dma_start3A_300 = arith.constant 0 : i32
      %dma_start3A_301 = arith.constant 0 : i32
      %dma_start3A_302 = tpu.memref_slice %arg14[%dma_start3A_300, %dma_start3A_301] : memref<32x128xf32, #tpu.memory_space<vmem>> -> memref<32x128xf32, #tpu.memory_space<vmem>>
      tpu.enqueue_dma source(%dma_start3A_302 : memref<32x128xf32, #tpu.memory_space<vmem>>) target(%dma_start3A_299 : memref<32x128xf32, #tpu.memory_space<hbm>>) target_semaphore(%run_scoped3A : memref<!tpu.dma_semaphore, #tpu.memory_space<semaphore_mem>>)
      %dma_wait3A_303 = arith.constant 0 : i32
      %dma_wait3A_304 = arith.constant 0 : i32
      %dma_wait3A_305 = tpu.memref_slice %arg14[%dma_wait3A_303, %dma_wait3A_304] : memref<32x128xf32, #tpu.memory_space<vmem>> -> memref<32x128xf32, #tpu.memory_space<vmem>>
      %dma_wait3A_306 = arith.constant 0 : i32
      %dma_wait3A_307 = tpu.memref_slice %arg8[%arg0, %add3A_238, %dma_wait3A_306] : memref<2x10112x128xf32, #tpu.memory_space<hbm>> -> memref<1x32x128xf32, #tpu.memory_space<hbm>>
      %dma_wait3A_308 = tpu.memref_squeeze %dma_wait3A_307 : memref<1x32x128xf32, #tpu.memory_space<hbm>> -> memref<32x128xf32, #tpu.memory_space<hbm>>
      %dma_wait3A_309 = arith.constant 0 : i32
      %dma_wait3A_310 = tpu.memref_slice %arg8[%arg0, %add3A_238, %dma_wait3A_309] : memref<2x10112x128xf32, #tpu.memory_space<hbm>> -> memref<1x32x128xf32, #tpu.memory_space<hbm>>
      %dma_wait3A_311 = tpu.memref_squeeze %dma_wait3A_310 : memref<1x32x128xf32, #tpu.memory_space<hbm>> -> memref<32x128xf32, #tpu.memory_space<hbm>>
      %dma_wait3A_312 = arith.constant 0 : i32
      %dma_wait3A_313 = arith.constant 0 : i32
      %dma_wait3A_314 = tpu.memref_slice %arg14[%dma_wait3A_312, %dma_wait3A_313] : memref<32x128xf32, #tpu.memory_space<vmem>> -> memref<32x128xf32, #tpu.memory_space<vmem>>
      tpu.wait_dma2 semaphore(%run_scoped3A : memref<!tpu.dma_semaphore, #tpu.memory_space<semaphore_mem>>) src(%dma_wait3A_314 : memref<32x128xf32, #tpu.memory_space<vmem>>) dst(%dma_wait3A_311 : memref<32x128xf32, #tpu.memory_space<hbm>>)
      tpu.yield
    }) : () -> ()
    %add3A_239 = arith.constant 224 : i32
    %add3A_240 = arith.addi %mul3A_69, %add3A_239 : i32
    "tpu.region"() ({
      %run_scoped3A = tpu.sem_alloc : memref<!tpu.dma_semaphore, #tpu.memory_space<semaphore_mem>>
      %dma_start3A_291 = arith.constant 0 : i32
      %dma_start3A_292 = arith.constant 0 : i32
      %dma_start3A_293 = tpu.memref_slice %arg14[%dma_start3A_291, %dma_start3A_292] : memref<32x128xf32, #tpu.memory_space<vmem>> -> memref<32x128xf32, #tpu.memory_space<vmem>>
      %dma_start3A_294 = arith.constant 0 : i32
      %dma_start3A_295 = tpu.memref_slice %arg19[%add3A_240, %dma_start3A_294] : memref<10112x128xf32, #tpu.memory_space<vmem_shared>> -> memref<32x128xf32, #tpu.memory_space<vmem_shared>>
      %dma_start3A_296 = arith.constant 0 : i32
      %dma_start3A_297 = arith.constant 0 : i32
      %dma_start3A_298 = tpu.memref_slice %arg14[%dma_start3A_296, %dma_start3A_297] : memref<32x128xf32, #tpu.memory_space<vmem>> -> memref<32x128xf32, #tpu.memory_space<vmem>>
      %dma_start3A_299 = arith.constant 0 : i32
      %dma_start3A_300 = tpu.memref_slice %arg19[%add3A_240, %dma_start3A_299] : memref<10112x128xf32, #tpu.memory_space<vmem_shared>> -> memref<32x128xf32, #tpu.memory_space<vmem_shared>>
      tpu.enqueue_dma source(%dma_start3A_300 : memref<32x128xf32, #tpu.memory_space<vmem_shared>>) target(%dma_start3A_298 : memref<32x128xf32, #tpu.memory_space<vmem>>) target_semaphore(%run_scoped3A : memref<!tpu.dma_semaphore, #tpu.memory_space<semaphore_mem>>)
      %dma_wait3A_301 = arith.constant 0 : i32
      %dma_wait3A_302 = arith.constant 0 : i32
      %dma_wait3A_303 = tpu.memref_slice %arg14[%dma_wait3A_301, %dma_wait3A_302] : memref<32x128xf32, #tpu.memory_space<vmem>> -> memref<32x128xf32, #tpu.memory_space<vmem>>
      %dma_wait3A_304 = arith.constant 0 : i32
      %dma_wait3A_305 = tpu.memref_slice %arg19[%add3A_240, %dma_wait3A_304] : memref<10112x128xf32, #tpu.memory_space<vmem_shared>> -> memref<32x128xf32, #tpu.memory_space<vmem_shared>>
      %dma_wait3A_306 = arith.constant 0 : i32
      %dma_wait3A_307 = arith.constant 0 : i32
      %dma_wait3A_308 = tpu.memref_slice %arg14[%dma_wait3A_306, %dma_wait3A_307] : memref<32x128xf32, #tpu.memory_space<vmem>> -> memref<32x128xf32, #tpu.memory_space<vmem>>
      %dma_wait3A_309 = arith.constant 0 : i32
      %dma_wait3A_310 = tpu.memref_slice %arg19[%add3A_240, %dma_wait3A_309] : memref<10112x128xf32, #tpu.memory_space<vmem_shared>> -> memref<32x128xf32, #tpu.memory_space<vmem_shared>>
      tpu.wait_dma2 semaphore(%run_scoped3A : memref<!tpu.dma_semaphore, #tpu.memory_space<semaphore_mem>>) src(%dma_wait3A_310 : memref<32x128xf32, #tpu.memory_space<vmem_shared>>) dst(%dma_wait3A_308 : memref<32x128xf32, #tpu.memory_space<vmem>>)
      tpu.yield
    }) : () -> ()
    %add3A_241 = arith.constant 224 : i32
    %add3A_242 = arith.addi %mul3A_69, %add3A_241 : i32
    "tpu.region"() ({
      %run_scoped3A = tpu.sem_alloc : memref<!tpu.dma_semaphore, #tpu.memory_space<semaphore_mem>>
      %dma_start3A_291 = arith.constant 0 : i32
      %dma_start3A_292 = arith.constant 0 : i32
      %dma_start3A_293 = tpu.memref_slice %arg14[%dma_start3A_291, %dma_start3A_292] : memref<32x128xf32, #tpu.memory_space<vmem>> -> memref<32x128xf32, #tpu.memory_space<vmem>>
      %dma_start3A_294 = arith.constant 0 : i32
      %dma_start3A_295 = tpu.memref_slice %arg8[%arg0, %add3A_242, %dma_start3A_294] : memref<2x10112x128xf32, #tpu.memory_space<hbm>> -> memref<1x32x128xf32, #tpu.memory_space<hbm>>
      %dma_start3A_296 = tpu.memref_squeeze %dma_start3A_295 : memref<1x32x128xf32, #tpu.memory_space<hbm>> -> memref<32x128xf32, #tpu.memory_space<hbm>>
      %dma_start3A_297 = arith.constant 0 : i32
      %dma_start3A_298 = tpu.memref_slice %arg8[%arg0, %add3A_242, %dma_start3A_297] : memref<2x10112x128xf32, #tpu.memory_space<hbm>> -> memref<1x32x128xf32, #tpu.memory_space<hbm>>
      %dma_start3A_299 = tpu.memref_squeeze %dma_start3A_298 : memref<1x32x128xf32, #tpu.memory_space<hbm>> -> memref<32x128xf32, #tpu.memory_space<hbm>>
      %dma_start3A_300 = arith.constant 0 : i32
      %dma_start3A_301 = arith.constant 0 : i32
      %dma_start3A_302 = tpu.memref_slice %arg14[%dma_start3A_300, %dma_start3A_301] : memref<32x128xf32, #tpu.memory_space<vmem>> -> memref<32x128xf32, #tpu.memory_space<vmem>>
      tpu.enqueue_dma source(%dma_start3A_302 : memref<32x128xf32, #tpu.memory_space<vmem>>) target(%dma_start3A_299 : memref<32x128xf32, #tpu.memory_space<hbm>>) target_semaphore(%run_scoped3A : memref<!tpu.dma_semaphore, #tpu.memory_space<semaphore_mem>>)
      %dma_wait3A_303 = arith.constant 0 : i32
      %dma_wait3A_304 = arith.constant 0 : i32
      %dma_wait3A_305 = tpu.memref_slice %arg14[%dma_wait3A_303, %dma_wait3A_304] : memref<32x128xf32, #tpu.memory_space<vmem>> -> memref<32x128xf32, #tpu.memory_space<vmem>>
      %dma_wait3A_306 = arith.constant 0 : i32
      %dma_wait3A_307 = tpu.memref_slice %arg8[%arg0, %add3A_242, %dma_wait3A_306] : memref<2x10112x128xf32, #tpu.memory_space<hbm>> -> memref<1x32x128xf32, #tpu.memory_space<hbm>>
      %dma_wait3A_308 = tpu.memref_squeeze %dma_wait3A_307 : memref<1x32x128xf32, #tpu.memory_space<hbm>> -> memref<32x128xf32, #tpu.memory_space<hbm>>
      %dma_wait3A_309 = arith.constant 0 : i32
      %dma_wait3A_310 = tpu.memref_slice %arg8[%arg0, %add3A_242, %dma_wait3A_309] : memref<2x10112x128xf32, #tpu.memory_space<hbm>> -> memref<1x32x128xf32, #tpu.memory_space<hbm>>
      %dma_wait3A_311 = tpu.memref_squeeze %dma_wait3A_310 : memref<1x32x128xf32, #tpu.memory_space<hbm>> -> memref<32x128xf32, #tpu.memory_space<hbm>>
      %dma_wait3A_312 = arith.constant 0 : i32
      %dma_wait3A_313 = arith.constant 0 : i32
      %dma_wait3A_314 = tpu.memref_slice %arg14[%dma_wait3A_312, %dma_wait3A_313] : memref<32x128xf32, #tpu.memory_space<vmem>> -> memref<32x128xf32, #tpu.memory_space<vmem>>
      tpu.wait_dma2 semaphore(%run_scoped3A : memref<!tpu.dma_semaphore, #tpu.memory_space<semaphore_mem>>) src(%dma_wait3A_314 : memref<32x128xf32, #tpu.memory_space<vmem>>) dst(%dma_wait3A_311 : memref<32x128xf32, #tpu.memory_space<hbm>>)
      tpu.yield
    }) : () -> ()
    %add3A_243 = arith.constant 256 : i32
    %add3A_244 = arith.addi %mul3A_69, %add3A_243 : i32
    "tpu.region"() ({
      %run_scoped3A = tpu.sem_alloc : memref<!tpu.dma_semaphore, #tpu.memory_space<semaphore_mem>>
      %dma_start3A_291 = arith.constant 0 : i32
      %dma_start3A_292 = arith.constant 0 : i32
      %dma_start3A_293 = tpu.memref_slice %arg14[%dma_start3A_291, %dma_start3A_292] : memref<32x128xf32, #tpu.memory_space<vmem>> -> memref<32x128xf32, #tpu.memory_space<vmem>>
      %dma_start3A_294 = arith.constant 0 : i32
      %dma_start3A_295 = tpu.memref_slice %arg19[%add3A_244, %dma_start3A_294] : memref<10112x128xf32, #tpu.memory_space<vmem_shared>> -> memref<32x128xf32, #tpu.memory_space<vmem_shared>>
      %dma_start3A_296 = arith.constant 0 : i32
      %dma_start3A_297 = arith.constant 0 : i32
      %dma_start3A_298 = tpu.memref_slice %arg14[%dma_start3A_296, %dma_start3A_297] : memref<32x128xf32, #tpu.memory_space<vmem>> -> memref<32x128xf32, #tpu.memory_space<vmem>>
      %dma_start3A_299 = arith.constant 0 : i32
      %dma_start3A_300 = tpu.memref_slice %arg19[%add3A_244, %dma_start3A_299] : memref<10112x128xf32, #tpu.memory_space<vmem_shared>> -> memref<32x128xf32, #tpu.memory_space<vmem_shared>>
      tpu.enqueue_dma source(%dma_start3A_300 : memref<32x128xf32, #tpu.memory_space<vmem_shared>>) target(%dma_start3A_298 : memref<32x128xf32, #tpu.memory_space<vmem>>) target_semaphore(%run_scoped3A : memref<!tpu.dma_semaphore, #tpu.memory_space<semaphore_mem>>)
      %dma_wait3A_301 = arith.constant 0 : i32
      %dma_wait3A_302 = arith.constant 0 : i32
      %dma_wait3A_303 = tpu.memref_slice %arg14[%dma_wait3A_301, %dma_wait3A_302] : memref<32x128xf32, #tpu.memory_space<vmem>> -> memref<32x128xf32, #tpu.memory_space<vmem>>
      %dma_wait3A_304 = arith.constant 0 : i32
      %dma_wait3A_305 = tpu.memref_slice %arg19[%add3A_244, %dma_wait3A_304] : memref<10112x128xf32, #tpu.memory_space<vmem_shared>> -> memref<32x128xf32, #tpu.memory_space<vmem_shared>>
      %dma_wait3A_306 = arith.constant 0 : i32
      %dma_wait3A_307 = arith.constant 0 : i32
      %dma_wait3A_308 = tpu.memref_slice %arg14[%dma_wait3A_306, %dma_wait3A_307] : memref<32x128xf32, #tpu.memory_space<vmem>> -> memref<32x128xf32, #tpu.memory_space<vmem>>
      %dma_wait3A_309 = arith.constant 0 : i32
      %dma_wait3A_310 = tpu.memref_slice %arg19[%add3A_244, %dma_wait3A_309] : memref<10112x128xf32, #tpu.memory_space<vmem_shared>> -> memref<32x128xf32, #tpu.memory_space<vmem_shared>>
      tpu.wait_dma2 semaphore(%run_scoped3A : memref<!tpu.dma_semaphore, #tpu.memory_space<semaphore_mem>>) src(%dma_wait3A_310 : memref<32x128xf32, #tpu.memory_space<vmem_shared>>) dst(%dma_wait3A_308 : memref<32x128xf32, #tpu.memory_space<vmem>>)
      tpu.yield
    }) : () -> ()
    %add3A_245 = arith.constant 256 : i32
    %add3A_246 = arith.addi %mul3A_69, %add3A_245 : i32
    "tpu.region"() ({
      %run_scoped3A = tpu.sem_alloc : memref<!tpu.dma_semaphore, #tpu.memory_space<semaphore_mem>>
      %dma_start3A_291 = arith.constant 0 : i32
      %dma_start3A_292 = arith.constant 0 : i32
      %dma_start3A_293 = tpu.memref_slice %arg14[%dma_start3A_291, %dma_start3A_292] : memref<32x128xf32, #tpu.memory_space<vmem>> -> memref<32x128xf32, #tpu.memory_space<vmem>>
      %dma_start3A_294 = arith.constant 0 : i32
      %dma_start3A_295 = tpu.memref_slice %arg8[%arg0, %add3A_246, %dma_start3A_294] : memref<2x10112x128xf32, #tpu.memory_space<hbm>> -> memref<1x32x128xf32, #tpu.memory_space<hbm>>
      %dma_start3A_296 = tpu.memref_squeeze %dma_start3A_295 : memref<1x32x128xf32, #tpu.memory_space<hbm>> -> memref<32x128xf32, #tpu.memory_space<hbm>>
      %dma_start3A_297 = arith.constant 0 : i32
      %dma_start3A_298 = tpu.memref_slice %arg8[%arg0, %add3A_246, %dma_start3A_297] : memref<2x10112x128xf32, #tpu.memory_space<hbm>> -> memref<1x32x128xf32, #tpu.memory_space<hbm>>
      %dma_start3A_299 = tpu.memref_squeeze %dma_start3A_298 : memref<1x32x128xf32, #tpu.memory_space<hbm>> -> memref<32x128xf32, #tpu.memory_space<hbm>>
      %dma_start3A_300 = arith.constant 0 : i32
      %dma_start3A_301 = arith.constant 0 : i32
      %dma_start3A_302 = tpu.memref_slice %arg14[%dma_start3A_300, %dma_start3A_301] : memref<32x128xf32, #tpu.memory_space<vmem>> -> memref<32x128xf32, #tpu.memory_space<vmem>>
      tpu.enqueue_dma source(%dma_start3A_302 : memref<32x128xf32, #tpu.memory_space<vmem>>) target(%dma_start3A_299 : memref<32x128xf32, #tpu.memory_space<hbm>>) target_semaphore(%run_scoped3A : memref<!tpu.dma_semaphore, #tpu.memory_space<semaphore_mem>>)
      %dma_wait3A_303 = arith.constant 0 : i32
      %dma_wait3A_304 = arith.constant 0 : i32
      %dma_wait3A_305 = tpu.memref_slice %arg14[%dma_wait3A_303, %dma_wait3A_304] : memref<32x128xf32, #tpu.memory_space<vmem>> -> memref<32x128xf32, #tpu.memory_space<vmem>>
      %dma_wait3A_306 = arith.constant 0 : i32
      %dma_wait3A_307 = tpu.memref_slice %arg8[%arg0, %add3A_246, %dma_wait3A_306] : memref<2x10112x128xf32, #tpu.memory_space<hbm>> -> memref<1x32x128xf32, #tpu.memory_space<hbm>>
      %dma_wait3A_308 = tpu.memref_squeeze %dma_wait3A_307 : memref<1x32x128xf32, #tpu.memory_space<hbm>> -> memref<32x128xf32, #tpu.memory_space<hbm>>
      %dma_wait3A_309 = arith.constant 0 : i32
      %dma_wait3A_310 = tpu.memref_slice %arg8[%arg0, %add3A_246, %dma_wait3A_309] : memref<2x10112x128xf32, #tpu.memory_space<hbm>> -> memref<1x32x128xf32, #tpu.memory_space<hbm>>
      %dma_wait3A_311 = tpu.memref_squeeze %dma_wait3A_310 : memref<1x32x128xf32, #tpu.memory_space<hbm>> -> memref<32x128xf32, #tpu.memory_space<hbm>>
      %dma_wait3A_312 = arith.constant 0 : i32
      %dma_wait3A_313 = arith.constant 0 : i32
      %dma_wait3A_314 = tpu.memref_slice %arg14[%dma_wait3A_312, %dma_wait3A_313] : memref<32x128xf32, #tpu.memory_space<vmem>> -> memref<32x128xf32, #tpu.memory_space<vmem>>
      tpu.wait_dma2 semaphore(%run_scoped3A : memref<!tpu.dma_semaphore, #tpu.memory_space<semaphore_mem>>) src(%dma_wait3A_314 : memref<32x128xf32, #tpu.memory_space<vmem>>) dst(%dma_wait3A_311 : memref<32x128xf32, #tpu.memory_space<hbm>>)
      tpu.yield
    }) : () -> ()
    %add3A_247 = arith.constant 288 : i32
    %add3A_248 = arith.addi %mul3A_69, %add3A_247 : i32
    "tpu.region"() ({
      %run_scoped3A = tpu.sem_alloc : memref<!tpu.dma_semaphore, #tpu.memory_space<semaphore_mem>>
      %dma_start3A_291 = arith.constant 0 : i32
      %dma_start3A_292 = arith.constant 0 : i32
      %dma_start3A_293 = tpu.memref_slice %arg14[%dma_start3A_291, %dma_start3A_292] : memref<32x128xf32, #tpu.memory_space<vmem>> -> memref<32x128xf32, #tpu.memory_space<vmem>>
      %dma_start3A_294 = arith.constant 0 : i32
      %dma_start3A_295 = tpu.memref_slice %arg19[%add3A_248, %dma_start3A_294] : memref<10112x128xf32, #tpu.memory_space<vmem_shared>> -> memref<32x128xf32, #tpu.memory_space<vmem_shared>>
      %dma_start3A_296 = arith.constant 0 : i32
      %dma_start3A_297 = arith.constant 0 : i32
      %dma_start3A_298 = tpu.memref_slice %arg14[%dma_start3A_296, %dma_start3A_297] : memref<32x128xf32, #tpu.memory_space<vmem>> -> memref<32x128xf32, #tpu.memory_space<vmem>>
      %dma_start3A_299 = arith.constant 0 : i32
      %dma_start3A_300 = tpu.memref_slice %arg19[%add3A_248, %dma_start3A_299] : memref<10112x128xf32, #tpu.memory_space<vmem_shared>> -> memref<32x128xf32, #tpu.memory_space<vmem_shared>>
      tpu.enqueue_dma source(%dma_start3A_300 : memref<32x128xf32, #tpu.memory_space<vmem_shared>>) target(%dma_start3A_298 : memref<32x128xf32, #tpu.memory_space<vmem>>) target_semaphore(%run_scoped3A : memref<!tpu.dma_semaphore, #tpu.memory_space<semaphore_mem>>)
      %dma_wait3A_301 = arith.constant 0 : i32
      %dma_wait3A_302 = arith.constant 0 : i32
      %dma_wait3A_303 = tpu.memref_slice %arg14[%dma_wait3A_301, %dma_wait3A_302] : memref<32x128xf32, #tpu.memory_space<vmem>> -> memref<32x128xf32, #tpu.memory_space<vmem>>
      %dma_wait3A_304 = arith.constant 0 : i32
      %dma_wait3A_305 = tpu.memref_slice %arg19[%add3A_248, %dma_wait3A_304] : memref<10112x128xf32, #tpu.memory_space<vmem_shared>> -> memref<32x128xf32, #tpu.memory_space<vmem_shared>>
      %dma_wait3A_306 = arith.constant 0 : i32
      %dma_wait3A_307 = arith.constant 0 : i32
      %dma_wait3A_308 = tpu.memref_slice %arg14[%dma_wait3A_306, %dma_wait3A_307] : memref<32x128xf32, #tpu.memory_space<vmem>> -> memref<32x128xf32, #tpu.memory_space<vmem>>
      %dma_wait3A_309 = arith.constant 0 : i32
      %dma_wait3A_310 = tpu.memref_slice %arg19[%add3A_248, %dma_wait3A_309] : memref<10112x128xf32, #tpu.memory_space<vmem_shared>> -> memref<32x128xf32, #tpu.memory_space<vmem_shared>>
      tpu.wait_dma2 semaphore(%run_scoped3A : memref<!tpu.dma_semaphore, #tpu.memory_space<semaphore_mem>>) src(%dma_wait3A_310 : memref<32x128xf32, #tpu.memory_space<vmem_shared>>) dst(%dma_wait3A_308 : memref<32x128xf32, #tpu.memory_space<vmem>>)
      tpu.yield
    }) : () -> ()
    %add3A_249 = arith.constant 288 : i32
    %add3A_250 = arith.addi %mul3A_69, %add3A_249 : i32
    "tpu.region"() ({
      %run_scoped3A = tpu.sem_alloc : memref<!tpu.dma_semaphore, #tpu.memory_space<semaphore_mem>>
      %dma_start3A_291 = arith.constant 0 : i32
      %dma_start3A_292 = arith.constant 0 : i32
      %dma_start3A_293 = tpu.memref_slice %arg14[%dma_start3A_291, %dma_start3A_292] : memref<32x128xf32, #tpu.memory_space<vmem>> -> memref<32x128xf32, #tpu.memory_space<vmem>>
      %dma_start3A_294 = arith.constant 0 : i32
      %dma_start3A_295 = tpu.memref_slice %arg8[%arg0, %add3A_250, %dma_start3A_294] : memref<2x10112x128xf32, #tpu.memory_space<hbm>> -> memref<1x32x128xf32, #tpu.memory_space<hbm>>
      %dma_start3A_296 = tpu.memref_squeeze %dma_start3A_295 : memref<1x32x128xf32, #tpu.memory_space<hbm>> -> memref<32x128xf32, #tpu.memory_space<hbm>>
      %dma_start3A_297 = arith.constant 0 : i32
      %dma_start3A_298 = tpu.memref_slice %arg8[%arg0, %add3A_250, %dma_start3A_297] : memref<2x10112x128xf32, #tpu.memory_space<hbm>> -> memref<1x32x128xf32, #tpu.memory_space<hbm>>
      %dma_start3A_299 = tpu.memref_squeeze %dma_start3A_298 : memref<1x32x128xf32, #tpu.memory_space<hbm>> -> memref<32x128xf32, #tpu.memory_space<hbm>>
      %dma_start3A_300 = arith.constant 0 : i32
      %dma_start3A_301 = arith.constant 0 : i32
      %dma_start3A_302 = tpu.memref_slice %arg14[%dma_start3A_300, %dma_start3A_301] : memref<32x128xf32, #tpu.memory_space<vmem>> -> memref<32x128xf32, #tpu.memory_space<vmem>>
      tpu.enqueue_dma source(%dma_start3A_302 : memref<32x128xf32, #tpu.memory_space<vmem>>) target(%dma_start3A_299 : memref<32x128xf32, #tpu.memory_space<hbm>>) target_semaphore(%run_scoped3A : memref<!tpu.dma_semaphore, #tpu.memory_space<semaphore_mem>>)
      %dma_wait3A_303 = arith.constant 0 : i32
      %dma_wait3A_304 = arith.constant 0 : i32
      %dma_wait3A_305 = tpu.memref_slice %arg14[%dma_wait3A_303, %dma_wait3A_304] : memref<32x128xf32, #tpu.memory_space<vmem>> -> memref<32x128xf32, #tpu.memory_space<vmem>>
      %dma_wait3A_306 = arith.constant 0 : i32
      %dma_wait3A_307 = tpu.memref_slice %arg8[%arg0, %add3A_250, %dma_wait3A_306] : memref<2x10112x128xf32, #tpu.memory_space<hbm>> -> memref<1x32x128xf32, #tpu.memory_space<hbm>>
      %dma_wait3A_308 = tpu.memref_squeeze %dma_wait3A_307 : memref<1x32x128xf32, #tpu.memory_space<hbm>> -> memref<32x128xf32, #tpu.memory_space<hbm>>
      %dma_wait3A_309 = arith.constant 0 : i32
      %dma_wait3A_310 = tpu.memref_slice %arg8[%arg0, %add3A_250, %dma_wait3A_309] : memref<2x10112x128xf32, #tpu.memory_space<hbm>> -> memref<1x32x128xf32, #tpu.memory_space<hbm>>
      %dma_wait3A_311 = tpu.memref_squeeze %dma_wait3A_310 : memref<1x32x128xf32, #tpu.memory_space<hbm>> -> memref<32x128xf32, #tpu.memory_space<hbm>>
      %dma_wait3A_312 = arith.constant 0 : i32
      %dma_wait3A_313 = arith.constant 0 : i32
      %dma_wait3A_314 = tpu.memref_slice %arg14[%dma_wait3A_312, %dma_wait3A_313] : memref<32x128xf32, #tpu.memory_space<vmem>> -> memref<32x128xf32, #tpu.memory_space<vmem>>
      tpu.wait_dma2 semaphore(%run_scoped3A : memref<!tpu.dma_semaphore, #tpu.memory_space<semaphore_mem>>) src(%dma_wait3A_314 : memref<32x128xf32, #tpu.memory_space<vmem>>) dst(%dma_wait3A_311 : memref<32x128xf32, #tpu.memory_space<hbm>>)
      tpu.yield
    }) : () -> ()
    %add3A_251 = arith.constant 320 : i32
    %add3A_252 = arith.addi %mul3A_69, %add3A_251 : i32
    "tpu.region"() ({
      %run_scoped3A = tpu.sem_alloc : memref<!tpu.dma_semaphore, #tpu.memory_space<semaphore_mem>>
      %dma_start3A_291 = arith.constant 0 : i32
      %dma_start3A_292 = arith.constant 0 : i32
      %dma_start3A_293 = tpu.memref_slice %arg14[%dma_start3A_291, %dma_start3A_292] : memref<32x128xf32, #tpu.memory_space<vmem>> -> memref<32x128xf32, #tpu.memory_space<vmem>>
      %dma_start3A_294 = arith.constant 0 : i32
      %dma_start3A_295 = tpu.memref_slice %arg19[%add3A_252, %dma_start3A_294] : memref<10112x128xf32, #tpu.memory_space<vmem_shared>> -> memref<32x128xf32, #tpu.memory_space<vmem_shared>>
      %dma_start3A_296 = arith.constant 0 : i32
      %dma_start3A_297 = arith.constant 0 : i32
      %dma_start3A_298 = tpu.memref_slice %arg14[%dma_start3A_296, %dma_start3A_297] : memref<32x128xf32, #tpu.memory_space<vmem>> -> memref<32x128xf32, #tpu.memory_space<vmem>>
      %dma_start3A_299 = arith.constant 0 : i32
      %dma_start3A_300 = tpu.memref_slice %arg19[%add3A_252, %dma_start3A_299] : memref<10112x128xf32, #tpu.memory_space<vmem_shared>> -> memref<32x128xf32, #tpu.memory_space<vmem_shared>>
      tpu.enqueue_dma source(%dma_start3A_300 : memref<32x128xf32, #tpu.memory_space<vmem_shared>>) target(%dma_start3A_298 : memref<32x128xf32, #tpu.memory_space<vmem>>) target_semaphore(%run_scoped3A : memref<!tpu.dma_semaphore, #tpu.memory_space<semaphore_mem>>)
      %dma_wait3A_301 = arith.constant 0 : i32
      %dma_wait3A_302 = arith.constant 0 : i32
      %dma_wait3A_303 = tpu.memref_slice %arg14[%dma_wait3A_301, %dma_wait3A_302] : memref<32x128xf32, #tpu.memory_space<vmem>> -> memref<32x128xf32, #tpu.memory_space<vmem>>
      %dma_wait3A_304 = arith.constant 0 : i32
      %dma_wait3A_305 = tpu.memref_slice %arg19[%add3A_252, %dma_wait3A_304] : memref<10112x128xf32, #tpu.memory_space<vmem_shared>> -> memref<32x128xf32, #tpu.memory_space<vmem_shared>>
      %dma_wait3A_306 = arith.constant 0 : i32
      %dma_wait3A_307 = arith.constant 0 : i32
      %dma_wait3A_308 = tpu.memref_slice %arg14[%dma_wait3A_306, %dma_wait3A_307] : memref<32x128xf32, #tpu.memory_space<vmem>> -> memref<32x128xf32, #tpu.memory_space<vmem>>
      %dma_wait3A_309 = arith.constant 0 : i32
      %dma_wait3A_310 = tpu.memref_slice %arg19[%add3A_252, %dma_wait3A_309] : memref<10112x128xf32, #tpu.memory_space<vmem_shared>> -> memref<32x128xf32, #tpu.memory_space<vmem_shared>>
      tpu.wait_dma2 semaphore(%run_scoped3A : memref<!tpu.dma_semaphore, #tpu.memory_space<semaphore_mem>>) src(%dma_wait3A_310 : memref<32x128xf32, #tpu.memory_space<vmem_shared>>) dst(%dma_wait3A_308 : memref<32x128xf32, #tpu.memory_space<vmem>>)
      tpu.yield
    }) : () -> ()
    %add3A_253 = arith.constant 320 : i32
    %add3A_254 = arith.addi %mul3A_69, %add3A_253 : i32
    "tpu.region"() ({
      %run_scoped3A = tpu.sem_alloc : memref<!tpu.dma_semaphore, #tpu.memory_space<semaphore_mem>>
      %dma_start3A_291 = arith.constant 0 : i32
      %dma_start3A_292 = arith.constant 0 : i32
      %dma_start3A_293 = tpu.memref_slice %arg14[%dma_start3A_291, %dma_start3A_292] : memref<32x128xf32, #tpu.memory_space<vmem>> -> memref<32x128xf32, #tpu.memory_space<vmem>>
      %dma_start3A_294 = arith.constant 0 : i32
      %dma_start3A_295 = tpu.memref_slice %arg8[%arg0, %add3A_254, %dma_start3A_294] : memref<2x10112x128xf32, #tpu.memory_space<hbm>> -> memref<1x32x128xf32, #tpu.memory_space<hbm>>
      %dma_start3A_296 = tpu.memref_squeeze %dma_start3A_295 : memref<1x32x128xf32, #tpu.memory_space<hbm>> -> memref<32x128xf32, #tpu.memory_space<hbm>>
      %dma_start3A_297 = arith.constant 0 : i32
      %dma_start3A_298 = tpu.memref_slice %arg8[%arg0, %add3A_254, %dma_start3A_297] : memref<2x10112x128xf32, #tpu.memory_space<hbm>> -> memref<1x32x128xf32, #tpu.memory_space<hbm>>
      %dma_start3A_299 = tpu.memref_squeeze %dma_start3A_298 : memref<1x32x128xf32, #tpu.memory_space<hbm>> -> memref<32x128xf32, #tpu.memory_space<hbm>>
      %dma_start3A_300 = arith.constant 0 : i32
      %dma_start3A_301 = arith.constant 0 : i32
      %dma_start3A_302 = tpu.memref_slice %arg14[%dma_start3A_300, %dma_start3A_301] : memref<32x128xf32, #tpu.memory_space<vmem>> -> memref<32x128xf32, #tpu.memory_space<vmem>>
      tpu.enqueue_dma source(%dma_start3A_302 : memref<32x128xf32, #tpu.memory_space<vmem>>) target(%dma_start3A_299 : memref<32x128xf32, #tpu.memory_space<hbm>>) target_semaphore(%run_scoped3A : memref<!tpu.dma_semaphore, #tpu.memory_space<semaphore_mem>>)
      %dma_wait3A_303 = arith.constant 0 : i32
      %dma_wait3A_304 = arith.constant 0 : i32
      %dma_wait3A_305 = tpu.memref_slice %arg14[%dma_wait3A_303, %dma_wait3A_304] : memref<32x128xf32, #tpu.memory_space<vmem>> -> memref<32x128xf32, #tpu.memory_space<vmem>>
      %dma_wait3A_306 = arith.constant 0 : i32
      %dma_wait3A_307 = tpu.memref_slice %arg8[%arg0, %add3A_254, %dma_wait3A_306] : memref<2x10112x128xf32, #tpu.memory_space<hbm>> -> memref<1x32x128xf32, #tpu.memory_space<hbm>>
      %dma_wait3A_308 = tpu.memref_squeeze %dma_wait3A_307 : memref<1x32x128xf32, #tpu.memory_space<hbm>> -> memref<32x128xf32, #tpu.memory_space<hbm>>
      %dma_wait3A_309 = arith.constant 0 : i32
      %dma_wait3A_310 = tpu.memref_slice %arg8[%arg0, %add3A_254, %dma_wait3A_309] : memref<2x10112x128xf32, #tpu.memory_space<hbm>> -> memref<1x32x128xf32, #tpu.memory_space<hbm>>
      %dma_wait3A_311 = tpu.memref_squeeze %dma_wait3A_310 : memref<1x32x128xf32, #tpu.memory_space<hbm>> -> memref<32x128xf32, #tpu.memory_space<hbm>>
      %dma_wait3A_312 = arith.constant 0 : i32
      %dma_wait3A_313 = arith.constant 0 : i32
      %dma_wait3A_314 = tpu.memref_slice %arg14[%dma_wait3A_312, %dma_wait3A_313] : memref<32x128xf32, #tpu.memory_space<vmem>> -> memref<32x128xf32, #tpu.memory_space<vmem>>
      tpu.wait_dma2 semaphore(%run_scoped3A : memref<!tpu.dma_semaphore, #tpu.memory_space<semaphore_mem>>) src(%dma_wait3A_314 : memref<32x128xf32, #tpu.memory_space<vmem>>) dst(%dma_wait3A_311 : memref<32x128xf32, #tpu.memory_space<hbm>>)
      tpu.yield
    }) : () -> ()
    %add3A_255 = arith.constant 352 : i32
    %add3A_256 = arith.addi %mul3A_69, %add3A_255 : i32
    "tpu.region"() ({
      %run_scoped3A = tpu.sem_alloc : memref<!tpu.dma_semaphore, #tpu.memory_space<semaphore_mem>>
      %dma_start3A_291 = arith.constant 0 : i32
      %dma_start3A_292 = arith.constant 0 : i32
      %dma_start3A_293 = tpu.memref_slice %arg14[%dma_start3A_291, %dma_start3A_292] : memref<32x128xf32, #tpu.memory_space<vmem>> -> memref<32x128xf32, #tpu.memory_space<vmem>>
      %dma_start3A_294 = arith.constant 0 : i32
      %dma_start3A_295 = tpu.memref_slice %arg19[%add3A_256, %dma_start3A_294] : memref<10112x128xf32, #tpu.memory_space<vmem_shared>> -> memref<32x128xf32, #tpu.memory_space<vmem_shared>>
      %dma_start3A_296 = arith.constant 0 : i32
      %dma_start3A_297 = arith.constant 0 : i32
      %dma_start3A_298 = tpu.memref_slice %arg14[%dma_start3A_296, %dma_start3A_297] : memref<32x128xf32, #tpu.memory_space<vmem>> -> memref<32x128xf32, #tpu.memory_space<vmem>>
      %dma_start3A_299 = arith.constant 0 : i32
      %dma_start3A_300 = tpu.memref_slice %arg19[%add3A_256, %dma_start3A_299] : memref<10112x128xf32, #tpu.memory_space<vmem_shared>> -> memref<32x128xf32, #tpu.memory_space<vmem_shared>>
      tpu.enqueue_dma source(%dma_start3A_300 : memref<32x128xf32, #tpu.memory_space<vmem_shared>>) target(%dma_start3A_298 : memref<32x128xf32, #tpu.memory_space<vmem>>) target_semaphore(%run_scoped3A : memref<!tpu.dma_semaphore, #tpu.memory_space<semaphore_mem>>)
      %dma_wait3A_301 = arith.constant 0 : i32
      %dma_wait3A_302 = arith.constant 0 : i32
      %dma_wait3A_303 = tpu.memref_slice %arg14[%dma_wait3A_301, %dma_wait3A_302] : memref<32x128xf32, #tpu.memory_space<vmem>> -> memref<32x128xf32, #tpu.memory_space<vmem>>
      %dma_wait3A_304 = arith.constant 0 : i32
      %dma_wait3A_305 = tpu.memref_slice %arg19[%add3A_256, %dma_wait3A_304] : memref<10112x128xf32, #tpu.memory_space<vmem_shared>> -> memref<32x128xf32, #tpu.memory_space<vmem_shared>>
      %dma_wait3A_306 = arith.constant 0 : i32
      %dma_wait3A_307 = arith.constant 0 : i32
      %dma_wait3A_308 = tpu.memref_slice %arg14[%dma_wait3A_306, %dma_wait3A_307] : memref<32x128xf32, #tpu.memory_space<vmem>> -> memref<32x128xf32, #tpu.memory_space<vmem>>
      %dma_wait3A_309 = arith.constant 0 : i32
      %dma_wait3A_310 = tpu.memref_slice %arg19[%add3A_256, %dma_wait3A_309] : memref<10112x128xf32, #tpu.memory_space<vmem_shared>> -> memref<32x128xf32, #tpu.memory_space<vmem_shared>>
      tpu.wait_dma2 semaphore(%run_scoped3A : memref<!tpu.dma_semaphore, #tpu.memory_space<semaphore_mem>>) src(%dma_wait3A_310 : memref<32x128xf32, #tpu.memory_space<vmem_shared>>) dst(%dma_wait3A_308 : memref<32x128xf32, #tpu.memory_space<vmem>>)
      tpu.yield
    }) : () -> ()
    %add3A_257 = arith.constant 352 : i32
    %add3A_258 = arith.addi %mul3A_69, %add3A_257 : i32
    "tpu.region"() ({
      %run_scoped3A = tpu.sem_alloc : memref<!tpu.dma_semaphore, #tpu.memory_space<semaphore_mem>>
      %dma_start3A_291 = arith.constant 0 : i32
      %dma_start3A_292 = arith.constant 0 : i32
      %dma_start3A_293 = tpu.memref_slice %arg14[%dma_start3A_291, %dma_start3A_292] : memref<32x128xf32, #tpu.memory_space<vmem>> -> memref<32x128xf32, #tpu.memory_space<vmem>>
      %dma_start3A_294 = arith.constant 0 : i32
      %dma_start3A_295 = tpu.memref_slice %arg8[%arg0, %add3A_258, %dma_start3A_294] : memref<2x10112x128xf32, #tpu.memory_space<hbm>> -> memref<1x32x128xf32, #tpu.memory_space<hbm>>
      %dma_start3A_296 = tpu.memref_squeeze %dma_start3A_295 : memref<1x32x128xf32, #tpu.memory_space<hbm>> -> memref<32x128xf32, #tpu.memory_space<hbm>>
      %dma_start3A_297 = arith.constant 0 : i32
      %dma_start3A_298 = tpu.memref_slice %arg8[%arg0, %add3A_258, %dma_start3A_297] : memref<2x10112x128xf32, #tpu.memory_space<hbm>> -> memref<1x32x128xf32, #tpu.memory_space<hbm>>
      %dma_start3A_299 = tpu.memref_squeeze %dma_start3A_298 : memref<1x32x128xf32, #tpu.memory_space<hbm>> -> memref<32x128xf32, #tpu.memory_space<hbm>>
      %dma_start3A_300 = arith.constant 0 : i32
      %dma_start3A_301 = arith.constant 0 : i32
      %dma_start3A_302 = tpu.memref_slice %arg14[%dma_start3A_300, %dma_start3A_301] : memref<32x128xf32, #tpu.memory_space<vmem>> -> memref<32x128xf32, #tpu.memory_space<vmem>>
      tpu.enqueue_dma source(%dma_start3A_302 : memref<32x128xf32, #tpu.memory_space<vmem>>) target(%dma_start3A_299 : memref<32x128xf32, #tpu.memory_space<hbm>>) target_semaphore(%run_scoped3A : memref<!tpu.dma_semaphore, #tpu.memory_space<semaphore_mem>>)
      %dma_wait3A_303 = arith.constant 0 : i32
      %dma_wait3A_304 = arith.constant 0 : i32
      %dma_wait3A_305 = tpu.memref_slice %arg14[%dma_wait3A_303, %dma_wait3A_304] : memref<32x128xf32, #tpu.memory_space<vmem>> -> memref<32x128xf32, #tpu.memory_space<vmem>>
      %dma_wait3A_306 = arith.constant 0 : i32
      %dma_wait3A_307 = tpu.memref_slice %arg8[%arg0, %add3A_258, %dma_wait3A_306] : memref<2x10112x128xf32, #tpu.memory_space<hbm>> -> memref<1x32x128xf32, #tpu.memory_space<hbm>>
      %dma_wait3A_308 = tpu.memref_squeeze %dma_wait3A_307 : memref<1x32x128xf32, #tpu.memory_space<hbm>> -> memref<32x128xf32, #tpu.memory_space<hbm>>
      %dma_wait3A_309 = arith.constant 0 : i32
      %dma_wait3A_310 = tpu.memref_slice %arg8[%arg0, %add3A_258, %dma_wait3A_309] : memref<2x10112x128xf32, #tpu.memory_space<hbm>> -> memref<1x32x128xf32, #tpu.memory_space<hbm>>
      %dma_wait3A_311 = tpu.memref_squeeze %dma_wait3A_310 : memref<1x32x128xf32, #tpu.memory_space<hbm>> -> memref<32x128xf32, #tpu.memory_space<hbm>>
      %dma_wait3A_312 = arith.constant 0 : i32
      %dma_wait3A_313 = arith.constant 0 : i32
      %dma_wait3A_314 = tpu.memref_slice %arg14[%dma_wait3A_312, %dma_wait3A_313] : memref<32x128xf32, #tpu.memory_space<vmem>> -> memref<32x128xf32, #tpu.memory_space<vmem>>
      tpu.wait_dma2 semaphore(%run_scoped3A : memref<!tpu.dma_semaphore, #tpu.memory_space<semaphore_mem>>) src(%dma_wait3A_314 : memref<32x128xf32, #tpu.memory_space<vmem>>) dst(%dma_wait3A_311 : memref<32x128xf32, #tpu.memory_space<hbm>>)
      tpu.yield
    }) : () -> ()
    %add3A_259 = arith.constant 384 : i32
    %add3A_260 = arith.addi %mul3A_69, %add3A_259 : i32
    "tpu.region"() ({
      %run_scoped3A = tpu.sem_alloc : memref<!tpu.dma_semaphore, #tpu.memory_space<semaphore_mem>>
      %dma_start3A_291 = arith.constant 0 : i32
      %dma_start3A_292 = arith.constant 0 : i32
      %dma_start3A_293 = tpu.memref_slice %arg14[%dma_start3A_291, %dma_start3A_292] : memref<32x128xf32, #tpu.memory_space<vmem>> -> memref<32x128xf32, #tpu.memory_space<vmem>>
      %dma_start3A_294 = arith.constant 0 : i32
      %dma_start3A_295 = tpu.memref_slice %arg19[%add3A_260, %dma_start3A_294] : memref<10112x128xf32, #tpu.memory_space<vmem_shared>> -> memref<32x128xf32, #tpu.memory_space<vmem_shared>>
      %dma_start3A_296 = arith.constant 0 : i32
      %dma_start3A_297 = arith.constant 0 : i32
      %dma_start3A_298 = tpu.memref_slice %arg14[%dma_start3A_296, %dma_start3A_297] : memref<32x128xf32, #tpu.memory_space<vmem>> -> memref<32x128xf32, #tpu.memory_space<vmem>>
      %dma_start3A_299 = arith.constant 0 : i32
      %dma_start3A_300 = tpu.memref_slice %arg19[%add3A_260, %dma_start3A_299] : memref<10112x128xf32, #tpu.memory_space<vmem_shared>> -> memref<32x128xf32, #tpu.memory_space<vmem_shared>>
      tpu.enqueue_dma source(%dma_start3A_300 : memref<32x128xf32, #tpu.memory_space<vmem_shared>>) target(%dma_start3A_298 : memref<32x128xf32, #tpu.memory_space<vmem>>) target_semaphore(%run_scoped3A : memref<!tpu.dma_semaphore, #tpu.memory_space<semaphore_mem>>)
      %dma_wait3A_301 = arith.constant 0 : i32
      %dma_wait3A_302 = arith.constant 0 : i32
      %dma_wait3A_303 = tpu.memref_slice %arg14[%dma_wait3A_301, %dma_wait3A_302] : memref<32x128xf32, #tpu.memory_space<vmem>> -> memref<32x128xf32, #tpu.memory_space<vmem>>
      %dma_wait3A_304 = arith.constant 0 : i32
      %dma_wait3A_305 = tpu.memref_slice %arg19[%add3A_260, %dma_wait3A_304] : memref<10112x128xf32, #tpu.memory_space<vmem_shared>> -> memref<32x128xf32, #tpu.memory_space<vmem_shared>>
      %dma_wait3A_306 = arith.constant 0 : i32
      %dma_wait3A_307 = arith.constant 0 : i32
      %dma_wait3A_308 = tpu.memref_slice %arg14[%dma_wait3A_306, %dma_wait3A_307] : memref<32x128xf32, #tpu.memory_space<vmem>> -> memref<32x128xf32, #tpu.memory_space<vmem>>
      %dma_wait3A_309 = arith.constant 0 : i32
      %dma_wait3A_310 = tpu.memref_slice %arg19[%add3A_260, %dma_wait3A_309] : memref<10112x128xf32, #tpu.memory_space<vmem_shared>> -> memref<32x128xf32, #tpu.memory_space<vmem_shared>>
      tpu.wait_dma2 semaphore(%run_scoped3A : memref<!tpu.dma_semaphore, #tpu.memory_space<semaphore_mem>>) src(%dma_wait3A_310 : memref<32x128xf32, #tpu.memory_space<vmem_shared>>) dst(%dma_wait3A_308 : memref<32x128xf32, #tpu.memory_space<vmem>>)
      tpu.yield
    }) : () -> ()
    %add3A_261 = arith.constant 384 : i32
    %add3A_262 = arith.addi %mul3A_69, %add3A_261 : i32
    "tpu.region"() ({
      %run_scoped3A = tpu.sem_alloc : memref<!tpu.dma_semaphore, #tpu.memory_space<semaphore_mem>>
      %dma_start3A_291 = arith.constant 0 : i32
      %dma_start3A_292 = arith.constant 0 : i32
      %dma_start3A_293 = tpu.memref_slice %arg14[%dma_start3A_291, %dma_start3A_292] : memref<32x128xf32, #tpu.memory_space<vmem>> -> memref<32x128xf32, #tpu.memory_space<vmem>>
      %dma_start3A_294 = arith.constant 0 : i32
      %dma_start3A_295 = tpu.memref_slice %arg8[%arg0, %add3A_262, %dma_start3A_294] : memref<2x10112x128xf32, #tpu.memory_space<hbm>> -> memref<1x32x128xf32, #tpu.memory_space<hbm>>
      %dma_start3A_296 = tpu.memref_squeeze %dma_start3A_295 : memref<1x32x128xf32, #tpu.memory_space<hbm>> -> memref<32x128xf32, #tpu.memory_space<hbm>>
      %dma_start3A_297 = arith.constant 0 : i32
      %dma_start3A_298 = tpu.memref_slice %arg8[%arg0, %add3A_262, %dma_start3A_297] : memref<2x10112x128xf32, #tpu.memory_space<hbm>> -> memref<1x32x128xf32, #tpu.memory_space<hbm>>
      %dma_start3A_299 = tpu.memref_squeeze %dma_start3A_298 : memref<1x32x128xf32, #tpu.memory_space<hbm>> -> memref<32x128xf32, #tpu.memory_space<hbm>>
      %dma_start3A_300 = arith.constant 0 : i32
      %dma_start3A_301 = arith.constant 0 : i32
      %dma_start3A_302 = tpu.memref_slice %arg14[%dma_start3A_300, %dma_start3A_301] : memref<32x128xf32, #tpu.memory_space<vmem>> -> memref<32x128xf32, #tpu.memory_space<vmem>>
      tpu.enqueue_dma source(%dma_start3A_302 : memref<32x128xf32, #tpu.memory_space<vmem>>) target(%dma_start3A_299 : memref<32x128xf32, #tpu.memory_space<hbm>>) target_semaphore(%run_scoped3A : memref<!tpu.dma_semaphore, #tpu.memory_space<semaphore_mem>>)
      %dma_wait3A_303 = arith.constant 0 : i32
      %dma_wait3A_304 = arith.constant 0 : i32
      %dma_wait3A_305 = tpu.memref_slice %arg14[%dma_wait3A_303, %dma_wait3A_304] : memref<32x128xf32, #tpu.memory_space<vmem>> -> memref<32x128xf32, #tpu.memory_space<vmem>>
      %dma_wait3A_306 = arith.constant 0 : i32
      %dma_wait3A_307 = tpu.memref_slice %arg8[%arg0, %add3A_262, %dma_wait3A_306] : memref<2x10112x128xf32, #tpu.memory_space<hbm>> -> memref<1x32x128xf32, #tpu.memory_space<hbm>>
      %dma_wait3A_308 = tpu.memref_squeeze %dma_wait3A_307 : memref<1x32x128xf32, #tpu.memory_space<hbm>> -> memref<32x128xf32, #tpu.memory_space<hbm>>
      %dma_wait3A_309 = arith.constant 0 : i32
      %dma_wait3A_310 = tpu.memref_slice %arg8[%arg0, %add3A_262, %dma_wait3A_309] : memref<2x10112x128xf32, #tpu.memory_space<hbm>> -> memref<1x32x128xf32, #tpu.memory_space<hbm>>
      %dma_wait3A_311 = tpu.memref_squeeze %dma_wait3A_310 : memref<1x32x128xf32, #tpu.memory_space<hbm>> -> memref<32x128xf32, #tpu.memory_space<hbm>>
      %dma_wait3A_312 = arith.constant 0 : i32
      %dma_wait3A_313 = arith.constant 0 : i32
      %dma_wait3A_314 = tpu.memref_slice %arg14[%dma_wait3A_312, %dma_wait3A_313] : memref<32x128xf32, #tpu.memory_space<vmem>> -> memref<32x128xf32, #tpu.memory_space<vmem>>
      tpu.wait_dma2 semaphore(%run_scoped3A : memref<!tpu.dma_semaphore, #tpu.memory_space<semaphore_mem>>) src(%dma_wait3A_314 : memref<32x128xf32, #tpu.memory_space<vmem>>) dst(%dma_wait3A_311 : memref<32x128xf32, #tpu.memory_space<hbm>>)
      tpu.yield
    }) : () -> ()
    %add3A_263 = arith.constant 416 : i32
    %add3A_264 = arith.addi %mul3A_69, %add3A_263 : i32
    "tpu.region"() ({
      %run_scoped3A = tpu.sem_alloc : memref<!tpu.dma_semaphore, #tpu.memory_space<semaphore_mem>>
      %dma_start3A_291 = arith.constant 0 : i32
      %dma_start3A_292 = arith.constant 0 : i32
      %dma_start3A_293 = tpu.memref_slice %arg14[%dma_start3A_291, %dma_start3A_292] : memref<32x128xf32, #tpu.memory_space<vmem>> -> memref<32x128xf32, #tpu.memory_space<vmem>>
      %dma_start3A_294 = arith.constant 0 : i32
      %dma_start3A_295 = tpu.memref_slice %arg19[%add3A_264, %dma_start3A_294] : memref<10112x128xf32, #tpu.memory_space<vmem_shared>> -> memref<32x128xf32, #tpu.memory_space<vmem_shared>>
      %dma_start3A_296 = arith.constant 0 : i32
      %dma_start3A_297 = arith.constant 0 : i32
      %dma_start3A_298 = tpu.memref_slice %arg14[%dma_start3A_296, %dma_start3A_297] : memref<32x128xf32, #tpu.memory_space<vmem>> -> memref<32x128xf32, #tpu.memory_space<vmem>>
      %dma_start3A_299 = arith.constant 0 : i32
      %dma_start3A_300 = tpu.memref_slice %arg19[%add3A_264, %dma_start3A_299] : memref<10112x128xf32, #tpu.memory_space<vmem_shared>> -> memref<32x128xf32, #tpu.memory_space<vmem_shared>>
      tpu.enqueue_dma source(%dma_start3A_300 : memref<32x128xf32, #tpu.memory_space<vmem_shared>>) target(%dma_start3A_298 : memref<32x128xf32, #tpu.memory_space<vmem>>) target_semaphore(%run_scoped3A : memref<!tpu.dma_semaphore, #tpu.memory_space<semaphore_mem>>)
      %dma_wait3A_301 = arith.constant 0 : i32
      %dma_wait3A_302 = arith.constant 0 : i32
      %dma_wait3A_303 = tpu.memref_slice %arg14[%dma_wait3A_301, %dma_wait3A_302] : memref<32x128xf32, #tpu.memory_space<vmem>> -> memref<32x128xf32, #tpu.memory_space<vmem>>
      %dma_wait3A_304 = arith.constant 0 : i32
      %dma_wait3A_305 = tpu.memref_slice %arg19[%add3A_264, %dma_wait3A_304] : memref<10112x128xf32, #tpu.memory_space<vmem_shared>> -> memref<32x128xf32, #tpu.memory_space<vmem_shared>>
      %dma_wait3A_306 = arith.constant 0 : i32
      %dma_wait3A_307 = arith.constant 0 : i32
      %dma_wait3A_308 = tpu.memref_slice %arg14[%dma_wait3A_306, %dma_wait3A_307] : memref<32x128xf32, #tpu.memory_space<vmem>> -> memref<32x128xf32, #tpu.memory_space<vmem>>
      %dma_wait3A_309 = arith.constant 0 : i32
      %dma_wait3A_310 = tpu.memref_slice %arg19[%add3A_264, %dma_wait3A_309] : memref<10112x128xf32, #tpu.memory_space<vmem_shared>> -> memref<32x128xf32, #tpu.memory_space<vmem_shared>>
      tpu.wait_dma2 semaphore(%run_scoped3A : memref<!tpu.dma_semaphore, #tpu.memory_space<semaphore_mem>>) src(%dma_wait3A_310 : memref<32x128xf32, #tpu.memory_space<vmem_shared>>) dst(%dma_wait3A_308 : memref<32x128xf32, #tpu.memory_space<vmem>>)
      tpu.yield
    }) : () -> ()
    %add3A_265 = arith.constant 416 : i32
    %add3A_266 = arith.addi %mul3A_69, %add3A_265 : i32
    "tpu.region"() ({
      %run_scoped3A = tpu.sem_alloc : memref<!tpu.dma_semaphore, #tpu.memory_space<semaphore_mem>>
      %dma_start3A_291 = arith.constant 0 : i32
      %dma_start3A_292 = arith.constant 0 : i32
      %dma_start3A_293 = tpu.memref_slice %arg14[%dma_start3A_291, %dma_start3A_292] : memref<32x128xf32, #tpu.memory_space<vmem>> -> memref<32x128xf32, #tpu.memory_space<vmem>>
      %dma_start3A_294 = arith.constant 0 : i32
      %dma_start3A_295 = tpu.memref_slice %arg8[%arg0, %add3A_266, %dma_start3A_294] : memref<2x10112x128xf32, #tpu.memory_space<hbm>> -> memref<1x32x128xf32, #tpu.memory_space<hbm>>
      %dma_start3A_296 = tpu.memref_squeeze %dma_start3A_295 : memref<1x32x128xf32, #tpu.memory_space<hbm>> -> memref<32x128xf32, #tpu.memory_space<hbm>>
      %dma_start3A_297 = arith.constant 0 : i32
      %dma_start3A_298 = tpu.memref_slice %arg8[%arg0, %add3A_266, %dma_start3A_297] : memref<2x10112x128xf32, #tpu.memory_space<hbm>> -> memref<1x32x128xf32, #tpu.memory_space<hbm>>
      %dma_start3A_299 = tpu.memref_squeeze %dma_start3A_298 : memref<1x32x128xf32, #tpu.memory_space<hbm>> -> memref<32x128xf32, #tpu.memory_space<hbm>>
      %dma_start3A_300 = arith.constant 0 : i32
      %dma_start3A_301 = arith.constant 0 : i32
      %dma_start3A_302 = tpu.memref_slice %arg14[%dma_start3A_300, %dma_start3A_301] : memref<32x128xf32, #tpu.memory_space<vmem>> -> memref<32x128xf32, #tpu.memory_space<vmem>>
      tpu.enqueue_dma source(%dma_start3A_302 : memref<32x128xf32, #tpu.memory_space<vmem>>) target(%dma_start3A_299 : memref<32x128xf32, #tpu.memory_space<hbm>>) target_semaphore(%run_scoped3A : memref<!tpu.dma_semaphore, #tpu.memory_space<semaphore_mem>>)
      %dma_wait3A_303 = arith.constant 0 : i32
      %dma_wait3A_304 = arith.constant 0 : i32
      %dma_wait3A_305 = tpu.memref_slice %arg14[%dma_wait3A_303, %dma_wait3A_304] : memref<32x128xf32, #tpu.memory_space<vmem>> -> memref<32x128xf32, #tpu.memory_space<vmem>>
      %dma_wait3A_306 = arith.constant 0 : i32
      %dma_wait3A_307 = tpu.memref_slice %arg8[%arg0, %add3A_266, %dma_wait3A_306] : memref<2x10112x128xf32, #tpu.memory_space<hbm>> -> memref<1x32x128xf32, #tpu.memory_space<hbm>>
      %dma_wait3A_308 = tpu.memref_squeeze %dma_wait3A_307 : memref<1x32x128xf32, #tpu.memory_space<hbm>> -> memref<32x128xf32, #tpu.memory_space<hbm>>
      %dma_wait3A_309 = arith.constant 0 : i32
      %dma_wait3A_310 = tpu.memref_slice %arg8[%arg0, %add3A_266, %dma_wait3A_309] : memref<2x10112x128xf32, #tpu.memory_space<hbm>> -> memref<1x32x128xf32, #tpu.memory_space<hbm>>
      %dma_wait3A_311 = tpu.memref_squeeze %dma_wait3A_310 : memref<1x32x128xf32, #tpu.memory_space<hbm>> -> memref<32x128xf32, #tpu.memory_space<hbm>>
      %dma_wait3A_312 = arith.constant 0 : i32
      %dma_wait3A_313 = arith.constant 0 : i32
      %dma_wait3A_314 = tpu.memref_slice %arg14[%dma_wait3A_312, %dma_wait3A_313] : memref<32x128xf32, #tpu.memory_space<vmem>> -> memref<32x128xf32, #tpu.memory_space<vmem>>
      tpu.wait_dma2 semaphore(%run_scoped3A : memref<!tpu.dma_semaphore, #tpu.memory_space<semaphore_mem>>) src(%dma_wait3A_314 : memref<32x128xf32, #tpu.memory_space<vmem>>) dst(%dma_wait3A_311 : memref<32x128xf32, #tpu.memory_space<hbm>>)
      tpu.yield
    }) : () -> ()
    %add3A_267 = arith.constant 448 : i32
    %add3A_268 = arith.addi %mul3A_69, %add3A_267 : i32
    "tpu.region"() ({
      %run_scoped3A = tpu.sem_alloc : memref<!tpu.dma_semaphore, #tpu.memory_space<semaphore_mem>>
      %dma_start3A_291 = arith.constant 0 : i32
      %dma_start3A_292 = arith.constant 0 : i32
      %dma_start3A_293 = tpu.memref_slice %arg14[%dma_start3A_291, %dma_start3A_292] : memref<32x128xf32, #tpu.memory_space<vmem>> -> memref<32x128xf32, #tpu.memory_space<vmem>>
      %dma_start3A_294 = arith.constant 0 : i32
      %dma_start3A_295 = tpu.memref_slice %arg19[%add3A_268, %dma_start3A_294] : memref<10112x128xf32, #tpu.memory_space<vmem_shared>> -> memref<32x128xf32, #tpu.memory_space<vmem_shared>>
      %dma_start3A_296 = arith.constant 0 : i32
      %dma_start3A_297 = arith.constant 0 : i32
      %dma_start3A_298 = tpu.memref_slice %arg14[%dma_start3A_296, %dma_start3A_297] : memref<32x128xf32, #tpu.memory_space<vmem>> -> memref<32x128xf32, #tpu.memory_space<vmem>>
      %dma_start3A_299 = arith.constant 0 : i32
      %dma_start3A_300 = tpu.memref_slice %arg19[%add3A_268, %dma_start3A_299] : memref<10112x128xf32, #tpu.memory_space<vmem_shared>> -> memref<32x128xf32, #tpu.memory_space<vmem_shared>>
      tpu.enqueue_dma source(%dma_start3A_300 : memref<32x128xf32, #tpu.memory_space<vmem_shared>>) target(%dma_start3A_298 : memref<32x128xf32, #tpu.memory_space<vmem>>) target_semaphore(%run_scoped3A : memref<!tpu.dma_semaphore, #tpu.memory_space<semaphore_mem>>)
      %dma_wait3A_301 = arith.constant 0 : i32
      %dma_wait3A_302 = arith.constant 0 : i32
      %dma_wait3A_303 = tpu.memref_slice %arg14[%dma_wait3A_301, %dma_wait3A_302] : memref<32x128xf32, #tpu.memory_space<vmem>> -> memref<32x128xf32, #tpu.memory_space<vmem>>
      %dma_wait3A_304 = arith.constant 0 : i32
      %dma_wait3A_305 = tpu.memref_slice %arg19[%add3A_268, %dma_wait3A_304] : memref<10112x128xf32, #tpu.memory_space<vmem_shared>> -> memref<32x128xf32, #tpu.memory_space<vmem_shared>>
      %dma_wait3A_306 = arith.constant 0 : i32
      %dma_wait3A_307 = arith.constant 0 : i32
      %dma_wait3A_308 = tpu.memref_slice %arg14[%dma_wait3A_306, %dma_wait3A_307] : memref<32x128xf32, #tpu.memory_space<vmem>> -> memref<32x128xf32, #tpu.memory_space<vmem>>
      %dma_wait3A_309 = arith.constant 0 : i32
      %dma_wait3A_310 = tpu.memref_slice %arg19[%add3A_268, %dma_wait3A_309] : memref<10112x128xf32, #tpu.memory_space<vmem_shared>> -> memref<32x128xf32, #tpu.memory_space<vmem_shared>>
      tpu.wait_dma2 semaphore(%run_scoped3A : memref<!tpu.dma_semaphore, #tpu.memory_space<semaphore_mem>>) src(%dma_wait3A_310 : memref<32x128xf32, #tpu.memory_space<vmem_shared>>) dst(%dma_wait3A_308 : memref<32x128xf32, #tpu.memory_space<vmem>>)
      tpu.yield
    }) : () -> ()
    %add3A_269 = arith.constant 448 : i32
    %add3A_270 = arith.addi %mul3A_69, %add3A_269 : i32
    "tpu.region"() ({
      %run_scoped3A = tpu.sem_alloc : memref<!tpu.dma_semaphore, #tpu.memory_space<semaphore_mem>>
      %dma_start3A_291 = arith.constant 0 : i32
      %dma_start3A_292 = arith.constant 0 : i32
      %dma_start3A_293 = tpu.memref_slice %arg14[%dma_start3A_291, %dma_start3A_292] : memref<32x128xf32, #tpu.memory_space<vmem>> -> memref<32x128xf32, #tpu.memory_space<vmem>>
      %dma_start3A_294 = arith.constant 0 : i32
      %dma_start3A_295 = tpu.memref_slice %arg8[%arg0, %add3A_270, %dma_start3A_294] : memref<2x10112x128xf32, #tpu.memory_space<hbm>> -> memref<1x32x128xf32, #tpu.memory_space<hbm>>
      %dma_start3A_296 = tpu.memref_squeeze %dma_start3A_295 : memref<1x32x128xf32, #tpu.memory_space<hbm>> -> memref<32x128xf32, #tpu.memory_space<hbm>>
      %dma_start3A_297 = arith.constant 0 : i32
      %dma_start3A_298 = tpu.memref_slice %arg8[%arg0, %add3A_270, %dma_start3A_297] : memref<2x10112x128xf32, #tpu.memory_space<hbm>> -> memref<1x32x128xf32, #tpu.memory_space<hbm>>
      %dma_start3A_299 = tpu.memref_squeeze %dma_start3A_298 : memref<1x32x128xf32, #tpu.memory_space<hbm>> -> memref<32x128xf32, #tpu.memory_space<hbm>>
      %dma_start3A_300 = arith.constant 0 : i32
      %dma_start3A_301 = arith.constant 0 : i32
      %dma_start3A_302 = tpu.memref_slice %arg14[%dma_start3A_300, %dma_start3A_301] : memref<32x128xf32, #tpu.memory_space<vmem>> -> memref<32x128xf32, #tpu.memory_space<vmem>>
      tpu.enqueue_dma source(%dma_start3A_302 : memref<32x128xf32, #tpu.memory_space<vmem>>) target(%dma_start3A_299 : memref<32x128xf32, #tpu.memory_space<hbm>>) target_semaphore(%run_scoped3A : memref<!tpu.dma_semaphore, #tpu.memory_space<semaphore_mem>>)
      %dma_wait3A_303 = arith.constant 0 : i32
      %dma_wait3A_304 = arith.constant 0 : i32
      %dma_wait3A_305 = tpu.memref_slice %arg14[%dma_wait3A_303, %dma_wait3A_304] : memref<32x128xf32, #tpu.memory_space<vmem>> -> memref<32x128xf32, #tpu.memory_space<vmem>>
      %dma_wait3A_306 = arith.constant 0 : i32
      %dma_wait3A_307 = tpu.memref_slice %arg8[%arg0, %add3A_270, %dma_wait3A_306] : memref<2x10112x128xf32, #tpu.memory_space<hbm>> -> memref<1x32x128xf32, #tpu.memory_space<hbm>>
      %dma_wait3A_308 = tpu.memref_squeeze %dma_wait3A_307 : memref<1x32x128xf32, #tpu.memory_space<hbm>> -> memref<32x128xf32, #tpu.memory_space<hbm>>
      %dma_wait3A_309 = arith.constant 0 : i32
      %dma_wait3A_310 = tpu.memref_slice %arg8[%arg0, %add3A_270, %dma_wait3A_309] : memref<2x10112x128xf32, #tpu.memory_space<hbm>> -> memref<1x32x128xf32, #tpu.memory_space<hbm>>
      %dma_wait3A_311 = tpu.memref_squeeze %dma_wait3A_310 : memref<1x32x128xf32, #tpu.memory_space<hbm>> -> memref<32x128xf32, #tpu.memory_space<hbm>>
      %dma_wait3A_312 = arith.constant 0 : i32
      %dma_wait3A_313 = arith.constant 0 : i32
      %dma_wait3A_314 = tpu.memref_slice %arg14[%dma_wait3A_312, %dma_wait3A_313] : memref<32x128xf32, #tpu.memory_space<vmem>> -> memref<32x128xf32, #tpu.memory_space<vmem>>
      tpu.wait_dma2 semaphore(%run_scoped3A : memref<!tpu.dma_semaphore, #tpu.memory_space<semaphore_mem>>) src(%dma_wait3A_314 : memref<32x128xf32, #tpu.memory_space<vmem>>) dst(%dma_wait3A_311 : memref<32x128xf32, #tpu.memory_space<hbm>>)
      tpu.yield
    }) : () -> ()
    %add3A_271 = arith.constant 480 : i32
    %add3A_272 = arith.addi %mul3A_69, %add3A_271 : i32
    "tpu.region"() ({
      %run_scoped3A = tpu.sem_alloc : memref<!tpu.dma_semaphore, #tpu.memory_space<semaphore_mem>>
      %dma_start3A_291 = arith.constant 0 : i32
      %dma_start3A_292 = arith.constant 0 : i32
      %dma_start3A_293 = tpu.memref_slice %arg14[%dma_start3A_291, %dma_start3A_292] : memref<32x128xf32, #tpu.memory_space<vmem>> -> memref<32x128xf32, #tpu.memory_space<vmem>>
      %dma_start3A_294 = arith.constant 0 : i32
      %dma_start3A_295 = tpu.memref_slice %arg19[%add3A_272, %dma_start3A_294] : memref<10112x128xf32, #tpu.memory_space<vmem_shared>> -> memref<32x128xf32, #tpu.memory_space<vmem_shared>>
      %dma_start3A_296 = arith.constant 0 : i32
      %dma_start3A_297 = arith.constant 0 : i32
      %dma_start3A_298 = tpu.memref_slice %arg14[%dma_start3A_296, %dma_start3A_297] : memref<32x128xf32, #tpu.memory_space<vmem>> -> memref<32x128xf32, #tpu.memory_space<vmem>>
      %dma_start3A_299 = arith.constant 0 : i32
      %dma_start3A_300 = tpu.memref_slice %arg19[%add3A_272, %dma_start3A_299] : memref<10112x128xf32, #tpu.memory_space<vmem_shared>> -> memref<32x128xf32, #tpu.memory_space<vmem_shared>>
      tpu.enqueue_dma source(%dma_start3A_300 : memref<32x128xf32, #tpu.memory_space<vmem_shared>>) target(%dma_start3A_298 : memref<32x128xf32, #tpu.memory_space<vmem>>) target_semaphore(%run_scoped3A : memref<!tpu.dma_semaphore, #tpu.memory_space<semaphore_mem>>)
      %dma_wait3A_301 = arith.constant 0 : i32
      %dma_wait3A_302 = arith.constant 0 : i32
      %dma_wait3A_303 = tpu.memref_slice %arg14[%dma_wait3A_301, %dma_wait3A_302] : memref<32x128xf32, #tpu.memory_space<vmem>> -> memref<32x128xf32, #tpu.memory_space<vmem>>
      %dma_wait3A_304 = arith.constant 0 : i32
      %dma_wait3A_305 = tpu.memref_slice %arg19[%add3A_272, %dma_wait3A_304] : memref<10112x128xf32, #tpu.memory_space<vmem_shared>> -> memref<32x128xf32, #tpu.memory_space<vmem_shared>>
      %dma_wait3A_306 = arith.constant 0 : i32
      %dma_wait3A_307 = arith.constant 0 : i32
      %dma_wait3A_308 = tpu.memref_slice %arg14[%dma_wait3A_306, %dma_wait3A_307] : memref<32x128xf32, #tpu.memory_space<vmem>> -> memref<32x128xf32, #tpu.memory_space<vmem>>
      %dma_wait3A_309 = arith.constant 0 : i32
      %dma_wait3A_310 = tpu.memref_slice %arg19[%add3A_272, %dma_wait3A_309] : memref<10112x128xf32, #tpu.memory_space<vmem_shared>> -> memref<32x128xf32, #tpu.memory_space<vmem_shared>>
      tpu.wait_dma2 semaphore(%run_scoped3A : memref<!tpu.dma_semaphore, #tpu.memory_space<semaphore_mem>>) src(%dma_wait3A_310 : memref<32x128xf32, #tpu.memory_space<vmem_shared>>) dst(%dma_wait3A_308 : memref<32x128xf32, #tpu.memory_space<vmem>>)
      tpu.yield
    }) : () -> ()
    %add3A_273 = arith.constant 480 : i32
    %add3A_274 = arith.addi %mul3A_69, %add3A_273 : i32
    "tpu.region"() ({
      %run_scoped3A = tpu.sem_alloc : memref<!tpu.dma_semaphore, #tpu.memory_space<semaphore_mem>>
      %dma_start3A_291 = arith.constant 0 : i32
      %dma_start3A_292 = arith.constant 0 : i32
      %dma_start3A_293 = tpu.memref_slice %arg14[%dma_start3A_291, %dma_start3A_292] : memref<32x128xf32, #tpu.memory_space<vmem>> -> memref<32x128xf32, #tpu.memory_space<vmem>>
      %dma_start3A_294 = arith.constant 0 : i32
      %dma_start3A_295 = tpu.memref_slice %arg8[%arg0, %add3A_274, %dma_start3A_294] : memref<2x10112x128xf32, #tpu.memory_space<hbm>> -> memref<1x32x128xf32, #tpu.memory_space<hbm>>
      %dma_start3A_296 = tpu.memref_squeeze %dma_start3A_295 : memref<1x32x128xf32, #tpu.memory_space<hbm>> -> memref<32x128xf32, #tpu.memory_space<hbm>>
      %dma_start3A_297 = arith.constant 0 : i32
      %dma_start3A_298 = tpu.memref_slice %arg8[%arg0, %add3A_274, %dma_start3A_297] : memref<2x10112x128xf32, #tpu.memory_space<hbm>> -> memref<1x32x128xf32, #tpu.memory_space<hbm>>
      %dma_start3A_299 = tpu.memref_squeeze %dma_start3A_298 : memref<1x32x128xf32, #tpu.memory_space<hbm>> -> memref<32x128xf32, #tpu.memory_space<hbm>>
      %dma_start3A_300 = arith.constant 0 : i32
      %dma_start3A_301 = arith.constant 0 : i32
      %dma_start3A_302 = tpu.memref_slice %arg14[%dma_start3A_300, %dma_start3A_301] : memref<32x128xf32, #tpu.memory_space<vmem>> -> memref<32x128xf32, #tpu.memory_space<vmem>>
      tpu.enqueue_dma source(%dma_start3A_302 : memref<32x128xf32, #tpu.memory_space<vmem>>) target(%dma_start3A_299 : memref<32x128xf32, #tpu.memory_space<hbm>>) target_semaphore(%run_scoped3A : memref<!tpu.dma_semaphore, #tpu.memory_space<semaphore_mem>>)
      %dma_wait3A_303 = arith.constant 0 : i32
      %dma_wait3A_304 = arith.constant 0 : i32
      %dma_wait3A_305 = tpu.memref_slice %arg14[%dma_wait3A_303, %dma_wait3A_304] : memref<32x128xf32, #tpu.memory_space<vmem>> -> memref<32x128xf32, #tpu.memory_space<vmem>>
      %dma_wait3A_306 = arith.constant 0 : i32
      %dma_wait3A_307 = tpu.memref_slice %arg8[%arg0, %add3A_274, %dma_wait3A_306] : memref<2x10112x128xf32, #tpu.memory_space<hbm>> -> memref<1x32x128xf32, #tpu.memory_space<hbm>>
      %dma_wait3A_308 = tpu.memref_squeeze %dma_wait3A_307 : memref<1x32x128xf32, #tpu.memory_space<hbm>> -> memref<32x128xf32, #tpu.memory_space<hbm>>
      %dma_wait3A_309 = arith.constant 0 : i32
      %dma_wait3A_310 = tpu.memref_slice %arg8[%arg0, %add3A_274, %dma_wait3A_309] : memref<2x10112x128xf32, #tpu.memory_space<hbm>> -> memref<1x32x128xf32, #tpu.memory_space<hbm>>
      %dma_wait3A_311 = tpu.memref_squeeze %dma_wait3A_310 : memref<1x32x128xf32, #tpu.memory_space<hbm>> -> memref<32x128xf32, #tpu.memory_space<hbm>>
      %dma_wait3A_312 = arith.constant 0 : i32
      %dma_wait3A_313 = arith.constant 0 : i32
      %dma_wait3A_314 = tpu.memref_slice %arg14[%dma_wait3A_312, %dma_wait3A_313] : memref<32x128xf32, #tpu.memory_space<vmem>> -> memref<32x128xf32, #tpu.memory_space<vmem>>
      tpu.wait_dma2 semaphore(%run_scoped3A : memref<!tpu.dma_semaphore, #tpu.memory_space<semaphore_mem>>) src(%dma_wait3A_314 : memref<32x128xf32, #tpu.memory_space<vmem>>) dst(%dma_wait3A_311 : memref<32x128xf32, #tpu.memory_space<hbm>>)
      tpu.yield
    }) : () -> ()
    %add3A_275 = arith.constant 512 : i32
    %add3A_276 = arith.addi %mul3A_69, %add3A_275 : i32
    "tpu.region"() ({
      %run_scoped3A = tpu.sem_alloc : memref<!tpu.dma_semaphore, #tpu.memory_space<semaphore_mem>>
      %dma_start3A_291 = arith.constant 0 : i32
      %dma_start3A_292 = arith.constant 0 : i32
      %dma_start3A_293 = tpu.memref_slice %arg14[%dma_start3A_291, %dma_start3A_292] : memref<32x128xf32, #tpu.memory_space<vmem>> -> memref<32x128xf32, #tpu.memory_space<vmem>>
      %dma_start3A_294 = arith.constant 0 : i32
      %dma_start3A_295 = tpu.memref_slice %arg19[%add3A_276, %dma_start3A_294] : memref<10112x128xf32, #tpu.memory_space<vmem_shared>> -> memref<32x128xf32, #tpu.memory_space<vmem_shared>>
      %dma_start3A_296 = arith.constant 0 : i32
      %dma_start3A_297 = arith.constant 0 : i32
      %dma_start3A_298 = tpu.memref_slice %arg14[%dma_start3A_296, %dma_start3A_297] : memref<32x128xf32, #tpu.memory_space<vmem>> -> memref<32x128xf32, #tpu.memory_space<vmem>>
      %dma_start3A_299 = arith.constant 0 : i32
      %dma_start3A_300 = tpu.memref_slice %arg19[%add3A_276, %dma_start3A_299] : memref<10112x128xf32, #tpu.memory_space<vmem_shared>> -> memref<32x128xf32, #tpu.memory_space<vmem_shared>>
      tpu.enqueue_dma source(%dma_start3A_300 : memref<32x128xf32, #tpu.memory_space<vmem_shared>>) target(%dma_start3A_298 : memref<32x128xf32, #tpu.memory_space<vmem>>) target_semaphore(%run_scoped3A : memref<!tpu.dma_semaphore, #tpu.memory_space<semaphore_mem>>)
      %dma_wait3A_301 = arith.constant 0 : i32
      %dma_wait3A_302 = arith.constant 0 : i32
      %dma_wait3A_303 = tpu.memref_slice %arg14[%dma_wait3A_301, %dma_wait3A_302] : memref<32x128xf32, #tpu.memory_space<vmem>> -> memref<32x128xf32, #tpu.memory_space<vmem>>
      %dma_wait3A_304 = arith.constant 0 : i32
      %dma_wait3A_305 = tpu.memref_slice %arg19[%add3A_276, %dma_wait3A_304] : memref<10112x128xf32, #tpu.memory_space<vmem_shared>> -> memref<32x128xf32, #tpu.memory_space<vmem_shared>>
      %dma_wait3A_306 = arith.constant 0 : i32
      %dma_wait3A_307 = arith.constant 0 : i32
      %dma_wait3A_308 = tpu.memref_slice %arg14[%dma_wait3A_306, %dma_wait3A_307] : memref<32x128xf32, #tpu.memory_space<vmem>> -> memref<32x128xf32, #tpu.memory_space<vmem>>
      %dma_wait3A_309 = arith.constant 0 : i32
      %dma_wait3A_310 = tpu.memref_slice %arg19[%add3A_276, %dma_wait3A_309] : memref<10112x128xf32, #tpu.memory_space<vmem_shared>> -> memref<32x128xf32, #tpu.memory_space<vmem_shared>>
      tpu.wait_dma2 semaphore(%run_scoped3A : memref<!tpu.dma_semaphore, #tpu.memory_space<semaphore_mem>>) src(%dma_wait3A_310 : memref<32x128xf32, #tpu.memory_space<vmem_shared>>) dst(%dma_wait3A_308 : memref<32x128xf32, #tpu.memory_space<vmem>>)
      tpu.yield
    }) : () -> ()
    %add3A_277 = arith.constant 512 : i32
    %add3A_278 = arith.addi %mul3A_69, %add3A_277 : i32
    "tpu.region"() ({
      %run_scoped3A = tpu.sem_alloc : memref<!tpu.dma_semaphore, #tpu.memory_space<semaphore_mem>>
      %dma_start3A_291 = arith.constant 0 : i32
      %dma_start3A_292 = arith.constant 0 : i32
      %dma_start3A_293 = tpu.memref_slice %arg14[%dma_start3A_291, %dma_start3A_292] : memref<32x128xf32, #tpu.memory_space<vmem>> -> memref<32x128xf32, #tpu.memory_space<vmem>>
      %dma_start3A_294 = arith.constant 0 : i32
      %dma_start3A_295 = tpu.memref_slice %arg8[%arg0, %add3A_278, %dma_start3A_294] : memref<2x10112x128xf32, #tpu.memory_space<hbm>> -> memref<1x32x128xf32, #tpu.memory_space<hbm>>
      %dma_start3A_296 = tpu.memref_squeeze %dma_start3A_295 : memref<1x32x128xf32, #tpu.memory_space<hbm>> -> memref<32x128xf32, #tpu.memory_space<hbm>>
      %dma_start3A_297 = arith.constant 0 : i32
      %dma_start3A_298 = tpu.memref_slice %arg8[%arg0, %add3A_278, %dma_start3A_297] : memref<2x10112x128xf32, #tpu.memory_space<hbm>> -> memref<1x32x128xf32, #tpu.memory_space<hbm>>
      %dma_start3A_299 = tpu.memref_squeeze %dma_start3A_298 : memref<1x32x128xf32, #tpu.memory_space<hbm>> -> memref<32x128xf32, #tpu.memory_space<hbm>>
      %dma_start3A_300 = arith.constant 0 : i32
      %dma_start3A_301 = arith.constant 0 : i32
      %dma_start3A_302 = tpu.memref_slice %arg14[%dma_start3A_300, %dma_start3A_301] : memref<32x128xf32, #tpu.memory_space<vmem>> -> memref<32x128xf32, #tpu.memory_space<vmem>>
      tpu.enqueue_dma source(%dma_start3A_302 : memref<32x128xf32, #tpu.memory_space<vmem>>) target(%dma_start3A_299 : memref<32x128xf32, #tpu.memory_space<hbm>>) target_semaphore(%run_scoped3A : memref<!tpu.dma_semaphore, #tpu.memory_space<semaphore_mem>>)
      %dma_wait3A_303 = arith.constant 0 : i32
      %dma_wait3A_304 = arith.constant 0 : i32
      %dma_wait3A_305 = tpu.memref_slice %arg14[%dma_wait3A_303, %dma_wait3A_304] : memref<32x128xf32, #tpu.memory_space<vmem>> -> memref<32x128xf32, #tpu.memory_space<vmem>>
      %dma_wait3A_306 = arith.constant 0 : i32
      %dma_wait3A_307 = tpu.memref_slice %arg8[%arg0, %add3A_278, %dma_wait3A_306] : memref<2x10112x128xf32, #tpu.memory_space<hbm>> -> memref<1x32x128xf32, #tpu.memory_space<hbm>>
      %dma_wait3A_308 = tpu.memref_squeeze %dma_wait3A_307 : memref<1x32x128xf32, #tpu.memory_space<hbm>> -> memref<32x128xf32, #tpu.memory_space<hbm>>
      %dma_wait3A_309 = arith.constant 0 : i32
      %dma_wait3A_310 = tpu.memref_slice %arg8[%arg0, %add3A_278, %dma_wait3A_309] : memref<2x10112x128xf32, #tpu.memory_space<hbm>> -> memref<1x32x128xf32, #tpu.memory_space<hbm>>
      %dma_wait3A_311 = tpu.memref_squeeze %dma_wait3A_310 : memref<1x32x128xf32, #tpu.memory_space<hbm>> -> memref<32x128xf32, #tpu.memory_space<hbm>>
      %dma_wait3A_312 = arith.constant 0 : i32
      %dma_wait3A_313 = arith.constant 0 : i32
      %dma_wait3A_314 = tpu.memref_slice %arg14[%dma_wait3A_312, %dma_wait3A_313] : memref<32x128xf32, #tpu.memory_space<vmem>> -> memref<32x128xf32, #tpu.memory_space<vmem>>
      tpu.wait_dma2 semaphore(%run_scoped3A : memref<!tpu.dma_semaphore, #tpu.memory_space<semaphore_mem>>) src(%dma_wait3A_314 : memref<32x128xf32, #tpu.memory_space<vmem>>) dst(%dma_wait3A_311 : memref<32x128xf32, #tpu.memory_space<hbm>>)
      tpu.yield
    }) : () -> ()
    %add3A_279 = arith.constant 544 : i32
    %add3A_280 = arith.addi %mul3A_69, %add3A_279 : i32
    "tpu.region"() ({
      %run_scoped3A = tpu.sem_alloc : memref<!tpu.dma_semaphore, #tpu.memory_space<semaphore_mem>>
      %dma_start3A_291 = arith.constant 0 : i32
      %dma_start3A_292 = arith.constant 0 : i32
      %dma_start3A_293 = tpu.memref_slice %arg14[%dma_start3A_291, %dma_start3A_292] : memref<32x128xf32, #tpu.memory_space<vmem>> -> memref<32x128xf32, #tpu.memory_space<vmem>>
      %dma_start3A_294 = arith.constant 0 : i32
      %dma_start3A_295 = tpu.memref_slice %arg19[%add3A_280, %dma_start3A_294] : memref<10112x128xf32, #tpu.memory_space<vmem_shared>> -> memref<32x128xf32, #tpu.memory_space<vmem_shared>>
      %dma_start3A_296 = arith.constant 0 : i32
      %dma_start3A_297 = arith.constant 0 : i32
      %dma_start3A_298 = tpu.memref_slice %arg14[%dma_start3A_296, %dma_start3A_297] : memref<32x128xf32, #tpu.memory_space<vmem>> -> memref<32x128xf32, #tpu.memory_space<vmem>>
      %dma_start3A_299 = arith.constant 0 : i32
      %dma_start3A_300 = tpu.memref_slice %arg19[%add3A_280, %dma_start3A_299] : memref<10112x128xf32, #tpu.memory_space<vmem_shared>> -> memref<32x128xf32, #tpu.memory_space<vmem_shared>>
      tpu.enqueue_dma source(%dma_start3A_300 : memref<32x128xf32, #tpu.memory_space<vmem_shared>>) target(%dma_start3A_298 : memref<32x128xf32, #tpu.memory_space<vmem>>) target_semaphore(%run_scoped3A : memref<!tpu.dma_semaphore, #tpu.memory_space<semaphore_mem>>)
      %dma_wait3A_301 = arith.constant 0 : i32
      %dma_wait3A_302 = arith.constant 0 : i32
      %dma_wait3A_303 = tpu.memref_slice %arg14[%dma_wait3A_301, %dma_wait3A_302] : memref<32x128xf32, #tpu.memory_space<vmem>> -> memref<32x128xf32, #tpu.memory_space<vmem>>
      %dma_wait3A_304 = arith.constant 0 : i32
      %dma_wait3A_305 = tpu.memref_slice %arg19[%add3A_280, %dma_wait3A_304] : memref<10112x128xf32, #tpu.memory_space<vmem_shared>> -> memref<32x128xf32, #tpu.memory_space<vmem_shared>>
      %dma_wait3A_306 = arith.constant 0 : i32
      %dma_wait3A_307 = arith.constant 0 : i32
      %dma_wait3A_308 = tpu.memref_slice %arg14[%dma_wait3A_306, %dma_wait3A_307] : memref<32x128xf32, #tpu.memory_space<vmem>> -> memref<32x128xf32, #tpu.memory_space<vmem>>
      %dma_wait3A_309 = arith.constant 0 : i32
      %dma_wait3A_310 = tpu.memref_slice %arg19[%add3A_280, %dma_wait3A_309] : memref<10112x128xf32, #tpu.memory_space<vmem_shared>> -> memref<32x128xf32, #tpu.memory_space<vmem_shared>>
      tpu.wait_dma2 semaphore(%run_scoped3A : memref<!tpu.dma_semaphore, #tpu.memory_space<semaphore_mem>>) src(%dma_wait3A_310 : memref<32x128xf32, #tpu.memory_space<vmem_shared>>) dst(%dma_wait3A_308 : memref<32x128xf32, #tpu.memory_space<vmem>>)
      tpu.yield
    }) : () -> ()
    %add3A_281 = arith.constant 544 : i32
    %add3A_282 = arith.addi %mul3A_69, %add3A_281 : i32
    "tpu.region"() ({
      %run_scoped3A = tpu.sem_alloc : memref<!tpu.dma_semaphore, #tpu.memory_space<semaphore_mem>>
      %dma_start3A_291 = arith.constant 0 : i32
      %dma_start3A_292 = arith.constant 0 : i32
      %dma_start3A_293 = tpu.memref_slice %arg14[%dma_start3A_291, %dma_start3A_292] : memref<32x128xf32, #tpu.memory_space<vmem>> -> memref<32x128xf32, #tpu.memory_space<vmem>>
      %dma_start3A_294 = arith.constant 0 : i32
      %dma_start3A_295 = tpu.memref_slice %arg8[%arg0, %add3A_282, %dma_start3A_294] : memref<2x10112x128xf32, #tpu.memory_space<hbm>> -> memref<1x32x128xf32, #tpu.memory_space<hbm>>
      %dma_start3A_296 = tpu.memref_squeeze %dma_start3A_295 : memref<1x32x128xf32, #tpu.memory_space<hbm>> -> memref<32x128xf32, #tpu.memory_space<hbm>>
      %dma_start3A_297 = arith.constant 0 : i32
      %dma_start3A_298 = tpu.memref_slice %arg8[%arg0, %add3A_282, %dma_start3A_297] : memref<2x10112x128xf32, #tpu.memory_space<hbm>> -> memref<1x32x128xf32, #tpu.memory_space<hbm>>
      %dma_start3A_299 = tpu.memref_squeeze %dma_start3A_298 : memref<1x32x128xf32, #tpu.memory_space<hbm>> -> memref<32x128xf32, #tpu.memory_space<hbm>>
      %dma_start3A_300 = arith.constant 0 : i32
      %dma_start3A_301 = arith.constant 0 : i32
      %dma_start3A_302 = tpu.memref_slice %arg14[%dma_start3A_300, %dma_start3A_301] : memref<32x128xf32, #tpu.memory_space<vmem>> -> memref<32x128xf32, #tpu.memory_space<vmem>>
      tpu.enqueue_dma source(%dma_start3A_302 : memref<32x128xf32, #tpu.memory_space<vmem>>) target(%dma_start3A_299 : memref<32x128xf32, #tpu.memory_space<hbm>>) target_semaphore(%run_scoped3A : memref<!tpu.dma_semaphore, #tpu.memory_space<semaphore_mem>>)
      %dma_wait3A_303 = arith.constant 0 : i32
      %dma_wait3A_304 = arith.constant 0 : i32
      %dma_wait3A_305 = tpu.memref_slice %arg14[%dma_wait3A_303, %dma_wait3A_304] : memref<32x128xf32, #tpu.memory_space<vmem>> -> memref<32x128xf32, #tpu.memory_space<vmem>>
      %dma_wait3A_306 = arith.constant 0 : i32
      %dma_wait3A_307 = tpu.memref_slice %arg8[%arg0, %add3A_282, %dma_wait3A_306] : memref<2x10112x128xf32, #tpu.memory_space<hbm>> -> memref<1x32x128xf32, #tpu.memory_space<hbm>>
      %dma_wait3A_308 = tpu.memref_squeeze %dma_wait3A_307 : memref<1x32x128xf32, #tpu.memory_space<hbm>> -> memref<32x128xf32, #tpu.memory_space<hbm>>
      %dma_wait3A_309 = arith.constant 0 : i32
      %dma_wait3A_310 = tpu.memref_slice %arg8[%arg0, %add3A_282, %dma_wait3A_309] : memref<2x10112x128xf32, #tpu.memory_space<hbm>> -> memref<1x32x128xf32, #tpu.memory_space<hbm>>
      %dma_wait3A_311 = tpu.memref_squeeze %dma_wait3A_310 : memref<1x32x128xf32, #tpu.memory_space<hbm>> -> memref<32x128xf32, #tpu.memory_space<hbm>>
      %dma_wait3A_312 = arith.constant 0 : i32
      %dma_wait3A_313 = arith.constant 0 : i32
      %dma_wait3A_314 = tpu.memref_slice %arg14[%dma_wait3A_312, %dma_wait3A_313] : memref<32x128xf32, #tpu.memory_space<vmem>> -> memref<32x128xf32, #tpu.memory_space<vmem>>
      tpu.wait_dma2 semaphore(%run_scoped3A : memref<!tpu.dma_semaphore, #tpu.memory_space<semaphore_mem>>) src(%dma_wait3A_314 : memref<32x128xf32, #tpu.memory_space<vmem>>) dst(%dma_wait3A_311 : memref<32x128xf32, #tpu.memory_space<hbm>>)
      tpu.yield
    }) : () -> ()
    %add3A_283 = arith.constant 576 : i32
    %add3A_284 = arith.addi %mul3A_69, %add3A_283 : i32
    "tpu.region"() ({
      %run_scoped3A = tpu.sem_alloc : memref<!tpu.dma_semaphore, #tpu.memory_space<semaphore_mem>>
      %dma_start3A_291 = arith.constant 0 : i32
      %dma_start3A_292 = arith.constant 0 : i32
      %dma_start3A_293 = tpu.memref_slice %arg14[%dma_start3A_291, %dma_start3A_292] : memref<32x128xf32, #tpu.memory_space<vmem>> -> memref<32x128xf32, #tpu.memory_space<vmem>>
      %dma_start3A_294 = arith.constant 0 : i32
      %dma_start3A_295 = tpu.memref_slice %arg19[%add3A_284, %dma_start3A_294] : memref<10112x128xf32, #tpu.memory_space<vmem_shared>> -> memref<32x128xf32, #tpu.memory_space<vmem_shared>>
      %dma_start3A_296 = arith.constant 0 : i32
      %dma_start3A_297 = arith.constant 0 : i32
      %dma_start3A_298 = tpu.memref_slice %arg14[%dma_start3A_296, %dma_start3A_297] : memref<32x128xf32, #tpu.memory_space<vmem>> -> memref<32x128xf32, #tpu.memory_space<vmem>>
      %dma_start3A_299 = arith.constant 0 : i32
      %dma_start3A_300 = tpu.memref_slice %arg19[%add3A_284, %dma_start3A_299] : memref<10112x128xf32, #tpu.memory_space<vmem_shared>> -> memref<32x128xf32, #tpu.memory_space<vmem_shared>>
      tpu.enqueue_dma source(%dma_start3A_300 : memref<32x128xf32, #tpu.memory_space<vmem_shared>>) target(%dma_start3A_298 : memref<32x128xf32, #tpu.memory_space<vmem>>) target_semaphore(%run_scoped3A : memref<!tpu.dma_semaphore, #tpu.memory_space<semaphore_mem>>)
      %dma_wait3A_301 = arith.constant 0 : i32
      %dma_wait3A_302 = arith.constant 0 : i32
      %dma_wait3A_303 = tpu.memref_slice %arg14[%dma_wait3A_301, %dma_wait3A_302] : memref<32x128xf32, #tpu.memory_space<vmem>> -> memref<32x128xf32, #tpu.memory_space<vmem>>
      %dma_wait3A_304 = arith.constant 0 : i32
      %dma_wait3A_305 = tpu.memref_slice %arg19[%add3A_284, %dma_wait3A_304] : memref<10112x128xf32, #tpu.memory_space<vmem_shared>> -> memref<32x128xf32, #tpu.memory_space<vmem_shared>>
      %dma_wait3A_306 = arith.constant 0 : i32
      %dma_wait3A_307 = arith.constant 0 : i32
      %dma_wait3A_308 = tpu.memref_slice %arg14[%dma_wait3A_306, %dma_wait3A_307] : memref<32x128xf32, #tpu.memory_space<vmem>> -> memref<32x128xf32, #tpu.memory_space<vmem>>
      %dma_wait3A_309 = arith.constant 0 : i32
      %dma_wait3A_310 = tpu.memref_slice %arg19[%add3A_284, %dma_wait3A_309] : memref<10112x128xf32, #tpu.memory_space<vmem_shared>> -> memref<32x128xf32, #tpu.memory_space<vmem_shared>>
      tpu.wait_dma2 semaphore(%run_scoped3A : memref<!tpu.dma_semaphore, #tpu.memory_space<semaphore_mem>>) src(%dma_wait3A_310 : memref<32x128xf32, #tpu.memory_space<vmem_shared>>) dst(%dma_wait3A_308 : memref<32x128xf32, #tpu.memory_space<vmem>>)
      tpu.yield
    }) : () -> ()
    %add3A_285 = arith.constant 576 : i32
    %add3A_286 = arith.addi %mul3A_69, %add3A_285 : i32
    "tpu.region"() ({
      %run_scoped3A = tpu.sem_alloc : memref<!tpu.dma_semaphore, #tpu.memory_space<semaphore_mem>>
      %dma_start3A_291 = arith.constant 0 : i32
      %dma_start3A_292 = arith.constant 0 : i32
      %dma_start3A_293 = tpu.memref_slice %arg14[%dma_start3A_291, %dma_start3A_292] : memref<32x128xf32, #tpu.memory_space<vmem>> -> memref<32x128xf32, #tpu.memory_space<vmem>>
      %dma_start3A_294 = arith.constant 0 : i32
      %dma_start3A_295 = tpu.memref_slice %arg8[%arg0, %add3A_286, %dma_start3A_294] : memref<2x10112x128xf32, #tpu.memory_space<hbm>> -> memref<1x32x128xf32, #tpu.memory_space<hbm>>
      %dma_start3A_296 = tpu.memref_squeeze %dma_start3A_295 : memref<1x32x128xf32, #tpu.memory_space<hbm>> -> memref<32x128xf32, #tpu.memory_space<hbm>>
      %dma_start3A_297 = arith.constant 0 : i32
      %dma_start3A_298 = tpu.memref_slice %arg8[%arg0, %add3A_286, %dma_start3A_297] : memref<2x10112x128xf32, #tpu.memory_space<hbm>> -> memref<1x32x128xf32, #tpu.memory_space<hbm>>
      %dma_start3A_299 = tpu.memref_squeeze %dma_start3A_298 : memref<1x32x128xf32, #tpu.memory_space<hbm>> -> memref<32x128xf32, #tpu.memory_space<hbm>>
      %dma_start3A_300 = arith.constant 0 : i32
      %dma_start3A_301 = arith.constant 0 : i32
      %dma_start3A_302 = tpu.memref_slice %arg14[%dma_start3A_300, %dma_start3A_301] : memref<32x128xf32, #tpu.memory_space<vmem>> -> memref<32x128xf32, #tpu.memory_space<vmem>>
      tpu.enqueue_dma source(%dma_start3A_302 : memref<32x128xf32, #tpu.memory_space<vmem>>) target(%dma_start3A_299 : memref<32x128xf32, #tpu.memory_space<hbm>>) target_semaphore(%run_scoped3A : memref<!tpu.dma_semaphore, #tpu.memory_space<semaphore_mem>>)
      %dma_wait3A_303 = arith.constant 0 : i32
      %dma_wait3A_304 = arith.constant 0 : i32
      %dma_wait3A_305 = tpu.memref_slice %arg14[%dma_wait3A_303, %dma_wait3A_304] : memref<32x128xf32, #tpu.memory_space<vmem>> -> memref<32x128xf32, #tpu.memory_space<vmem>>
      %dma_wait3A_306 = arith.constant 0 : i32
      %dma_wait3A_307 = tpu.memref_slice %arg8[%arg0, %add3A_286, %dma_wait3A_306] : memref<2x10112x128xf32, #tpu.memory_space<hbm>> -> memref<1x32x128xf32, #tpu.memory_space<hbm>>
      %dma_wait3A_308 = tpu.memref_squeeze %dma_wait3A_307 : memref<1x32x128xf32, #tpu.memory_space<hbm>> -> memref<32x128xf32, #tpu.memory_space<hbm>>
      %dma_wait3A_309 = arith.constant 0 : i32
      %dma_wait3A_310 = tpu.memref_slice %arg8[%arg0, %add3A_286, %dma_wait3A_309] : memref<2x10112x128xf32, #tpu.memory_space<hbm>> -> memref<1x32x128xf32, #tpu.memory_space<hbm>>
      %dma_wait3A_311 = tpu.memref_squeeze %dma_wait3A_310 : memref<1x32x128xf32, #tpu.memory_space<hbm>> -> memref<32x128xf32, #tpu.memory_space<hbm>>
      %dma_wait3A_312 = arith.constant 0 : i32
      %dma_wait3A_313 = arith.constant 0 : i32
      %dma_wait3A_314 = tpu.memref_slice %arg14[%dma_wait3A_312, %dma_wait3A_313] : memref<32x128xf32, #tpu.memory_space<vmem>> -> memref<32x128xf32, #tpu.memory_space<vmem>>
      tpu.wait_dma2 semaphore(%run_scoped3A : memref<!tpu.dma_semaphore, #tpu.memory_space<semaphore_mem>>) src(%dma_wait3A_314 : memref<32x128xf32, #tpu.memory_space<vmem>>) dst(%dma_wait3A_311 : memref<32x128xf32, #tpu.memory_space<hbm>>)
      tpu.yield
    }) : () -> ()
    %add3A_287 = arith.constant 608 : i32
    %add3A_288 = arith.addi %mul3A_69, %add3A_287 : i32
    "tpu.region"() ({
      %run_scoped3A = tpu.sem_alloc : memref<!tpu.dma_semaphore, #tpu.memory_space<semaphore_mem>>
      %dma_start3A_291 = arith.constant 0 : i32
      %dma_start3A_292 = arith.constant 0 : i32
      %dma_start3A_293 = tpu.memref_slice %arg14[%dma_start3A_291, %dma_start3A_292] : memref<32x128xf32, #tpu.memory_space<vmem>> -> memref<24x128xf32, #tpu.memory_space<vmem>>
      %dma_start3A_294 = arith.constant 0 : i32
      %dma_start3A_295 = tpu.memref_slice %arg19[%add3A_288, %dma_start3A_294] : memref<10112x128xf32, #tpu.memory_space<vmem_shared>> -> memref<24x128xf32, #tpu.memory_space<vmem_shared>>
      %dma_start3A_296 = arith.constant 0 : i32
      %dma_start3A_297 = arith.constant 0 : i32
      %dma_start3A_298 = tpu.memref_slice %arg14[%dma_start3A_296, %dma_start3A_297] : memref<32x128xf32, #tpu.memory_space<vmem>> -> memref<24x128xf32, #tpu.memory_space<vmem>>
      %dma_start3A_299 = arith.constant 0 : i32
      %dma_start3A_300 = tpu.memref_slice %arg19[%add3A_288, %dma_start3A_299] : memref<10112x128xf32, #tpu.memory_space<vmem_shared>> -> memref<24x128xf32, #tpu.memory_space<vmem_shared>>
      tpu.enqueue_dma source(%dma_start3A_300 : memref<24x128xf32, #tpu.memory_space<vmem_shared>>) target(%dma_start3A_298 : memref<24x128xf32, #tpu.memory_space<vmem>>) target_semaphore(%run_scoped3A : memref<!tpu.dma_semaphore, #tpu.memory_space<semaphore_mem>>)
      %dma_wait3A_301 = arith.constant 0 : i32
      %dma_wait3A_302 = arith.constant 0 : i32
      %dma_wait3A_303 = tpu.memref_slice %arg14[%dma_wait3A_301, %dma_wait3A_302] : memref<32x128xf32, #tpu.memory_space<vmem>> -> memref<24x128xf32, #tpu.memory_space<vmem>>
      %dma_wait3A_304 = arith.constant 0 : i32
      %dma_wait3A_305 = tpu.memref_slice %arg19[%add3A_288, %dma_wait3A_304] : memref<10112x128xf32, #tpu.memory_space<vmem_shared>> -> memref<24x128xf32, #tpu.memory_space<vmem_shared>>
      %dma_wait3A_306 = arith.constant 0 : i32
      %dma_wait3A_307 = arith.constant 0 : i32
      %dma_wait3A_308 = tpu.memref_slice %arg14[%dma_wait3A_306, %dma_wait3A_307] : memref<32x128xf32, #tpu.memory_space<vmem>> -> memref<24x128xf32, #tpu.memory_space<vmem>>
      %dma_wait3A_309 = arith.constant 0 : i32
      %dma_wait3A_310 = tpu.memref_slice %arg19[%add3A_288, %dma_wait3A_309] : memref<10112x128xf32, #tpu.memory_space<vmem_shared>> -> memref<24x128xf32, #tpu.memory_space<vmem_shared>>
      tpu.wait_dma2 semaphore(%run_scoped3A : memref<!tpu.dma_semaphore, #tpu.memory_space<semaphore_mem>>) src(%dma_wait3A_310 : memref<24x128xf32, #tpu.memory_space<vmem_shared>>) dst(%dma_wait3A_308 : memref<24x128xf32, #tpu.memory_space<vmem>>)
      tpu.yield
    }) : () -> ()
    %add3A_289 = arith.constant 608 : i32
    %add3A_290 = arith.addi %mul3A_69, %add3A_289 : i32
    "tpu.region"() ({
      %run_scoped3A = tpu.sem_alloc : memref<!tpu.dma_semaphore, #tpu.memory_space<semaphore_mem>>
      %dma_start3A_291 = arith.constant 0 : i32
      %dma_start3A_292 = arith.constant 0 : i32
      %dma_start3A_293 = tpu.memref_slice %arg14[%dma_start3A_291, %dma_start3A_292] : memref<32x128xf32, #tpu.memory_space<vmem>> -> memref<24x128xf32, #tpu.memory_space<vmem>>
      %dma_start3A_294 = arith.constant 0 : i32
      %dma_start3A_295 = tpu.memref_slice %arg8[%arg0, %add3A_290, %dma_start3A_294] : memref<2x10112x128xf32, #tpu.memory_space<hbm>> -> memref<1x24x128xf32, #tpu.memory_space<hbm>>
      %dma_start3A_296 = tpu.memref_squeeze %dma_start3A_295 : memref<1x24x128xf32, #tpu.memory_space<hbm>> -> memref<24x128xf32, #tpu.memory_space<hbm>>
      %dma_start3A_297 = arith.constant 0 : i32
      %dma_start3A_298 = tpu.memref_slice %arg8[%arg0, %add3A_290, %dma_start3A_297] : memref<2x10112x128xf32, #tpu.memory_space<hbm>> -> memref<1x24x128xf32, #tpu.memory_space<hbm>>
      %dma_start3A_299 = tpu.memref_squeeze %dma_start3A_298 : memref<1x24x128xf32, #tpu.memory_space<hbm>> -> memref<24x128xf32, #tpu.memory_space<hbm>>
      %dma_start3A_300 = arith.constant 0 : i32
      %dma_start3A_301 = arith.constant 0 : i32
      %dma_start3A_302 = tpu.memref_slice %arg14[%dma_start3A_300, %dma_start3A_301] : memref<32x128xf32, #tpu.memory_space<vmem>> -> memref<24x128xf32, #tpu.memory_space<vmem>>
      tpu.enqueue_dma source(%dma_start3A_302 : memref<24x128xf32, #tpu.memory_space<vmem>>) target(%dma_start3A_299 : memref<24x128xf32, #tpu.memory_space<hbm>>) target_semaphore(%run_scoped3A : memref<!tpu.dma_semaphore, #tpu.memory_space<semaphore_mem>>)
      %dma_wait3A_303 = arith.constant 0 : i32
      %dma_wait3A_304 = arith.constant 0 : i32
      %dma_wait3A_305 = tpu.memref_slice %arg14[%dma_wait3A_303, %dma_wait3A_304] : memref<32x128xf32, #tpu.memory_space<vmem>> -> memref<24x128xf32, #tpu.memory_space<vmem>>
      %dma_wait3A_306 = arith.constant 0 : i32
      %dma_wait3A_307 = tpu.memref_slice %arg8[%arg0, %add3A_290, %dma_wait3A_306] : memref<2x10112x128xf32, #tpu.memory_space<hbm>> -> memref<1x24x128xf32, #tpu.memory_space<hbm>>
      %dma_wait3A_308 = tpu.memref_squeeze %dma_wait3A_307 : memref<1x24x128xf32, #tpu.memory_space<hbm>> -> memref<24x128xf32, #tpu.memory_space<hbm>>
      %dma_wait3A_309 = arith.constant 0 : i32
      %dma_wait3A_310 = tpu.memref_slice %arg8[%arg0, %add3A_290, %dma_wait3A_309] : memref<2x10112x128xf32, #tpu.memory_space<hbm>> -> memref<1x24x128xf32, #tpu.memory_space<hbm>>
      %dma_wait3A_311 = tpu.memref_squeeze %dma_wait3A_310 : memref<1x24x128xf32, #tpu.memory_space<hbm>> -> memref<24x128xf32, #tpu.memory_space<hbm>>
      %dma_wait3A_312 = arith.constant 0 : i32
      %dma_wait3A_313 = arith.constant 0 : i32
      %dma_wait3A_314 = tpu.memref_slice %arg14[%dma_wait3A_312, %dma_wait3A_313] : memref<32x128xf32, #tpu.memory_space<vmem>> -> memref<24x128xf32, #tpu.memory_space<vmem>>
      tpu.wait_dma2 semaphore(%run_scoped3A : memref<!tpu.dma_semaphore, #tpu.memory_space<semaphore_mem>>) src(%dma_wait3A_314 : memref<24x128xf32, #tpu.memory_space<vmem>>) dst(%dma_wait3A_311 : memref<24x128xf32, #tpu.memory_space<hbm>>)
      tpu.yield
    }) : () -> ()
    return
  }
}

module attributes {stable_mosaic.version = 14 : i64} {
  func.func @_pre_body(%arg0: i32, %arg1: memref<1000x128xf32, #tpu.memory_space<vmem>>, %arg2: memref<1000x16xf32, #tpu.memory_space<vmem>>, %arg3: memref<128x128xf32, #tpu.memory_space<vmem>>, %arg4: memref<1x128xf32, #tpu.memory_space<vmem>>, %arg5: memref<128x128xf32, #tpu.memory_space<vmem>>, %arg6: memref<1x128xf32, #tpu.memory_space<vmem>>, %arg7: memref<128x128xf32, #tpu.memory_space<vmem>>, %arg8: memref<1x128xf32, #tpu.memory_space<vmem>>, %arg9: memref<1000x256xf32, #tpu.memory_space<vmem>>, %arg10: memref<1000x384xf32, #tpu.memory_space<vmem>>) attributes {dimension_semantics = [#tpu.dimension_semantics<arbitrary>], iteration_bounds = array<i64: 10>, scalar_prefetch = 0 : i64, scratch_operands = 0 : i64, tpu.core_type = #tpu.core_type<tc>, window_params = [{transform_indices = @transform_0, window_bounds = array<i64: 1000, 128>}, {transform_indices = @transform_1, window_bounds = array<i64: 1000, 16>}, {pipeline_mode = #tpu.pipeline_mode<synchronous>, transform_indices = @transform_2, window_bounds = array<i64: 128, 128>}, {pipeline_mode = #tpu.pipeline_mode<synchronous>, transform_indices = @transform_3, window_bounds = array<i64: 1, 128>}, {pipeline_mode = #tpu.pipeline_mode<synchronous>, transform_indices = @transform_4, window_bounds = array<i64: 128, 128>}, {pipeline_mode = #tpu.pipeline_mode<synchronous>, transform_indices = @transform_5, window_bounds = array<i64: 1, 128>}, {pipeline_mode = #tpu.pipeline_mode<synchronous>, transform_indices = @transform_6, window_bounds = array<i64: 128, 128>}, {pipeline_mode = #tpu.pipeline_mode<synchronous>, transform_indices = @transform_7, window_bounds = array<i64: 1, 128>}, {transform_indices = @transform_8, window_bounds = array<i64: 1000, 256>}, {transform_indices = @transform_9, window_bounds = array<i64: 1000, 384>}]} {
    %get3A = arith.constant 0 : index
    %get3A_0 = arith.constant 0 : index
    %get3A_1 = vector.load %arg1[%get3A, %get3A_0] : memref<1000x128xf32, #tpu.memory_space<vmem>>, vector<1000x128xf32>
    %get3A_2 = arith.constant 0 : index
    %get3A_3 = arith.constant 0 : index
    %get3A_4 = vector.load %arg2[%get3A_2, %get3A_3] : memref<1000x16xf32, #tpu.memory_space<vmem>>, vector<1000x16xf32>
    %get3A_5 = arith.constant 0 : index
    %get3A_6 = arith.constant 0 : index
    %get3A_7 = vector.load %arg3[%get3A_5, %get3A_6] : memref<128x128xf32, #tpu.memory_space<vmem>>, vector<128x128xf32>
    %dot_general3A = arith.constant dense<0.000000e+00> : vector<1000x128xf32>
    %dot_general3A_8 = tpu.matmul %get3A_1, %get3A_7, %dot_general3A {dimension_numbers = #tpu.dot_dimension_numbers<[1], [0], [0], [1], [0, 0, 1, 1], [], []>, precision = #tpu.contract_precision<fp32>, transpose_lhs_hint = false} : vector<1000x128xf32>, vector<128x128xf32>, vector<1000x128xf32> -> vector<1000x128xf32>
    %get3A_9 = arith.constant 0 : index
    %get3A_10 = arith.constant 0 : index
    %get3A_11 = vector.load %arg4[%get3A_9, %get3A_10] : memref<1x128xf32, #tpu.memory_space<vmem>>, vector<1x128xf32>
    %add3A = vector.broadcast %get3A_11 : vector<1x128xf32> to vector<1000x128xf32>
    %add3A_12 = arith.addf %dot_general3A_8, %add3A : vector<1000x128xf32>
    %get3A_13 = arith.constant 0 : index
    %get3A_14 = arith.constant 0 : index
    %get3A_15 = vector.load %arg5[%get3A_13, %get3A_14] : memref<128x128xf32, #tpu.memory_space<vmem>>, vector<128x128xf32>
    %dot_general3A_16 = arith.constant dense<0.000000e+00> : vector<1000x128xf32>
    %dot_general3A_17 = tpu.matmul %get3A_1, %get3A_15, %dot_general3A_16 {dimension_numbers = #tpu.dot_dimension_numbers<[1], [0], [0], [1], [0, 0, 1, 1], [], []>, precision = #tpu.contract_precision<fp32>, transpose_lhs_hint = false} : vector<1000x128xf32>, vector<128x128xf32>, vector<1000x128xf32> -> vector<1000x128xf32>
    %get3A_18 = arith.constant 0 : index
    %get3A_19 = arith.constant 0 : index
    %get3A_20 = vector.load %arg6[%get3A_18, %get3A_19] : memref<1x128xf32, #tpu.memory_space<vmem>>, vector<1x128xf32>
    %add3A_21 = vector.broadcast %get3A_20 : vector<1x128xf32> to vector<1000x128xf32>
    %add3A_22 = arith.addf %dot_general3A_17, %add3A_21 : vector<1000x128xf32>
    %get3A_23 = arith.constant 0 : index
    %get3A_24 = arith.constant 0 : index
    %get3A_25 = vector.load %arg7[%get3A_23, %get3A_24] : memref<128x128xf32, #tpu.memory_space<vmem>>, vector<128x128xf32>
    %dot_general3A_26 = arith.constant dense<0.000000e+00> : vector<1000x128xf32>
    %dot_general3A_27 = tpu.matmul %get3A_1, %get3A_25, %dot_general3A_26 {dimension_numbers = #tpu.dot_dimension_numbers<[1], [0], [0], [1], [0, 0, 1, 1], [], []>, precision = #tpu.contract_precision<fp32>, transpose_lhs_hint = false} : vector<1000x128xf32>, vector<128x128xf32>, vector<1000x128xf32> -> vector<1000x128xf32>
    %get3A_28 = arith.constant 0 : index
    %get3A_29 = arith.constant 0 : index
    %get3A_30 = vector.load %arg8[%get3A_28, %get3A_29] : memref<1x128xf32, #tpu.memory_space<vmem>>, vector<1x128xf32>
    %add3A_31 = vector.broadcast %get3A_30 : vector<1x128xf32> to vector<1000x128xf32>
    %add3A_32 = arith.addf %dot_general3A_27, %add3A_31 : vector<1000x128xf32>
    %broadcast_in_dim3A = arith.constant 0.000000e+00 : f32
    %broadcast_in_dim3A_33 = vector.broadcast %broadcast_in_dim3A : f32 to vector<1000x112xf32>
    %concatenate3A = tpu.concatenate %add3A_12, %get3A_4, %broadcast_in_dim3A_33 in 1 : vector<1000x128xf32>, vector<1000x16xf32>, vector<1000x112xf32> -> vector<1000x256xf32>
    %swap3A = arith.constant 0 : index
    %swap3A_34 = arith.constant 0 : index
    %swap3A_35 = vector.load %arg9[%swap3A, %swap3A_34] : memref<1000x256xf32, #tpu.memory_space<vmem>>, vector<1000x256xf32>
    tpu.vector_store %arg9[%swap3A, %swap3A_34], %concatenate3A {strides = array<i32>} : memref<1000x256xf32, #tpu.memory_space<vmem>>, vector<1000x256xf32>,
    %concatenate3A_36 = tpu.concatenate %add3A_22, %add3A_32, %get3A_4, %broadcast_in_dim3A_33 in 1 : vector<1000x128xf32>, vector<1000x128xf32>, vector<1000x16xf32>, vector<1000x112xf32> -> vector<1000x384xf32>
    %swap3A_37 = arith.constant 0 : index
    %swap3A_38 = arith.constant 0 : index
    %swap3A_39 = vector.load %arg10[%swap3A_37, %swap3A_38] : memref<1000x384xf32, #tpu.memory_space<vmem>>, vector<1000x384xf32>
    tpu.vector_store %arg10[%swap3A_37, %swap3A_38], %concatenate3A_36 {strides = array<i32>} : memref<1000x384xf32, #tpu.memory_space<vmem>>, vector<1000x384xf32>,
    return
  }
  func.func @transform_0(%arg0: i32) -> (i32, i32) {
    %c0_i32 = arith.constant 0 : i32
    %c0_i32_0 = arith.constant 0 : i32
    return %arg0, %c0_i32 : i32, i32
  }
  func.func @transform_1(%arg0: i32) -> (i32, i32) {
    %c0_i32 = arith.constant 0 : i32
    %c0_i32_0 = arith.constant 0 : i32
    return %arg0, %c0_i32 : i32, i32
  }
  func.func @transform_2(%arg0: i32) -> (i32, i32) {
    %c0_i32 = arith.constant 0 : i32
    %c0_i32_0 = arith.constant 0 : i32
    %c0_i32_1 = arith.constant 0 : i32
    return %c0_i32, %c0_i32_0 : i32, i32
  }
  func.func @transform_3(%arg0: i32) -> (i32, i32) {
    %c0_i32 = arith.constant 0 : i32
    %c0_i32_0 = arith.constant 0 : i32
    %c0_i32_1 = arith.constant 0 : i32
    return %c0_i32, %c0_i32_0 : i32, i32
  }
  func.func @transform_4(%arg0: i32) -> (i32, i32) {
    %c0_i32 = arith.constant 0 : i32
    %c0_i32_0 = arith.constant 0 : i32
    %c0_i32_1 = arith.constant 0 : i32
    return %c0_i32, %c0_i32_0 : i32, i32
  }
  func.func @transform_5(%arg0: i32) -> (i32, i32) {
    %c0_i32 = arith.constant 0 : i32
    %c0_i32_0 = arith.constant 0 : i32
    %c0_i32_1 = arith.constant 0 : i32
    return %c0_i32, %c0_i32_0 : i32, i32
  }
  func.func @transform_6(%arg0: i32) -> (i32, i32) {
    %c0_i32 = arith.constant 0 : i32
    %c0_i32_0 = arith.constant 0 : i32
    %c0_i32_1 = arith.constant 0 : i32
    return %c0_i32, %c0_i32_0 : i32, i32
  }
  func.func @transform_7(%arg0: i32) -> (i32, i32) {
    %c0_i32 = arith.constant 0 : i32
    %c0_i32_0 = arith.constant 0 : i32
    %c0_i32_1 = arith.constant 0 : i32
    return %c0_i32, %c0_i32_0 : i32, i32
  }
  func.func @transform_8(%arg0: i32) -> (i32, i32) {
    %c0_i32 = arith.constant 0 : i32
    %c0_i32_0 = arith.constant 0 : i32
    return %arg0, %c0_i32 : i32, i32
  }
  func.func @transform_9(%arg0: i32) -> (i32, i32) {
    %c0_i32 = arith.constant 0 : i32
    %c0_i32_0 = arith.constant 0 : i32
    return %arg0, %c0_i32 : i32, i32
  }
}

module attributes {stable_mosaic.version = 14 : i64} {
  func.func @_post_body(%arg0: memref<2x10112x128xf32, #tpu.memory_space<vmem>>, %arg1: memref<32x128xf32, #tpu.memory_space<vmem>>, %arg2: memref<128x128xf32, #tpu.memory_space<vmem>>, %arg3: memref<1x128xf32, #tpu.memory_space<vmem>>, %arg4: memref<10000x128xf32, #tpu.memory_space<vmem>>) attributes {dimension_semantics = [], scalar_prefetch = 0 : i64, scratch_operands = 0 : i64, tpu.core_type = #tpu.core_type<tc>} {
    %get3A = arith.constant 0 : index
    %get3A_0 = arith.constant 0 : index
    %get3A_1 = vector.load %arg1[%get3A, %get3A_0] : memref<32x128xf32, #tpu.memory_space<vmem>>, vector<32x128xf32>
    %reduce_sum3A = arith.constant dense<0.000000e+00> : vector<128xf32>
    %reduce_sum3A_2 = vector.multi_reduction <add>, %get3A_1, %reduce_sum3A [0] : vector<32x128xf32> to vector<128xf32>
    %iota3A = tpu.iota {dimensions = array<i32: 1>} : vector<1x128xi32>
    %iota3A_3 = vector.shape_cast %iota3A : vector<1x128xi32> to vector<128xi32>
    %lt3A = arith.constant 8 : i32
    %lt3A_4 = vector.broadcast %lt3A : i32 to vector<128xi32>
    %lt3A_5 = arith.cmpi slt, %iota3A_3, %lt3A_4 : vector<128xi32>
    %max3A = arith.constant 1.000000e-30 : f32
    %max3A_6 = vector.broadcast %max3A : f32 to vector<128xf32>
    %max3A_7 = arith.maximumf %reduce_sum3A_2, %max3A_6 : vector<128xf32>
    %div3A = arith.constant 1.000000e+00 : f32
    %div3A_8 = vector.broadcast %div3A : f32 to vector<128xf32>
    %div3A_9 = arith.divf %div3A_8, %max3A_7 : vector<128xf32>
    %jit3A = arith.constant 0.000000e+00 : f32
    %broadcast_in_dim3A = vector.broadcast %jit3A : f32 to vector<128xf32>
    %select_n3A = arith.select %lt3A_5, %div3A_9, %broadcast_in_dim3A : vector<128xi1>, vector<128xf32>
    %iota3A_10 = tpu.iota {dimensions = array<i32: 0>} : vector<128x128xi32>
    %iota3A_11 = tpu.iota {dimensions = array<i32: 1>} : vector<128x128xi32>
    %jit3A_12 = arith.constant 16 : i32
    %div3A_13 = vector.broadcast %jit3A_12 : i32 to vector<128x128xi32>
    %div3A_14 = arith.divsi %iota3A_11, %div3A_13 : vector<128x128xi32>
    %sign3A = arith.constant 0 : i32
    %sign3A_15 = vector.broadcast %sign3A : i32 to vector<128x128xi32>
    %sign3A_16 = arith.cmpi sgt, %iota3A_11, %sign3A_15 : vector<128x128xi32>
    %sign3A_17 = arith.extui %sign3A_16 : vector<128x128xi1> to vector<128x128xi32>
    %sign3A_18 = arith.constant 0 : i32
    %sign3A_19 = vector.broadcast %sign3A_18 : i32 to vector<128x128xi32>
    %sign3A_20 = arith.cmpi slt, %iota3A_11, %sign3A_19 : vector<128x128xi32>
    %sign3A_21 = arith.extui %sign3A_20 : vector<128x128xi1> to vector<128x128xi32>
    %sign3A_22 = arith.subi %sign3A_17, %sign3A_21 : vector<128x128xi32>
    %sign3A_23 = arith.constant 0 : i32
    %sign3A_24 = arith.cmpi sgt, %jit3A_12, %sign3A_23 : i32
    %sign3A_25 = arith.extui %sign3A_24 : i1 to i32
    %sign3A_26 = arith.constant 0 : i32
    %sign3A_27 = arith.cmpi slt, %jit3A_12, %sign3A_26 : i32
    %sign3A_28 = arith.extui %sign3A_27 : i1 to i32
    %sign3A_29 = arith.subi %sign3A_25, %sign3A_28 : i32
    %ne3A = vector.broadcast %sign3A_29 : i32 to vector<128x128xi32>
    %ne3A_30 = arith.cmpi ne, %sign3A_22, %ne3A : vector<128x128xi32>
    %rem3A = vector.broadcast %jit3A_12 : i32 to vector<128x128xi32>
    %rem3A_31 = arith.remsi %iota3A_11, %rem3A : vector<128x128xi32>
    %ne3A_32 = arith.constant 0 : i32
    %ne3A_33 = vector.broadcast %ne3A_32 : i32 to vector<128x128xi32>
    %ne3A_34 = arith.cmpi ne, %rem3A_31, %ne3A_33 : vector<128x128xi32>
    %and3A = arith.andi %ne3A_30, %ne3A_34 : vector<128x128xi1>
    %sub3A = arith.constant 1 : i32
    %sub3A_35 = vector.broadcast %sub3A : i32 to vector<128x128xi32>
    %sub3A_36 = arith.subi %div3A_14, %sub3A_35 : vector<128x128xi32>
    %select_n3A_37 = arith.select %and3A, %sub3A_36, %div3A_14 : vector<128x128xi1>, vector<128x128xi32>
    %eq3A = arith.cmpi eq, %iota3A_10, %select_n3A_37 : vector<128x128xi32>
    %convert_element_type3A = arith.extui %eq3A : vector<128x128xi1> to vector<128x128xi32>
    %convert_element_type3A_38 = arith.sitofp %convert_element_type3A : vector<128x128xi32> to vector<128x128xf32>
    %reshape3A = vector.shape_cast %select_n3A : vector<128xf32> to vector<1x128xf32>
    %dot_general3A = arith.constant dense<0.000000e+00> : vector<1x128xf32>
    %dot_general3A_39 = tpu.matmul %reshape3A, %convert_element_type3A_38, %dot_general3A {dimension_numbers = #tpu.dot_dimension_numbers<[1], [0], [0], [1], [0, 0, 1, 1], [], []>, precision = #tpu.contract_precision<fp32>, transpose_lhs_hint = false} : vector<1x128xf32>, vector<128x128xf32>, vector<1x128xf32> -> vector<1x128xf32>
    %get3A_40 = arith.constant 0 : index
    %get3A_41 = arith.constant 0 : index
    %get3A_42 = arith.constant 0 : index
    %get3A_43 = vector.load %arg0[%get3A_40, %get3A_41, %get3A_42] : memref<2x10112x128xf32, #tpu.memory_space<vmem>>, vector<1x10000x128xf32>
    %get3A_44 = vector.shape_cast %get3A_43 : vector<1x10000x128xf32> to vector<10000x128xf32>
    %get3A_45 = arith.constant 1 : index
    %get3A_46 = arith.constant 0 : index
    %get3A_47 = arith.constant 0 : index
    %get3A_48 = vector.load %arg0[%get3A_45, %get3A_46, %get3A_47] : memref<2x10112x128xf32, #tpu.memory_space<vmem>>, vector<1x10000x128xf32>
    %get3A_49 = vector.shape_cast %get3A_48 : vector<1x10000x128xf32> to vector<10000x128xf32>
    %add3A = arith.addf %get3A_44, %get3A_49 : vector<10000x128xf32>
    %mul3A = vector.broadcast %dot_general3A_39 : vector<1x128xf32> to vector<10000x128xf32>
    %mul3A_50 = arith.mulf %add3A, %mul3A : vector<10000x128xf32>
    %get3A_51 = arith.constant 0 : index
    %get3A_52 = arith.constant 0 : index
    %get3A_53 = vector.load %arg2[%get3A_51, %get3A_52] : memref<128x128xf32, #tpu.memory_space<vmem>>, vector<128x128xf32>
    %dot_general3A_54 = arith.constant dense<0.000000e+00> : vector<10000x128xf32>
    %dot_general3A_55 = tpu.matmul %mul3A_50, %get3A_53, %dot_general3A_54 {dimension_numbers = #tpu.dot_dimension_numbers<[1], [0], [0], [1], [0, 0, 1, 1], [], []>, precision = #tpu.contract_precision<fp32>, transpose_lhs_hint = false} : vector<10000x128xf32>, vector<128x128xf32>, vector<10000x128xf32> -> vector<10000x128xf32>
    %get3A_56 = arith.constant 0 : index
    %get3A_57 = arith.constant 0 : index
    %get3A_58 = vector.load %arg3[%get3A_56, %get3A_57] : memref<1x128xf32, #tpu.memory_space<vmem>>, vector<1x128xf32>
    %add3A_59 = vector.broadcast %get3A_58 : vector<1x128xf32> to vector<10000x128xf32>
    %add3A_60 = arith.addf %dot_general3A_55, %add3A_59 : vector<10000x128xf32>
    %swap3A = arith.constant 0 : index
    %swap3A_61 = arith.constant 0 : index
    %swap3A_62 = vector.load %arg4[%swap3A, %swap3A_61] : memref<10000x128xf32, #tpu.memory_space<vmem>>, vector<10000x128xf32>
    tpu.vector_store %arg4[%swap3A, %swap3A_61], %add3A_60 {strides = array<i32>} : memref<10000x128xf32, #tpu.memory_space<vmem>>, vector<10000x128xf32>,
    return
  }
}

</mosaic_0001>

<sc_bundles>
// kernel: kernel.5.cloned.1.call-start
scs
__scs_entry_jumppad:
0x0: {  	(pc) =	sbr.rel $0x88, $3  }
0x1: {  	(tag) =	ssettag $0x0;
	lr =	simm.s32 $0x1  }
0x2: {  	[smem:$0x3F94] =	sst lr;
	_ =	strace $0xD0000000  }
0x3: {  	_ = 	snop  }
0x4: {  	_ = 	snop  }
0x5: {  	_ = 	snop  }
0x6: {  	_ = 	snop  }
0x7: {  	_ = 	snop  }
__scs_overlays_trampoline_lowered:
0x8: {  	[smem:$0x3FA3] =	sst s0  }
0x9: {  	[smem:$0x3FA4] =	sst s1  }
0xa: {  	[smem:$0x3FA5] =	sst s2  }
0xb: {  	[smem:$0x3FA6] =	sst s3  }
0xc: {  	[smem:$0x3FA7] =	sst s4  }
0xd: {  	[smem:$0x3FA8] =	sst s5  }
0xe: {  	[smem:$0x3FA9] =	sst s6  }
0xf: {  	[smem:$0x3FAA] =	sst s7  }
0x10: {  	[smem:$0x3FAB] =	sst s8  }
0x11: {  	[smem:$0x3FAC] =	sst s9;
	s0 =	simm.s32 @!p0 $0x0  }
0x12: {  	s1 =	sld [smem:$0x3F92];
	s0 =	simm.s32 @p0 $0x1  }
0x13: {  	[smem:$0x3FAD] =	sst s0;
	s0 =	simm.s32 @!p1 $0x0  }
0x14: {  	s2 =	sld [smem:$0x3F91];
	s0 =	simm.s32 @p1 $0x1  }
0x15: {  	[smem:$0x3FAE] =	sst s0;
	s0 =	simm.s32 @!p2 $0x0  }
0x16: {  	s3 =	sld [smem:$0x3FDB];
	s0 =	simm.s32 @p2 $0x1  }
0x17: {  	s4 =	simm.s32 $0x1BF5;
	[smem:$0x3FB0] =	sst s0  }
0x18: {  	s0 =	sld [smem:$0x3F93];
	_ =	swait.ge [sflag:s4], $0x0  }
0x19: {  	s7 =	sld [smem:$0x3F94]  }
0x1a: {  	s8 =	sadd.s32 $0xFFFFE003, lr  }
0x1b: {  	s9 =	sadd.s32 $0xFFFFFEF7, lr;
	s5 =	simm.s32 $0xFFFFFFFF;
	p2 =	slt.u32 s8, $0xFFFFF086  }
0x1c: {  	p1 =	slt.u32 s9, $0xF7A;
	s5 =	simm.s32 @!p2 $0x0  }
0x1d: {  	s5 =	simm.s32 @p1 $0x1;
	p0 =	seq.s32 s7, s2  }
0x1e: {  	s7 =	smul.u32 @!p0 $0xF7A, s2;
	p2 =	seq.s32 @!p0 s5, $0x0  }
0x1f: {  	s9 =	smul.u32 $0xF7A, s1;
	s8 =	simm.s32 @!p0 $0x1BF5;
	p2 =	por !p2, p0  }
0x20: {  	[sflag:s8] =	ssyncset.s32 @!p0 $0xFFFFF086;
	s6 =	sadd.s32 @!p0 s3, s7;
	s7 =	simm.s32 @!p0 $0x108  }
0x21: {  	s3 =	sadd.s32 s3, s9;
	s6 =	sadd.s32 @!p0 $0x88, s6;
	s7 =	simm.s32 @p2 $0x1082  }
0x22: {  	[simem:s7], [sflag:s8] =	dma.local @!p0 [hbm:s6], $0xF7A  }
0x23: {  	s9 =	sor.u32 $0xD0000000, s2;
	s6 =	simm.s32 $0x108;
	_ =	swait.ge @!p0 [sflag:s8], $0x0  }
0x24: {  	s3 =	sadd.s32 $0x88, s3;
	s6 =	simm.s32 @!p1 $0x1082;
	[sflag:s4] =	ssyncset.s32 $0xFFFFF086  }
0x25: {  	[simem:s6], [sflag:s4] =	dma.local [hbm:s3], $0xF7A  }
0x26: {  	[smem:$0x3F94] =	sst s1;
	(tag) =	ssettag s2;
	_ =	strace s9  }
0x27: {  	s1 =	sld [smem:$0x3FA4]  }
0x28: {  	s2 =	sld [smem:$0x3FA5]  }
0x29: {  	s4 =	sld [smem:$0x3FA7]  }
0x2a: {  	p0 =	seq.s32 s5, $0x0;
	s5 =	sld [smem:$0x3FA8]  }
0x2b: {  	s6 =	sld [smem:$0x3FA9]  }
0x2c: {  	s7 =	sld [smem:$0x3FAA]  }
0x2d: {  	s3 =	simm.s32 $0x108;
	s8 =	sld [smem:$0x3FAB]  }
0x2e: {  	s3 =	simm.s32 @!p0 $0x1082;
	s9 =	sld [smem:$0x3FAC]  }
0x2f: {  	lr =	sadd.s32 s0, s3;
	s0 =	sld [smem:$0x3FA3]  }
0x30: {  	s3 =	sld [smem:$0x3FA6]  }
0x31: {  	[smem:$0x3FAF] =	sst s10  }
0x32: {  	s10 =	sld [smem:$0x3FAD];
	_ =	sdelay $0x3  }
0x33: {  	p0 =	seq.s32 s10, $0x1;
	s10 =	sld [smem:$0x3FAF];
	_ =	sdelay $0x3  }
0x34: {  	[smem:$0x3FAF] =	sst s10  }
0x35: {  	s10 =	sld [smem:$0x3FAE];
	_ =	sdelay $0x3  }
0x36: {  	p1 =	seq.s32 s10, $0x1;
	s10 =	sld [smem:$0x3FAF];
	_ =	sdelay $0x3  }
0x37: {  	[smem:$0x3FAF] =	sst s10  }
0x38: {  	s10 =	sld [smem:$0x3FB0]  }
0x39: {  	_ = 	snop;
	(pc) =	sbr.ind lr, $3  }
0x3a: {  	_ = 	snop  }
0x3b: {  	_ = 	snop  }
0x3c: {  	p2 =	seq.s32 s10, $0x1;
	s10 =	sld [smem:$0x3FAF]  }
0x3d: {  	_ =	shalt  }
0x3e: {  	_ =	shalt  }
0x3f: {  	_ =	shalt  }
0x40: {  	_ =	shalt  }
0x41: {  	_ =	shalt  }
0x42: {  	_ =	shalt  }
0x43: {  	_ =	shalt  }
0x44: {  	_ =	shalt  }
0x45: {  	_ =	shalt  }
0x46: {  	_ =	shalt  }
0x47: {  	_ =	shalt  }
0x48: {  	_ =	shalt  }
0x49: {  	_ =	shalt  }
0x4a: {  	_ =	shalt  }
0x4b: {  	_ =	shalt  }
0x4c: {  	_ =	shalt  }
0x4d: {  	_ =	shalt  }
0x4e: {  	_ =	shalt  }
0x4f: {  	_ =	shalt  }
0x50: {  	_ =	shalt  }
0x51: {  	_ =	shalt  }
0x52: {  	_ =	shalt  }
0x53: {  	_ =	shalt  }
0x54: {  	_ =	shalt  }
0x55: {  	_ =	shalt  }
0x56: {  	_ =	shalt  }
0x57: {  	_ =	shalt  }
0x58: {  	_ =	shalt  }
0x59: {  	_ =	shalt  }
0x5a: {  	_ =	shalt  }
0x5b: {  	_ =	shalt  }
0x5c: {  	_ =	shalt  }
0x5d: {  	_ =	shalt  }
0x5e: {  	_ =	shalt  }
0x5f: {  	_ =	shalt  }
0x60: {  	_ =	shalt  }
0x61: {  	_ =	shalt  }
0x62: {  	_ =	shalt  }
0x63: {  	_ =	shalt  }
0x64: {  	_ =	shalt  }
0x65: {  	_ =	shalt  }
0x66: {  	_ =	shalt  }
0x67: {  	_ =	shalt  }
0x68: {  	_ =	shalt  }
0x69: {  	_ =	shalt  }
0x6a: {  	_ =	shalt  }
0x6b: {  	_ =	shalt  }
0x6c: {  	_ =	shalt  }
0x6d: {  	_ =	shalt  }
0x6e: {  	_ =	shalt  }
0x6f: {  	_ =	shalt  }
0x70: {  	_ =	shalt  }
0x71: {  	_ =	shalt  }
0x72: {  	_ =	shalt  }
0x73: {  	_ =	shalt  }
0x74: {  	_ =	shalt  }
0x75: {  	_ =	shalt  }
0x76: {  	_ =	shalt  }
0x77: {  	_ =	shalt  }
0x78: {  	_ =	shalt  }
0x79: {  	_ =	shalt  }
0x7a: {  	_ =	shalt  }
0x7b: {  	_ =	shalt  }
0x7c: {  	_ =	shalt  }
0x7d: {  	_ =	shalt  }
0x7e: {  	_ =	shalt  }
0x7f: {  	_ =	shalt  }
0x80: {  	_ =	shalt  }
0x81: {  	_ =	shalt  }
0x82: {  	_ =	shalt  }
0x83: {  	_ =	shalt  }
0x84: {  	_ =	shalt  }
0x85: {  	_ =	shalt  }
0x86: {  	_ =	shalt  }
0x87: {  	_ =	shalt  }
.Lfunc_end0:
.L_simem_size_0:
called_computation_lowered:
.L_overlay_start_0:
0x88: {  	s2 =	sld [smem:$0x3FD9]  }
0x89: {  	s3 =	sld [smem:$0x3FFE];
	_ =	sdelay $0x1  }
0x8a: {  	s1 =	srdreg.scid  }
0x8b: {  	s0 =	sand.u32 $0x1, s1  }
0x8c: {  	s17 =	sshll.u32 s0, $0xA;
	s2 =	sadd.s32 s3, s2  }
0x8d: {  	s2 =	sadd.s32 s2, s17  }
0x8e: {  	[smem:$0x3FBB] =	sst s2  }
0x8f: {  	_ = 	snop  }
0x90: {  	s2 =	sld [smem:$0x3FD0];
	(tm) =	ssettm $0x1  }
0x91: {  	s18 =	sld [smem:$0x3FFB];
	_ =	sdelay $0x3  }
0x92: {  	_ =	strace s18  }
0x93: {  	s3 =	sld [smem:$0x3FFC];
	_ =	sdelay $0x3  }
0x94: {  	_ =	strace s3  }
0x95: {  	s3 =	sld [smem:$0x3FFD];
	_ =	sdelay $0x3  }
0x96: {  	_ =	strace s3  }
0x97: {  	_ =	strace $0x8FFFFFFF  }
0x98: {  	s19 =	sld [smem:$0x3FDB];
	_ =	sdelay $0x1  }
0x99: {  	s4 =	simm.s32 $_scs_section_size  }
0x9a: {  	s5 =	simm.s32 $_size__tile_overlayer_lowered;
	s6 =	simm.s32 $_tile_overlayer_lowered  }
0x9b: {  	s22 =	simm.s32 $0x1BFF;
	s21 =	sshll.u32 s6, $0x1;
	s3 =	sadd.s32 s4, s19  }
0x9c: {  	s7 =	simm.s32 $0x0;
	s20 =	sshll.u32 s5, $0x1;
	s5 =	sadd.s32 s21, s3  }
0x9d: {  	[timem:s7], [sflag:s22] =	dma.local [hbm:s5], s20  }
0x9e: {  	_ =	swait.ge [sflag:s22], s20  }
0x9f: {  	s4 =	ssub.s32 $0x0, s20;
	[sflag:s22] =	ssyncset.done $0x0  }
0xa0: {  	[sflag:s22] =	ssyncadd.s32 s4;
	_ =	sdelay $0x1  }
0xa1: {  	s23 =	simm.s32 $0x1B8B  }
0xa2: {  	_ =	swait.ge [sflag:s23], $0x1  }
0xa3: {  	[sflag:s23] =	ssyncset.done $0x0  }
0xa4: {  	s25 =	simm.s32 $0x1B8E;
	s24 =	sld [smem:$0x3FFE];
	[sflag:s23] =	ssyncadd.s32 $0xFFFFFFFF  }
0xa5: {  	s26 =	simm.s32 $execute0_lowered;
	[smem:$0x3FD2] =	sst s25  }
0xa6: {  	s5 =	sshll.u32 s26, $0x1;
	_ =	strace $0x80000046;
	[dreg:$0x1] =	wrdreg $0xFFFFFFFF  }
0xa7: {  	s28 =	simm.s32 $_size_execute0_lowered;
	s3 =	sadd.s32 s3, s5;
	[dreg:$0x0] =	wrdreg $0x0  }
0xa8: {  	s5 =	sshll.u32 s28, $0x1;
	[dreg:$0x2] =	wrdreg s3  }
0xa9: {  	[dreg:$0x3] =	wrdreg s5  }
0xaa: {  	[dreg:$0x4] =	wrdreg $0xC0  }
0xab: {  	_ =	task [dreg:s7], $0x5FFFF  }
0xac: {  	[dreg:$0x1] =	wrdreg $0xFFFFFFFF  }
0xad: {  	[dreg:$0x0] =	wrdreg $0x60  }
0xae: {  	[dreg:$0x2] =	wrdreg s24  }
0xaf: {  	[dreg:$0x3] =	wrdreg s2  }
0xb0: {  	[dreg:$0x4] =	wrdreg $0xAEE00  }
0xb1: {  	[dreg:$0x5] =	wrdreg $0x9  }
0xb2: {  	_ =	task.clear_ibuf [dreg:s7], $0x6FFFF;
	_ =	strace $0x90000046  }
0xb3: {  	s29 =	simm.s32 $0x9;
	_ =	strace $0x80000048  }
0xb4: {  	_ =	swait.ge [sflag:s29], $0x1  }
0xb5: {  	[sflag:s29] =	ssyncadd.s32 $0xFFFFFFFF  }
0xb6: {  	_ =	strace $0x90000048  }
0xb7: {  	_ =	sfence  }
0xb8: {  	s30 =	sld [smem:$0x0];
	_ =	sdelay $0x2  }
0xb9: {  	s31 =	sshll.u32 s1, $0xD;
	s1 =	sshrl.u32 s1, $0x2  }
0xba: {  	s3 =	sand.u32 $0x4000, s31;
	s1 =	sadd.s32 s1, s30  }
0xbb: {  	s0 =	sor.u32 s3, s0;
	s1 =	sshll.u32 s1, $0x11  }
0xbc: {  	s0 =	sor.u32 s1, s0  }
0xbd: {  	s0 =	sadd.s32 $0x8F2B, s0  }
0xbe: {  	[sflag:s0] =	ssyncadd.remote.s32 $0x1  }
0xbf: {  	_ =	sfence.sel $0xFFFF  }
0xc0: {  	[dreg:$0x0] =	wrdreg $0xFFFFFFFF;
	(pc) =	sbr.abs _section_cstart, $3  }
0xc1: {  	[dreg:$0x1] =	wrdreg $0xFFFFFFFF  }
0xc2: {  	_ =	task.clear_ibuf [dreg:s7], $0x2FFFF;
	_ =	strace $0x9FFFFFFF  }
0xc3: {  	(tm) =	ssettm $0x7FFFFFFF  }
tec
execute0_lowered:
.L_overlay_start_1:
0x0: {  	(tag) =	ssettag $0x1  }
0x1: {  	s2 =	rddreg [dreg:$0x0];
	s0 =	srdreg.scid  }
0x2: {  	s1 =	simm.s32 $0x0;
	s3 =	stileid.u32;
	s10 =	sand.u32 $0x1, s0  }
0x3: {  	s20 =	sshll.u32 s3, $0x1;
	s3 =	smul.u32 $0x13C00, s3;
	[smem:$0x7FF] =	sst s1  }
0x4: {  	s14 =	sadd.s32 $0xECC00, s2;
	s4 =	ssub.s32 $0x2, s10;
	s13 =	sor.u32 s10, s20  }
0x5: {  	s15 =	smul.u32 $0x13C000, s10;
	s21 =	sshrl.u32 s4, $0x1;
	s5 =	sadd.s32 $0x2000, s3  }
0x6: {  	s6 =	sadd.s32 $0x3000, s3;
	s7 =	sadd.s32 $0x4000, s3;
	s8 =	sadd.s32 $0x5000, s3  }
0x7: {  	s9 =	sadd.s32 $0x6000, s3;
	s10 =	sadd.s32 $0x7000, s3;
	s11 =	sadd.s32 $0x8000, s3  }
0x8: {  	s12 =	sadd.s32 $0x9000, s3;
	s28 =	sadd.s32 $0x12000, s3;
	s0 =	ssub.s32 s4, s21  }
0x9: {  	s4 =	sadd.s32 $0x1000, s3;
	s16 =	sadd.s32 s3, s15;
	s18 =	sadd.s32 s15, s5  }
0xa: {  	s24 =	sadd.s32 s15, s6;
	s25 =	sadd.s32 s15, s7;
	s26 =	sadd.s32 s15, s8  }
0xb: {  	s21 =	sadd.s32 s15, s9;
	s17 =	sadd.s32 s15, s4;
	s16 =	sshrl.u32 s16, $0x3  }
0xc: {  	s18 =	sshrl.u32 s18, $0x3;
	s17 =	sshrl.u32 s17, $0x3;
	s16 =	sadd.s32 s14, s16  }
0xd: {  	s23 =	sadd.s32 s14, s18;
	s18 =	sshrl.u32 s26, $0x3;
	[dreg:$0x4] =	wrdreg s16  }
0xe: {  	s26 =	sadd.s32 s15, s12;
	s22 =	sadd.s32 s14, s17;
	[dreg:$0x6] =	wrdreg s23  }
0xf: {  	s16 =	sshrl.u32 s24, $0x3;
	s20 =	sadd.s32 s14, s18;
	[dreg:$0x5] =	wrdreg s22  }
0x10: {  	s17 =	sshrl.u32 s25, $0x3;
	s16 =	sadd.s32 s14, s16;
	[dreg:$0x9] =	wrdreg s20  }
0x11: {  	s23 =	sadd.s32 s15, s11;
	s19 =	sadd.s32 s14, s17;
	[dreg:$0x7] =	wrdreg s16  }
0x12: {  	s22 =	sadd.s32 s15, s10;
	s18 =	sshrl.u32 s23, $0x3;
	[dreg:$0x8] =	wrdreg s19  }
0x13: {  	s16 =	sshrl.u32 s21, $0x3;
	s17 =	sshrl.u32 s22, $0x3;
	s25 =	sadd.s32 s14, s18  }
0x14: {  	s18 =	sshrl.u32 s26, $0x3;
	s16 =	sadd.s32 s14, s16;
	s24 =	sadd.s32 s14, s17  }
0x15: {  	[dreg:$0xc] =	wrdreg s25;
	s17 =	sadd.s32 $0xB000, s3;
	s18 =	sadd.s32 s14, s18  }
0x16: {  	[dreg:$0xa] =	wrdreg s16;
	s16 =	sadd.s32 $0xA000, s3;
	s20 =	sadd.s32 s15, s17  }
0x17: {  	[dreg:$0xb] =	wrdreg s24;
	s19 =	sadd.s32 s15, s16;
	s20 =	sshrl.u32 s20, $0x3  }
0x18: {  	[dreg:$0xd] =	wrdreg s18;
	s19 =	sshrl.u32 s19, $0x3;
	s21 =	sadd.s32 s14, s20  }
0x19: {  	s20 =	sadd.s32 $0xE000, s3;
	s18 =	sadd.s32 s14, s19;
	[dreg:$0xf] =	wrdreg s21  }
0x1a: {  	s19 =	sadd.s32 $0xD000, s3;
	[dreg:$0xe] =	wrdreg s18;
	s18 =	sadd.s32 $0xC000, s3  }
0x1b: {  	s23 =	sadd.s32 s15, s20;
	s22 =	sadd.s32 s15, s19;
	s21 =	sadd.s32 s15, s18  }
0x1c: {  	s24 =	sshrl.u32 s23, $0x3;
	s23 =	sadd.s32 $0x10000, s3;
	s21 =	sshrl.u32 s21, $0x3  }
0x1d: {  	s22 =	sshrl.u32 s22, $0x3;
	s25 =	sadd.s32 s14, s24;
	s21 =	sadd.s32 s14, s21  }
0x1e: {  	[dreg:$0x10] =	wrdreg s21;
	s21 =	sadd.s32 s14, s22;
	s22 =	sadd.s32 $0xF000, s3  }
0x1f: {  	s24 =	sadd.s32 $0x11000, s3;
	[dreg:$0x12] =	wrdreg s25;
	s26 =	sadd.s32 s15, s22  }
0x20: {  	s25 =	sadd.s32 s15, s23;
	[dreg:$0x11] =	wrdreg s21;
	s21 =	sshrl.u32 s26, $0x3  }
0x21: {  	s25 =	sshrl.u32 s25, $0x3;
	s26 =	sadd.s32 s15, s24;
	s21 =	sadd.s32 s14, s21  }
0x22: {  	s26 =	sshrl.u32 s26, $0x3;
	[dreg:$0x13] =	wrdreg s21;
	s21 =	sadd.s32 s14, s25  }
0x23: {  	s29 =	sadd.s32 $0x13000, s3;
	s25 =	sadd.s32 s14, s26;
	[dreg:$0x14] =	wrdreg s21  }
0x24: {  	s30 =	smul.u32 $0x4E2, s13;
	s26 =	sadd.s32 s15, s28;
	[dreg:$0x15] =	wrdreg s25  }
0x25: {  	s15 =	sadd.s32 s15, s29;
	s25 =	rddreg [dreg:$0x1];
	s26 =	sshrl.u32 s26, $0x3  }
0x26: {  	s21 =	rddreg [dreg:$0x2];
	s15 =	sshrl.u32 s15, $0x3;
	s26 =	sadd.s32 s14, s26  }
0x27: {  	s14 =	sadd.s32 s14, s15;
	[dreg:$0x16] =	wrdreg s26  }
0x28: {  	[dreg:$0x17] =	wrdreg s14;
	s26 =	sadd.s32 s25, s30  }
0x29: {  	s14 =	sadd.s32 $0x5A600, s2;
	_ =	strace $0x80000047;
	[dreg:$0x18] =	wrdreg s26  }
0x2a: {  	s13 =	sshll.u32 s13, $0x4;
	s15 =	sadd.s32 s3, s21;
	[dreg:$0x19] =	wrdreg s14  }
0x2b: {  	s31 =	sadd.s32 s13, s2;
	s3 =	sadd.s32 s4, s21;
	[dreg:$0x1b] =	wrdreg s15  }
0x2c: {  	s0 =	smax.u32 s0, $0x1;
	s4 =	sadd.s32 s12, s21;
	[dreg:$0x1c] =	wrdreg s3  }
0x2d: {  	s5 =	sadd.s32 s5, s21;
	s12 =	sadd.s32 s16, s21;
	[dreg:$0x1e] =	wrdreg s4  }
0x2e: {  	s6 =	sadd.s32 s6, s21;
	s13 =	sadd.s32 s17, s21;
	[dreg:$0x1f] =	wrdreg s12  }
0x2f: {  	s7 =	sadd.s32 s7, s21;
	s16 =	sadd.s32 s20, s21;
	[smem:$0x7F2] =	sst s13  }
0x30: {  	s8 =	sadd.s32 s8, s21;
	s17 =	sadd.s32 s22, s21;
	[smem:$0x7F5] =	sst s16  }
0x31: {  	s9 =	sadd.s32 s9, s21;
	s20 =	sadd.s32 s28, s21;
	[smem:$0x7F6] =	sst s17  }
0x32: {  	s10 =	sadd.s32 s10, s21;
	s22 =	sadd.s32 s29, s21;
	[smem:$0x7F9] =	sst s20  }
0x33: {  	s11 =	sadd.s32 s11, s21;
	s29 =	simm.s32 $0x10;
	[smem:$0x7FA] =	sst s22  }
0x34: {  	v0 =	vimm.f32 $0.0e+00;
	s30 =	sadd.s32 s30, s2;
	s25 =	sadd.s32 $0x2400, s2;
	[smem:$0x7FD] =	sst s0  }
0x35: {  	v1 =	vimm.f32 $-5.000000000e-01;
	vm0 =	vmmov $0x1;
	vm1 =	vcmask $0x320;
	s26 =	sadd.s32 $0x77800, s2;
	s2 =	sadd.s32 $0x5A400, s2;
	[dreg:$0x1d] =	wrdreg s11  }
0x36: {  	vm2 =	vcmask $0x720;
	vm3 =	vcmask $0xB20;
	vm4 =	vcmask $0xF20;
	s28 =	simm.s32 $0x4E20;
	s14 =	sadd.s32 s18, s21;
	[dreg:$0x1a] =	wrdreg s2  }
0x37: {  	vm5 =	vcmask $0x1320;
	vm6 =	vcmask $0x1720;
	vm7 =	vcmask $0x1F00;
	s15 =	sadd.s32 s19, s21;
	s18 =	sadd.s32 s23, s21;
	[smem:$0x7F3] =	sst s14  }
0x38: {  	vm8 =	vcmask $0x704;
	v2 =	vsel vm7, $0x3F800000, v0;
	vm7 =	vcmask $0x300;
	s19 =	sadd.s32 s24, s21;
	s23 =	sadd.s32 $0x50600, s30;
	[smem:$0x7F4] =	sst s15  }
0x39: {  	v4 =	vsel vm8, $0x3F800000, v0;
	v3 =	vsel vm7, $0x3F800000, v0;
	vm7 =	vcmask $0xB08;
	s24 =	sadd.s32 $0x5A800, s31;
	s22 =	simm.s32 $0xAE20;
	[smem:$0x7F7] =	sst s18  }
0x3a: {  	vm8 =	vcmask $0x1310;
	v5 =	vsel vm7, $0x3F800000, v0;
	vm7 =	vcmask $0xF0C;
	s30 =	simm.s32 $0x2;
	s31 =	simm.s32 $0xAE30;
	[smem:$0x7F8] =	sst s19  }
0x3b: {  	v7 =	vsel vm8, $0x3F800000, v0;
	v6 =	vsel vm7, $0x3F800000, v0;
	vm7 =	vcmask $0x1714;
	s20 =	simm.s32 $0xA620;
	s0 =	simm.s32 $0x3;
	[smem:$0x7FB] =	sst s23  }
0x3c: {  	vm8 =	vcmask $0x1F1C;
	v8 =	vsel vm7, $0x3F800000, v0;
	vm7 =	vcmask $0x1B18;
	[smem:$0x7FC] =	sst s24;
	s23 =	simm.s32 $0x5;
	s24 =	simm.s32 $0x9E20  }
0x3d: {  	v10 =	vsel vm8, $0x3F800000, v0;
	v9 =	vsel vm7, $0x3F800000, v0;
	vm7 =	vcmask $0x1B20;
	s18 =	simm.s32 $0x6E20;
	s19 =	simm.s32 $0x1;
	s2 =	simm.s32 $0x0  }
.LBB2_1:
0x3e: {  	s3 =	rddreg [dreg:$0x19];
	s4 =	simm.s32 $0xAEC0  }
0x3f: {  	[tilespmem:s4], [sflag:$0x5] =	stream.linear.gather [hbm4b:s3+s1], $0x10, $0x38;
	[tilespmem:$0x1EAE0] =	vst v63  }
0x40: {  	_ =	swait.ge [sflag:s23], $0x10  }
0x41: {  	[sflag:s23] =	ssyncset.done $0x0  }
0x42: {  	s17 =	simm.s32 $0xAED0;
	s16 =	rddreg [dreg:$0x1a];
	[sflag:s23] =	ssyncadd.s32 $0xFFFFFFF0  }
0x43: {  	[tilespmem:s17], [sflag:$0x5] =	stream.linear.gather [hbm4b:s16+s1], $0x10, $0x38;
	[tilespmem:$0x1EAE0] =	vst v63  }
0x44: {  	_ =	swait.ge [sflag:s23], $0x10  }
0x45: {  	[sflag:s23] =	ssyncset.done $0x0  }
0x46: {  	[sflag:s23] =	ssyncadd.s32 $0xFFFFFFF0  }
0x47: {  	[tilespmem:$0xAE40] =	vst v0  }
0x48: {  	[tilespmem:$0xAE50] =	vst v0  }
0x49: {  	[tilespmem:$0xAE60] =	vst v0  }
0x4a: {  	[tilespmem:$0xAE70] =	vst v0  }
0x4b: {  	[tilespmem:$0xAE80] =	vst v0  }
0x4c: {  	[tilespmem:$0xAE90] =	vst v0  }
0x4d: {  	v11 =	vld [tilespmem:$0xAEC0];
	[tilespmem:$0xAEA0] =	vst v0  }
0x4e: {  	s3 =	simm.s32 $0x0;
	s4 =	simm.s32 $0x200;
	v12 =	vld [tilespmem:$0xAED0];
	[tilespmem:$0xAEB0] =	vst v0  }
.LBB2_2:
0x4f: {  	p0 =	sne.s32 s4, $0x3E00;
	[tilespmem:s3+$0x9E90] =	vst v0  }
0x50: {  	[tilespmem:s3+$0x9E20] =	vst v0  }
0x51: {  	[tilespmem:s3+$0x9E30] =	vst v0  }
.Ltmp0:
0x52: {  	[tilespmem:s3+$0x9E40] =	vst v0;
	(pc) =	sbr.rel @p0 .LBB2_2-.Ltmp0, $4  }
0x53: {  	[tilespmem:s3+$0x9E50] =	vst v0  }
0x54: {  	[tilespmem:s3+$0x9E60] =	vst v0  }
0x55: {  	[tilespmem:s3+$0x9E70] =	vst v0  }
0x56: {  	[tilespmem:s3+$0x9E80] =	vst v0;
	s3 =	sshra.s32 s4, $0x2;
	s4 =	sadd.s32 $0x200, s4  }
0x57: {  	[tilespmem:s3+$0x9E90] =	vst v0  }
0x58: {  	[tilespmem:s3+$0x9E20] =	vst v0  }
0x59: {  	[tilespmem:s3+$0x9E30] =	vst v0  }
0x5a: {  	[tilespmem:s3+$0x9E40] =	vst v0  }
0x5b: {  	[tilespmem:s3+$0x9E50] =	vst v0  }
0x5c: {  	[tilespmem:s3+$0x9E60] =	vst v0  }
0x5d: {  	[tilespmem:s3+$0x9E70] =	vst v0  }
0x5e: {  	[tilespmem:s3+$0x9E80] =	vst v0;
	s17 =	rddreg [dreg:$0x1b]  }
0x5f: {  	[spmem:s17] =	stream.linear.scatter [tilespmem:s24], [sflag:$0x5], $0x1000, $0x38;
	[tilespmem:$0x1EAE0] =	vst v63  }
0x60: {  	_ =	swait.ge [sflag:s23], $0x1000  }
0x61: {  	[sflag:s23] =	ssyncset.done $0x0  }
0x62: {  	s4 =	rddreg [dreg:$0x1c];
	[sflag:s23] =	ssyncadd.s32 $0xFFFFF000  }
0x63: {  	[spmem:s4] =	stream.linear.scatter [tilespmem:s24], [sflag:$0x5], $0x1000, $0x38;
	[tilespmem:$0x1EAE0] =	vst v63  }
0x64: {  	_ =	swait.ge [sflag:s23], $0x1000  }
0x65: {  	[sflag:s23] =	ssyncset.done $0x0  }
0x66: {  	[sflag:s23] =	ssyncadd.s32 $0xFFFFF000  }
0x67: {  	[spmem:s5] =	stream.linear.scatter [tilespmem:s24], [sflag:$0x5], $0x1000, $0x38;
	[tilespmem:$0x1EAE0] =	vst v63  }
0x68: {  	_ =	swait.ge [sflag:s23], $0x1000  }
0x69: {  	[sflag:s23] =	ssyncset.done $0x0  }
0x6a: {  	[sflag:s23] =	ssyncadd.s32 $0xFFFFF000  }
0x6b: {  	[spmem:s6] =	stream.linear.scatter [tilespmem:s24], [sflag:$0x5], $0x1000, $0x38;
	[tilespmem:$0x1EAE0] =	vst v63  }
0x6c: {  	_ =	swait.ge [sflag:s23], $0x1000  }
0x6d: {  	[sflag:s23] =	ssyncset.done $0x0  }
0x6e: {  	[sflag:s23] =	ssyncadd.s32 $0xFFFFF000  }
0x6f: {  	[spmem:s7] =	stream.linear.scatter [tilespmem:s24], [sflag:$0x5], $0x1000, $0x38;
	[tilespmem:$0x1EAE0] =	vst v63  }
0x70: {  	_ =	swait.ge [sflag:s23], $0x1000  }
0x71: {  	[sflag:s23] =	ssyncset.done $0x0  }
0x72: {  	[sflag:s23] =	ssyncadd.s32 $0xFFFFF000  }
0x73: {  	[spmem:s8] =	stream.linear.scatter [tilespmem:s24], [sflag:$0x5], $0x1000, $0x38;
	[tilespmem:$0x1EAE0] =	vst v63  }
0x74: {  	_ =	swait.ge [sflag:s23], $0x1000  }
0x75: {  	[sflag:s23] =	ssyncset.done $0x0  }
0x76: {  	[sflag:s23] =	ssyncadd.s32 $0xFFFFF000  }
0x77: {  	[spmem:s9] =	stream.linear.scatter [tilespmem:s24], [sflag:$0x5], $0x1000, $0x38;
	[tilespmem:$0x1EAE0] =	vst v63  }
0x78: {  	_ =	swait.ge [sflag:s23], $0x1000  }
0x79: {  	[sflag:s23] =	ssyncset.done $0x0  }
0x7a: {  	[sflag:s23] =	ssyncadd.s32 $0xFFFFF000  }
0x7b: {  	[spmem:s10] =	stream.linear.scatter [tilespmem:s24], [sflag:$0x5], $0x1000, $0x38;
	[tilespmem:$0x1EAE0] =	vst v63  }
0x7c: {  	_ =	swait.ge [sflag:s23], $0x1000  }
0x7d: {  	[sflag:s23] =	ssyncset.done $0x0  }
0x7e: {  	[sflag:s23] =	ssyncadd.s32 $0xFFFFF000  }
0x7f: {  	[spmem:s11] =	stream.linear.scatter [tilespmem:s24], [sflag:$0x5], $0x1000, $0x38;
	[tilespmem:$0x1EAE0] =	vst v63  }
0x80: {  	_ =	swait.ge [sflag:s23], $0x1000  }
0x81: {  	[sflag:s23] =	ssyncset.done $0x0  }
0x82: {  	s11 =	rddreg [dreg:$0x1e];
	[sflag:s23] =	ssyncadd.s32 $0xFFFFF000  }
0x83: {  	[spmem:s11] =	stream.linear.scatter [tilespmem:s24], [sflag:$0x5], $0x1000, $0x38;
	[tilespmem:$0x1EAE0] =	vst v63  }
0x84: {  	_ =	swait.ge [sflag:s23], $0x1000  }
0x85: {  	[sflag:s23] =	ssyncset.done $0x0  }
0x86: {  	s4 =	rddreg [dreg:$0x1f];
	[sflag:s23] =	ssyncadd.s32 $0xFFFFF000  }
0x87: {  	[spmem:s4] =	stream.linear.scatter [tilespmem:s24], [sflag:$0x5], $0x1000, $0x38;
	[tilespmem:$0x1EAE0] =	vst v63  }
0x88: {  	_ =	swait.ge [sflag:s23], $0x1000  }
0x89: {  	s12 =	smov.u32 s5;
	s5 =	sld [smem:$0x7F2]  }
0x8a: {  	[sflag:s23] =	ssyncset.done $0x0  }
0x8b: {  	[sflag:s23] =	ssyncadd.s32 $0xFFFFF000  }
0x8c: {  	[spmem:s5] =	stream.linear.scatter [tilespmem:s24], [sflag:$0x5], $0x1000, $0x38;
	[tilespmem:$0x1EAE0] =	vst v63  }
0x8d: {  	_ =	swait.ge [sflag:s23], $0x1000  }
0x8e: {  	s13 =	smov.u32 s6;
	s6 =	sld [smem:$0x7F3]  }
0x8f: {  	[sflag:s23] =	ssyncset.done $0x0  }
0x90: {  	[sflag:s23] =	ssyncadd.s32 $0xFFFFF000  }
0x91: {  	[spmem:s6] =	stream.linear.scatter [tilespmem:s24], [sflag:$0x5], $0x1000, $0x38;
	[tilespmem:$0x1EAE0] =	vst v63  }
0x92: {  	_ =	swait.ge [sflag:s23], $0x1000  }
0x93: {  	s14 =	smov.u32 s7;
	s7 =	sld [smem:$0x7F4]  }
0x94: {  	[sflag:s23] =	ssyncset.done $0x0  }
0x95: {  	[sflag:s23] =	ssyncadd.s32 $0xFFFFF000  }
0x96: {  	[spmem:s7] =	stream.linear.scatter [tilespmem:s24], [sflag:$0x5], $0x1000, $0x38;
	[tilespmem:$0x1EAE0] =	vst v63  }
0x97: {  	_ =	swait.ge [sflag:s23], $0x1000  }
0x98: {  	s15 =	smov.u32 s8;
	s8 =	sld [smem:$0x7F5]  }
0x99: {  	[sflag:s23] =	ssyncset.done $0x0  }
0x9a: {  	[sflag:s23] =	ssyncadd.s32 $0xFFFFF000  }
0x9b: {  	[spmem:s8] =	stream.linear.scatter [tilespmem:s24], [sflag:$0x5], $0x1000, $0x38;
	[tilespmem:$0x1EAE0] =	vst v63  }
0x9c: {  	_ =	swait.ge [sflag:s23], $0x1000  }
0x9d: {  	s16 =	smov.u32 s9;
	s9 =	sld [smem:$0x7F6]  }
0x9e: {  	[sflag:s23] =	ssyncset.done $0x0  }
0x9f: {  	[sflag:s23] =	ssyncadd.s32 $0xFFFFF000  }
0xa0: {  	[spmem:s9] =	stream.linear.scatter [tilespmem:s24], [sflag:$0x5], $0x1000, $0x38;
	[tilespmem:$0x1EAE0] =	vst v63  }
0xa1: {  	_ =	swait.ge [sflag:s23], $0x1000  }
0xa2: {  	s17 =	smov.u32 s10;
	s10 =	sld [smem:$0x7F7]  }
0xa3: {  	[sflag:s23] =	ssyncset.done $0x0  }
0xa4: {  	[sflag:s23] =	ssyncadd.s32 $0xFFFFF000  }
0xa5: {  	[spmem:s10] =	stream.linear.scatter [tilespmem:s24], [sflag:$0x5], $0x1000, $0x38;
	[tilespmem:$0x1EAE0] =	vst v63  }
0xa6: {  	_ =	swait.ge [sflag:s23], $0x1000  }
0xa7: {  	s11 =	sld [smem:$0x7F8]  }
0xa8: {  	[sflag:s23] =	ssyncset.done $0x0  }
0xa9: {  	[sflag:s23] =	ssyncadd.s32 $0xFFFFF000  }
0xaa: {  	[spmem:s11] =	stream.linear.scatter [tilespmem:s24], [sflag:$0x5], $0x1000, $0x38;
	[tilespmem:$0x1EAE0] =	vst v63  }
0xab: {  	_ =	swait.ge [sflag:s23], $0x1000  }
0xac: {  	s4 =	sld [smem:$0x7F9]  }
0xad: {  	[sflag:s23] =	ssyncset.done $0x0  }
0xae: {  	[sflag:s23] =	ssyncadd.s32 $0xFFFFF000  }
0xaf: {  	[spmem:s4] =	stream.linear.scatter [tilespmem:s24], [sflag:$0x5], $0x1000, $0x38;
	[tilespmem:$0x1EAE0] =	vst v63  }
0xb0: {  	_ =	swait.ge [sflag:s23], $0x1000  }
0xb1: {  	s5 =	sld [smem:$0x7FA]  }
0xb2: {  	[sflag:s23] =	ssyncset.done $0x0  }
0xb3: {  	[sflag:s23] =	ssyncadd.s32 $0xFFFFF000  }
0xb4: {  	[spmem:s5] =	stream.linear.scatter [tilespmem:s24], [sflag:$0x5], $0xC00, $0x38;
	[tilespmem:$0x1EAE0] =	vst v63  }
0xb5: {  	_ =	swait.ge [sflag:s23], $0xC00  }
0xb6: {  	[sflag:s23] =	ssyncset.done $0x0  }
0xb7: {  	[sflag:s23] =	ssyncadd.s32 $0xFFFFF400  }
0xb8: {  	[bflag:$0x0] =	sbarrier.arrive $0xFFFF  }
0xb9: {  	s4 =	sld [smem:$0x7FB];
	_ =	sdelay $0x1  }
0xba: {  	s3 =	simm.s32 $0x0  }
0xbb: {  	[tilespmem:s3], [sflag:$0x5] =	stream.linear.gather [hbm4b:s4+s3], $0x2710, $0x38;
	[tilespmem:$0x1EAE0] =	vst v63  }
0xbc: {  	_ =	swait.ge [sflag:s23], $0x2710  }
0xbd: {  	[sflag:s23] =	ssyncset.done $0x0  }
0xbe: {  	s7 =	simm.s32 $0x2710;
	s6 =	rddreg [dreg:$0x18];
	[sflag:s23] =	ssyncadd.s32 $0xFFFFD8F0  }
0xbf: {  	[tilespmem:s7], [sflag:$0x5] =	stream.linear.gather [hbm4b:s6+s3], $0x2710, $0x38;
	[tilespmem:$0x1EAE0] =	vst v63  }
0xc0: {  	_ =	swait.ge [sflag:s23], $0x2710  }
0xc1: {  	[sflag:s23] =	ssyncset.done $0x0  }
0xc2: {  	[sflag:s23] =	ssyncadd.s32 $0xFFFFD8F0  }
0xc3: {  	[tilespmem:s28], [sflag:$0x1] =	stream.indirect.gather [hbm4b:s25+s29], $0x100, s3, s29, $0xb8;
	[tilespmem:$0x1EAE0] =	vst v63  }
0xc4: {  	_ = 	snop  }
0xc5: {  	[tilespmem:s18], [sflag:$0x1] =	stream.indirect.gather [hbm4b:s26+s29], $0x180, s7, s29, $0xb8;
	[tilespmem:$0x1EAE0] =	vst v63  }
0xc6: {  	_ =	swait.ge [sflag:s19], $0x1000  }
0xc7: {  	[sflag:s19] =	ssyncset.done $0x0  }
0xc8: {  	[sflag:s19] =	ssyncadd.s32 $0xFFFFF000  }
0xc9: {  	_ =	swait.ge [sflag:s19], $0x1800  }
0xca: {  	[sflag:s19] =	ssyncset.done $0x0  }
0xcb: {  	s8 =	simm.s32 $0x5E20;
	[sflag:s19] =	ssyncadd.s32 $0xFFFFE800  }
0xcc: {  	[tilespmem:s8], [sflag:$0x2] =	stream.indirect.gather [hbm4b:s25+s29], $0x100, s29, s29, $0xb8;
	[tilespmem:$0x1EAE0] =	vst v63  }
0xcd: {  	s9 =	simm.s32 $0x2720;
	s10 =	simm.s32 $0x8620  }
0xce: {  	[tilespmem:s10], [sflag:$0x2] =	stream.indirect.gather [hbm4b:s26+s29], $0x180, s9, s29, $0xb8;
	[tilespmem:$0x1EAE0] =	vst v63  }
0xcf: {  	v13 =	vld [tilespmem:$0x0];
	_ =	sdelay $0x4  }
0xd0: {  	s4 =	simm.s32 $0x6EA0;
	[tilespmem:$0xAE20] =	vst v13  }
0xd1: {  	s5 =	simm.s32 $0x4E60;
	v13 =	vld [tilespmem:s4+$0x80]  }
0xd2: {  	v14 =	vld [tilespmem:s5+$0x40];
	_ =	sdelay $0x4  }
0xd3: {  	v13 =	vsub.f32 v14, v13;
	_ =	sdelay $0x1  }
0xd4: {  	v13 =	vmul.f32 v13, v13;
	_ =	sdelay $0x1  }
0xd5: {  	(xrf2) =	vadd.scan.msk.f32 $0xffff, v13;
	_ =	sdelay $0x9  }
0xd6: {  	v13, _, _ =	vpop (xrf2)  }
0xd7: {  	(v2sf) =	vpush v13, $0xF;
	_ =	sdelay $0xe  }
0xd8: {  	s11 =	spop (v2sf)  }
0xd9: {  	s6 =	sadd.f32 $9.999999960e-13, s11;
	_ =	sdelay $0x1  }
0xda: {  	v13 =	vmov s6  }
0xdb: {  	v14 =	vshrl.u32 v13, $0x1;
	v13 =	vmul.f32 $5.000000000e-01, v13  }
0xdc: {  	v14 =	vsub.s32 $0x5F3759DF, v14  }
0xdd: {  	v15 =	vmul.f32 v14, v13;
	_ =	sdelay $0x1  }
0xde: {  	v15 =	vmul.f32 v14, v15;
	_ =	sdelay $0x1  }
0xdf: {  	v15 =	vsub.f32 $1.500000000e+00, v15;
	_ =	sdelay $0x1  }
0xe0: {  	v14 =	vmul.f32 v14, v15;
	_ =	sdelay $0x1  }
0xe1: {  	v15 =	vmul.f32 v14, v13;
	_ =	sdelay $0x1  }
0xe2: {  	v15 =	vmul.f32 v15, v14;
	_ =	sdelay $0x1  }
0xe3: {  	v15 =	vsub.f32 $1.500000000e+00, v15;
	_ =	sdelay $0x1  }
0xe4: {  	v14 =	vmul.f32 v15, v14;
	_ =	sdelay $0x1  }
0xe5: {  	v13 =	vmul.f32 v14, v13;
	_ =	sdelay $0x1  }
0xe6: {  	v13 =	vmul.f32 v13, v14;
	_ =	sdelay $0x1  }
0xe7: {  	v13 =	vsub.f32 $1.500000000e+00, v13;
	_ =	sdelay $0x1  }
0xe8: {  	v13 =	vmul.f32 v13, v14;
	_ =	sdelay $0x1  }
0xe9: {  	v13 =	vmul.f32 s6, v13;
	_ =	sdelay $0x1  }
0xea: {  	v13 =	vmul.f32 v13, v11;
	_ =	sdelay $0x1  }
0xeb: {  	v13 =	vadd.f32 v13, v12;
	_ =	sdelay $0x1  }
0xec: {  	v13 =	vsub.f32 $0.0e+00, v13;
	_ =	sdelay $0x1  }
0xed: {  	v14 =	vmul.f32 $1.442695020e+00, v13;
	_ =	sdelay $0x1  }
0xee: {  	vm8 =	vge.f32 v14, $0.0e+00  }
0xef: {  	v15 =	vsel vm8, $0x3F000000, v1  }
0xf0: {  	v14 =	vadd.f32 v15, v14;
	_ =	sdelay $0x1  }
0xf1: {  	v14 =	vtrunc.f32 v14  }
0xf2: {  	v14 =	vcvt.f32.s32 v14;
	_ =	sdelay $0x1  }
0xf3: {  	v15 =	vcvt.s32.f32 v14;
	_ =	sdelay $0x1  }
0xf4: {  	v15 =	vmul.f32 $6.931471820e-01, v15;
	_ =	sdelay $0x1  }
0xf5: {  	v13 =	vsub.f32 v13, v15;
	_ =	sdelay $0x1  }
0xf6: {  	v15 =	vmul.f32 $8.333333770e-03, v13;
	_ =	sdelay $0x1  }
0xf7: {  	v15 =	vadd.f32 $4.166666790e-02, v15  }
0xf8: {  	v16 =	vld [tilespmem:s5+$0x10]  }
0xf9: {  	v17 =	vld [tilespmem:s4+$0xFFFFFFB0];
	v15 =	vmul.f32 v15, v13  }
0xfa: {  	v18 =	vld [tilespmem:s5+$0xFFFFFFF0]  }
0xfb: {  	v19 =	vld [tilespmem:s4+$0xFFFFFF90];
	v15 =	vadd.f32 $1.666666720e-01, v15  }
0xfc: {  	v20 =	vld [tilespmem:s4+$0xFFFFFF80]  }
0xfd: {  	v21 =	vld [tilespmem:s5+$0xFFFFFFC0];
	v15 =	vmul.f32 v15, v13  }
0xfe: {  	v22 =	vld [tilespmem:s4+$0xFFFFFFA0]  }
0xff: {  	v23 =	vld [tilespmem:s5+$0xFFFFFFE0];
	v15 =	vadd.f32 $5.000000000e-01, v15  }
0x100: {  	v24 =	vld [tilespmem:s4+$0xFFFFFFC0]  }
0x101: {  	v25 =	vld [tilespmem:s4+$0xFFFFFFD0];
	v15 =	vmul.f32 v15, v13  }
0x102: {  	v26 =	vld [tilespmem:s4+$0xFFFFFFE0]  }
0x103: {  	v27 =	vld [tilespmem:s5+$0x20];
	v15 =	vadd.f32 $1.000000000e+00, v15  }
0x104: {  	v17 =	vmul.f32 v17, v18;
	v18 =	vld [tilespmem:s5+$0x0]  }
0x105: {  	v20 =	vmul.f32 v20, v21;
	v13 =	vmul.f32 v15, v13;
	v15 =	vld [tilespmem:s5+$0xFFFFFFD0]  }
0x106: {  	(xrf2) =	vadd.scan.msk.f32 $0xffff, v17;
	v17 =	vmul.f32 v22, v23  }
0x107: {  	v16 =	vmul.f32 v25, v16;
	(xrf2) =	vadd.scan.msk.f32 $0xffff, v20;
	v14 =	vshll.u32 v14, $0x17;
	v13 =	vadd.f32 $1.000000000e+00, v13  }
0x108: {  	(xrf2) =	vadd.scan.msk.f32 $0xffff, v17;
	v17 =	vmul.f32 v26, v27;
	v14 =	vadd.s32 $0x3F800000, v14  }
0x109: {  	v18 =	vmul.f32 v24, v18;
	(xrf2) =	vadd.scan.msk.f32 $0xffff, v16;
	v16 =	vld [tilespmem:s5+$0x30];
	v13 =	vmul.f32 v14, v13  }
0x10a: {  	(xrf2) =	vadd.scan.msk.f32 $0xffff, v17;
	v14 =	vmul.f32 v19, v15;
	v15 =	vld [tilespmem:s4+$0xFFFFFFF0]  }
0x10b: {  	(xrf2) =	vadd.scan.msk.f32 $0xffff, v18;
	v13 =	vadd.f32 $1.000000000e+00, v13  }
0x10c: {  	(xrf2) =	vadd.scan.msk.f32 $0xffff, v14  }
0x10d: {  	v14 =	vsub.s32 $0x7EF311C3, v13  }
0x10e: {  	v17 =	vmul.f32 v14, v13  }
0x10f: {  	v15 =	vmul.f32 v15, v16  }
0x110: {  	v18, _, _ =	vpop (xrf2);
	v17 =	vsub.f32 $2.000000000e+00, v17  }
0x111: {  	v16, _, _ =	vpop (xrf2)  }
0x112: {  	v19, _, _ =	vpop (xrf2);
	(xrf2) =	vadd.scan.msk.f32 $0xffff, v15;
	v14 =	vmul.f32 v14, v17  }
0x113: {  	v15, _, _ =	vpop (xrf2)  }
0x114: {  	v17, _, _ =	vpop (xrf2);
	v20 =	vmul.f32 v14, v13  }
0x115: {  	v62, _, _ =	vpop (xrf2)  }
0x116: {  	v16 =	vbroadcast v16, $0xF;
	v63, _, _ =	vpop (xrf2);
	v20 =	vsub.f32 $2.000000000e+00, v20  }
0x117: {  	v18 =	vbroadcast v18, $0xF;
	v22 =	vbroadcast v63, $0xF  }
0x118: {  	v19 =	vbroadcast v19, $0xF;
	v16 =	vnsel vm0, $0x0, v16;
	v14 =	vmul.f32 v20, v14  }
0x119: {  	v16 =	vsel vm1, v16, v22  }
0x11a: {  	v16 =	vsel vm2, v16, v19;
	v19 =	vbroadcast v62, $0xF;
	v13 =	vmul.f32 v14, v13  }
0x11b: {  	v15 =	vbroadcast v15, $0xF;
	v16 =	vsel vm3, v16, v18  }
0x11c: {  	v17 =	vbroadcast v17, $0xF;
	v18, _, _ =	vpop (xrf2);
	v16 =	vsel vm4, v16, v19;
	v13 =	vsub.f32 $2.000000000e+00, v13  }
0x11d: {  	v15 =	vsel vm5, v16, v15;
	v16 =	vbroadcast v18, $0xF  }
0x11e: {  	v15 =	vsel vm6, v15, v17;
	v13 =	vmul.f32 v13, v14  }
0x11f: {  	v14 =	vsel vm7, v15, v16  }
0x120: {  	v13 =	vmul.f32 v13, v14;
	_ =	sdelay $0x1  }
0x121: {  	v14 =	vmul.f32 $1.442695020e+00, v13;
	_ =	sdelay $0x1  }
0x122: {  	vm8 =	vge.f32 v14, $0.0e+00  }
0x123: {  	v15 =	vsel vm8, $0x3F000000, v1  }
0x124: {  	v14 =	vadd.f32 v15, v14;
	_ =	sdelay $0x1  }
0x125: {  	v14 =	vtrunc.f32 v14  }
0x126: {  	v14 =	vcvt.f32.s32 v14;
	_ =	sdelay $0x1  }
0x127: {  	v15 =	vcvt.s32.f32 v14;
	_ =	sdelay $0x1  }
0x128: {  	v15 =	vmul.f32 $6.931471820e-01, v15;
	_ =	sdelay $0x1  }
0x129: {  	v13 =	vsub.f32 v13, v15;
	_ =	sdelay $0x1  }
0x12a: {  	v15 =	vmul.f32 $8.333333770e-03, v13;
	_ =	sdelay $0x1  }
0x12b: {  	v15 =	vadd.f32 $4.166666790e-02, v15;
	_ =	sdelay $0x1  }
0x12c: {  	v15 =	vmul.f32 v15, v13;
	_ =	sdelay $0x1  }
0x12d: {  	v15 =	vadd.f32 $1.666666720e-01, v15;
	_ =	sdelay $0x1  }
0x12e: {  	v15 =	vmul.f32 v15, v13;
	_ =	sdelay $0x1  }
0x12f: {  	v15 =	vadd.f32 $5.000000000e-01, v15;
	_ =	sdelay $0x1  }
0x130: {  	v15 =	vmul.f32 v15, v13;
	_ =	sdelay $0x1  }
0x131: {  	v15 =	vadd.f32 $1.000000000e+00, v15;
	_ =	sdelay $0x1  }
0x132: {  	v13 =	vmul.f32 v15, v13;
	_ =	sdelay $0x1  }
0x133: {  	v14 =	vshll.u32 v14, $0x17;
	v13 =	vadd.f32 $1.000000000e+00, v13  }
0x134: {  	v14 =	vadd.s32 $0x3F800000, v14  }
0x135: {  	v13 =	vmul.f32 v14, v13;
	_ =	sdelay $0x1  }
0x136: {  	v14 =	vmul.f32 v2, v13;
	_ =	sdelay $0x1  }
0x137: {  	v13 =	vmul.f32 v3, v14;
	_ =	sdelay $0x1  }
0x138: {  	(xrf2) =	vadd.scan.msk.f32 $0xffff, v13  }
0x139: {  	v13 =	vmul.f32 v4, v14;
	_ =	sdelay $0x1  }
0x13a: {  	(xrf2) =	vadd.scan.msk.f32 $0xffff, v13  }
0x13b: {  	v15 =	vmul.f32 v5, v14;
	_ =	sdelay $0x1  }
0x13c: {  	v19 =	vmul.f32 v6, v14;
	(xrf2) =	vadd.scan.msk.f32 $0xffff, v15;
	_ =	sdelay $0x1  }
0x13d: {  	v18 =	vld [tilespmem:s4+$0x0]  }
0x13e: {  	v17 =	vmul.f32 v7, v14;
	v16 =	vmul.f32 v8, v14;
	v13 =	vimm.f32 $0.0e+00;
	(xrf2) =	vadd.scan.msk.f32 $0xffff, v19  }
0x13f: {  	s7 =	simm.s32 $0x200;
	s6 =	simm.s32 $0x6EA0;
	v13 =	vadd.f32 v14, v13;
	v15 =	vmul.f32 v9, v14;
	v14 =	vmul.f32 v10, v14;
	v19, _, _ =	vpop (xrf2)  }
.LBB2_4:
0x140: {  	p0 =	sne.s32 s7, $0x1E00;
	v19 =	vbroadcast v19, $0xF;
	s4 =	sadd.s32 $0x180, s4;
	s5 =	sadd.s32 $0x100, s5  }
0x141: {  	s9 =	smov.u32 s7;
	s7 =	sadd.s32 $0x200, s7;
	(xrf2) =	vadd.scan.msk.f32 $0xffff, v17  }
0x142: {  	v19 =	vmul.f32 v19, v18;
	v18, _, _ =	vpop (xrf2)  }
0x143: {  	s8 =	sshra.s32 s3, $0x2;
	s3 =	smov.u32 s9  }
0x144: {  	[tilespmem:s8+$0x9E20] =	vst v19;
	(xrf2) =	vadd.scan.msk.f32 $0xffff, v16  }
0x145: {  	v16 =	vld [tilespmem:s6+$0x10];
	v17, _, _ =	vpop (xrf2);
	_ =	sdelay $0x1  }
0x146: {  	(xrf2) =	vadd.scan.msk.f32 $0xffff, v15  }
0x147: {  	v15 =	vbroadcast v18, $0xF;
	v18, _, _ =	vpop (xrf2);
	_ =	sdelay $0x1  }
0x148: {  	v15 =	vmul.f32 v15, v16;
	(xrf2) =	vadd.scan.msk.f32 $0xffff, v14  }
0x149: {  	v14, _, _ =	vpop (xrf2)  }
0x14a: {  	[tilespmem:s8+$0x9E30] =	vst v15  }
0x14b: {  	v15 =	vld [tilespmem:s6+$0x20]  }
0x14c: {  	v16, _, _ =	vpop (xrf2);
	_ =	sdelay $0x1  }
0x14d: {  	v17 =	vbroadcast v17, $0xF  }
0x14e: {  	v19, _, _ =	vpop (xrf2)  }
0x14f: {  	v17 =	vmul.f32 v17, v15;
	_ =	sdelay $0x1  }
0x150: {  	[tilespmem:s8+$0x9E40] =	vst v17;
	v15, _, _ =	vpop (xrf2)  }
0x151: {  	v17 =	vld [tilespmem:s6+$0x30];
	_ =	sdelay $0x2  }
0x152: {  	v18 =	vbroadcast v18, $0xF;
	_ =	sdelay $0x1  }
0x153: {  	v17 =	vmul.f32 v18, v17;
	_ =	sdelay $0x1  }
0x154: {  	[tilespmem:s8+$0x9E50] =	vst v17  }
0x155: {  	v17 =	vld [tilespmem:s6+$0x40];
	_ =	sdelay $0x2  }
0x156: {  	v14 =	vbroadcast v14, $0xF;
	_ =	sdelay $0x1  }
0x157: {  	v14 =	vmul.f32 v14, v17;
	_ =	sdelay $0x1  }
0x158: {  	[tilespmem:s8+$0x9E60] =	vst v14  }
0x159: {  	v14 =	vld [tilespmem:s6+$0x50];
	_ =	sdelay $0x2  }
0x15a: {  	v16 =	vbroadcast v16, $0xF;
	_ =	sdelay $0x1  }
0x15b: {  	v14 =	vmul.f32 v16, v14;
	_ =	sdelay $0x1  }
0x15c: {  	[tilespmem:s8+$0x9E70] =	vst v14  }
0x15d: {  	v14 =	vld [tilespmem:s6+$0x60];
	_ =	sdelay $0x2  }
0x15e: {  	v16 =	vbroadcast v19, $0xF;
	_ =	sdelay $0x1  }
0x15f: {  	v14 =	vmul.f32 v16, v14;
	_ =	sdelay $0x1  }
0x160: {  	[tilespmem:s8+$0x9E80] =	vst v14  }
0x161: {  	v14 =	vld [tilespmem:s6+$0x70];
	s6 =	smov.u32 s4;
	_ =	sdelay $0x2  }
0x162: {  	v15 =	vbroadcast v15, $0xF;
	_ =	sdelay $0x1  }
0x163: {  	v14 =	vmul.f32 v15, v14;
	_ =	sdelay $0x1  }
0x164: {  	[tilespmem:s8+$0x9E90] =	vst v14  }
0x165: {  	v14 =	vld [tilespmem:s4+$0x80]  }
0x166: {  	v15 =	vld [tilespmem:s5+$0x40];
	_ =	sdelay $0x4  }
0x167: {  	v14 =	vsub.f32 v15, v14;
	_ =	sdelay $0x1  }
0x168: {  	v14 =	vmul.f32 v14, v14;
	_ =	sdelay $0x1  }
0x169: {  	(xrf2) =	vadd.scan.msk.f32 $0xffff, v14;
	_ =	sdelay $0x9  }
0x16a: {  	v14, _, _ =	vpop (xrf2)  }
0x16b: {  	(v2sf) =	vpush v14, $0xF;
	_ =	sdelay $0xe  }
0x16c: {  	s8 =	spop (v2sf)  }
0x16d: {  	s8 =	sadd.f32 $9.999999960e-13, s8;
	_ =	sdelay $0x1  }
0x16e: {  	v14 =	vmov s8;
	v15 =	vld [tilespmem:s5+$0x10]  }
0x16f: {  	v16 =	vshrl.u32 v14, $0x1;
	v14 =	vmul.f32 $5.000000000e-01, v14;
	v17 =	vld [tilespmem:s4+$0xFFFFFFB0]  }
0x170: {  	v16 =	vsub.s32 $0x5F3759DF, v16;
	v18 =	vld [tilespmem:s5+$0xFFFFFFF0]  }
0x171: {  	v19 =	vmul.f32 v16, v14;
	v20 =	vld [tilespmem:s4+$0xFFFFFF90]  }
0x172: {  	v21 =	vld [tilespmem:s4+$0xFFFFFF80]  }
0x173: {  	v19 =	vmul.f32 v16, v19;
	v22 =	vld [tilespmem:s5+$0xFFFFFFC0]  }
0x174: {  	v23 =	vld [tilespmem:s5+$0xFFFFFFD0]  }
0x175: {  	v19 =	vsub.f32 $1.500000000e+00, v19;
	v24 =	vld [tilespmem:s4+$0xFFFFFFA0];
	v17 =	vmul.f32 v17, v18  }
0x176: {  	v18 =	vld [tilespmem:s5+$0xFFFFFFE0]  }
0x177: {  	v16 =	vmul.f32 v16, v19;
	v19 =	vld [tilespmem:s4+$0xFFFFFFC0];
	(xrf2) =	vadd.scan.msk.f32 $0xffff, v17  }
0x178: {  	v17 =	vmul.f32 v21, v22;
	v21 =	vld [tilespmem:s5+$0x0]  }
0x179: {  	v22 =	vmul.f32 v16, v14;
	v20 =	vmul.f32 v20, v23;
	v23 =	vld [tilespmem:s4+$0xFFFFFFD0]  }
0x17a: {  	v25 =	vld [tilespmem:s4+$0xFFFFFFE0];
	(xrf2) =	vadd.scan.msk.f32 $0xffff, v17  }
0x17b: {  	v17 =	vmul.f32 v22, v16;
	v18 =	vmul.f32 v24, v18;
	v22 =	vld [tilespmem:s5+$0x20];
	_ =	sdelay $0x1  }
0x17c: {  	v17 =	vsub.f32 $1.500000000e+00, v17;
	v19 =	vmul.f32 v19, v21;
	(xrf2) =	vadd.scan.msk.f32 $0xffff, v18  }
0x17d: {  	v18 =	vmul.f32 v23, v15  }
0x17e: {  	v16 =	vmul.f32 v17, v16  }
0x17f: {  	v17 =	vmul.f32 v25, v22;
	(xrf2) =	vadd.scan.msk.f32 $0xffff, v18  }
0x180: {  	v14 =	vmul.f32 v16, v14;
	v15, _, _ =	vpop (xrf2);
	_ =	sdelay $0x1  }
0x181: {  	v14 =	vmul.f32 v14, v16;
	(xrf2) =	vadd.scan.msk.f32 $0xffff, v17  }
0x182: {  	v17, _, _ =	vpop (xrf2)  }
0x183: {  	v14 =	vsub.f32 $1.500000000e+00, v14;
	v18 =	vbroadcast v17, $0xF  }
0x184: {  	(xrf2) =	vadd.scan.msk.f32 $0xffff, v19  }
0x185: {  	v14 =	vmul.f32 v14, v16;
	v16 =	vnsel vm0, $0x0, v18;
	v17, _, _ =	vpop (xrf2)  }
0x186: {  	v17 =	vbroadcast v17, $0xF  }
0x187: {  	v14 =	vmul.f32 s8, v14  }
0x188: {  	v18, _, _ =	vpop (xrf2)  }
0x189: {  	v14 =	vmul.f32 v14, v11;
	_ =	sdelay $0x1  }
0x18a: {  	v14 =	vadd.f32 v14, v12;
	v19, _, _ =	vpop (xrf2);
	_ =	sdelay $0x1  }
0x18b: {  	v14 =	vsub.f32 $0.0e+00, v14  }
0x18c: {  	v21, _, _ =	vpop (xrf2)  }
0x18d: {  	v22 =	vmul.f32 $1.442695020e+00, v14;
	_ =	sdelay $0x1  }
0x18e: {  	vm8 =	vge.f32 v22, $0.0e+00  }
0x18f: {  	v23 =	vsel vm8, $0x3F000000, v1  }
0x190: {  	v22 =	vadd.f32 v23, v22;
	_ =	sdelay $0x1  }
0x191: {  	v22 =	vtrunc.f32 v22  }
0x192: {  	v22 =	vcvt.f32.s32 v22;
	_ =	sdelay $0x1  }
0x193: {  	v23 =	vcvt.s32.f32 v22;
	v22 =	vshll.u32 v22, $0x17;
	_ =	sdelay $0x1  }
0x194: {  	v23 =	vmul.f32 $6.931471820e-01, v23;
	_ =	sdelay $0x1  }
0x195: {  	v14 =	vsub.f32 v14, v23;
	_ =	sdelay $0x1  }
0x196: {  	v23 =	vmul.f32 $8.333333770e-03, v14;
	_ =	sdelay $0x1  }
0x197: {  	v23 =	vadd.f32 $4.166666790e-02, v23;
	_ =	sdelay $0x1  }
0x198: {  	v23 =	vmul.f32 v23, v14;
	_ =	sdelay $0x1  }
0x199: {  	v23 =	vadd.f32 $1.666666720e-01, v23;
	_ =	sdelay $0x1  }
0x19a: {  	v23 =	vmul.f32 v23, v14;
	_ =	sdelay $0x1  }
0x19b: {  	v23 =	vadd.f32 $5.000000000e-01, v23;
	_ =	sdelay $0x1  }
0x19c: {  	v23 =	vmul.f32 v23, v14;
	_ =	sdelay $0x1  }
0x19d: {  	v23 =	vadd.f32 $1.000000000e+00, v23;
	_ =	sdelay $0x1  }
0x19e: {  	v14 =	vmul.f32 v23, v14;
	_ =	sdelay $0x1  }
0x19f: {  	v22 =	vadd.s32 $0x3F800000, v22;
	v14 =	vadd.f32 $1.000000000e+00, v14;
	_ =	sdelay $0x1  }
0x1a0: {  	v14 =	vmul.f32 v22, v14  }
0x1a1: {  	v22 =	vld [tilespmem:s4+$0xFFFFFFF0]  }
0x1a2: {  	v14 =	vadd.f32 $1.000000000e+00, v14;
	v23 =	vld [tilespmem:s5+$0x30];
	(xrf2) =	vadd.scan.msk.f32 $0xffff, v20;
	_ =	sdelay $0x1  }
0x1a3: {  	v20 =	vsub.s32 $0x7EF311C3, v14  }
0x1a4: {  	v24 =	vmul.f32 v20, v14;
	_ =	sdelay $0x1  }
0x1a5: {  	v24 =	vsub.f32 $2.000000000e+00, v24;
	v22 =	vmul.f32 v22, v23;
	_ =	sdelay $0x1  }
0x1a6: {  	v20 =	vmul.f32 v20, v24;
	(xrf2) =	vadd.scan.msk.f32 $0xffff, v22;
	_ =	sdelay $0x1  }
0x1a7: {  	v22 =	vmul.f32 v20, v14  }
0x1a8: {  	v23, _, _ =	vpop (xrf2)  }
0x1a9: {  	v22 =	vsub.f32 $2.000000000e+00, v22;
	v23 =	vbroadcast v23, $0xF;
	_ =	sdelay $0x1  }
0x1aa: {  	v15 =	vbroadcast v15, $0xF;
	v20 =	vmul.f32 v22, v20;
	v16 =	vsel vm1, v16, v23  }
0x1ab: {  	v16 =	vsel vm2, v16, v17;
	v17 =	vbroadcast v21, $0xF  }
0x1ac: {  	v18 =	vbroadcast v18, $0xF;
	v14 =	vmul.f32 v20, v14;
	v15 =	vsel vm3, v16, v15  }
0x1ad: {  	v15 =	vsel vm4, v15, v17;
	v17 =	vbroadcast v19, $0xF  }
0x1ae: {  	v14 =	vsub.f32 $2.000000000e+00, v14;
	v15 =	vsel vm5, v15, v18;
	v16, _, _ =	vpop (xrf2)  }
0x1af: {  	v15 =	vsel vm6, v15, v17;
	v16 =	vbroadcast v16, $0xF  }
0x1b0: {  	v14 =	vmul.f32 v14, v20  }
0x1b1: {  	v15 =	vsel vm7, v15, v16  }
0x1b2: {  	v14 =	vmul.f32 v14, v15;
	_ =	sdelay $0x1  }
0x1b3: {  	v15 =	vmul.f32 $1.442695020e+00, v14;
	_ =	sdelay $0x1  }
0x1b4: {  	vm8 =	vge.f32 v15, $0.0e+00  }
0x1b5: {  	v16 =	vsel vm8, $0x3F000000, v1  }
0x1b6: {  	v15 =	vadd.f32 v16, v15;
	_ =	sdelay $0x1  }
0x1b7: {  	v15 =	vtrunc.f32 v15  }
0x1b8: {  	v15 =	vcvt.f32.s32 v15;
	_ =	sdelay $0x1  }
0x1b9: {  	v16 =	vcvt.s32.f32 v15;
	v15 =	vshll.u32 v15, $0x17;
	_ =	sdelay $0x1  }
0x1ba: {  	v16 =	vmul.f32 $6.931471820e-01, v16;
	_ =	sdelay $0x1  }
0x1bb: {  	v14 =	vsub.f32 v14, v16;
	_ =	sdelay $0x1  }
0x1bc: {  	v16 =	vmul.f32 $8.333333770e-03, v14;
	_ =	sdelay $0x1  }
0x1bd: {  	v16 =	vadd.f32 $4.166666790e-02, v16;
	_ =	sdelay $0x1  }
0x1be: {  	v16 =	vmul.f32 v16, v14;
	_ =	sdelay $0x1  }
0x1bf: {  	v16 =	vadd.f32 $1.666666720e-01, v16;
	_ =	sdelay $0x1  }
0x1c0: {  	v16 =	vmul.f32 v16, v14;
	_ =	sdelay $0x1  }
0x1c1: {  	v16 =	vadd.f32 $5.000000000e-01, v16;
	_ =	sdelay $0x1  }
0x1c2: {  	v16 =	vmul.f32 v16, v14;
	_ =	sdelay $0x1  }
0x1c3: {  	v16 =	vadd.f32 $1.000000000e+00, v16;
	_ =	sdelay $0x1  }
0x1c4: {  	v14 =	vmul.f32 v16, v14;
	_ =	sdelay $0x1  }
0x1c5: {  	v14 =	vadd.f32 $1.000000000e+00, v14  }
0x1c6: {  	v15 =	vadd.s32 $0x3F800000, v15  }
0x1c7: {  	v14 =	vmul.f32 v15, v14;
	_ =	sdelay $0x1  }
0x1c8: {  	v14 =	vmul.f32 v2, v14;
	_ =	sdelay $0x1  }
0x1c9: {  	v15 =	vmul.f32 v3, v14;
	v18 =	vmul.f32 v4, v14;
	v13 =	vadd.f32 v14, v13  }
0x1ca: {  	v19 =	vmul.f32 v5, v14;
	v20 =	vmul.f32 v6, v14  }
0x1cb: {  	v17 =	vmul.f32 v7, v14;
	v16 =	vmul.f32 v8, v14;
	(xrf2) =	vadd.scan.msk.f32 $0xffff, v15  }
0x1cc: {  	v15 =	vmul.f32 v9, v14;
	v14 =	vmul.f32 v10, v14;
	_ =	sdelay $0x1  }
0x1cd: {  	(xrf2) =	vadd.scan.msk.f32 $0xffff, v18;
	_ =	sdelay $0x2  }
.Ltmp1:
0x1ce: {  	(xrf2) =	vadd.scan.msk.f32 $0xffff, v19;
	(pc) =	sbr.rel @p0 .LBB2_4-.Ltmp1, $4  }
0x1cf: {  	_ = 	snop  }
0x1d0: {  	v18 =	vld [tilespmem:s4+$0x0]  }
0x1d1: {  	(xrf2) =	vadd.scan.msk.f32 $0xffff, v20  }
0x1d2: {  	v19, _, _ =	vpop (xrf2)  }
0x1d3: {  	v19 =	vbroadcast v19, $0xF;
	_ =	sdelay $0x1  }
0x1d4: {  	v18 =	vmul.f32 v19, v18  }
0x1d5: {  	s3 =	sshra.s32 s3, $0x2  }
0x1d6: {  	[tilespmem:s3+$0x9E20] =	vst v18  }
0x1d7: {  	v18 =	vld [tilespmem:s6+$0x10];
	_ =	sdelay $0x1  }
0x1d8: {  	v57, _, _ =	vpop (xrf2)  }
0x1d9: {  	v19 =	vbroadcast v57, $0xF;
	_ =	sdelay $0x1  }
0x1da: {  	v18 =	vmul.f32 v19, v18;
	_ =	sdelay $0x1  }
0x1db: {  	[tilespmem:s3+$0x9E30] =	vst v18  }
0x1dc: {  	v18 =	vld [tilespmem:s6+$0x20];
	_ =	sdelay $0x1  }
0x1dd: {  	v58, _, _ =	vpop (xrf2)  }
0x1de: {  	v19 =	vbroadcast v58, $0xF;
	_ =	sdelay $0x1  }
0x1df: {  	v18 =	vmul.f32 v19, v18;
	_ =	sdelay $0x1  }
0x1e0: {  	[tilespmem:s3+$0x9E40] =	vst v18  }
0x1e1: {  	(xrf2) =	vadd.scan.msk.f32 $0xffff, v17;
	v59 =	vld [tilespmem:s6+$0x30];
	_ =	sdelay $0x1  }
0x1e2: {  	v60, _, _ =	vpop (xrf2)  }
0x1e3: {  	v18 =	vbroadcast v60, $0xF;
	_ =	sdelay $0x1  }
0x1e4: {  	v17 =	vmul.f32 v18, v59;
	_ =	sdelay $0x1  }
0x1e5: {  	[tilespmem:s3+$0x9E50] =	vst v17  }
0x1e6: {  	(xrf2) =	vadd.scan.msk.f32 $0xffff, v16;
	v61 =	vld [tilespmem:s6+$0x40];
	_ =	sdelay $0x1  }
0x1e7: {  	v62, _, _ =	vpop (xrf2)  }
0x1e8: {  	v17 =	vbroadcast v62, $0xF;
	_ =	sdelay $0x1  }
0x1e9: {  	v16 =	vmul.f32 v17, v61;
	_ =	sdelay $0x1  }
0x1ea: {  	[tilespmem:s3+$0x9E60] =	vst v16  }
0x1eb: {  	(xrf2) =	vadd.scan.msk.f32 $0xffff, v15;
	v15 =	vld [tilespmem:s6+$0x50];
	_ =	sdelay $0x1  }
0x1ec: {  	v63, _, _ =	vpop (xrf2)  }
0x1ed: {  	v16 =	vbroadcast v63, $0xF;
	_ =	sdelay $0x1  }
0x1ee: {  	v15 =	vmul.f32 v16, v15;
	_ =	sdelay $0x1  }
0x1ef: {  	[tilespmem:s3+$0x9E70] =	vst v15  }
0x1f0: {  	(xrf2) =	vadd.scan.msk.f32 $0xffff, v14;
	v14 =	vld [tilespmem:s6+$0x60];
	_ =	sdelay $0x1  }
0x1f1: {  	v15, _, _ =	vpop (xrf2)  }
0x1f2: {  	v15 =	vbroadcast v15, $0xF;
	_ =	sdelay $0x1  }
0x1f3: {  	v14 =	vmul.f32 v15, v14;
	_ =	sdelay $0x1  }
0x1f4: {  	[tilespmem:s3+$0x9E80] =	vst v14  }
0x1f5: {  	v14 =	vld [tilespmem:s6+$0x70];
	_ =	sdelay $0x1  }
0x1f6: {  	v15, _, _ =	vpop (xrf2)  }
0x1f7: {  	v15 =	vbroadcast v15, $0xF;
	_ =	sdelay $0x1  }
0x1f8: {  	v14 =	vmul.f32 v15, v14;
	_ =	sdelay $0x1  }
0x1f9: {  	[tilespmem:s3+$0x9E90] =	vst v14;
	s3 =	simm.s32 $0x0  }
0x1fa: {  	[spmem:s21] =	stream.indirect.scatter.add.f32 [tilespmem:s24], [sflag:$0x3], $0x80, s22, s29, $0xb8;
	[tilespmem:$0x1EAE0] =	vst v63  }
.LBB2_6:
0x1fb: {  	_ =	swait.ge [sflag:s30], $0x1000  }
0x1fc: {  	[sflag:s30] =	ssyncset.done $0x0  }
0x1fd: {  	[sflag:s30] =	ssyncadd.s32 $0xFFFFF000  }
0x1fe: {  	_ =	swait.ge [sflag:s30], $0x1800  }
0x1ff: {  	s4 =	sshll.u32 s3, $0x5;
	[sflag:s30] =	ssyncset.done $0x0  }
0x200: {  	p0 =	seq.s32 s3, $0x0;
	s5 =	sadd.s32 $0x20, s4;
	[sflag:s30] =	ssyncadd.s32 $0xFFFFE800  }
0x201: {  	[tilespmem:s28], [sflag:$0x1] =	stream.indirect.gather [hbm4b:s25+s29], $0x100, s5, s29, $0xb8;
	[tilespmem:$0x1EAE0] =	vst v63  }
0x202: {  	s10 =	sadd.s32 $0x2730, s4;
	s5 =	simm.s32 @!p0 $0x4  }
0x203: {  	[tilespmem:s18], [sflag:$0x1] =	stream.indirect.gather [hbm4b:s26+s29], $0x180, s10, s29, $0xb8;
	[tilespmem:$0x1EAE0] =	vst v63  }
0x204: {  	_ =	swait.ge @!p0 [sflag:s5], $0x800  }
0x205: {  	[sflag:s5] =	ssyncset.done @!p0 $0x0  }
0x206: {  	s11 =	sand.u32 $0x3FFFFFE0, s4;
	[sflag:s5] =	ssyncadd.s32 @!p0 $0xFFFFF800  }
0x207: {  	v14 =	vld [tilespmem:s11+$0x10];
	_ =	sdelay $0x4  }
0x208: {  	s5 =	simm.s32 $0x8720;
	[tilespmem:$0xAE30] =	vst v14  }
0x209: {  	s6 =	simm.s32 $0x5EA0;
	v14 =	vld [tilespmem:s5+$0x0]  }
0x20a: {  	v15 =	vld [tilespmem:s6+$0x0];
	_ =	sdelay $0x4  }
0x20b: {  	v14 =	vsub.f32 v15, v14;
	_ =	sdelay $0x1  }
0x20c: {  	v14 =	vmul.f32 v14, v14;
	_ =	sdelay $0x1  }
0x20d: {  	(xrf2) =	vadd.scan.msk.f32 $0xffff, v14;
	_ =	sdelay $0x9  }
0x20e: {  	v14, _, _ =	vpop (xrf2)  }
0x20f: {  	(v2sf) =	vpush v14, $0xF;
	_ =	sdelay $0xe  }
0x210: {  	s7 =	spop (v2sf)  }
0x211: {  	s7 =	sadd.f32 $9.999999960e-13, s7;
	_ =	sdelay $0x1  }
0x212: {  	v14 =	vmov s7  }
0x213: {  	v15 =	vshrl.u32 v14, $0x1;
	v14 =	vmul.f32 $5.000000000e-01, v14  }
0x214: {  	v15 =	vsub.s32 $0x5F3759DF, v15  }
0x215: {  	v16 =	vmul.f32 v15, v14;
	_ =	sdelay $0x1  }
0x216: {  	v16 =	vmul.f32 v15, v16;
	_ =	sdelay $0x1  }
0x217: {  	v16 =	vsub.f32 $1.500000000e+00, v16;
	_ =	sdelay $0x1  }
0x218: {  	v15 =	vmul.f32 v15, v16;
	_ =	sdelay $0x1  }
0x219: {  	v16 =	vmul.f32 v15, v14;
	_ =	sdelay $0x1  }
0x21a: {  	v16 =	vmul.f32 v16, v15;
	_ =	sdelay $0x1  }
0x21b: {  	v16 =	vsub.f32 $1.500000000e+00, v16;
	_ =	sdelay $0x1  }
0x21c: {  	v15 =	vmul.f32 v16, v15;
	_ =	sdelay $0x1  }
0x21d: {  	v14 =	vmul.f32 v15, v14;
	_ =	sdelay $0x1  }
0x21e: {  	v14 =	vmul.f32 v14, v15;
	_ =	sdelay $0x1  }
0x21f: {  	v14 =	vsub.f32 $1.500000000e+00, v14;
	_ =	sdelay $0x1  }
0x220: {  	v14 =	vmul.f32 v14, v15;
	_ =	sdelay $0x1  }
0x221: {  	v14 =	vmul.f32 s7, v14;
	_ =	sdelay $0x1  }
0x222: {  	v14 =	vmul.f32 v14, v11;
	_ =	sdelay $0x1  }
0x223: {  	v14 =	vadd.f32 v14, v12;
	_ =	sdelay $0x1  }
0x224: {  	v14 =	vsub.f32 $0.0e+00, v14;
	_ =	sdelay $0x1  }
0x225: {  	v15 =	vmul.f32 $1.442695020e+00, v14;
	_ =	sdelay $0x1  }
0x226: {  	vm8 =	vge.f32 v15, $0.0e+00  }
0x227: {  	v16 =	vsel vm8, $0x3F000000, v1  }
0x228: {  	v15 =	vadd.f32 v16, v15;
	_ =	sdelay $0x1  }
0x229: {  	v15 =	vtrunc.f32 v15  }
0x22a: {  	v15 =	vcvt.f32.s32 v15;
	_ =	sdelay $0x1  }
0x22b: {  	v16 =	vcvt.s32.f32 v15;
	_ =	sdelay $0x1  }
0x22c: {  	v16 =	vmul.f32 $6.931471820e-01, v16;
	_ =	sdelay $0x1  }
0x22d: {  	v14 =	vsub.f32 v14, v16;
	_ =	sdelay $0x1  }
0x22e: {  	v16 =	vmul.f32 $8.333333770e-03, v14;
	_ =	sdelay $0x1  }
0x22f: {  	v16 =	vadd.f32 $4.166666790e-02, v16  }
0x230: {  	v17 =	vld [tilespmem:s6+$0xFFFFFFD0]  }
0x231: {  	v18 =	vld [tilespmem:s5+$0xFFFFFF30];
	v16 =	vmul.f32 v16, v14  }
0x232: {  	v19 =	vld [tilespmem:s6+$0xFFFFFFB0]  }
0x233: {  	v20 =	vld [tilespmem:s5+$0xFFFFFF10];
	v16 =	vadd.f32 $1.666666720e-01, v16  }
0x234: {  	v21 =	vld [tilespmem:s5+$0xFFFFFF00]  }
0x235: {  	v22 =	vld [tilespmem:s6+$0xFFFFFF80];
	v16 =	vmul.f32 v16, v14  }
0x236: {  	v23 =	vld [tilespmem:s5+$0xFFFFFF20]  }
0x237: {  	v24 =	vld [tilespmem:s6+$0xFFFFFFA0];
	v16 =	vadd.f32 $5.000000000e-01, v16  }
0x238: {  	v25 =	vld [tilespmem:s5+$0xFFFFFF40]  }
0x239: {  	v26 =	vld [tilespmem:s5+$0xFFFFFF50];
	v16 =	vmul.f32 v16, v14  }
0x23a: {  	v27 =	vld [tilespmem:s5+$0xFFFFFF60]  }
0x23b: {  	v28 =	vld [tilespmem:s6+$0xFFFFFFE0];
	v16 =	vadd.f32 $1.000000000e+00, v16  }
0x23c: {  	v18 =	vmul.f32 v18, v19;
	v19 =	vld [tilespmem:s6+$0xFFFFFFC0]  }
0x23d: {  	v21 =	vmul.f32 v21, v22;
	v14 =	vmul.f32 v16, v14;
	v16 =	vld [tilespmem:s6+$0xFFFFFF90]  }
0x23e: {  	(xrf2) =	vadd.scan.msk.f32 $0xffff, v18;
	v18 =	vmul.f32 v23, v24  }
0x23f: {  	v17 =	vmul.f32 v26, v17;
	(xrf2) =	vadd.scan.msk.f32 $0xffff, v21;
	v15 =	vshll.u32 v15, $0x17;
	v14 =	vadd.f32 $1.000000000e+00, v14  }
0x240: {  	(xrf2) =	vadd.scan.msk.f32 $0xffff, v18;
	v18 =	vmul.f32 v27, v28;
	v15 =	vadd.s32 $0x3F800000, v15  }
0x241: {  	v19 =	vmul.f32 v25, v19;
	(xrf2) =	vadd.scan.msk.f32 $0xffff, v17;
	v17 =	vld [tilespmem:s6+$0xFFFFFFF0];
	v14 =	vmul.f32 v15, v14  }
0x242: {  	(xrf2) =	vadd.scan.msk.f32 $0xffff, v18;
	v15 =	vmul.f32 v20, v16;
	v16 =	vld [tilespmem:s5+$0xFFFFFF70]  }
0x243: {  	(xrf2) =	vadd.scan.msk.f32 $0xffff, v19;
	v14 =	vadd.f32 $1.000000000e+00, v14  }
0x244: {  	(xrf2) =	vadd.scan.msk.f32 $0xffff, v15  }
0x245: {  	v15 =	vsub.s32 $0x7EF311C3, v14  }
0x246: {  	v18 =	vmul.f32 v15, v14  }
0x247: {  	v16 =	vmul.f32 v16, v17  }
0x248: {  	v19, _, _ =	vpop (xrf2);
	v18 =	vsub.f32 $2.000000000e+00, v18  }
0x249: {  	v17, _, _ =	vpop (xrf2)  }
0x24a: {  	v20, _, _ =	vpop (xrf2);
	(xrf2) =	vadd.scan.msk.f32 $0xffff, v16;
	v15 =	vmul.f32 v15, v18  }
0x24b: {  	v16, _, _ =	vpop (xrf2)  }
0x24c: {  	v18, _, _ =	vpop (xrf2);
	v61 =	vmul.f32 v15, v14  }
0x24d: {  	v62, _, _ =	vpop (xrf2)  }
0x24e: {  	v17 =	vbroadcast v17, $0xF;
	v63, _, _ =	vpop (xrf2);
	v21 =	vsub.f32 $2.000000000e+00, v61  }
0x24f: {  	v19 =	vbroadcast v19, $0xF;
	v23 =	vbroadcast v63, $0xF  }
0x250: {  	v20 =	vbroadcast v20, $0xF;
	v17 =	vnsel vm0, $0x0, v17;
	v15 =	vmul.f32 v21, v15  }
0x251: {  	v17 =	vsel vm1, v17, v23  }
0x252: {  	v17 =	vsel vm2, v17, v20;
	v20 =	vbroadcast v62, $0xF;
	v14 =	vmul.f32 v15, v14  }
0x253: {  	v16 =	vbroadcast v16, $0xF;
	v17 =	vsel vm3, v17, v19  }
0x254: {  	v18 =	vbroadcast v18, $0xF;
	v19, _, _ =	vpop (xrf2);
	v17 =	vsel vm4, v17, v20;
	v14 =	vsub.f32 $2.000000000e+00, v14  }
0x255: {  	v16 =	vsel vm5, v17, v16;
	v17 =	vbroadcast v19, $0xF  }
0x256: {  	v16 =	vsel vm6, v16, v18;
	v14 =	vmul.f32 v14, v15  }
0x257: {  	v15 =	vsel vm7, v16, v17  }
0x258: {  	v14 =	vmul.f32 v14, v15;
	_ =	sdelay $0x1  }
0x259: {  	v15 =	vmul.f32 $1.442695020e+00, v14;
	_ =	sdelay $0x1  }
0x25a: {  	vm8 =	vge.f32 v15, $0.0e+00  }
0x25b: {  	v16 =	vsel vm8, $0x3F000000, v1  }
0x25c: {  	v15 =	vadd.f32 v16, v15;
	_ =	sdelay $0x1  }
0x25d: {  	v15 =	vtrunc.f32 v15  }
0x25e: {  	v15 =	vcvt.f32.s32 v15;
	_ =	sdelay $0x1  }
0x25f: {  	v16 =	vcvt.s32.f32 v15;
	_ =	sdelay $0x1  }
0x260: {  	v16 =	vmul.f32 $6.931471820e-01, v16;
	_ =	sdelay $0x1  }
0x261: {  	v14 =	vsub.f32 v14, v16;
	_ =	sdelay $0x1  }
0x262: {  	v16 =	vmul.f32 $8.333333770e-03, v14;
	_ =	sdelay $0x1  }
0x263: {  	v16 =	vadd.f32 $4.166666790e-02, v16;
	_ =	sdelay $0x1  }
0x264: {  	v16 =	vmul.f32 v16, v14;
	_ =	sdelay $0x1  }
0x265: {  	v16 =	vadd.f32 $1.666666720e-01, v16;
	_ =	sdelay $0x1  }
0x266: {  	v16 =	vmul.f32 v16, v14;
	_ =	sdelay $0x1  }
0x267: {  	v16 =	vadd.f32 $5.000000000e-01, v16;
	_ =	sdelay $0x1  }
0x268: {  	v16 =	vmul.f32 v16, v14;
	_ =	sdelay $0x1  }
0x269: {  	v16 =	vadd.f32 $1.000000000e+00, v16;
	_ =	sdelay $0x1  }
0x26a: {  	v14 =	vmul.f32 v16, v14;
	_ =	sdelay $0x1  }
0x26b: {  	v15 =	vshll.u32 v15, $0x17;
	v14 =	vadd.f32 $1.000000000e+00, v14  }
0x26c: {  	v15 =	vadd.s32 $0x3F800000, v15  }
0x26d: {  	v14 =	vmul.f32 v15, v14;
	_ =	sdelay $0x1  }
0x26e: {  	v14 =	vmul.f32 v2, v14;
	_ =	sdelay $0x1  }
0x26f: {  	v15 =	vmul.f32 v3, v14;
	_ =	sdelay $0x1  }
0x270: {  	(xrf2) =	vadd.scan.msk.f32 $0xffff, v15  }
0x271: {  	v15 =	vmul.f32 v4, v14;
	_ =	sdelay $0x1  }
0x272: {  	(xrf2) =	vadd.scan.msk.f32 $0xffff, v15  }
0x273: {  	v18 =	vmul.f32 v5, v14;
	_ =	sdelay $0x1  }
0x274: {  	v19 =	vmul.f32 v6, v14;
	(xrf2) =	vadd.scan.msk.f32 $0xffff, v18;
	_ =	sdelay $0x1  }
0x275: {  	v18 =	vld [tilespmem:s5+$0xFFFFFF80]  }
0x276: {  	v17 =	vmul.f32 v7, v14;
	v16 =	vmul.f32 v8, v14;
	(xrf2) =	vadd.scan.msk.f32 $0xffff, v19  }
0x277: {  	s8 =	simm.s32 $0x200;
	s9 =	simm.s32 $0x0;
	s7 =	simm.s32 $0x8720;
	v13 =	vadd.f32 v14, v13;
	v15 =	vmul.f32 v9, v14;
	v14 =	vmul.f32 v10, v14;
	v19, _, _ =	vpop (xrf2)  }
.LBB2_7:
0x278: {  	p0 =	sne.s32 s8, $0x1E00;
	v19 =	vbroadcast v19, $0xF;
	s6 =	sadd.s32 $0x100, s6;
	s5 =	sadd.s32 $0x180, s5  }
0x279: {  	s11 =	smov.u32 s8;
	s8 =	sadd.s32 $0x200, s8;
	(xrf2) =	vadd.scan.msk.f32 $0xffff, v17  }
0x27a: {  	v19 =	vmul.f32 v19, v18;
	v18, _, _ =	vpop (xrf2)  }
0x27b: {  	s10 =	sshra.s32 s9, $0x2;
	s9 =	smov.u32 s11  }
0x27c: {  	[tilespmem:s10+$0xA620] =	vst v19;
	(xrf2) =	vadd.scan.msk.f32 $0xffff, v16  }
0x27d: {  	v16 =	vld [tilespmem:s7+$0xFFFFFF90];
	v17, _, _ =	vpop (xrf2);
	_ =	sdelay $0x1  }
0x27e: {  	(xrf2) =	vadd.scan.msk.f32 $0xffff, v15  }
0x27f: {  	v15 =	vbroadcast v18, $0xF;
	v18, _, _ =	vpop (xrf2);
	_ =	sdelay $0x1  }
0x280: {  	v15 =	vmul.f32 v15, v16;
	(xrf2) =	vadd.scan.msk.f32 $0xffff, v14  }
0x281: {  	v14, _, _ =	vpop (xrf2)  }
0x282: {  	[tilespmem:s10+$0xA630] =	vst v15  }
0x283: {  	v15 =	vld [tilespmem:s7+$0xFFFFFFA0]  }
0x284: {  	v16, _, _ =	vpop (xrf2);
	_ =	sdelay $0x1  }
0x285: {  	v17 =	vbroadcast v17, $0xF  }
0x286: {  	v19, _, _ =	vpop (xrf2)  }
0x287: {  	v17 =	vmul.f32 v17, v15;
	_ =	sdelay $0x1  }
0x288: {  	[tilespmem:s10+$0xA640] =	vst v17;
	v15, _, _ =	vpop (xrf2)  }
0x289: {  	v17 =	vld [tilespmem:s7+$0xFFFFFFB0];
	_ =	sdelay $0x2  }
0x28a: {  	v18 =	vbroadcast v18, $0xF;
	_ =	sdelay $0x1  }
0x28b: {  	v17 =	vmul.f32 v18, v17;
	_ =	sdelay $0x1  }
0x28c: {  	[tilespmem:s10+$0xA650] =	vst v17  }
0x28d: {  	v17 =	vld [tilespmem:s7+$0xFFFFFFC0];
	_ =	sdelay $0x2  }
0x28e: {  	v14 =	vbroadcast v14, $0xF;
	_ =	sdelay $0x1  }
0x28f: {  	v14 =	vmul.f32 v14, v17;
	_ =	sdelay $0x1  }
0x290: {  	[tilespmem:s10+$0xA660] =	vst v14  }
0x291: {  	v14 =	vld [tilespmem:s7+$0xFFFFFFD0];
	_ =	sdelay $0x2  }
0x292: {  	v16 =	vbroadcast v16, $0xF;
	_ =	sdelay $0x1  }
0x293: {  	v14 =	vmul.f32 v16, v14;
	_ =	sdelay $0x1  }
0x294: {  	[tilespmem:s10+$0xA670] =	vst v14  }
0x295: {  	v14 =	vld [tilespmem:s7+$0xFFFFFFE0];
	_ =	sdelay $0x2  }
0x296: {  	v16 =	vbroadcast v19, $0xF;
	_ =	sdelay $0x1  }
0x297: {  	v14 =	vmul.f32 v16, v14;
	_ =	sdelay $0x1  }
0x298: {  	[tilespmem:s10+$0xA680] =	vst v14  }
0x299: {  	v14 =	vld [tilespmem:s7+$0xFFFFFFF0];
	s7 =	smov.u32 s5;
	_ =	sdelay $0x2  }
0x29a: {  	v15 =	vbroadcast v15, $0xF;
	_ =	sdelay $0x1  }
0x29b: {  	v14 =	vmul.f32 v15, v14;
	_ =	sdelay $0x1  }
0x29c: {  	[tilespmem:s10+$0xA690] =	vst v14  }
0x29d: {  	v14 =	vld [tilespmem:s5+$0x0]  }
0x29e: {  	v15 =	vld [tilespmem:s6+$0x0];
	_ =	sdelay $0x4  }
0x29f: {  	v14 =	vsub.f32 v15, v14;
	_ =	sdelay $0x1  }
0x2a0: {  	v14 =	vmul.f32 v14, v14;
	_ =	sdelay $0x1  }
0x2a1: {  	(xrf2) =	vadd.scan.msk.f32 $0xffff, v14;
	_ =	sdelay $0x9  }
0x2a2: {  	v14, _, _ =	vpop (xrf2)  }
0x2a3: {  	(v2sf) =	vpush v14, $0xF;
	_ =	sdelay $0xe  }
0x2a4: {  	s10 =	spop (v2sf)  }
0x2a5: {  	s10 =	sadd.f32 $9.999999960e-13, s10;
	_ =	sdelay $0x1  }
0x2a6: {  	v14 =	vmov s10;
	v15 =	vld [tilespmem:s6+$0xFFFFFFD0]  }
0x2a7: {  	v16 =	vshrl.u32 v14, $0x1;
	v14 =	vmul.f32 $5.000000000e-01, v14;
	v17 =	vld [tilespmem:s5+$0xFFFFFF30]  }
0x2a8: {  	v16 =	vsub.s32 $0x5F3759DF, v16;
	v18 =	vld [tilespmem:s6+$0xFFFFFFB0]  }
0x2a9: {  	v19 =	vmul.f32 v16, v14;
	v20 =	vld [tilespmem:s5+$0xFFFFFF10]  }
0x2aa: {  	v21 =	vld [tilespmem:s5+$0xFFFFFF00]  }
0x2ab: {  	v19 =	vmul.f32 v16, v19;
	v22 =	vld [tilespmem:s6+$0xFFFFFF80]  }
0x2ac: {  	v23 =	vld [tilespmem:s6+$0xFFFFFF90]  }
0x2ad: {  	v19 =	vsub.f32 $1.500000000e+00, v19;
	v24 =	vld [tilespmem:s5+$0xFFFFFF20];
	v17 =	vmul.f32 v17, v18  }
0x2ae: {  	v18 =	vld [tilespmem:s6+$0xFFFFFFA0]  }
0x2af: {  	v16 =	vmul.f32 v16, v19;
	v19 =	vld [tilespmem:s5+$0xFFFFFF40];
	(xrf2) =	vadd.scan.msk.f32 $0xffff, v17  }
0x2b0: {  	v17 =	vmul.f32 v21, v22;
	v21 =	vld [tilespmem:s6+$0xFFFFFFC0]  }
0x2b1: {  	v22 =	vmul.f32 v16, v14;
	v20 =	vmul.f32 v20, v23;
	v23 =	vld [tilespmem:s5+$0xFFFFFF50]  }
0x2b2: {  	v25 =	vld [tilespmem:s5+$0xFFFFFF60];
	(xrf2) =	vadd.scan.msk.f32 $0xffff, v17  }
0x2b3: {  	v17 =	vmul.f32 v22, v16;
	v18 =	vmul.f32 v24, v18;
	v22 =	vld [tilespmem:s6+$0xFFFFFFE0];
	_ =	sdelay $0x1  }
0x2b4: {  	v17 =	vsub.f32 $1.500000000e+00, v17;
	v19 =	vmul.f32 v19, v21;
	(xrf2) =	vadd.scan.msk.f32 $0xffff, v18  }
0x2b5: {  	v18 =	vmul.f32 v23, v15  }
0x2b6: {  	v16 =	vmul.f32 v17, v16  }
0x2b7: {  	v17 =	vmul.f32 v25, v22;
	(xrf2) =	vadd.scan.msk.f32 $0xffff, v18  }
0x2b8: {  	v14 =	vmul.f32 v16, v14;
	v15, _, _ =	vpop (xrf2);
	_ =	sdelay $0x1  }
0x2b9: {  	v14 =	vmul.f32 v14, v16;
	(xrf2) =	vadd.scan.msk.f32 $0xffff, v17  }
0x2ba: {  	v17, _, _ =	vpop (xrf2)  }
0x2bb: {  	v14 =	vsub.f32 $1.500000000e+00, v14;
	v18 =	vbroadcast v17, $0xF  }
0x2bc: {  	(xrf2) =	vadd.scan.msk.f32 $0xffff, v19  }
0x2bd: {  	v14 =	vmul.f32 v14, v16;
	v16 =	vnsel vm0, $0x0, v18;
	v17, _, _ =	vpop (xrf2)  }
0x2be: {  	v17 =	vbroadcast v17, $0xF  }
0x2bf: {  	v14 =	vmul.f32 s10, v14  }
0x2c0: {  	v18, _, _ =	vpop (xrf2)  }
0x2c1: {  	v14 =	vmul.f32 v14, v11;
	_ =	sdelay $0x1  }
0x2c2: {  	v14 =	vadd.f32 v14, v12;
	v19, _, _ =	vpop (xrf2);
	_ =	sdelay $0x1  }
0x2c3: {  	v14 =	vsub.f32 $0.0e+00, v14  }
0x2c4: {  	v21, _, _ =	vpop (xrf2)  }
0x2c5: {  	v22 =	vmul.f32 $1.442695020e+00, v14;
	_ =	sdelay $0x1  }
0x2c6: {  	vm8 =	vge.f32 v22, $0.0e+00  }
0x2c7: {  	v23 =	vsel vm8, $0x3F000000, v1  }
0x2c8: {  	v22 =	vadd.f32 v23, v22;
	_ =	sdelay $0x1  }
0x2c9: {  	v22 =	vtrunc.f32 v22  }
0x2ca: {  	v22 =	vcvt.f32.s32 v22;
	_ =	sdelay $0x1  }
0x2cb: {  	v23 =	vcvt.s32.f32 v22;
	v22 =	vshll.u32 v22, $0x17;
	_ =	sdelay $0x1  }
0x2cc: {  	v23 =	vmul.f32 $6.931471820e-01, v23;
	_ =	sdelay $0x1  }
0x2cd: {  	v14 =	vsub.f32 v14, v23;
	_ =	sdelay $0x1  }
0x2ce: {  	v23 =	vmul.f32 $8.333333770e-03, v14;
	_ =	sdelay $0x1  }
0x2cf: {  	v23 =	vadd.f32 $4.166666790e-02, v23;
	_ =	sdelay $0x1  }
0x2d0: {  	v23 =	vmul.f32 v23, v14;
	_ =	sdelay $0x1  }
0x2d1: {  	v23 =	vadd.f32 $1.666666720e-01, v23;
	_ =	sdelay $0x1  }
0x2d2: {  	v23 =	vmul.f32 v23, v14;
	_ =	sdelay $0x1  }
0x2d3: {  	v23 =	vadd.f32 $5.000000000e-01, v23;
	_ =	sdelay $0x1  }
0x2d4: {  	v23 =	vmul.f32 v23, v14;
	_ =	sdelay $0x1  }
0x2d5: {  	v23 =	vadd.f32 $1.000000000e+00, v23;
	_ =	sdelay $0x1  }
0x2d6: {  	v14 =	vmul.f32 v23, v14;
	_ =	sdelay $0x1  }
0x2d7: {  	v22 =	vadd.s32 $0x3F800000, v22;
	v14 =	vadd.f32 $1.000000000e+00, v14;
	_ =	sdelay $0x1  }
0x2d8: {  	v14 =	vmul.f32 v22, v14  }
0x2d9: {  	v22 =	vld [tilespmem:s5+$0xFFFFFF70]  }
0x2da: {  	v14 =	vadd.f32 $1.000000000e+00, v14;
	v23 =	vld [tilespmem:s6+$0xFFFFFFF0];
	(xrf2) =	vadd.scan.msk.f32 $0xffff, v20;
	_ =	sdelay $0x1  }
0x2db: {  	v20 =	vsub.s32 $0x7EF311C3, v14  }
0x2dc: {  	v24 =	vmul.f32 v20, v14;
	_ =	sdelay $0x1  }
0x2dd: {  	v24 =	vsub.f32 $2.000000000e+00, v24;
	v22 =	vmul.f32 v22, v23;
	_ =	sdelay $0x1  }
0x2de: {  	v20 =	vmul.f32 v20, v24;
	(xrf2) =	vadd.scan.msk.f32 $0xffff, v22;
	_ =	sdelay $0x1  }
0x2df: {  	v22 =	vmul.f32 v20, v14  }
0x2e0: {  	v23, _, _ =	vpop (xrf2)  }
0x2e1: {  	v22 =	vsub.f32 $2.000000000e+00, v22;
	v23 =	vbroadcast v23, $0xF;
	_ =	sdelay $0x1  }
0x2e2: {  	v15 =	vbroadcast v15, $0xF;
	v20 =	vmul.f32 v22, v20;
	v16 =	vsel vm1, v16, v23  }
0x2e3: {  	v16 =	vsel vm2, v16, v17;
	v17 =	vbroadcast v21, $0xF  }
0x2e4: {  	v18 =	vbroadcast v18, $0xF;
	v14 =	vmul.f32 v20, v14;
	v15 =	vsel vm3, v16, v15  }
0x2e5: {  	v15 =	vsel vm4, v15, v17;
	v17 =	vbroadcast v19, $0xF  }
0x2e6: {  	v14 =	vsub.f32 $2.000000000e+00, v14;
	v15 =	vsel vm5, v15, v18;
	v16, _, _ =	vpop (xrf2)  }
0x2e7: {  	v15 =	vsel vm6, v15, v17;
	v16 =	vbroadcast v16, $0xF  }
0x2e8: {  	v14 =	vmul.f32 v14, v20  }
0x2e9: {  	v15 =	vsel vm7, v15, v16  }
0x2ea: {  	v14 =	vmul.f32 v14, v15;
	_ =	sdelay $0x1  }
0x2eb: {  	v15 =	vmul.f32 $1.442695020e+00, v14;
	_ =	sdelay $0x1  }
0x2ec: {  	vm8 =	vge.f32 v15, $0.0e+00  }
0x2ed: {  	v16 =	vsel vm8, $0x3F000000, v1  }
0x2ee: {  	v15 =	vadd.f32 v16, v15;
	_ =	sdelay $0x1  }
0x2ef: {  	v15 =	vtrunc.f32 v15  }
0x2f0: {  	v15 =	vcvt.f32.s32 v15;
	_ =	sdelay $0x1  }
0x2f1: {  	v16 =	vcvt.s32.f32 v15;
	v15 =	vshll.u32 v15, $0x17;
	_ =	sdelay $0x1  }
0x2f2: {  	v16 =	vmul.f32 $6.931471820e-01, v16;
	_ =	sdelay $0x1  }
0x2f3: {  	v14 =	vsub.f32 v14, v16;
	_ =	sdelay $0x1  }
0x2f4: {  	v16 =	vmul.f32 $8.333333770e-03, v14;
	_ =	sdelay $0x1  }
0x2f5: {  	v16 =	vadd.f32 $4.166666790e-02, v16;
	_ =	sdelay $0x1  }
0x2f6: {  	v16 =	vmul.f32 v16, v14;
	_ =	sdelay $0x1  }
0x2f7: {  	v16 =	vadd.f32 $1.666666720e-01, v16;
	_ =	sdelay $0x1  }
0x2f8: {  	v16 =	vmul.f32 v16, v14;
	_ =	sdelay $0x1  }
0x2f9: {  	v16 =	vadd.f32 $5.000000000e-01, v16;
	_ =	sdelay $0x1  }
0x2fa: {  	v16 =	vmul.f32 v16, v14;
	_ =	sdelay $0x1  }
0x2fb: {  	v16 =	vadd.f32 $1.000000000e+00, v16;
	_ =	sdelay $0x1  }
0x2fc: {  	v14 =	vmul.f32 v16, v14;
	_ =	sdelay $0x1  }
0x2fd: {  	v14 =	vadd.f32 $1.000000000e+00, v14  }
0x2fe: {  	v15 =	vadd.s32 $0x3F800000, v15  }
0x2ff: {  	v14 =	vmul.f32 v15, v14;
	_ =	sdelay $0x1  }
0x300: {  	v14 =	vmul.f32 v2, v14;
	_ =	sdelay $0x1  }
0x301: {  	v15 =	vmul.f32 v3, v14;
	v18 =	vmul.f32 v4, v14;
	v13 =	vadd.f32 v14, v13  }
0x302: {  	v19 =	vmul.f32 v5, v14;
	v20 =	vmul.f32 v6, v14  }
0x303: {  	v17 =	vmul.f32 v7, v14;
	v16 =	vmul.f32 v8, v14;
	(xrf2) =	vadd.scan.msk.f32 $0xffff, v15  }
0x304: {  	v15 =	vmul.f32 v9, v14;
	v14 =	vmul.f32 v10, v14;
	_ =	sdelay $0x1  }
0x305: {  	(xrf2) =	vadd.scan.msk.f32 $0xffff, v18;
	_ =	sdelay $0x2  }
.Ltmp2:
0x306: {  	(xrf2) =	vadd.scan.msk.f32 $0xffff, v19;
	(pc) =	sbr.rel @p0 .LBB2_7-.Ltmp2, $4  }
0x307: {  	_ = 	snop  }
0x308: {  	v18 =	vld [tilespmem:s5+$0xFFFFFF80]  }
0x309: {  	(xrf2) =	vadd.scan.msk.f32 $0xffff, v20  }
0x30a: {  	v19, _, _ =	vpop (xrf2)  }
0x30b: {  	v19 =	vbroadcast v19, $0xF;
	_ =	sdelay $0x1  }
0x30c: {  	v18 =	vmul.f32 v19, v18  }
0x30d: {  	s5 =	sshra.s32 s9, $0x2  }
0x30e: {  	[tilespmem:s5+$0xA620] =	vst v18  }
0x30f: {  	v18 =	vld [tilespmem:s7+$0xFFFFFF90];
	_ =	sdelay $0x1  }
0x310: {  	v19, _, _ =	vpop (xrf2)  }
0x311: {  	v19 =	vbroadcast v19, $0xF;
	_ =	sdelay $0x1  }
0x312: {  	v18 =	vmul.f32 v19, v18;
	_ =	sdelay $0x1  }
0x313: {  	[tilespmem:s5+$0xA630] =	vst v18  }
0x314: {  	v18 =	vld [tilespmem:s7+$0xFFFFFFA0];
	_ =	sdelay $0x1  }
0x315: {  	v19, _, _ =	vpop (xrf2)  }
0x316: {  	v19 =	vbroadcast v19, $0xF;
	_ =	sdelay $0x1  }
0x317: {  	v18 =	vmul.f32 v19, v18;
	_ =	sdelay $0x1  }
0x318: {  	[tilespmem:s5+$0xA640] =	vst v18  }
0x319: {  	(xrf2) =	vadd.scan.msk.f32 $0xffff, v17;
	v17 =	vld [tilespmem:s7+$0xFFFFFFB0];
	_ =	sdelay $0x1  }
0x31a: {  	v18, _, _ =	vpop (xrf2)  }
0x31b: {  	v18 =	vbroadcast v18, $0xF;
	_ =	sdelay $0x1  }
0x31c: {  	v17 =	vmul.f32 v18, v17;
	_ =	sdelay $0x1  }
0x31d: {  	[tilespmem:s5+$0xA650] =	vst v17  }
0x31e: {  	(xrf2) =	vadd.scan.msk.f32 $0xffff, v16;
	v16 =	vld [tilespmem:s7+$0xFFFFFFC0];
	_ =	sdelay $0x1  }
0x31f: {  	v17, _, _ =	vpop (xrf2)  }
0x320: {  	v17 =	vbroadcast v17, $0xF;
	_ =	sdelay $0x1  }
0x321: {  	v16 =	vmul.f32 v17, v16;
	_ =	sdelay $0x1  }
0x322: {  	[tilespmem:s5+$0xA660] =	vst v16  }
0x323: {  	(xrf2) =	vadd.scan.msk.f32 $0xffff, v15;
	v15 =	vld [tilespmem:s7+$0xFFFFFFD0];
	_ =	sdelay $0x1  }
0x324: {  	v16, _, _ =	vpop (xrf2)  }
0x325: {  	v16 =	vbroadcast v16, $0xF;
	_ =	sdelay $0x1  }
0x326: {  	v15 =	vmul.f32 v16, v15;
	_ =	sdelay $0x1  }
0x327: {  	[tilespmem:s5+$0xA670] =	vst v15  }
0x328: {  	(xrf2) =	vadd.scan.msk.f32 $0xffff, v14;
	v14 =	vld [tilespmem:s7+$0xFFFFFFE0];
	_ =	sdelay $0x1  }
0x329: {  	v15, _, _ =	vpop (xrf2)  }
0x32a: {  	v15 =	vbroadcast v15, $0xF;
	_ =	sdelay $0x1  }
0x32b: {  	v14 =	vmul.f32 v15, v14;
	_ =	sdelay $0x1  }
0x32c: {  	[tilespmem:s5+$0xA680] =	vst v14  }
0x32d: {  	v14 =	vld [tilespmem:s7+$0xFFFFFFF0];
	_ =	sdelay $0x1  }
0x32e: {  	v15, _, _ =	vpop (xrf2)  }
0x32f: {  	v15 =	vbroadcast v15, $0xF;
	_ =	sdelay $0x1  }
0x330: {  	v14 =	vmul.f32 v15, v14;
	_ =	sdelay $0x1  }
0x331: {  	[tilespmem:s5+$0xA690] =	vst v14  }
0x332: {  	[spmem:s21] =	stream.indirect.scatter.add.f32 [tilespmem:s20], [sflag:$0x4], $0x80, s31, s29, $0xb8;
	[tilespmem:$0x1EAE0] =	vst v63  }
0x333: {  	_ =	swait.ge [sflag:s19], $0x1000  }
0x334: {  	[sflag:s19] =	ssyncset.done $0x0  }
0x335: {  	[sflag:s19] =	ssyncadd.s32 $0xFFFFF000  }
0x336: {  	p0 =	seq.s32 s3, $0x137;
	_ =	swait.ge [sflag:s19], $0x1800  }
0x337: {  	s6 =	simm.s32 @!p0 $0x10;
	[sflag:s19] =	ssyncset.done $0x0  }
0x338: {  	s7 =	simm.s32 @!p0 $0x5E20;
	s5 =	sadd.s32 @!p0 $0x30, s4;
	[sflag:s19] =	ssyncadd.s32 $0xFFFFE800  }
0x339: {  	[tilespmem:s7], [sflag:$0x2] =	stream.indirect.gather @!p0 [hbm4b:s25+s6], $0x100, s5, s6, $0xb8;
	[tilespmem:$0x1EAE0] =	vst v63  }
0x33a: {  	s5 =	sadd.s32 @!p0 $0x2740, s4;
	s7 =	simm.s32 @!p0 $0x8620  }
0x33b: {  	[tilespmem:s7], [sflag:$0x2] =	stream.indirect.gather @!p0 [hbm4b:s26+s6], $0x180, s5, s6, $0xb8;
	[tilespmem:$0x1EAE0] =	vst v63  }
0x33c: {  	_ =	swait.ge [sflag:s0], $0x800  }
0x33d: {  	[sflag:s0] =	ssyncset.done $0x0  }
0x33e: {  	[sflag:s0] =	ssyncadd.s32 $0xFFFFF800  }
0x33f: {  	v14 =	vld [tilespmem:s4+$0x20];
	_ =	sdelay $0x4  }
0x340: {  	s4 =	simm.s32 $0x6EA0;
	[tilespmem:$0xAE20] =	vst v14  }
0x341: {  	s5 =	simm.s32 $0x4E60;
	v14 =	vld [tilespmem:s4+$0x80]  }
0x342: {  	v15 =	vld [tilespmem:s5+$0x40];
	_ =	sdelay $0x4  }
0x343: {  	v14 =	vsub.f32 v15, v14;
	_ =	sdelay $0x1  }
0x344: {  	v14 =	vmul.f32 v14, v14;
	_ =	sdelay $0x1  }
0x345: {  	(xrf2) =	vadd.scan.msk.f32 $0xffff, v14;
	_ =	sdelay $0x9  }
0x346: {  	v14, _, _ =	vpop (xrf2)  }
0x347: {  	(v2sf) =	vpush v14, $0xF;
	_ =	sdelay $0xe  }
0x348: {  	s11 =	spop (v2sf)  }
0x349: {  	s6 =	sadd.f32 $9.999999960e-13, s11;
	_ =	sdelay $0x1  }
0x34a: {  	v14 =	vmov s6  }
0x34b: {  	v15 =	vshrl.u32 v14, $0x1;
	v14 =	vmul.f32 $5.000000000e-01, v14  }
0x34c: {  	v15 =	vsub.s32 $0x5F3759DF, v15  }
0x34d: {  	v16 =	vmul.f32 v15, v14;
	_ =	sdelay $0x1  }
0x34e: {  	v16 =	vmul.f32 v15, v16;
	_ =	sdelay $0x1  }
0x34f: {  	v16 =	vsub.f32 $1.500000000e+00, v16;
	_ =	sdelay $0x1  }
0x350: {  	v15 =	vmul.f32 v15, v16;
	_ =	sdelay $0x1  }
0x351: {  	v16 =	vmul.f32 v15, v14;
	_ =	sdelay $0x1  }
0x352: {  	v16 =	vmul.f32 v16, v15;
	_ =	sdelay $0x1  }
0x353: {  	v16 =	vsub.f32 $1.500000000e+00, v16;
	_ =	sdelay $0x1  }
0x354: {  	v15 =	vmul.f32 v16, v15;
	_ =	sdelay $0x1  }
0x355: {  	v14 =	vmul.f32 v15, v14;
	_ =	sdelay $0x1  }
0x356: {  	v14 =	vmul.f32 v14, v15;
	_ =	sdelay $0x1  }
0x357: {  	v14 =	vsub.f32 $1.500000000e+00, v14;
	_ =	sdelay $0x1  }
0x358: {  	v14 =	vmul.f32 v14, v15;
	_ =	sdelay $0x1  }
0x359: {  	v14 =	vmul.f32 s6, v14;
	_ =	sdelay $0x1  }
0x35a: {  	v14 =	vmul.f32 v14, v11;
	_ =	sdelay $0x1  }
0x35b: {  	v14 =	vadd.f32 v14, v12;
	_ =	sdelay $0x1  }
0x35c: {  	v14 =	vsub.f32 $0.0e+00, v14;
	_ =	sdelay $0x1  }
0x35d: {  	v15 =	vmul.f32 $1.442695020e+00, v14;
	_ =	sdelay $0x1  }
0x35e: {  	vm8 =	vge.f32 v15, $0.0e+00  }
0x35f: {  	v16 =	vsel vm8, $0x3F000000, v1  }
0x360: {  	v15 =	vadd.f32 v16, v15;
	_ =	sdelay $0x1  }
0x361: {  	v15 =	vtrunc.f32 v15  }
0x362: {  	v15 =	vcvt.f32.s32 v15;
	_ =	sdelay $0x1  }
0x363: {  	v16 =	vcvt.s32.f32 v15;
	_ =	sdelay $0x1  }
0x364: {  	v16 =	vmul.f32 $6.931471820e-01, v16;
	_ =	sdelay $0x1  }
0x365: {  	v14 =	vsub.f32 v14, v16;
	_ =	sdelay $0x1  }
0x366: {  	v16 =	vmul.f32 $8.333333770e-03, v14;
	_ =	sdelay $0x1  }
0x367: {  	v16 =	vadd.f32 $4.166666790e-02, v16  }
0x368: {  	v17 =	vld [tilespmem:s5+$0x10]  }
0x369: {  	v18 =	vld [tilespmem:s4+$0xFFFFFFB0];
	v16 =	vmul.f32 v16, v14  }
0x36a: {  	v19 =	vld [tilespmem:s5+$0xFFFFFFF0]  }
0x36b: {  	v20 =	vld [tilespmem:s4+$0xFFFFFF90];
	v16 =	vadd.f32 $1.666666720e-01, v16  }
0x36c: {  	v21 =	vld [tilespmem:s4+$0xFFFFFF80]  }
0x36d: {  	v22 =	vld [tilespmem:s5+$0xFFFFFFC0];
	v16 =	vmul.f32 v16, v14  }
0x36e: {  	v23 =	vld [tilespmem:s4+$0xFFFFFFA0]  }
0x36f: {  	v24 =	vld [tilespmem:s5+$0xFFFFFFE0];
	v16 =	vadd.f32 $5.000000000e-01, v16  }
0x370: {  	v25 =	vld [tilespmem:s4+$0xFFFFFFC0]  }
0x371: {  	v26 =	vld [tilespmem:s4+$0xFFFFFFD0];
	v16 =	vmul.f32 v16, v14  }
0x372: {  	v27 =	vld [tilespmem:s4+$0xFFFFFFE0]  }
0x373: {  	v28 =	vld [tilespmem:s5+$0x20];
	v16 =	vadd.f32 $1.000000000e+00, v16  }
0x374: {  	v18 =	vmul.f32 v18, v19;
	v19 =	vld [tilespmem:s5+$0x0]  }
0x375: {  	v21 =	vmul.f32 v21, v22;
	v14 =	vmul.f32 v16, v14;
	v16 =	vld [tilespmem:s5+$0xFFFFFFD0]  }
0x376: {  	(xrf2) =	vadd.scan.msk.f32 $0xffff, v18;
	v18 =	vmul.f32 v23, v24  }
0x377: {  	v17 =	vmul.f32 v26, v17;
	(xrf2) =	vadd.scan.msk.f32 $0xffff, v21;
	v15 =	vshll.u32 v15, $0x17;
	v14 =	vadd.f32 $1.000000000e+00, v14  }
0x378: {  	(xrf2) =	vadd.scan.msk.f32 $0xffff, v18;
	v18 =	vmul.f32 v27, v28;
	v15 =	vadd.s32 $0x3F800000, v15  }
0x379: {  	v19 =	vmul.f32 v25, v19;
	(xrf2) =	vadd.scan.msk.f32 $0xffff, v17;
	v17 =	vld [tilespmem:s5+$0x30];
	v14 =	vmul.f32 v15, v14  }
0x37a: {  	(xrf2) =	vadd.scan.msk.f32 $0xffff, v18;
	v15 =	vmul.f32 v20, v16;
	v16 =	vld [tilespmem:s4+$0xFFFFFFF0]  }
0x37b: {  	(xrf2) =	vadd.scan.msk.f32 $0xffff, v19;
	v14 =	vadd.f32 $1.000000000e+00, v14  }
0x37c: {  	(xrf2) =	vadd.scan.msk.f32 $0xffff, v15  }
0x37d: {  	v15 =	vsub.s32 $0x7EF311C3, v14  }
0x37e: {  	v18 =	vmul.f32 v15, v14  }
0x37f: {  	v16 =	vmul.f32 v16, v17  }
0x380: {  	v19, _, _ =	vpop (xrf2);
	v18 =	vsub.f32 $2.000000000e+00, v18  }
0x381: {  	v17, _, _ =	vpop (xrf2)  }
0x382: {  	v20, _, _ =	vpop (xrf2);
	(xrf2) =	vadd.scan.msk.f32 $0xffff, v16;
	v15 =	vmul.f32 v15, v18  }
0x383: {  	v16, _, _ =	vpop (xrf2)  }
0x384: {  	v18, _, _ =	vpop (xrf2);
	v61 =	vmul.f32 v15, v14  }
0x385: {  	v62, _, _ =	vpop (xrf2)  }
0x386: {  	v17 =	vbroadcast v17, $0xF;
	v63, _, _ =	vpop (xrf2);
	v21 =	vsub.f32 $2.000000000e+00, v61  }
0x387: {  	v19 =	vbroadcast v19, $0xF;
	v23 =	vbroadcast v63, $0xF  }
0x388: {  	v20 =	vbroadcast v20, $0xF;
	v17 =	vnsel vm0, $0x0, v17;
	v15 =	vmul.f32 v21, v15  }
0x389: {  	v17 =	vsel vm1, v17, v23  }
0x38a: {  	v17 =	vsel vm2, v17, v20;
	v20 =	vbroadcast v62, $0xF;
	v14 =	vmul.f32 v15, v14  }
0x38b: {  	v16 =	vbroadcast v16, $0xF;
	v17 =	vsel vm3, v17, v19  }
0x38c: {  	v18 =	vbroadcast v18, $0xF;
	v19, _, _ =	vpop (xrf2);
	v17 =	vsel vm4, v17, v20;
	v14 =	vsub.f32 $2.000000000e+00, v14  }
0x38d: {  	v16 =	vsel vm5, v17, v16;
	v17 =	vbroadcast v19, $0xF  }
0x38e: {  	v16 =	vsel vm6, v16, v18;
	v14 =	vmul.f32 v14, v15  }
0x38f: {  	v15 =	vsel vm7, v16, v17  }
0x390: {  	v14 =	vmul.f32 v14, v15;
	_ =	sdelay $0x1  }
0x391: {  	v15 =	vmul.f32 $1.442695020e+00, v14;
	_ =	sdelay $0x1  }
0x392: {  	vm8 =	vge.f32 v15, $0.0e+00  }
0x393: {  	v16 =	vsel vm8, $0x3F000000, v1  }
0x394: {  	v15 =	vadd.f32 v16, v15;
	_ =	sdelay $0x1  }
0x395: {  	v15 =	vtrunc.f32 v15  }
0x396: {  	v15 =	vcvt.f32.s32 v15;
	_ =	sdelay $0x1  }
0x397: {  	v16 =	vcvt.s32.f32 v15;
	_ =	sdelay $0x1  }
0x398: {  	v16 =	vmul.f32 $6.931471820e-01, v16;
	_ =	sdelay $0x1  }
0x399: {  	v14 =	vsub.f32 v14, v16;
	_ =	sdelay $0x1  }
0x39a: {  	v16 =	vmul.f32 $8.333333770e-03, v14;
	_ =	sdelay $0x1  }
0x39b: {  	v16 =	vadd.f32 $4.166666790e-02, v16;
	_ =	sdelay $0x1  }
0x39c: {  	v16 =	vmul.f32 v16, v14;
	_ =	sdelay $0x1  }
0x39d: {  	v16 =	vadd.f32 $1.666666720e-01, v16;
	_ =	sdelay $0x1  }
0x39e: {  	v16 =	vmul.f32 v16, v14;
	_ =	sdelay $0x1  }
0x39f: {  	v16 =	vadd.f32 $5.000000000e-01, v16;
	_ =	sdelay $0x1  }
0x3a0: {  	v16 =	vmul.f32 v16, v14;
	_ =	sdelay $0x1  }
0x3a1: {  	v16 =	vadd.f32 $1.000000000e+00, v16;
	_ =	sdelay $0x1  }
0x3a2: {  	v14 =	vmul.f32 v16, v14;
	_ =	sdelay $0x1  }
0x3a3: {  	v15 =	vshll.u32 v15, $0x17;
	v14 =	vadd.f32 $1.000000000e+00, v14  }
0x3a4: {  	v15 =	vadd.s32 $0x3F800000, v15  }
0x3a5: {  	v14 =	vmul.f32 v15, v14;
	_ =	sdelay $0x1  }
0x3a6: {  	v14 =	vmul.f32 v2, v14;
	_ =	sdelay $0x1  }
0x3a7: {  	v15 =	vmul.f32 v3, v14;
	_ =	sdelay $0x1  }
0x3a8: {  	(xrf2) =	vadd.scan.msk.f32 $0xffff, v15  }
0x3a9: {  	v15 =	vmul.f32 v4, v14;
	_ =	sdelay $0x1  }
0x3aa: {  	(xrf2) =	vadd.scan.msk.f32 $0xffff, v15  }
0x3ab: {  	v18 =	vmul.f32 v5, v14;
	_ =	sdelay $0x1  }
0x3ac: {  	v19 =	vmul.f32 v6, v14;
	(xrf2) =	vadd.scan.msk.f32 $0xffff, v18;
	_ =	sdelay $0x1  }
0x3ad: {  	v18 =	vld [tilespmem:s4+$0x0]  }
0x3ae: {  	v17 =	vmul.f32 v7, v14;
	v16 =	vmul.f32 v8, v14;
	(xrf2) =	vadd.scan.msk.f32 $0xffff, v19  }
0x3af: {  	s8 =	simm.s32 $0x200;
	s7 =	simm.s32 $0x0;
	s6 =	simm.s32 $0x6EA0;
	v13 =	vadd.f32 v14, v13;
	v15 =	vmul.f32 v9, v14;
	v14 =	vmul.f32 v10, v14;
	v19, _, _ =	vpop (xrf2)  }
.LBB2_9:
0x3b0: {  	p0 =	sne.s32 s8, $0x1E00;
	v19 =	vbroadcast v19, $0xF;
	s4 =	sadd.s32 $0x180, s4;
	s5 =	sadd.s32 $0x100, s5  }
0x3b1: {  	s10 =	smov.u32 s8;
	s8 =	sadd.s32 $0x200, s8;
	(xrf2) =	vadd.scan.msk.f32 $0xffff, v17  }
0x3b2: {  	v19 =	vmul.f32 v19, v18;
	v18, _, _ =	vpop (xrf2)  }
0x3b3: {  	s9 =	sshra.s32 s7, $0x2;
	s7 =	smov.u32 s10  }
0x3b4: {  	[tilespmem:s9+$0x9E20] =	vst v19;
	(xrf2) =	vadd.scan.msk.f32 $0xffff, v16  }
0x3b5: {  	v16 =	vld [tilespmem:s6+$0x10];
	v17, _, _ =	vpop (xrf2);
	_ =	sdelay $0x1  }
0x3b6: {  	(xrf2) =	vadd.scan.msk.f32 $0xffff, v15  }
0x3b7: {  	v15 =	vbroadcast v18, $0xF;
	v18, _, _ =	vpop (xrf2);
	_ =	sdelay $0x1  }
0x3b8: {  	v15 =	vmul.f32 v15, v16;
	(xrf2) =	vadd.scan.msk.f32 $0xffff, v14  }
0x3b9: {  	v14, _, _ =	vpop (xrf2)  }
0x3ba: {  	[tilespmem:s9+$0x9E30] =	vst v15  }
0x3bb: {  	v15 =	vld [tilespmem:s6+$0x20]  }
0x3bc: {  	v16, _, _ =	vpop (xrf2);
	_ =	sdelay $0x1  }
0x3bd: {  	v17 =	vbroadcast v17, $0xF  }
0x3be: {  	v19, _, _ =	vpop (xrf2)  }
0x3bf: {  	v17 =	vmul.f32 v17, v15;
	_ =	sdelay $0x1  }
0x3c0: {  	[tilespmem:s9+$0x9E40] =	vst v17;
	v15, _, _ =	vpop (xrf2)  }
0x3c1: {  	v17 =	vld [tilespmem:s6+$0x30];
	_ =	sdelay $0x2  }
0x3c2: {  	v18 =	vbroadcast v18, $0xF;
	_ =	sdelay $0x1  }
0x3c3: {  	v17 =	vmul.f32 v18, v17;
	_ =	sdelay $0x1  }
0x3c4: {  	[tilespmem:s9+$0x9E50] =	vst v17  }
0x3c5: {  	v17 =	vld [tilespmem:s6+$0x40];
	_ =	sdelay $0x2  }
0x3c6: {  	v14 =	vbroadcast v14, $0xF;
	_ =	sdelay $0x1  }
0x3c7: {  	v14 =	vmul.f32 v14, v17;
	_ =	sdelay $0x1  }
0x3c8: {  	[tilespmem:s9+$0x9E60] =	vst v14  }
0x3c9: {  	v14 =	vld [tilespmem:s6+$0x50];
	_ =	sdelay $0x2  }
0x3ca: {  	v16 =	vbroadcast v16, $0xF;
	_ =	sdelay $0x1  }
0x3cb: {  	v14 =	vmul.f32 v16, v14;
	_ =	sdelay $0x1  }
0x3cc: {  	[tilespmem:s9+$0x9E70] =	vst v14  }
0x3cd: {  	v14 =	vld [tilespmem:s6+$0x60];
	_ =	sdelay $0x2  }
0x3ce: {  	v16 =	vbroadcast v19, $0xF;
	_ =	sdelay $0x1  }
0x3cf: {  	v14 =	vmul.f32 v16, v14;
	_ =	sdelay $0x1  }
0x3d0: {  	[tilespmem:s9+$0x9E80] =	vst v14  }
0x3d1: {  	v14 =	vld [tilespmem:s6+$0x70];
	s6 =	smov.u32 s4;
	_ =	sdelay $0x2  }
0x3d2: {  	v15 =	vbroadcast v15, $0xF;
	_ =	sdelay $0x1  }
0x3d3: {  	v14 =	vmul.f32 v15, v14;
	_ =	sdelay $0x1  }
0x3d4: {  	[tilespmem:s9+$0x9E90] =	vst v14  }
0x3d5: {  	v14 =	vld [tilespmem:s4+$0x80]  }
0x3d6: {  	v15 =	vld [tilespmem:s5+$0x40];
	_ =	sdelay $0x4  }
0x3d7: {  	v14 =	vsub.f32 v15, v14;
	_ =	sdelay $0x1  }
0x3d8: {  	v14 =	vmul.f32 v14, v14;
	_ =	sdelay $0x1  }
0x3d9: {  	(xrf2) =	vadd.scan.msk.f32 $0xffff, v14;
	_ =	sdelay $0x9  }
0x3da: {  	v14, _, _ =	vpop (xrf2)  }
0x3db: {  	(v2sf) =	vpush v14, $0xF;
	_ =	sdelay $0xe  }
0x3dc: {  	s9 =	spop (v2sf)  }
0x3dd: {  	s9 =	sadd.f32 $9.999999960e-13, s9;
	_ =	sdelay $0x1  }
0x3de: {  	v14 =	vmov s9;
	v15 =	vld [tilespmem:s5+$0x10]  }
0x3df: {  	v16 =	vshrl.u32 v14, $0x1;
	v14 =	vmul.f32 $5.000000000e-01, v14;
	v17 =	vld [tilespmem:s4+$0xFFFFFFB0]  }
0x3e0: {  	v16 =	vsub.s32 $0x5F3759DF, v16;
	v18 =	vld [tilespmem:s5+$0xFFFFFFF0]  }
0x3e1: {  	v19 =	vmul.f32 v16, v14;
	v20 =	vld [tilespmem:s4+$0xFFFFFF90]  }
0x3e2: {  	v21 =	vld [tilespmem:s4+$0xFFFFFF80]  }
0x3e3: {  	v19 =	vmul.f32 v16, v19;
	v22 =	vld [tilespmem:s5+$0xFFFFFFC0]  }
0x3e4: {  	v23 =	vld [tilespmem:s5+$0xFFFFFFD0]  }
0x3e5: {  	v19 =	vsub.f32 $1.500000000e+00, v19;
	v24 =	vld [tilespmem:s4+$0xFFFFFFA0];
	v17 =	vmul.f32 v17, v18  }
0x3e6: {  	v18 =	vld [tilespmem:s5+$0xFFFFFFE0]  }
0x3e7: {  	v16 =	vmul.f32 v16, v19;
	v19 =	vld [tilespmem:s4+$0xFFFFFFC0];
	(xrf2) =	vadd.scan.msk.f32 $0xffff, v17  }
0x3e8: {  	v17 =	vmul.f32 v21, v22;
	v21 =	vld [tilespmem:s5+$0x0]  }
0x3e9: {  	v22 =	vmul.f32 v16, v14;
	v20 =	vmul.f32 v20, v23;
	v23 =	vld [tilespmem:s4+$0xFFFFFFD0]  }
0x3ea: {  	v25 =	vld [tilespmem:s4+$0xFFFFFFE0];
	(xrf2) =	vadd.scan.msk.f32 $0xffff, v17  }
0x3eb: {  	v17 =	vmul.f32 v22, v16;
	v18 =	vmul.f32 v24, v18;
	v22 =	vld [tilespmem:s5+$0x20];
	_ =	sdelay $0x1  }
0x3ec: {  	v17 =	vsub.f32 $1.500000000e+00, v17;
	v19 =	vmul.f32 v19, v21;
	(xrf2) =	vadd.scan.msk.f32 $0xffff, v18  }
0x3ed: {  	v18 =	vmul.f32 v23, v15  }
0x3ee: {  	v16 =	vmul.f32 v17, v16  }
0x3ef: {  	v17 =	vmul.f32 v25, v22;
	(xrf2) =	vadd.scan.msk.f32 $0xffff, v18  }
0x3f0: {  	v14 =	vmul.f32 v16, v14;
	v15, _, _ =	vpop (xrf2);
	_ =	sdelay $0x1  }
0x3f1: {  	v14 =	vmul.f32 v14, v16;
	(xrf2) =	vadd.scan.msk.f32 $0xffff, v17  }
0x3f2: {  	v17, _, _ =	vpop (xrf2)  }
0x3f3: {  	v14 =	vsub.f32 $1.500000000e+00, v14;
	v18 =	vbroadcast v17, $0xF  }
0x3f4: {  	(xrf2) =	vadd.scan.msk.f32 $0xffff, v19  }
0x3f5: {  	v14 =	vmul.f32 v14, v16;
	v16 =	vnsel vm0, $0x0, v18;
	v17, _, _ =	vpop (xrf2)  }
0x3f6: {  	v17 =	vbroadcast v17, $0xF  }
0x3f7: {  	v14 =	vmul.f32 s9, v14  }
0x3f8: {  	v18, _, _ =	vpop (xrf2)  }
0x3f9: {  	v14 =	vmul.f32 v14, v11;
	_ =	sdelay $0x1  }
0x3fa: {  	v14 =	vadd.f32 v14, v12;
	v19, _, _ =	vpop (xrf2);
	_ =	sdelay $0x1  }
0x3fb: {  	v14 =	vsub.f32 $0.0e+00, v14  }
0x3fc: {  	v21, _, _ =	vpop (xrf2)  }
0x3fd: {  	v22 =	vmul.f32 $1.442695020e+00, v14;
	_ =	sdelay $0x1  }
0x3fe: {  	vm8 =	vge.f32 v22, $0.0e+00  }
0x3ff: {  	v23 =	vsel vm8, $0x3F000000, v1  }
0x400: {  	v22 =	vadd.f32 v23, v22;
	_ =	sdelay $0x1  }
0x401: {  	v22 =	vtrunc.f32 v22  }
0x402: {  	v22 =	vcvt.f32.s32 v22;
	_ =	sdelay $0x1  }
0x403: {  	v23 =	vcvt.s32.f32 v22;
	v22 =	vshll.u32 v22, $0x17;
	_ =	sdelay $0x1  }
0x404: {  	v23 =	vmul.f32 $6.931471820e-01, v23;
	_ =	sdelay $0x1  }
0x405: {  	v14 =	vsub.f32 v14, v23;
	_ =	sdelay $0x1  }
0x406: {  	v23 =	vmul.f32 $8.333333770e-03, v14;
	_ =	sdelay $0x1  }
0x407: {  	v23 =	vadd.f32 $4.166666790e-02, v23;
	_ =	sdelay $0x1  }
0x408: {  	v23 =	vmul.f32 v23, v14;
	_ =	sdelay $0x1  }
0x409: {  	v23 =	vadd.f32 $1.666666720e-01, v23;
	_ =	sdelay $0x1  }
0x40a: {  	v23 =	vmul.f32 v23, v14;
	_ =	sdelay $0x1  }
0x40b: {  	v23 =	vadd.f32 $5.000000000e-01, v23;
	_ =	sdelay $0x1  }
0x40c: {  	v23 =	vmul.f32 v23, v14;
	_ =	sdelay $0x1  }
0x40d: {  	v23 =	vadd.f32 $1.000000000e+00, v23;
	_ =	sdelay $0x1  }
0x40e: {  	v14 =	vmul.f32 v23, v14;
	_ =	sdelay $0x1  }
0x40f: {  	v22 =	vadd.s32 $0x3F800000, v22;
	v14 =	vadd.f32 $1.000000000e+00, v14;
	_ =	sdelay $0x1  }
0x410: {  	v14 =	vmul.f32 v22, v14  }
0x411: {  	v22 =	vld [tilespmem:s4+$0xFFFFFFF0]  }
0x412: {  	v14 =	vadd.f32 $1.000000000e+00, v14;
	v23 =	vld [tilespmem:s5+$0x30];
	(xrf2) =	vadd.scan.msk.f32 $0xffff, v20;
	_ =	sdelay $0x1  }
0x413: {  	v20 =	vsub.s32 $0x7EF311C3, v14  }
0x414: {  	v24 =	vmul.f32 v20, v14;
	_ =	sdelay $0x1  }
0x415: {  	v24 =	vsub.f32 $2.000000000e+00, v24;
	v22 =	vmul.f32 v22, v23;
	_ =	sdelay $0x1  }
0x416: {  	v20 =	vmul.f32 v20, v24;
	(xrf2) =	vadd.scan.msk.f32 $0xffff, v22;
	_ =	sdelay $0x1  }
0x417: {  	v22 =	vmul.f32 v20, v14  }
0x418: {  	v23, _, _ =	vpop (xrf2)  }
0x419: {  	v22 =	vsub.f32 $2.000000000e+00, v22;
	v23 =	vbroadcast v23, $0xF;
	_ =	sdelay $0x1  }
0x41a: {  	v15 =	vbroadcast v15, $0xF;
	v20 =	vmul.f32 v22, v20;
	v16 =	vsel vm1, v16, v23  }
0x41b: {  	v16 =	vsel vm2, v16, v17;
	v17 =	vbroadcast v21, $0xF  }
0x41c: {  	v18 =	vbroadcast v18, $0xF;
	v14 =	vmul.f32 v20, v14;
	v15 =	vsel vm3, v16, v15  }
0x41d: {  	v15 =	vsel vm4, v15, v17;
	v17 =	vbroadcast v19, $0xF  }
0x41e: {  	v14 =	vsub.f32 $2.000000000e+00, v14;
	v15 =	vsel vm5, v15, v18;
	v16, _, _ =	vpop (xrf2)  }
0x41f: {  	v15 =	vsel vm6, v15, v17;
	v16 =	vbroadcast v16, $0xF  }
0x420: {  	v14 =	vmul.f32 v14, v20  }
0x421: {  	v15 =	vsel vm7, v15, v16  }
0x422: {  	v14 =	vmul.f32 v14, v15;
	_ =	sdelay $0x1  }
0x423: {  	v15 =	vmul.f32 $1.442695020e+00, v14;
	_ =	sdelay $0x1  }
0x424: {  	vm8 =	vge.f32 v15, $0.0e+00  }
0x425: {  	v16 =	vsel vm8, $0x3F000000, v1  }
0x426: {  	v15 =	vadd.f32 v16, v15;
	_ =	sdelay $0x1  }
0x427: {  	v15 =	vtrunc.f32 v15  }
0x428: {  	v15 =	vcvt.f32.s32 v15;
	_ =	sdelay $0x1  }
0x429: {  	v16 =	vcvt.s32.f32 v15;
	v15 =	vshll.u32 v15, $0x17;
	_ =	sdelay $0x1  }
0x42a: {  	v16 =	vmul.f32 $6.931471820e-01, v16;
	_ =	sdelay $0x1  }
0x42b: {  	v14 =	vsub.f32 v14, v16;
	_ =	sdelay $0x1  }
0x42c: {  	v16 =	vmul.f32 $8.333333770e-03, v14;
	_ =	sdelay $0x1  }
0x42d: {  	v16 =	vadd.f32 $4.166666790e-02, v16;
	_ =	sdelay $0x1  }
0x42e: {  	v16 =	vmul.f32 v16, v14;
	_ =	sdelay $0x1  }
0x42f: {  	v16 =	vadd.f32 $1.666666720e-01, v16;
	_ =	sdelay $0x1  }
0x430: {  	v16 =	vmul.f32 v16, v14;
	_ =	sdelay $0x1  }
0x431: {  	v16 =	vadd.f32 $5.000000000e-01, v16;
	_ =	sdelay $0x1  }
0x432: {  	v16 =	vmul.f32 v16, v14;
	_ =	sdelay $0x1  }
0x433: {  	v16 =	vadd.f32 $1.000000000e+00, v16;
	_ =	sdelay $0x1  }
0x434: {  	v14 =	vmul.f32 v16, v14;
	_ =	sdelay $0x1  }
0x435: {  	v14 =	vadd.f32 $1.000000000e+00, v14  }
0x436: {  	v15 =	vadd.s32 $0x3F800000, v15  }
0x437: {  	v14 =	vmul.f32 v15, v14;
	_ =	sdelay $0x1  }
0x438: {  	v14 =	vmul.f32 v2, v14;
	_ =	sdelay $0x1  }
0x439: {  	v15 =	vmul.f32 v3, v14;
	v18 =	vmul.f32 v4, v14;
	v13 =	vadd.f32 v14, v13  }
0x43a: {  	v19 =	vmul.f32 v5, v14;
	v20 =	vmul.f32 v6, v14  }
0x43b: {  	v17 =	vmul.f32 v7, v14;
	v16 =	vmul.f32 v8, v14;
	(xrf2) =	vadd.scan.msk.f32 $0xffff, v15  }
0x43c: {  	v15 =	vmul.f32 v9, v14;
	v14 =	vmul.f32 v10, v14;
	_ =	sdelay $0x1  }
0x43d: {  	(xrf2) =	vadd.scan.msk.f32 $0xffff, v18;
	_ =	sdelay $0x2  }
.Ltmp3:
0x43e: {  	(xrf2) =	vadd.scan.msk.f32 $0xffff, v19;
	(pc) =	sbr.rel @p0 .LBB2_9-.Ltmp3, $4  }
0x43f: {  	_ = 	snop  }
0x440: {  	v18 =	vld [tilespmem:s4+$0x0]  }
0x441: {  	(xrf2) =	vadd.scan.msk.f32 $0xffff, v20  }
0x442: {  	v19, _, _ =	vpop (xrf2)  }
0x443: {  	v19 =	vbroadcast v19, $0xF;
	_ =	sdelay $0x1  }
0x444: {  	v18 =	vmul.f32 v19, v18  }
0x445: {  	s4 =	sshra.s32 s7, $0x2  }
0x446: {  	[tilespmem:s4+$0x9E20] =	vst v18  }
0x447: {  	v18 =	vld [tilespmem:s6+$0x10];
	_ =	sdelay $0x1  }
0x448: {  	v57, _, _ =	vpop (xrf2)  }
0x449: {  	v19 =	vbroadcast v57, $0xF;
	_ =	sdelay $0x1  }
0x44a: {  	v18 =	vmul.f32 v19, v18;
	_ =	sdelay $0x1  }
0x44b: {  	[tilespmem:s4+$0x9E30] =	vst v18  }
0x44c: {  	v18 =	vld [tilespmem:s6+$0x20];
	_ =	sdelay $0x1  }
0x44d: {  	v58, _, _ =	vpop (xrf2)  }
0x44e: {  	v19 =	vbroadcast v58, $0xF;
	_ =	sdelay $0x1  }
0x44f: {  	v18 =	vmul.f32 v19, v18;
	_ =	sdelay $0x1  }
0x450: {  	[tilespmem:s4+$0x9E40] =	vst v18  }
0x451: {  	(xrf2) =	vadd.scan.msk.f32 $0xffff, v17;
	v59 =	vld [tilespmem:s6+$0x30];
	_ =	sdelay $0x1  }
0x452: {  	v60, _, _ =	vpop (xrf2)  }
0x453: {  	v18 =	vbroadcast v60, $0xF;
	_ =	sdelay $0x1  }
0x454: {  	v17 =	vmul.f32 v18, v59;
	_ =	sdelay $0x1  }
0x455: {  	[tilespmem:s4+$0x9E50] =	vst v17  }
0x456: {  	(xrf2) =	vadd.scan.msk.f32 $0xffff, v16;
	v61 =	vld [tilespmem:s6+$0x40];
	_ =	sdelay $0x1  }
0x457: {  	v62, _, _ =	vpop (xrf2)  }
0x458: {  	v17 =	vbroadcast v62, $0xF;
	_ =	sdelay $0x1  }
0x459: {  	v16 =	vmul.f32 v17, v61;
	_ =	sdelay $0x1  }
0x45a: {  	[tilespmem:s4+$0x9E60] =	vst v16  }
0x45b: {  	(xrf2) =	vadd.scan.msk.f32 $0xffff, v15;
	v15 =	vld [tilespmem:s6+$0x50];
	_ =	sdelay $0x1  }
0x45c: {  	v63, _, _ =	vpop (xrf2)  }
0x45d: {  	v16 =	vbroadcast v63, $0xF;
	_ =	sdelay $0x1  }
0x45e: {  	v15 =	vmul.f32 v16, v15;
	_ =	sdelay $0x1  }
0x45f: {  	[tilespmem:s4+$0x9E70] =	vst v15  }
0x460: {  	(xrf2) =	vadd.scan.msk.f32 $0xffff, v14;
	v14 =	vld [tilespmem:s6+$0x60];
	_ =	sdelay $0x1  }
0x461: {  	v15, _, _ =	vpop (xrf2)  }
0x462: {  	v15 =	vbroadcast v15, $0xF;
	_ =	sdelay $0x1  }
0x463: {  	v14 =	vmul.f32 v15, v14;
	_ =	sdelay $0x1  }
0x464: {  	[tilespmem:s4+$0x9E80] =	vst v14  }
0x465: {  	v14 =	vld [tilespmem:s6+$0x70];
	_ =	sdelay $0x1  }
0x466: {  	s3 =	sadd.s32 $0x1, s3;
	v15, _, _ =	vpop (xrf2)  }
0x467: {  	p0 =	sne.s32 s3, $0x138;
	v15 =	vbroadcast v15, $0xF  }
.Ltmp4:
0x468: {  	_ = 	snop;
	(pc) =	sbr.rel @p0 .LBB2_6-.Ltmp4, $3  }
0x469: {  	v14 =	vmul.f32 v15, v14;
	_ =	sdelay $0x1  }
0x46a: {  	[tilespmem:s4+$0x9E90] =	vst v14  }
0x46b: {  	[spmem:s21] =	stream.indirect.scatter.add.f32 [tilespmem:s24], [sflag:$0x3], $0x80, s22, s29, $0xb8;
	[tilespmem:$0x1EAE0] =	vst v63  }
0x46c: {  	s3 =	simm.s32 $0x4  }
0x46d: {  	_ =	swait.ge [sflag:s3], $0x800  }
0x46e: {  	[sflag:s3] =	ssyncset.done $0x0  }
0x46f: {  	[sflag:s3] =	ssyncadd.s32 $0xFFFFF800  }
0x470: {  	_ =	swait.ge [sflag:s0], $0x800  }
0x471: {  	[sflag:s0] =	ssyncset.done $0x0;
	s11 =	sld [smem:$0x7FC]  }
0x472: {  	[sflag:s0] =	ssyncadd.s32 $0xFFFFF800  }
0x473: {  	s4 =	simm.s32 $0xAE40;
	[tilespmem:$0xAE40] =	vst v13  }
0x474: {  	[hbm4b:s11+s1] =	stream.linear.scatter [tilespmem:s4], [sflag:$0x5], $0x80, $0x38;
	[tilespmem:$0x1EAE0] =	vst v63  }
0x475: {  	_ =	swait.ge [sflag:s23], $0x80  }
0x476: {  	[sflag:s23] =	ssyncset.done $0x0  }
0x477: {  	[sflag:s23] =	ssyncadd.s32 $0xFFFFFF80  }
0x478: {  	[bflag:$0x0] =	sbarrier.arrive $0xFFFF  }
0x479: {  	s5 =	rddreg [dreg:$0x1b]  }
0x47a: {  	[tilespmem:s24], [sflag:$0x5] =	stream.linear.gather [spmem:s5], $0x1000, $0x38;
	[tilespmem:$0x1EAE0] =	vst v63  }
0x47b: {  	_ =	swait.ge [sflag:s23], $0x1000  }
0x47c: {  	[sflag:s23] =	ssyncset.done $0x0  }
0x47d: {  	s6 =	rddreg [dreg:$0x4];
	[sflag:s23] =	ssyncadd.s32 $0xFFFFF000  }
0x47e: {  	[hbm4b:s6+s1] =	stream.linear.scatter [tilespmem:s24], [sflag:$0x5], $0x1000, $0x38;
	[tilespmem:$0x1EAE0] =	vst v63  }
0x47f: {  	_ =	swait.ge [sflag:s23], $0x1000  }
0x480: {  	[sflag:s23] =	ssyncset.done $0x0  }
0x481: {  	s7 =	rddreg [dreg:$0x1c];
	[sflag:s23] =	ssyncadd.s32 $0xFFFFF000  }
0x482: {  	[tilespmem:s24], [sflag:$0x5] =	stream.linear.gather [spmem:s7], $0x1000, $0x38;
	[tilespmem:$0x1EAE0] =	vst v63  }
0x483: {  	_ =	swait.ge [sflag:s23], $0x1000  }
0x484: {  	[sflag:s23] =	ssyncset.done $0x0  }
0x485: {  	s8 =	rddreg [dreg:$0x5];
	[sflag:s23] =	ssyncadd.s32 $0xFFFFF000  }
0x486: {  	[hbm4b:s8+s1] =	stream.linear.scatter [tilespmem:s24], [sflag:$0x5], $0x1000, $0x38;
	[tilespmem:$0x1EAE0] =	vst v63  }
0x487: {  	_ =	swait.ge [sflag:s23], $0x1000  }
0x488: {  	[sflag:s23] =	ssyncset.done $0x0  }
0x489: {  	[sflag:s23] =	ssyncadd.s32 $0xFFFFF000  }
0x48a: {  	[tilespmem:s24], [sflag:$0x5] =	stream.linear.gather [spmem:s12], $0x1000, $0x38;
	[tilespmem:$0x1EAE0] =	vst v63  }
0x48b: {  	_ =	swait.ge [sflag:s23], $0x1000  }
0x48c: {  	[sflag:s23] =	ssyncset.done $0x0  }
0x48d: {  	s9 =	rddreg [dreg:$0x6];
	[sflag:s23] =	ssyncadd.s32 $0xFFFFF000  }
0x48e: {  	[hbm4b:s9+s1] =	stream.linear.scatter [tilespmem:s24], [sflag:$0x5], $0x1000, $0x38;
	[tilespmem:$0x1EAE0] =	vst v63  }
0x48f: {  	_ =	swait.ge [sflag:s23], $0x1000  }
0x490: {  	[sflag:s23] =	ssyncset.done $0x0  }
0x491: {  	[sflag:s23] =	ssyncadd.s32 $0xFFFFF000  }
0x492: {  	[tilespmem:s24], [sflag:$0x5] =	stream.linear.gather [spmem:s13], $0x1000, $0x38;
	[tilespmem:$0x1EAE0] =	vst v63  }
0x493: {  	_ =	swait.ge [sflag:s23], $0x1000  }
0x494: {  	[sflag:s23] =	ssyncset.done $0x0  }
0x495: {  	s10 =	rddreg [dreg:$0x7];
	[sflag:s23] =	ssyncadd.s32 $0xFFFFF000  }
0x496: {  	[hbm4b:s10+s1] =	stream.linear.scatter [tilespmem:s24], [sflag:$0x5], $0x1000, $0x38;
	[tilespmem:$0x1EAE0] =	vst v63  }
0x497: {  	_ =	swait.ge [sflag:s23], $0x1000  }
0x498: {  	[sflag:s23] =	ssyncset.done $0x0  }
0x499: {  	[sflag:s23] =	ssyncadd.s32 $0xFFFFF000  }
0x49a: {  	[tilespmem:s24], [sflag:$0x5] =	stream.linear.gather [spmem:s14], $0x1000, $0x38;
	[tilespmem:$0x1EAE0] =	vst v63  }
0x49b: {  	_ =	swait.ge [sflag:s23], $0x1000  }
0x49c: {  	[sflag:s23] =	ssyncset.done $0x0  }
0x49d: {  	s11 =	rddreg [dreg:$0x8];
	[sflag:s23] =	ssyncadd.s32 $0xFFFFF000  }
0x49e: {  	[hbm4b:s11+s1] =	stream.linear.scatter [tilespmem:s24], [sflag:$0x5], $0x1000, $0x38;
	[tilespmem:$0x1EAE0] =	vst v63  }
0x49f: {  	_ =	swait.ge [sflag:s23], $0x1000  }
0x4a0: {  	[sflag:s23] =	ssyncset.done $0x0  }
0x4a1: {  	[sflag:s23] =	ssyncadd.s32 $0xFFFFF000  }
0x4a2: {  	[tilespmem:s24], [sflag:$0x5] =	stream.linear.gather [spmem:s15], $0x1000, $0x38;
	[tilespmem:$0x1EAE0] =	vst v63  }
0x4a3: {  	_ =	swait.ge [sflag:s23], $0x1000  }
0x4a4: {  	[sflag:s23] =	ssyncset.done $0x0  }
0x4a5: {  	s5 =	smov.u32 s12;
	s12 =	rddreg [dreg:$0x9];
	[sflag:s23] =	ssyncadd.s32 $0xFFFFF000  }
0x4a6: {  	[hbm4b:s12+s1] =	stream.linear.scatter [tilespmem:s24], [sflag:$0x5], $0x1000, $0x38;
	[tilespmem:$0x1EAE0] =	vst v63  }
0x4a7: {  	_ =	swait.ge [sflag:s23], $0x1000  }
0x4a8: {  	[sflag:s23] =	ssyncset.done $0x0  }
0x4a9: {  	[sflag:s23] =	ssyncadd.s32 $0xFFFFF000  }
0x4aa: {  	[tilespmem:s24], [sflag:$0x5] =	stream.linear.gather [spmem:s16], $0x1000, $0x38;
	[tilespmem:$0x1EAE0] =	vst v63  }
0x4ab: {  	_ =	swait.ge [sflag:s23], $0x1000  }
0x4ac: {  	[sflag:s23] =	ssyncset.done $0x0  }
0x4ad: {  	s6 =	smov.u32 s13;
	s13 =	rddreg [dreg:$0xa];
	[sflag:s23] =	ssyncadd.s32 $0xFFFFF000  }
0x4ae: {  	[hbm4b:s13+s1] =	stream.linear.scatter [tilespmem:s24], [sflag:$0x5], $0x1000, $0x38;
	[tilespmem:$0x1EAE0] =	vst v63  }
0x4af: {  	_ =	swait.ge [sflag:s23], $0x1000  }
0x4b0: {  	[sflag:s23] =	ssyncset.done $0x0  }
0x4b1: {  	[sflag:s23] =	ssyncadd.s32 $0xFFFFF000  }
0x4b2: {  	[tilespmem:s24], [sflag:$0x5] =	stream.linear.gather [spmem:s17], $0x1000, $0x38;
	[tilespmem:$0x1EAE0] =	vst v63  }
0x4b3: {  	_ =	swait.ge [sflag:s23], $0x1000  }
0x4b4: {  	[sflag:s23] =	ssyncset.done $0x0  }
0x4b5: {  	s7 =	smov.u32 s14;
	s14 =	rddreg [dreg:$0xb];
	[sflag:s23] =	ssyncadd.s32 $0xFFFFF000  }
0x4b6: {  	[hbm4b:s14+s1] =	stream.linear.scatter [tilespmem:s24], [sflag:$0x5], $0x1000, $0x38;
	[tilespmem:$0x1EAE0] =	vst v63  }
0x4b7: {  	_ =	swait.ge [sflag:s23], $0x1000  }
0x4b8: {  	[sflag:s23] =	ssyncset.done $0x0  }
0x4b9: {  	s11 =	rddreg [dreg:$0x1d];
	[sflag:s23] =	ssyncadd.s32 $0xFFFFF000  }
0x4ba: {  	[tilespmem:s24], [sflag:$0x5] =	stream.linear.gather [spmem:s11], $0x1000, $0x38;
	[tilespmem:$0x1EAE0] =	vst v63  }
0x4bb: {  	_ =	swait.ge [sflag:s23], $0x1000  }
0x4bc: {  	[sflag:s23] =	ssyncset.done $0x0  }
0x4bd: {  	s8 =	smov.u32 s15;
	s15 =	rddreg [dreg:$0xc];
	[sflag:s23] =	ssyncadd.s32 $0xFFFFF000  }
0x4be: {  	[hbm4b:s15+s1] =	stream.linear.scatter [tilespmem:s24], [sflag:$0x5], $0x1000, $0x38;
	[tilespmem:$0x1EAE0] =	vst v63  }
0x4bf: {  	_ =	swait.ge [sflag:s23], $0x1000  }
0x4c0: {  	[sflag:s23] =	ssyncset.done $0x0  }
0x4c1: {  	s9 =	smov.u32 s16;
	s16 =	rddreg [dreg:$0x1e];
	[sflag:s23] =	ssyncadd.s32 $0xFFFFF000  }
0x4c2: {  	[tilespmem:s24], [sflag:$0x5] =	stream.linear.gather [spmem:s16], $0x1000, $0x38;
	[tilespmem:$0x1EAE0] =	vst v63  }
0x4c3: {  	_ =	swait.ge [sflag:s23], $0x1000  }
0x4c4: {  	[sflag:s23] =	ssyncset.done $0x0  }
0x4c5: {  	s10 =	smov.u32 s17;
	s17 =	rddreg [dreg:$0xd];
	[sflag:s23] =	ssyncadd.s32 $0xFFFFF000  }
0x4c6: {  	[hbm4b:s17+s1] =	stream.linear.scatter [tilespmem:s24], [sflag:$0x5], $0x1000, $0x38;
	[tilespmem:$0x1EAE0] =	vst v63  }
0x4c7: {  	_ =	swait.ge [sflag:s23], $0x1000  }
0x4c8: {  	[sflag:s23] =	ssyncset.done $0x0  }
0x4c9: {  	s4 =	rddreg [dreg:$0x1f];
	[sflag:s23] =	ssyncadd.s32 $0xFFFFF000  }
0x4ca: {  	[tilespmem:s24], [sflag:$0x5] =	stream.linear.gather [spmem:s4], $0x1000, $0x38;
	[tilespmem:$0x1EAE0] =	vst v63  }
0x4cb: {  	_ =	swait.ge [sflag:s23], $0x1000  }
0x4cc: {  	[sflag:s23] =	ssyncset.done $0x0  }
0x4cd: {  	s12 =	rddreg [dreg:$0xe];
	[sflag:s23] =	ssyncadd.s32 $0xFFFFF000  }
0x4ce: {  	[hbm4b:s12+s1] =	stream.linear.scatter [tilespmem:s24], [sflag:$0x5], $0x1000, $0x38;
	[tilespmem:$0x1EAE0] =	vst v63  }
0x4cf: {  	_ =	swait.ge [sflag:s23], $0x1000  }
0x4d0: {  	s13 =	sld [smem:$0x7F2]  }
0x4d1: {  	[sflag:s23] =	ssyncset.done $0x0  }
0x4d2: {  	[sflag:s23] =	ssyncadd.s32 $0xFFFFF000  }
0x4d3: {  	[tilespmem:s24], [sflag:$0x5] =	stream.linear.gather [spmem:s13], $0x1000, $0x38;
	[tilespmem:$0x1EAE0] =	vst v63  }
0x4d4: {  	_ =	swait.ge [sflag:s23], $0x1000  }
0x4d5: {  	[sflag:s23] =	ssyncset.done $0x0  }
0x4d6: {  	s14 =	rddreg [dreg:$0xf];
	[sflag:s23] =	ssyncadd.s32 $0xFFFFF000  }
0x4d7: {  	[hbm4b:s14+s1] =	stream.linear.scatter [tilespmem:s24], [sflag:$0x5], $0x1000, $0x38;
	[tilespmem:$0x1EAE0] =	vst v63  }
0x4d8: {  	_ =	swait.ge [sflag:s23], $0x1000  }
0x4d9: {  	s15 =	sld [smem:$0x7F3]  }
0x4da: {  	[sflag:s23] =	ssyncset.done $0x0  }
0x4db: {  	[sflag:s23] =	ssyncadd.s32 $0xFFFFF000  }
0x4dc: {  	[tilespmem:s24], [sflag:$0x5] =	stream.linear.gather [spmem:s15], $0x1000, $0x38;
	[tilespmem:$0x1EAE0] =	vst v63  }
0x4dd: {  	_ =	swait.ge [sflag:s23], $0x1000  }
0x4de: {  	[sflag:s23] =	ssyncset.done $0x0  }
0x4df: {  	s16 =	rddreg [dreg:$0x10];
	[sflag:s23] =	ssyncadd.s32 $0xFFFFF000  }
0x4e0: {  	[hbm4b:s16+s1] =	stream.linear.scatter [tilespmem:s24], [sflag:$0x5], $0x1000, $0x38;
	[tilespmem:$0x1EAE0] =	vst v63  }
0x4e1: {  	_ =	swait.ge [sflag:s23], $0x1000  }
0x4e2: {  	s17 =	sld [smem:$0x7F4]  }
0x4e3: {  	[sflag:s23] =	ssyncset.done $0x0  }
0x4e4: {  	[sflag:s23] =	ssyncadd.s32 $0xFFFFF000  }
0x4e5: {  	[tilespmem:s24], [sflag:$0x5] =	stream.linear.gather [spmem:s17], $0x1000, $0x38;
	[tilespmem:$0x1EAE0] =	vst v63  }
0x4e6: {  	_ =	swait.ge [sflag:s23], $0x1000  }
0x4e7: {  	[sflag:s23] =	ssyncset.done $0x0  }
0x4e8: {  	s4 =	rddreg [dreg:$0x11];
	[sflag:s23] =	ssyncadd.s32 $0xFFFFF000  }
0x4e9: {  	[hbm4b:s4+s1] =	stream.linear.scatter [tilespmem:s24], [sflag:$0x5], $0x1000, $0x38;
	[tilespmem:$0x1EAE0] =	vst v63  }
0x4ea: {  	_ =	swait.ge [sflag:s23], $0x1000  }
0x4eb: {  	s12 =	sld [smem:$0x7F5]  }
0x4ec: {  	[sflag:s23] =	ssyncset.done $0x0  }
0x4ed: {  	[sflag:s23] =	ssyncadd.s32 $0xFFFFF000  }
0x4ee: {  	[tilespmem:s24], [sflag:$0x5] =	stream.linear.gather [spmem:s12], $0x1000, $0x38;
	[tilespmem:$0x1EAE0] =	vst v63  }
0x4ef: {  	_ =	swait.ge [sflag:s23], $0x1000  }
0x4f0: {  	[sflag:s23] =	ssyncset.done $0x0  }
0x4f1: {  	s13 =	rddreg [dreg:$0x12];
	[sflag:s23] =	ssyncadd.s32 $0xFFFFF000  }
0x4f2: {  	[hbm4b:s13+s1] =	stream.linear.scatter [tilespmem:s24], [sflag:$0x5], $0x1000, $0x38;
	[tilespmem:$0x1EAE0] =	vst v63  }
0x4f3: {  	_ =	swait.ge [sflag:s23], $0x1000  }
0x4f4: {  	s14 =	sld [smem:$0x7F6]  }
0x4f5: {  	[sflag:s23] =	ssyncset.done $0x0  }
0x4f6: {  	[sflag:s23] =	ssyncadd.s32 $0xFFFFF000  }
0x4f7: {  	[tilespmem:s24], [sflag:$0x5] =	stream.linear.gather [spmem:s14], $0x1000, $0x38;
	[tilespmem:$0x1EAE0] =	vst v63  }
0x4f8: {  	_ =	swait.ge [sflag:s23], $0x1000  }
0x4f9: {  	[sflag:s23] =	ssyncset.done $0x0  }
0x4fa: {  	s15 =	rddreg [dreg:$0x13];
	[sflag:s23] =	ssyncadd.s32 $0xFFFFF000  }
0x4fb: {  	[hbm4b:s15+s1] =	stream.linear.scatter [tilespmem:s24], [sflag:$0x5], $0x1000, $0x38;
	[tilespmem:$0x1EAE0] =	vst v63  }
0x4fc: {  	_ =	swait.ge [sflag:s23], $0x1000  }
0x4fd: {  	s16 =	sld [smem:$0x7F7]  }
0x4fe: {  	[sflag:s23] =	ssyncset.done $0x0  }
0x4ff: {  	[sflag:s23] =	ssyncadd.s32 $0xFFFFF000  }
0x500: {  	[tilespmem:s24], [sflag:$0x5] =	stream.linear.gather [spmem:s16], $0x1000, $0x38;
	[tilespmem:$0x1EAE0] =	vst v63  }
0x501: {  	_ =	swait.ge [sflag:s23], $0x1000  }
0x502: {  	[sflag:s23] =	ssyncset.done $0x0  }
0x503: {  	s17 =	rddreg [dreg:$0x14];
	[sflag:s23] =	ssyncadd.s32 $0xFFFFF000  }
0x504: {  	[hbm4b:s17+s1] =	stream.linear.scatter [tilespmem:s24], [sflag:$0x5], $0x1000, $0x38;
	[tilespmem:$0x1EAE0] =	vst v63  }
0x505: {  	_ =	swait.ge [sflag:s23], $0x1000  }
0x506: {  	s4 =	sld [smem:$0x7F8]  }
0x507: {  	[sflag:s23] =	ssyncset.done $0x0  }
0x508: {  	[sflag:s23] =	ssyncadd.s32 $0xFFFFF000  }
0x509: {  	[tilespmem:s24], [sflag:$0x5] =	stream.linear.gather [spmem:s4], $0x1000, $0x38;
	[tilespmem:$0x1EAE0] =	vst v63  }
0x50a: {  	_ =	swait.ge [sflag:s23], $0x1000  }
0x50b: {  	[sflag:s23] =	ssyncset.done $0x0  }
0x50c: {  	s12 =	rddreg [dreg:$0x15];
	[sflag:s23] =	ssyncadd.s32 $0xFFFFF000  }
0x50d: {  	[hbm4b:s12+s1] =	stream.linear.scatter [tilespmem:s24], [sflag:$0x5], $0x1000, $0x38;
	[tilespmem:$0x1EAE0] =	vst v63  }
0x50e: {  	_ =	swait.ge [sflag:s23], $0x1000  }
0x50f: {  	s13 =	sld [smem:$0x7F9]  }
0x510: {  	[sflag:s23] =	ssyncset.done $0x0  }
0x511: {  	[sflag:s23] =	ssyncadd.s32 $0xFFFFF000  }
0x512: {  	[tilespmem:s24], [sflag:$0x5] =	stream.linear.gather [spmem:s13], $0x1000, $0x38;
	[tilespmem:$0x1EAE0] =	vst v63  }
0x513: {  	_ =	swait.ge [sflag:s23], $0x1000  }
0x514: {  	[sflag:s23] =	ssyncset.done $0x0  }
0x515: {  	s14 =	rddreg [dreg:$0x16];
	[sflag:s23] =	ssyncadd.s32 $0xFFFFF000  }
0x516: {  	[hbm4b:s14+s1] =	stream.linear.scatter [tilespmem:s24], [sflag:$0x5], $0x1000, $0x38;
	[tilespmem:$0x1EAE0] =	vst v63  }
0x517: {  	_ =	swait.ge [sflag:s23], $0x1000  }
0x518: {  	s15 =	sld [smem:$0x7FA]  }
0x519: {  	[sflag:s23] =	ssyncset.done $0x0  }
0x51a: {  	[sflag:s23] =	ssyncadd.s32 $0xFFFFF000  }
0x51b: {  	[tilespmem:s24], [sflag:$0x5] =	stream.linear.gather [spmem:s15], $0xC00, $0x38;
	[tilespmem:$0x1EAE0] =	vst v63  }
0x51c: {  	_ =	swait.ge [sflag:s23], $0xC00  }
0x51d: {  	[sflag:s23] =	ssyncset.done $0x0  }
0x51e: {  	s16 =	rddreg [dreg:$0x17];
	[sflag:s23] =	ssyncadd.s32 $0xFFFFF400  }
0x51f: {  	[hbm4b:s16+s1] =	stream.linear.scatter [tilespmem:s24], [sflag:$0x5], $0xC00, $0x38;
	[tilespmem:$0x1EAE0] =	vst v63  }
0x520: {  	_ =	swait.ge [sflag:s23], $0xC00  }
0x521: {  	s17 =	sld [smem:$0x7FD];
	_ =	sdelay $0x1  }
0x522: {  	s2 =	sadd.s32 $0x1, s2  }
0x523: {  	p0 =	sne.s32 s2, s17  }
.Ltmp5:
0x524: {  	_ = 	snop;
	(pc) =	sbr.rel @p0 .LBB2_1-.Ltmp5, $3  }
0x525: {  	_ =	sdelay $0x1  }
0x526: {  	[sflag:s23] =	ssyncset.done $0x0  }
0x527: {  	[sflag:s23] =	ssyncadd.s32 $0xFFFFF400  }
0x528: {  	_ =	sfence.sel $0x180000  }
0x529: {  	[bflag:$0x0] =	sbarrier.arrive $0xFFFF  }
0x52a: {  	_ =	strace $0x90000047  }
0x52b: {  	s0 =	stileid.u32;
	[bflag:$0x2] =	sbarrier.arrive $0xFFFF  }
0x52c: {  	p0 =	sne.s32 s0, $0x0;
	s0 =	rddreg [dreg:$0x3]  }
0x52d: {  	s0 =	sadd.s32 @!p0 $0x100000, s0  }
0x52e: {  	[sflag:s0] =	ssyncadd.tile.s32 @!p0 $0x1;
	_ =	shalt  }
.Lfunc_end2:
_tile_overlayer_lowered:
.L_overlay_start_2:
0x52f: {  	(tag) =	ssettag $0x2  }
0x530: {  	s0 =	rddreg [dreg:$0x0];
	s2 =	stileid.u32  }
0x531: {  	s1 =	rddreg [dreg:$0x1];
	p0 =	sne.s32 s2, $0x0  }
0x532: {  	s3 =	rddreg [dreg:$0x2];
	[bflag:$0x3] =	sbarrier.arrive $0xFFFF;
	s2 =	simm.s32 @!p0 $0x1C05  }
0x533: {  	[timem:s3], [sflag:s2] =	dma.local @!p0 [hbm:s0], s1  }
0x534: {  	s0 =	simm.s32 @!p0 $0x5  }
0x535: {  	_ =	swait.ge @!p0 [sflag:s0], s1  }
0x536: {  	s1 =	ssub.s32 @!p0 $0x0, s1;
	[sflag:s0] =	ssyncset.done @!p0 $0x0  }
0x537: {  	[sflag:s0] =	ssyncadd.s32 @!p0 s1  }
0x538: {  	[bflag:$0x3] =	sbarrier.arrive $0xFFFF  }
0x539: {  	_ =	shalt  }

</sc_bundles>
